<compile_context>
chip_gen: v7x
topology: tpu7x:2x2x1
jax: 0.10.2.dev20260603
libtpu: 0.0.44.dev20260713+nightly
codegen_flags: <defaults>
</compile_context>

<pallas_src>
import functools

import jax
import jax.numpy as jnp
import numpy as _np
from jax import lax
from jax.experimental import pallas as pl
from jax.experimental.pallas import tpu as pltpu
from jax.experimental.pallas import tpu_sc as plsc

N = 10000
E = 320000
D = 128
NC, NS = 2, 16
NW = NC * NS
CHUNK = 128
NCH = 80
EPW = NCH * CHUNK
E_PAD = NW * EPW
NPAD = 10240
SUB_N = NPAD // NS
RB = 2000


def _mesh():
    return plsc.VectorSubcoreMesh(core_axis_name="c", subcore_axis_name="s")


@functools.partial(
    pl.kernel,
    out_type=jax.ShapeDtypeStruct((NC, NPAD), jnp.float32),
    mesh=_mesh(),
    scratch_types=[
        pltpu.VMEM((NCH, CHUNK), jnp.int32),
        pltpu.VMEM((CHUNK,), jnp.float32),
        pltpu.VMEM((SUB_N,), jnp.float32),
        pltpu.VMEM_SHARED((NPAD,), jnp.float32),
        pltpu.SemaphoreType.DMA,
    ],
)
def _hist(ei_hbm, m31_hbm, out_hbm, colv, ones_v, bounce, hist_sh, sem):
    c = lax.axis_index("c")
    s = lax.axis_index("s")
    w = c * NS + s

    @pl.when(w < NW - 1)
    def _cols_main():
        pltpu.sync_copy(ei_hbm.at[1, pl.ds(w * NCH, NCH)], colv)

    @pl.when(w == NW - 1)
    def _cols_tail():
        pltpu.sync_copy(m31_hbm.at[1], colv)
    for i in range(CHUNK // 16):
        ones_v[pl.ds(i * 16, 16)] = jnp.ones((16,), jnp.float32)
    for i in range(SUB_N // 16):
        bounce[pl.ds(i * 16, 16)] = jnp.zeros((16,), jnp.float32)
    pltpu.sync_copy(bounce, hist_sh.at[pl.ds(s * SUB_N, SUB_N)])
    plsc.subcore_barrier()

    descs = []
    for j in range(NCH):
        if j >= 8:
            descs[j - 8].wait()
        descs.append(
            pltpu.async_copy(ones_v, hist_sh.at[colv.at[j]], sem, add=True))
    for d in descs[NCH - 8:]:
        d.wait()
    plsc.subcore_barrier()
    pltpu.sync_copy(hist_sh.at[pl.ds(s * SUB_N, SUB_N)], bounce)
    pltpu.sync_copy(bounce, out_hbm.at[c, pl.ds(s * SUB_N, SUB_N)])


def _prep_body(p_ref, x_ref, dis_ref, z_ref):
    deg = p_ref[0] + p_ref[1] + 1.0
    dis = lax.rsqrt(deg)
    dis_ref[...] = dis
    z_ref[...] = dis * x_ref[...]


_prep = pl.pallas_call(
    _prep_body,
    grid=(N // RB,),
    in_specs=[
        pl.BlockSpec((NC, RB, 1), lambda i: (0, i, 0)),
        pl.BlockSpec((RB, D), lambda i: (i, 0)),
    ],
    out_specs=[
        pl.BlockSpec((RB, 1), lambda i: (i, 0)),
        pl.BlockSpec((RB, D), lambda i: (i, 0)),
    ],
    out_shape=[
        jax.ShapeDtypeStruct((N, 1), jnp.float32),
        jax.ShapeDtypeStruct((N, D), jnp.float32),
    ],
)


@functools.partial(
    pl.kernel,
    out_type=jax.ShapeDtypeStruct((NC, NPAD, D), jnp.float32),
    mesh=_mesh(),
    scratch_types=[
        pltpu.VMEM((NCH, CHUNK), jnp.int32),
        pltpu.VMEM((CHUNK,), jnp.int32),
        pltpu.VMEM((CHUNK,), jnp.int32),
        pltpu.VMEM((CHUNK, D), jnp.float32),
        pltpu.VMEM((CHUNK, D), jnp.float32),
        pltpu.VMEM_SHARED((NPAD, D), jnp.float32),
        pltpu.SemaphoreType.DMA,
        pltpu.SemaphoreType.DMA,
        pltpu.SemaphoreType.DMA,
        pltpu.SemaphoreType.DMA,
    ],
)
def _scatter(ei_hbm, m31_hbm, z_hbm, out_hbm, colv, rb0, rb1, gb0, gb1,
             acc_sh, gsem0, gsem1, ssem0, ssem1):
    c = lax.axis_index("c")
    s = lax.axis_index("s")
    w = c * NS + s

    @pl.when(w < NW - 1)
    def _cols_main():
        pltpu.sync_copy(ei_hbm.at[1, pl.ds(w * NCH, NCH)], colv)

    @pl.when(w == NW - 1)
    def _cols_tail():
        pltpu.sync_copy(m31_hbm.at[1], colv)

    def stage_row(jj, rb):
        @pl.when(w < NW - 1)
        def _main():
            pltpu.sync_copy(ei_hbm.at[0, w * NCH + jj], rb)

        @pl.when(w == NW - 1)
        def _tail():
            pltpu.sync_copy(m31_hbm.at[0, jj], rb)

    def zrow(i, carry):
        for k in range(D // 16):
            gb0[i, pl.ds(k * 16, 16)] = jnp.zeros((16,), jnp.float32)
        return carry

    lax.fori_loop(0, CHUNK, zrow, 0)
    zdescs = [
        pltpu.async_copy(gb0, acc_sh.at[pl.ds(s * SUB_N + t * CHUNK, CHUNK)],
                         gsem0)
        for t in range(SUB_N // CHUNK)
    ]
    for zd in zdescs:
        zd.wait()
    plsc.subcore_barrier()

    def g_start(rb, gb, sem):
        return pltpu.async_copy(z_hbm.at[rb], gb, sem)

    def g_wait(rb, gb, sem):
        pltpu.make_async_copy(z_hbm.at[rb], gb, sem).wait()

    def s_start(gb, j, sem):
        return pltpu.async_copy(gb, acc_sh.at[colv.at[j]], sem, add=True)

    def s_wait(gb, j, sem):
        pltpu.make_async_copy(gb, acc_sh.at[colv.at[j]], sem).wait()

    stage_row(0, rb0)
    g_start(rb0, gb0, gsem0)

    def body(g, carry):
        j0 = 2 * g
        stage_row(j0 + 1, rb1)
        g_wait(rb0, gb0, gsem0)
        s_start(gb0, j0, ssem0)

        @pl.when(g > 0)
        def _drain1():
            s_wait(gb1, j0 - 1, ssem1)

        g_start(rb1, gb1, gsem1)

        @pl.when(g < NCH // 2 - 1)
        def _next():
            stage_row(j0 + 2, rb0)

        g_wait(rb1, gb1, gsem1)
        s_start(gb1, j0 + 1, ssem1)

        @pl.when(g < NCH // 2 - 1)
        def _drain0():
            s_wait(gb0, j0, ssem0)
            g_start(rb0, gb0, gsem0)

        return carry

    lax.fori_loop(0, NCH // 2, body, 0)
    s_wait(gb0, NCH - 2, ssem0)
    s_wait(gb1, NCH - 1, ssem1)
    plsc.subcore_barrier()
    pltpu.sync_copy(acc_sh.at[pl.ds(s * SUB_N, SUB_N)],
                    out_hbm.at[c, pl.ds(s * SUB_N, SUB_N)])


def _final_body(x_ref, dis_ref, s0_ref, s1_ref, o_ref):
    x = x_ref[...]
    dis = dis_ref[...]
    t = dis * x + s0_ref[0] + s1_ref[0]
    o_ref[...] = x + x * (dis * t)


_final = pl.pallas_call(
    _final_body,
    grid=(N // RB,),
    in_specs=[
        pl.BlockSpec((RB, D), lambda i: (i, 0)),
        pl.BlockSpec((RB, 1), lambda i: (i, 0)),
        pl.BlockSpec((1, RB, D), lambda i: (0, i, 0)),
        pl.BlockSpec((1, RB, D), lambda i: (1, i, 0)),
    ],
    out_specs=pl.BlockSpec((RB, D), lambda i: (i, 0)),
    out_shape=jax.ShapeDtypeStruct((N, D), jnp.float32),
)


_PAD_E = E_PAD - E
_AR = _np.arange(_PAD_E, dtype=_np.int32)
_PAD31 = _np.stack([_AR % N, N + _AR % (NPAD - N)])


def kernel(ori_emb, edge_index):
    ei = edge_index.reshape(NC, E // CHUNK, CHUNK)
    m31 = jnp.concatenate(
        [edge_index[:, (NW - 1) * EPW:], jnp.asarray(_PAD31)], axis=1
    ).reshape(NC, NCH, CHUNK)

    parts = _hist(ei, m31)
    pn = parts[:, :N].reshape(NC, N, 1)
    dis, z = _prep(pn, ori_emb)
    S = _scatter(ei, m31, z)
    return _final(ori_emb, dis, S, S)

# --- scband reference (transcript-rebuilt; emitter-appended) ---
"""Pipeline reference for scband-odeblock-29970281791884 (READ-ONLY COPY).

The authoritative reference and input builder live on the scoring server;
editing this copy changes nothing except your own understanding.
"""

import jax, jax.numpy as jnp
import numpy as np

N_NODES = 10000
N_EDGES = 320000
HID_DIM = 128


def gcn_norm(edge_index, num_nodes):
    # gcn_norm with add_self_loops=True, edge_weight=None -> ones
    row, col = edge_index[0], edge_index[1]
    loop = jnp.arange(num_nodes, dtype=edge_index.dtype)
    row = jnp.concatenate([row, loop])
    col = jnp.concatenate([col, loop])
    w = jnp.ones(row.shape[0], dtype=jnp.float32)
    deg = jax.ops.segment_sum(w, col, num_segments=num_nodes)
    deg_inv_sqrt = jnp.where(deg > 0, deg ** -0.5, 0.0)
    norm = deg_inv_sqrt[row] * w * deg_inv_sqrt[col]
    return row, col, norm


def setup_inputs(seed: int = 0) -> dict:
    key = jax.random.key(seed)
    k1, k2 = jax.random.split(key)
    ori_emb = jax.random.normal(k1, (N_NODES, HID_DIM), dtype=jnp.float32)
    edge_index = jax.random.randint(k2, (2, N_EDGES), 0, N_NODES, dtype=jnp.int32)
    return {"ori_emb": ori_emb, "edge_index": edge_index}


def reference(ori_emb, edge_index):
    # ODEBlock.forward: gcn_norm then CGNN; CGNN.forward(t, x=ori_emb):
    #   message = edge_weight.view(-1,1) * x_j * x_i  (key==1 branch)
    #   aggr='add' at dst nodes, then + ori_emb
    num_nodes = ori_emb.shape[0]
    row, col, edge_weight = gcn_norm(edge_index, num_nodes)
    x = ori_emb
    x_j = jnp.take(x, row, axis=0)  # source features
    x_i = jnp.take(x, col, axis=0)  # target features
    msg = edge_weight[:, None] * x_j * x_i
    message_emb = jax.ops.segment_sum(msg, col, num_segments=num_nodes)
    return message_emb + ori_emb

if __name__ == "__main__":
    import jax
    _d = setup_inputs()
    print(jax.jit(kernel)(*tuple(_d.values())))

</pallas_src>

<mosaic_0001>
#map = affine_map<(d0, d1) -> (0, 0, 0)>
#map1 = affine_map<(d0, d1) -> (0, 0)>
module attributes {stable_mosaic.version = 14 : i64} {
  func.func @_scatter(%arg0: i32, %arg1: i32, %arg2: memref<2x2500x128xi32, #tpu.memory_space<hbm>>, %arg3: memref<2x80x128xi32, #tpu.memory_space<hbm>>, %arg4: memref<10000x128xf32, #tpu.memory_space<hbm>>, %arg5: memref<2x10240x128xf32, #tpu.memory_space<hbm>>, %arg6: memref<80x128xi32, #tpu.memory_space<vmem>>, %arg7: memref<128xi32, #tpu.memory_space<vmem>>, %arg8: memref<128xi32, #tpu.memory_space<vmem>>, %arg9: memref<128x128xf32, #tpu.memory_space<vmem>>, %arg10: memref<128x128xf32, #tpu.memory_space<vmem>>, %arg11: memref<10240x128xf32, #tpu.memory_space<vmem_shared>>, %arg12: memref<!tpu.dma_semaphore, #tpu.memory_space<semaphore_mem>>, %arg13: memref<!tpu.dma_semaphore, #tpu.memory_space<semaphore_mem>>, %arg14: memref<!tpu.dma_semaphore, #tpu.memory_space<semaphore_mem>>, %arg15: memref<!tpu.dma_semaphore, #tpu.memory_space<semaphore_mem>>) attributes {dimension_semantics = [#tpu.dimension_semantics<core_parallel>, #tpu.dimension_semantics<subcore_parallel>], iteration_bounds = array<i64: 2, 16>, scalar_prefetch = 0 : i64, scratch_operands = 10 : i64, tpu.core_type = #tpu.core_type<sc_vector_subcore>, window_params = [{transform_indices = #map}, {transform_indices = #map}, {transform_indices = #map1}, {transform_indices = #map}]} {
    %mul3A = arith.constant 16 : i32
    %mul3A_0 = arith.muli %arg0, %mul3A : i32
    %add3A = arith.addi %mul3A_0, %arg1 : i32
    %lt3A = arith.constant 31 : i32
    %lt3A_1 = arith.cmpi slt, %add3A, %lt3A : i32
    %convert_element_type3A = arith.extui %lt3A_1 : i1 to i32
    %cond3A = arith.constant 0 : i32
    %cond3A_2 = arith.cmpi ne, %convert_element_type3A, %cond3A : i32
    scf.if %cond3A_2 {
      %mul3A_108 = arith.constant 80 : i32
      %mul3A_109 = arith.muli %add3A, %mul3A_108 : i32
      %run_scoped3A = arith.constant 1 : i32
      "tpu.region"() ({
        %run_scoped3A_110 = tpu.sem_alloc : memref<!tpu.dma_semaphore, #tpu.memory_space<semaphore_mem>>
        %dma_start3A_111 = arith.constant 0 : i32
        %dma_start3A_112 = tpu.memref_slice %arg2[%run_scoped3A, %mul3A_109, %dma_start3A_111] : memref<2x2500x128xi32, #tpu.memory_space<hbm>> -> memref<1x80x128xi32, #tpu.memory_space<hbm>>
        %dma_start3A_113 = tpu.memref_squeeze %dma_start3A_112 : memref<1x80x128xi32, #tpu.memory_space<hbm>> -> memref<80x128xi32, #tpu.memory_space<hbm>>
        %dma_start3A_114 = arith.constant 0 : i32
        %dma_start3A_115 = tpu.memref_slice %arg2[%run_scoped3A, %mul3A_109, %dma_start3A_114] : memref<2x2500x128xi32, #tpu.memory_space<hbm>> -> memref<1x80x128xi32, #tpu.memory_space<hbm>>
        %dma_start3A_116 = tpu.memref_squeeze %dma_start3A_115 : memref<1x80x128xi32, #tpu.memory_space<hbm>> -> memref<80x128xi32, #tpu.memory_space<hbm>>
        tpu.enqueue_dma source(%dma_start3A_116 : memref<80x128xi32, #tpu.memory_space<hbm>>) target(%arg6 : memref<80x128xi32, #tpu.memory_space<vmem>>) target_semaphore(%run_scoped3A_110 : memref<!tpu.dma_semaphore, #tpu.memory_space<semaphore_mem>>)
        %dma_wait3A_117 = arith.constant 0 : i32
        %dma_wait3A_118 = tpu.memref_slice %arg2[%run_scoped3A, %mul3A_109, %dma_wait3A_117] : memref<2x2500x128xi32, #tpu.memory_space<hbm>> -> memref<1x80x128xi32, #tpu.memory_space<hbm>>
        %dma_wait3A_119 = tpu.memref_squeeze %dma_wait3A_118 : memref<1x80x128xi32, #tpu.memory_space<hbm>> -> memref<80x128xi32, #tpu.memory_space<hbm>>
        %dma_wait3A_120 = arith.constant 0 : i32
        %dma_wait3A_121 = tpu.memref_slice %arg2[%run_scoped3A, %mul3A_109, %dma_wait3A_120] : memref<2x2500x128xi32, #tpu.memory_space<hbm>> -> memref<1x80x128xi32, #tpu.memory_space<hbm>>
        %dma_wait3A_122 = tpu.memref_squeeze %dma_wait3A_121 : memref<1x80x128xi32, #tpu.memory_space<hbm>> -> memref<80x128xi32, #tpu.memory_space<hbm>>
        tpu.wait_dma2 semaphore(%run_scoped3A_110 : memref<!tpu.dma_semaphore, #tpu.memory_space<semaphore_mem>>) src(%dma_wait3A_122 : memref<80x128xi32, #tpu.memory_space<hbm>>) dst(%arg6 : memref<80x128xi32, #tpu.memory_space<vmem>>)
        tpu.yield
      }) : () -> ()
    } else {
    }
    %eq3A = arith.constant 31 : i32
    %eq3A_3 = arith.cmpi eq, %add3A, %eq3A : i32
    %convert_element_type3A_4 = arith.extui %eq3A_3 : i1 to i32
    %cond3A_5 = arith.constant 0 : i32
    %cond3A_6 = arith.cmpi ne, %convert_element_type3A_4, %cond3A_5 : i32
    scf.if %cond3A_6 {
      %run_scoped3A = arith.constant 1 : i32
      "tpu.region"() ({
        %run_scoped3A_108 = tpu.sem_alloc : memref<!tpu.dma_semaphore, #tpu.memory_space<semaphore_mem>>
        %dma_start3A_109 = arith.constant 0 : i32
        %dma_start3A_110 = arith.constant 0 : i32
        %dma_start3A_111 = tpu.memref_slice %arg3[%run_scoped3A, %dma_start3A_109, %dma_start3A_110] : memref<2x80x128xi32, #tpu.memory_space<hbm>> -> memref<1x80x128xi32, #tpu.memory_space<hbm>>
        %dma_start3A_112 = tpu.memref_squeeze %dma_start3A_111 : memref<1x80x128xi32, #tpu.memory_space<hbm>> -> memref<80x128xi32, #tpu.memory_space<hbm>>
        %dma_start3A_113 = arith.constant 0 : i32
        %dma_start3A_114 = arith.constant 0 : i32
        %dma_start3A_115 = tpu.memref_slice %arg3[%run_scoped3A, %dma_start3A_113, %dma_start3A_114] : memref<2x80x128xi32, #tpu.memory_space<hbm>> -> memref<1x80x128xi32, #tpu.memory_space<hbm>>
        %dma_start3A_116 = tpu.memref_squeeze %dma_start3A_115 : memref<1x80x128xi32, #tpu.memory_space<hbm>> -> memref<80x128xi32, #tpu.memory_space<hbm>>
        tpu.enqueue_dma source(%dma_start3A_116 : memref<80x128xi32, #tpu.memory_space<hbm>>) target(%arg6 : memref<80x128xi32, #tpu.memory_space<vmem>>) target_semaphore(%run_scoped3A_108 : memref<!tpu.dma_semaphore, #tpu.memory_space<semaphore_mem>>)
        %dma_wait3A_117 = arith.constant 0 : i32
        %dma_wait3A_118 = arith.constant 0 : i32
        %dma_wait3A_119 = tpu.memref_slice %arg3[%run_scoped3A, %dma_wait3A_117, %dma_wait3A_118] : memref<2x80x128xi32, #tpu.memory_space<hbm>> -> memref<1x80x128xi32, #tpu.memory_space<hbm>>
        %dma_wait3A_120 = tpu.memref_squeeze %dma_wait3A_119 : memref<1x80x128xi32, #tpu.memory_space<hbm>> -> memref<80x128xi32, #tpu.memory_space<hbm>>
        %dma_wait3A_121 = arith.constant 0 : i32
        %dma_wait3A_122 = arith.constant 0 : i32
        %dma_wait3A_123 = tpu.memref_slice %arg3[%run_scoped3A, %dma_wait3A_121, %dma_wait3A_122] : memref<2x80x128xi32, #tpu.memory_space<hbm>> -> memref<1x80x128xi32, #tpu.memory_space<hbm>>
        %dma_wait3A_124 = tpu.memref_squeeze %dma_wait3A_123 : memref<1x80x128xi32, #tpu.memory_space<hbm>> -> memref<80x128xi32, #tpu.memory_space<hbm>>
        tpu.wait_dma2 semaphore(%run_scoped3A_108 : memref<!tpu.dma_semaphore, #tpu.memory_space<semaphore_mem>>) src(%dma_wait3A_124 : memref<80x128xi32, #tpu.memory_space<hbm>>) dst(%arg6 : memref<80x128xi32, #tpu.memory_space<vmem>>)
        tpu.yield
      }) : () -> ()
    } else {
    }
    %scan3A = arith.constant 0 : i32
    %scan3A_7 = arith.constant 0 : i32
    %scan3A_8 = arith.constant 128 : i32
    %scan3A_9 = arith.addi %scan3A_7, %scan3A_8 : i32
    %scan3A_10 = arith.constant 1 : i32
    scf.for %scan3A_108 = %scan3A_7 to %scan3A_9 step %scan3A_10  : i32 {
      %broadcast_in_dim3A = arith.constant 0.000000e+00 : f32
      %broadcast_in_dim3A_109 = vector.broadcast %broadcast_in_dim3A : f32 to vector<16xf32>
      %swap3A = arith.index_cast %scan3A_108 : i32 to index
      %swap3A_110 = arith.constant 0 : index
      %swap3A_111 = tpu.vector_load %arg9[%swap3A, %swap3A_110] {strides = array<i32>} : memref<128x128xf32, #tpu.memory_space<vmem>>, vector<1x16xf32>,
      %swap3A_112 = vector.shape_cast %swap3A_111 : vector<1x16xf32> to vector<16xf32>
      %swap3A_113 = vector.shape_cast %broadcast_in_dim3A_109 : vector<16xf32> to vector<1x16xf32>
      tpu.vector_store %arg9[%swap3A, %swap3A_110], %swap3A_113 {strides = array<i32>} : memref<128x128xf32, #tpu.memory_space<vmem>>, vector<1x16xf32>,
      %broadcast_in_dim3A_114 = arith.constant 0.000000e+00 : f32
      %broadcast_in_dim3A_115 = vector.broadcast %broadcast_in_dim3A_114 : f32 to vector<16xf32>
      %swap3A_116 = arith.index_cast %scan3A_108 : i32 to index
      %swap3A_117 = arith.constant 16 : index
      %swap3A_118 = tpu.vector_load %arg9[%swap3A_116, %swap3A_117] {strides = array<i32>} : memref<128x128xf32, #tpu.memory_space<vmem>>, vector<1x16xf32>,
      %swap3A_119 = vector.shape_cast %swap3A_118 : vector<1x16xf32> to vector<16xf32>
      %swap3A_120 = vector.shape_cast %broadcast_in_dim3A_115 : vector<16xf32> to vector<1x16xf32>
      tpu.vector_store %arg9[%swap3A_116, %swap3A_117], %swap3A_120 {strides = array<i32>} : memref<128x128xf32, #tpu.memory_space<vmem>>, vector<1x16xf32>,
      %broadcast_in_dim3A_121 = arith.constant 0.000000e+00 : f32
      %broadcast_in_dim3A_122 = vector.broadcast %broadcast_in_dim3A_121 : f32 to vector<16xf32>
      %swap3A_123 = arith.index_cast %scan3A_108 : i32 to index
      %swap3A_124 = arith.constant 32 : index
      %swap3A_125 = tpu.vector_load %arg9[%swap3A_123, %swap3A_124] {strides = array<i32>} : memref<128x128xf32, #tpu.memory_space<vmem>>, vector<1x16xf32>,
      %swap3A_126 = vector.shape_cast %swap3A_125 : vector<1x16xf32> to vector<16xf32>
      %swap3A_127 = vector.shape_cast %broadcast_in_dim3A_122 : vector<16xf32> to vector<1x16xf32>
      tpu.vector_store %arg9[%swap3A_123, %swap3A_124], %swap3A_127 {strides = array<i32>} : memref<128x128xf32, #tpu.memory_space<vmem>>, vector<1x16xf32>,
      %broadcast_in_dim3A_128 = arith.constant 0.000000e+00 : f32
      %broadcast_in_dim3A_129 = vector.broadcast %broadcast_in_dim3A_128 : f32 to vector<16xf32>
      %swap3A_130 = arith.index_cast %scan3A_108 : i32 to index
      %swap3A_131 = arith.constant 48 : index
      %swap3A_132 = tpu.vector_load %arg9[%swap3A_130, %swap3A_131] {strides = array<i32>} : memref<128x128xf32, #tpu.memory_space<vmem>>, vector<1x16xf32>,
      %swap3A_133 = vector.shape_cast %swap3A_132 : vector<1x16xf32> to vector<16xf32>
      %swap3A_134 = vector.shape_cast %broadcast_in_dim3A_129 : vector<16xf32> to vector<1x16xf32>
      tpu.vector_store %arg9[%swap3A_130, %swap3A_131], %swap3A_134 {strides = array<i32>} : memref<128x128xf32, #tpu.memory_space<vmem>>, vector<1x16xf32>,
      %broadcast_in_dim3A_135 = arith.constant 0.000000e+00 : f32
      %broadcast_in_dim3A_136 = vector.broadcast %broadcast_in_dim3A_135 : f32 to vector<16xf32>
      %swap3A_137 = arith.index_cast %scan3A_108 : i32 to index
      %swap3A_138 = arith.constant 64 : index
      %swap3A_139 = tpu.vector_load %arg9[%swap3A_137, %swap3A_138] {strides = array<i32>} : memref<128x128xf32, #tpu.memory_space<vmem>>, vector<1x16xf32>,
      %swap3A_140 = vector.shape_cast %swap3A_139 : vector<1x16xf32> to vector<16xf32>
      %swap3A_141 = vector.shape_cast %broadcast_in_dim3A_136 : vector<16xf32> to vector<1x16xf32>
      tpu.vector_store %arg9[%swap3A_137, %swap3A_138], %swap3A_141 {strides = array<i32>} : memref<128x128xf32, #tpu.memory_space<vmem>>, vector<1x16xf32>,
      %broadcast_in_dim3A_142 = arith.constant 0.000000e+00 : f32
      %broadcast_in_dim3A_143 = vector.broadcast %broadcast_in_dim3A_142 : f32 to vector<16xf32>
      %swap3A_144 = arith.index_cast %scan3A_108 : i32 to index
      %swap3A_145 = arith.constant 80 : index
      %swap3A_146 = tpu.vector_load %arg9[%swap3A_144, %swap3A_145] {strides = array<i32>} : memref<128x128xf32, #tpu.memory_space<vmem>>, vector<1x16xf32>,
      %swap3A_147 = vector.shape_cast %swap3A_146 : vector<1x16xf32> to vector<16xf32>
      %swap3A_148 = vector.shape_cast %broadcast_in_dim3A_143 : vector<16xf32> to vector<1x16xf32>
      tpu.vector_store %arg9[%swap3A_144, %swap3A_145], %swap3A_148 {strides = array<i32>} : memref<128x128xf32, #tpu.memory_space<vmem>>, vector<1x16xf32>,
      %broadcast_in_dim3A_149 = arith.constant 0.000000e+00 : f32
      %broadcast_in_dim3A_150 = vector.broadcast %broadcast_in_dim3A_149 : f32 to vector<16xf32>
      %swap3A_151 = arith.index_cast %scan3A_108 : i32 to index
      %swap3A_152 = arith.constant 96 : index
      %swap3A_153 = tpu.vector_load %arg9[%swap3A_151, %swap3A_152] {strides = array<i32>} : memref<128x128xf32, #tpu.memory_space<vmem>>, vector<1x16xf32>,
      %swap3A_154 = vector.shape_cast %swap3A_153 : vector<1x16xf32> to vector<16xf32>
      %swap3A_155 = vector.shape_cast %broadcast_in_dim3A_150 : vector<16xf32> to vector<1x16xf32>
      tpu.vector_store %arg9[%swap3A_151, %swap3A_152], %swap3A_155 {strides = array<i32>} : memref<128x128xf32, #tpu.memory_space<vmem>>, vector<1x16xf32>,
      %broadcast_in_dim3A_156 = arith.constant 0.000000e+00 : f32
      %broadcast_in_dim3A_157 = vector.broadcast %broadcast_in_dim3A_156 : f32 to vector<16xf32>
      %swap3A_158 = arith.index_cast %scan3A_108 : i32 to index
      %swap3A_159 = arith.constant 112 : index
      %swap3A_160 = tpu.vector_load %arg9[%swap3A_158, %swap3A_159] {strides = array<i32>} : memref<128x128xf32, #tpu.memory_space<vmem>>, vector<1x16xf32>,
      %swap3A_161 = vector.shape_cast %swap3A_160 : vector<1x16xf32> to vector<16xf32>
      %swap3A_162 = vector.shape_cast %broadcast_in_dim3A_157 : vector<16xf32> to vector<1x16xf32>
      tpu.vector_store %arg9[%swap3A_158, %swap3A_159], %swap3A_162 {strides = array<i32>} : memref<128x128xf32, #tpu.memory_space<vmem>>, vector<1x16xf32>,
    }
    %scan3A_11 = arith.constant 128 : i32
    %mul3A_12 = arith.constant 640 : i32
    %mul3A_13 = arith.muli %arg1, %mul3A_12 : i32
    %add3A_14 = arith.constant 0 : i32
    %add3A_15 = arith.addi %mul3A_13, %add3A_14 : i32
    %dma_start3A = arith.constant 0 : i32
    %dma_start3A_16 = tpu.memref_slice %arg11[%add3A_15, %dma_start3A] : memref<10240x128xf32, #tpu.memory_space<vmem_shared>> -> memref<128x128xf32, #tpu.memory_space<vmem_shared>>
    %dma_start3A_17 = arith.constant 0 : i32
    %dma_start3A_18 = tpu.memref_slice %arg11[%add3A_15, %dma_start3A_17] : memref<10240x128xf32, #tpu.memory_space<vmem_shared>> -> memref<128x128xf32, #tpu.memory_space<vmem_shared>>
    tpu.enqueue_dma source(%arg9 : memref<128x128xf32, #tpu.memory_space<vmem>>) target(%dma_start3A_18 : memref<128x128xf32, #tpu.memory_space<vmem_shared>>) target_semaphore(%arg12 : memref<!tpu.dma_semaphore, #tpu.memory_space<semaphore_mem>>)
    %mul3A_19 = arith.constant 640 : i32
    %mul3A_20 = arith.muli %arg1, %mul3A_19 : i32
    %add3A_21 = arith.constant 128 : i32
    %add3A_22 = arith.addi %mul3A_20, %add3A_21 : i32
    %dma_start3A_23 = arith.constant 0 : i32
    %dma_start3A_24 = tpu.memref_slice %arg11[%add3A_22, %dma_start3A_23] : memref<10240x128xf32, #tpu.memory_space<vmem_shared>> -> memref<128x128xf32, #tpu.memory_space<vmem_shared>>
    %dma_start3A_25 = arith.constant 0 : i32
    %dma_start3A_26 = tpu.memref_slice %arg11[%add3A_22, %dma_start3A_25] : memref<10240x128xf32, #tpu.memory_space<vmem_shared>> -> memref<128x128xf32, #tpu.memory_space<vmem_shared>>
    tpu.enqueue_dma source(%arg9 : memref<128x128xf32, #tpu.memory_space<vmem>>) target(%dma_start3A_26 : memref<128x128xf32, #tpu.memory_space<vmem_shared>>) target_semaphore(%arg12 : memref<!tpu.dma_semaphore, #tpu.memory_space<semaphore_mem>>)
    %mul3A_27 = arith.constant 640 : i32
    %mul3A_28 = arith.muli %arg1, %mul3A_27 : i32
    %add3A_29 = arith.constant 256 : i32
    %add3A_30 = arith.addi %mul3A_28, %add3A_29 : i32
    %dma_start3A_31 = arith.constant 0 : i32
    %dma_start3A_32 = tpu.memref_slice %arg11[%add3A_30, %dma_start3A_31] : memref<10240x128xf32, #tpu.memory_space<vmem_shared>> -> memref<128x128xf32, #tpu.memory_space<vmem_shared>>
    %dma_start3A_33 = arith.constant 0 : i32
    %dma_start3A_34 = tpu.memref_slice %arg11[%add3A_30, %dma_start3A_33] : memref<10240x128xf32, #tpu.memory_space<vmem_shared>> -> memref<128x128xf32, #tpu.memory_space<vmem_shared>>
    tpu.enqueue_dma source(%arg9 : memref<128x128xf32, #tpu.memory_space<vmem>>) target(%dma_start3A_34 : memref<128x128xf32, #tpu.memory_space<vmem_shared>>) target_semaphore(%arg12 : memref<!tpu.dma_semaphore, #tpu.memory_space<semaphore_mem>>)
    %mul3A_35 = arith.constant 640 : i32
    %mul3A_36 = arith.muli %arg1, %mul3A_35 : i32
    %add3A_37 = arith.constant 384 : i32
    %add3A_38 = arith.addi %mul3A_36, %add3A_37 : i32
    %dma_start3A_39 = arith.constant 0 : i32
    %dma_start3A_40 = tpu.memref_slice %arg11[%add3A_38, %dma_start3A_39] : memref<10240x128xf32, #tpu.memory_space<vmem_shared>> -> memref<128x128xf32, #tpu.memory_space<vmem_shared>>
    %dma_start3A_41 = arith.constant 0 : i32
    %dma_start3A_42 = tpu.memref_slice %arg11[%add3A_38, %dma_start3A_41] : memref<10240x128xf32, #tpu.memory_space<vmem_shared>> -> memref<128x128xf32, #tpu.memory_space<vmem_shared>>
    tpu.enqueue_dma source(%arg9 : memref<128x128xf32, #tpu.memory_space<vmem>>) target(%dma_start3A_42 : memref<128x128xf32, #tpu.memory_space<vmem_shared>>) target_semaphore(%arg12 : memref<!tpu.dma_semaphore, #tpu.memory_space<semaphore_mem>>)
    %mul3A_43 = arith.constant 640 : i32
    %mul3A_44 = arith.muli %arg1, %mul3A_43 : i32
    %add3A_45 = arith.constant 512 : i32
    %add3A_46 = arith.addi %mul3A_44, %add3A_45 : i32
    %dma_start3A_47 = arith.constant 0 : i32
    %dma_start3A_48 = tpu.memref_slice %arg11[%add3A_46, %dma_start3A_47] : memref<10240x128xf32, #tpu.memory_space<vmem_shared>> -> memref<128x128xf32, #tpu.memory_space<vmem_shared>>
    %dma_start3A_49 = arith.constant 0 : i32
    %dma_start3A_50 = tpu.memref_slice %arg11[%add3A_46, %dma_start3A_49] : memref<10240x128xf32, #tpu.memory_space<vmem_shared>> -> memref<128x128xf32, #tpu.memory_space<vmem_shared>>
    tpu.enqueue_dma source(%arg9 : memref<128x128xf32, #tpu.memory_space<vmem>>) target(%dma_start3A_50 : memref<128x128xf32, #tpu.memory_space<vmem_shared>>) target_semaphore(%arg12 : memref<!tpu.dma_semaphore, #tpu.memory_space<semaphore_mem>>)
    %dma_wait3A = arith.constant 0 : i32
    %dma_wait3A_51 = tpu.memref_slice %arg11[%add3A_15, %dma_wait3A] : memref<10240x128xf32, #tpu.memory_space<vmem_shared>> -> memref<128x128xf32, #tpu.memory_space<vmem_shared>>
    %dma_wait3A_52 = arith.constant 0 : i32
    %dma_wait3A_53 = tpu.memref_slice %arg11[%add3A_15, %dma_wait3A_52] : memref<10240x128xf32, #tpu.memory_space<vmem_shared>> -> memref<128x128xf32, #tpu.memory_space<vmem_shared>>
    tpu.wait_dma2 semaphore(%arg12 : memref<!tpu.dma_semaphore, #tpu.memory_space<semaphore_mem>>) src(%arg9 : memref<128x128xf32, #tpu.memory_space<vmem>>) dst(%dma_wait3A_53 : memref<128x128xf32, #tpu.memory_space<vmem_shared>>)
    %dma_wait3A_54 = arith.constant 0 : i32
    %dma_wait3A_55 = tpu.memref_slice %arg11[%add3A_22, %dma_wait3A_54] : memref<10240x128xf32, #tpu.memory_space<vmem_shared>> -> memref<128x128xf32, #tpu.memory_space<vmem_shared>>
    %dma_wait3A_56 = arith.constant 0 : i32
    %dma_wait3A_57 = tpu.memref_slice %arg11[%add3A_22, %dma_wait3A_56] : memref<10240x128xf32, #tpu.memory_space<vmem_shared>> -> memref<128x128xf32, #tpu.memory_space<vmem_shared>>
    tpu.wait_dma2 semaphore(%arg12 : memref<!tpu.dma_semaphore, #tpu.memory_space<semaphore_mem>>) src(%arg9 : memref<128x128xf32, #tpu.memory_space<vmem>>) dst(%dma_wait3A_57 : memref<128x128xf32, #tpu.memory_space<vmem_shared>>)
    %dma_wait3A_58 = arith.constant 0 : i32
    %dma_wait3A_59 = tpu.memref_slice %arg11[%add3A_30, %dma_wait3A_58] : memref<10240x128xf32, #tpu.memory_space<vmem_shared>> -> memref<128x128xf32, #tpu.memory_space<vmem_shared>>
    %dma_wait3A_60 = arith.constant 0 : i32
    %dma_wait3A_61 = tpu.memref_slice %arg11[%add3A_30, %dma_wait3A_60] : memref<10240x128xf32, #tpu.memory_space<vmem_shared>> -> memref<128x128xf32, #tpu.memory_space<vmem_shared>>
    tpu.wait_dma2 semaphore(%arg12 : memref<!tpu.dma_semaphore, #tpu.memory_space<semaphore_mem>>) src(%arg9 : memref<128x128xf32, #tpu.memory_space<vmem>>) dst(%dma_wait3A_61 : memref<128x128xf32, #tpu.memory_space<vmem_shared>>)
    %dma_wait3A_62 = arith.constant 0 : i32
    %dma_wait3A_63 = tpu.memref_slice %arg11[%add3A_38, %dma_wait3A_62] : memref<10240x128xf32, #tpu.memory_space<vmem_shared>> -> memref<128x128xf32, #tpu.memory_space<vmem_shared>>
    %dma_wait3A_64 = arith.constant 0 : i32
    %dma_wait3A_65 = tpu.memref_slice %arg11[%add3A_38, %dma_wait3A_64] : memref<10240x128xf32, #tpu.memory_space<vmem_shared>> -> memref<128x128xf32, #tpu.memory_space<vmem_shared>>
    tpu.wait_dma2 semaphore(%arg12 : memref<!tpu.dma_semaphore, #tpu.memory_space<semaphore_mem>>) src(%arg9 : memref<128x128xf32, #tpu.memory_space<vmem>>) dst(%dma_wait3A_65 : memref<128x128xf32, #tpu.memory_space<vmem_shared>>)
    %dma_wait3A_66 = arith.constant 0 : i32
    %dma_wait3A_67 = tpu.memref_slice %arg11[%add3A_46, %dma_wait3A_66] : memref<10240x128xf32, #tpu.memory_space<vmem_shared>> -> memref<128x128xf32, #tpu.memory_space<vmem_shared>>
    %dma_wait3A_68 = arith.constant 0 : i32
    %dma_wait3A_69 = tpu.memref_slice %arg11[%add3A_46, %dma_wait3A_68] : memref<10240x128xf32, #tpu.memory_space<vmem_shared>> -> memref<128x128xf32, #tpu.memory_space<vmem_shared>>
    tpu.wait_dma2 semaphore(%arg12 : memref<!tpu.dma_semaphore, #tpu.memory_space<semaphore_mem>>) src(%arg9 : memref<128x128xf32, #tpu.memory_space<vmem>>) dst(%dma_wait3A_69 : memref<128x128xf32, #tpu.memory_space<vmem_shared>>)
    %barrier3A = arith.constant 0 : index
    tpu.barrier barrier_id(%barrier3A)
    %lt3A_70 = arith.constant 31 : i32
    %lt3A_71 = arith.cmpi slt, %add3A, %lt3A_70 : i32
    %convert_element_type3A_72 = arith.extui %lt3A_71 : i1 to i32
    %cond3A_73 = arith.constant 0 : i32
    %cond3A_74 = arith.cmpi ne, %convert_element_type3A_72, %cond3A_73 : i32
    scf.if %cond3A_74 {
      %mul3A_108 = arith.constant 80 : i32
      %mul3A_109 = arith.muli %add3A, %mul3A_108 : i32
      %add3A_110 = arith.constant 0 : i32
      %add3A_111 = arith.addi %mul3A_109, %add3A_110 : i32
      %run_scoped3A = arith.constant 0 : i32
      "tpu.region"() ({
        %run_scoped3A_112 = tpu.sem_alloc : memref<!tpu.dma_semaphore, #tpu.memory_space<semaphore_mem>>
        %dma_start3A_113 = arith.constant 0 : i32
        %dma_start3A_114 = tpu.memref_slice %arg2[%run_scoped3A, %add3A_111, %dma_start3A_113] : memref<2x2500x128xi32, #tpu.memory_space<hbm>> -> memref<1x1x128xi32, #tpu.memory_space<hbm>>
        %dma_start3A_115 = tpu.memref_squeeze %dma_start3A_114 : memref<1x1x128xi32, #tpu.memory_space<hbm>> -> memref<128xi32, #tpu.memory_space<hbm>>
        %dma_start3A_116 = arith.constant 0 : i32
        %dma_start3A_117 = tpu.memref_slice %arg2[%run_scoped3A, %add3A_111, %dma_start3A_116] : memref<2x2500x128xi32, #tpu.memory_space<hbm>> -> memref<1x1x128xi32, #tpu.memory_space<hbm>>
        %dma_start3A_118 = tpu.memref_squeeze %dma_start3A_117 : memref<1x1x128xi32, #tpu.memory_space<hbm>> -> memref<128xi32, #tpu.memory_space<hbm>>
        tpu.enqueue_dma source(%dma_start3A_118 : memref<128xi32, #tpu.memory_space<hbm>>) target(%arg7 : memref<128xi32, #tpu.memory_space<vmem>>) target_semaphore(%run_scoped3A_112 : memref<!tpu.dma_semaphore, #tpu.memory_space<semaphore_mem>>)
        %dma_wait3A_119 = arith.constant 0 : i32
        %dma_wait3A_120 = tpu.memref_slice %arg2[%run_scoped3A, %add3A_111, %dma_wait3A_119] : memref<2x2500x128xi32, #tpu.memory_space<hbm>> -> memref<1x1x128xi32, #tpu.memory_space<hbm>>
        %dma_wait3A_121 = tpu.memref_squeeze %dma_wait3A_120 : memref<1x1x128xi32, #tpu.memory_space<hbm>> -> memref<128xi32, #tpu.memory_space<hbm>>
        %dma_wait3A_122 = arith.constant 0 : i32
        %dma_wait3A_123 = tpu.memref_slice %arg2[%run_scoped3A, %add3A_111, %dma_wait3A_122] : memref<2x2500x128xi32, #tpu.memory_space<hbm>> -> memref<1x1x128xi32, #tpu.memory_space<hbm>>
        %dma_wait3A_124 = tpu.memref_squeeze %dma_wait3A_123 : memref<1x1x128xi32, #tpu.memory_space<hbm>> -> memref<128xi32, #tpu.memory_space<hbm>>
        tpu.wait_dma2 semaphore(%run_scoped3A_112 : memref<!tpu.dma_semaphore, #tpu.memory_space<semaphore_mem>>) src(%dma_wait3A_124 : memref<128xi32, #tpu.memory_space<hbm>>) dst(%arg7 : memref<128xi32, #tpu.memory_space<vmem>>)
        tpu.yield
      }) : () -> ()
    } else {
    }
    %eq3A_75 = arith.constant 31 : i32
    %eq3A_76 = arith.cmpi eq, %add3A, %eq3A_75 : i32
    %convert_element_type3A_77 = arith.extui %eq3A_76 : i1 to i32
    %cond3A_78 = arith.constant 0 : i32
    %cond3A_79 = arith.cmpi ne, %convert_element_type3A_77, %cond3A_78 : i32
    scf.if %cond3A_79 {
      %run_scoped3A = arith.constant 0 : i32
      %run_scoped3A_108 = arith.constant 0 : i32
      "tpu.region"() ({
        %run_scoped3A_109 = tpu.sem_alloc : memref<!tpu.dma_semaphore, #tpu.memory_space<semaphore_mem>>
        %dma_start3A_110 = arith.constant 0 : i32
        %dma_start3A_111 = tpu.memref_slice %arg3[%run_scoped3A, %run_scoped3A_108, %dma_start3A_110] : memref<2x80x128xi32, #tpu.memory_space<hbm>> -> memref<1x1x128xi32, #tpu.memory_space<hbm>>
        %dma_start3A_112 = tpu.memref_squeeze %dma_start3A_111 : memref<1x1x128xi32, #tpu.memory_space<hbm>> -> memref<128xi32, #tpu.memory_space<hbm>>
        %dma_start3A_113 = arith.constant 0 : i32
        %dma_start3A_114 = tpu.memref_slice %arg3[%run_scoped3A, %run_scoped3A_108, %dma_start3A_113] : memref<2x80x128xi32, #tpu.memory_space<hbm>> -> memref<1x1x128xi32, #tpu.memory_space<hbm>>
        %dma_start3A_115 = tpu.memref_squeeze %dma_start3A_114 : memref<1x1x128xi32, #tpu.memory_space<hbm>> -> memref<128xi32, #tpu.memory_space<hbm>>
        tpu.enqueue_dma source(%dma_start3A_115 : memref<128xi32, #tpu.memory_space<hbm>>) target(%arg7 : memref<128xi32, #tpu.memory_space<vmem>>) target_semaphore(%run_scoped3A_109 : memref<!tpu.dma_semaphore, #tpu.memory_space<semaphore_mem>>)
        %dma_wait3A_116 = arith.constant 0 : i32
        %dma_wait3A_117 = tpu.memref_slice %arg3[%run_scoped3A, %run_scoped3A_108, %dma_wait3A_116] : memref<2x80x128xi32, #tpu.memory_space<hbm>> -> memref<1x1x128xi32, #tpu.memory_space<hbm>>
        %dma_wait3A_118 = tpu.memref_squeeze %dma_wait3A_117 : memref<1x1x128xi32, #tpu.memory_space<hbm>> -> memref<128xi32, #tpu.memory_space<hbm>>
        %dma_wait3A_119 = arith.constant 0 : i32
        %dma_wait3A_120 = tpu.memref_slice %arg3[%run_scoped3A, %run_scoped3A_108, %dma_wait3A_119] : memref<2x80x128xi32, #tpu.memory_space<hbm>> -> memref<1x1x128xi32, #tpu.memory_space<hbm>>
        %dma_wait3A_121 = tpu.memref_squeeze %dma_wait3A_120 : memref<1x1x128xi32, #tpu.memory_space<hbm>> -> memref<128xi32, #tpu.memory_space<hbm>>
        tpu.wait_dma2 semaphore(%run_scoped3A_109 : memref<!tpu.dma_semaphore, #tpu.memory_space<semaphore_mem>>) src(%dma_wait3A_121 : memref<128xi32, #tpu.memory_space<hbm>>) dst(%arg7 : memref<128xi32, #tpu.memory_space<vmem>>)
        tpu.yield
      }) : () -> ()
    } else {
    }
    %dma_start3A_80 = arith.constant 0 : i32
    %dma_start3A_81 = arith.constant 0 : i32
    %dma_start3A_82 = tpu.memref_slice %arg4[%dma_start3A_80, %dma_start3A_81] : memref<10000x128xf32, #tpu.memory_space<hbm>> -> memref<10000x128xf32, #tpu.memory_space<hbm>>
    tpu.enqueue_indirect_dma source(%dma_start3A_82 : memref<10000x128xf32, #tpu.memory_space<hbm>>) target(%arg9 : memref<128x128xf32, #tpu.memory_space<vmem>>) offsets(%arg7 : memref<128xi32, #tpu.memory_space<vmem>>) semaphore(%arg12 : memref<!tpu.dma_semaphore, #tpu.memory_space<semaphore_mem>>)
    %scan3A_83 = arith.constant 0 : i32
    %scan3A_84 = arith.constant 0 : i32
    %scan3A_85 = arith.constant 40 : i32
    %scan3A_86 = arith.addi %scan3A_84, %scan3A_85 : i32
    %scan3A_87 = arith.constant 1 : i32
    scf.for %scan3A_108 = %scan3A_84 to %scan3A_86 step %scan3A_87  : i32 {
      %mul3A_109 = arith.constant 2 : i32
      %mul3A_110 = arith.muli %mul3A_109, %scan3A_108 : i32
      %add3A_111 = arith.constant 1 : i32
      %add3A_112 = arith.addi %mul3A_110, %add3A_111 : i32
      %lt3A_113 = arith.constant 31 : i32
      %lt3A_114 = arith.cmpi slt, %add3A, %lt3A_113 : i32
      %convert_element_type3A_115 = arith.extui %lt3A_114 : i1 to i32
      %cond3A_116 = arith.constant 0 : i32
      %cond3A_117 = arith.cmpi ne, %convert_element_type3A_115, %cond3A_116 : i32
      scf.if %cond3A_117 {
        %mul3A_160 = arith.constant 80 : i32
        %mul3A_161 = arith.muli %add3A, %mul3A_160 : i32
        %add3A_162 = arith.addi %mul3A_161, %add3A_112 : i32
        %run_scoped3A = arith.constant 0 : i32
        "tpu.region"() ({
          %run_scoped3A_163 = tpu.sem_alloc : memref<!tpu.dma_semaphore, #tpu.memory_space<semaphore_mem>>
          %dma_start3A_164 = arith.constant 0 : i32
          %dma_start3A_165 = tpu.memref_slice %arg2[%run_scoped3A, %add3A_162, %dma_start3A_164] : memref<2x2500x128xi32, #tpu.memory_space<hbm>> -> memref<1x1x128xi32, #tpu.memory_space<hbm>>
          %dma_start3A_166 = tpu.memref_squeeze %dma_start3A_165 : memref<1x1x128xi32, #tpu.memory_space<hbm>> -> memref<128xi32, #tpu.memory_space<hbm>>
          %dma_start3A_167 = arith.constant 0 : i32
          %dma_start3A_168 = tpu.memref_slice %arg2[%run_scoped3A, %add3A_162, %dma_start3A_167] : memref<2x2500x128xi32, #tpu.memory_space<hbm>> -> memref<1x1x128xi32, #tpu.memory_space<hbm>>
          %dma_start3A_169 = tpu.memref_squeeze %dma_start3A_168 : memref<1x1x128xi32, #tpu.memory_space<hbm>> -> memref<128xi32, #tpu.memory_space<hbm>>
          tpu.enqueue_dma source(%dma_start3A_169 : memref<128xi32, #tpu.memory_space<hbm>>) target(%arg8 : memref<128xi32, #tpu.memory_space<vmem>>) target_semaphore(%run_scoped3A_163 : memref<!tpu.dma_semaphore, #tpu.memory_space<semaphore_mem>>)
          %dma_wait3A_170 = arith.constant 0 : i32
          %dma_wait3A_171 = tpu.memref_slice %arg2[%run_scoped3A, %add3A_162, %dma_wait3A_170] : memref<2x2500x128xi32, #tpu.memory_space<hbm>> -> memref<1x1x128xi32, #tpu.memory_space<hbm>>
          %dma_wait3A_172 = tpu.memref_squeeze %dma_wait3A_171 : memref<1x1x128xi32, #tpu.memory_space<hbm>> -> memref<128xi32, #tpu.memory_space<hbm>>
          %dma_wait3A_173 = arith.constant 0 : i32
          %dma_wait3A_174 = tpu.memref_slice %arg2[%run_scoped3A, %add3A_162, %dma_wait3A_173] : memref<2x2500x128xi32, #tpu.memory_space<hbm>> -> memref<1x1x128xi32, #tpu.memory_space<hbm>>
          %dma_wait3A_175 = tpu.memref_squeeze %dma_wait3A_174 : memref<1x1x128xi32, #tpu.memory_space<hbm>> -> memref<128xi32, #tpu.memory_space<hbm>>
          tpu.wait_dma2 semaphore(%run_scoped3A_163 : memref<!tpu.dma_semaphore, #tpu.memory_space<semaphore_mem>>) src(%dma_wait3A_175 : memref<128xi32, #tpu.memory_space<hbm>>) dst(%arg8 : memref<128xi32, #tpu.memory_space<vmem>>)
          tpu.yield
        }) : () -> ()
      } else {
      }
      %eq3A_118 = arith.constant 31 : i32
      %eq3A_119 = arith.cmpi eq, %add3A, %eq3A_118 : i32
      %convert_element_type3A_120 = arith.extui %eq3A_119 : i1 to i32
      %cond3A_121 = arith.constant 0 : i32
      %cond3A_122 = arith.cmpi ne, %convert_element_type3A_120, %cond3A_121 : i32
      scf.if %cond3A_122 {
        %run_scoped3A = arith.constant 0 : i32
        "tpu.region"() ({
          %run_scoped3A_160 = tpu.sem_alloc : memref<!tpu.dma_semaphore, #tpu.memory_space<semaphore_mem>>
          %dma_start3A_161 = arith.constant 0 : i32
          %dma_start3A_162 = tpu.memref_slice %arg3[%run_scoped3A, %add3A_112, %dma_start3A_161] : memref<2x80x128xi32, #tpu.memory_space<hbm>> -> memref<1x1x128xi32, #tpu.memory_space<hbm>>
          %dma_start3A_163 = tpu.memref_squeeze %dma_start3A_162 : memref<1x1x128xi32, #tpu.memory_space<hbm>> -> memref<128xi32, #tpu.memory_space<hbm>>
          %dma_start3A_164 = arith.constant 0 : i32
          %dma_start3A_165 = tpu.memref_slice %arg3[%run_scoped3A, %add3A_112, %dma_start3A_164] : memref<2x80x128xi32, #tpu.memory_space<hbm>> -> memref<1x1x128xi32, #tpu.memory_space<hbm>>
          %dma_start3A_166 = tpu.memref_squeeze %dma_start3A_165 : memref<1x1x128xi32, #tpu.memory_space<hbm>> -> memref<128xi32, #tpu.memory_space<hbm>>
          tpu.enqueue_dma source(%dma_start3A_166 : memref<128xi32, #tpu.memory_space<hbm>>) target(%arg8 : memref<128xi32, #tpu.memory_space<vmem>>) target_semaphore(%run_scoped3A_160 : memref<!tpu.dma_semaphore, #tpu.memory_space<semaphore_mem>>)
          %dma_wait3A_167 = arith.constant 0 : i32
          %dma_wait3A_168 = tpu.memref_slice %arg3[%run_scoped3A, %add3A_112, %dma_wait3A_167] : memref<2x80x128xi32, #tpu.memory_space<hbm>> -> memref<1x1x128xi32, #tpu.memory_space<hbm>>
          %dma_wait3A_169 = tpu.memref_squeeze %dma_wait3A_168 : memref<1x1x128xi32, #tpu.memory_space<hbm>> -> memref<128xi32, #tpu.memory_space<hbm>>
          %dma_wait3A_170 = arith.constant 0 : i32
          %dma_wait3A_171 = tpu.memref_slice %arg3[%run_scoped3A, %add3A_112, %dma_wait3A_170] : memref<2x80x128xi32, #tpu.memory_space<hbm>> -> memref<1x1x128xi32, #tpu.memory_space<hbm>>
          %dma_wait3A_172 = tpu.memref_squeeze %dma_wait3A_171 : memref<1x1x128xi32, #tpu.memory_space<hbm>> -> memref<128xi32, #tpu.memory_space<hbm>>
          tpu.wait_dma2 semaphore(%run_scoped3A_160 : memref<!tpu.dma_semaphore, #tpu.memory_space<semaphore_mem>>) src(%dma_wait3A_172 : memref<128xi32, #tpu.memory_space<hbm>>) dst(%arg8 : memref<128xi32, #tpu.memory_space<vmem>>)
          tpu.yield
        }) : () -> ()
      } else {
      }
      %dma_wait3A_123 = arith.constant 0 : i32
      %dma_wait3A_124 = arith.constant 0 : i32
      %dma_wait3A_125 = tpu.memref_slice %arg4[%dma_wait3A_123, %dma_wait3A_124] : memref<10000x128xf32, #tpu.memory_space<hbm>> -> memref<10000x128xf32, #tpu.memory_space<hbm>>
      tpu.wait_indirect_dma semaphore(%arg12 : memref<!tpu.dma_semaphore, #tpu.memory_space<semaphore_mem>>) src(%dma_wait3A_125 : memref<10000x128xf32, #tpu.memory_space<hbm>>) dst(%arg9 : memref<128x128xf32, #tpu.memory_space<vmem>>)
      %dma_start3A_126 = arith.constant 0 : i32
      %dma_start3A_127 = tpu.memref_slice %arg6[%mul3A_110, %dma_start3A_126] : memref<80x128xi32, #tpu.memory_space<vmem>> -> memref<1x128xi32, #tpu.memory_space<vmem>>
      %dma_start3A_128 = tpu.memref_squeeze %dma_start3A_127 : memref<1x128xi32, #tpu.memory_space<vmem>> -> memref<128xi32, #tpu.memory_space<vmem>>
      %dma_start3A_129 = arith.constant 0 : i32
      %dma_start3A_130 = arith.constant 0 : i32
      %dma_start3A_131 = tpu.memref_slice %arg11[%dma_start3A_129, %dma_start3A_130] : memref<10240x128xf32, #tpu.memory_space<vmem_shared>> -> memref<10240x128xf32, #tpu.memory_space<vmem_shared>>
      tpu.enqueue_indirect_dma source(%arg9 : memref<128x128xf32, #tpu.memory_space<vmem>>) target(%dma_start3A_131 : memref<10240x128xf32, #tpu.memory_space<vmem_shared>>) offsets(%dma_start3A_128 : memref<128xi32, #tpu.memory_space<vmem>>) semaphore(%arg14 : memref<!tpu.dma_semaphore, #tpu.memory_space<semaphore_mem>>) {add = true}
      %gt3A = arith.constant 0 : i32
      %gt3A_132 = arith.cmpi sgt, %scan3A_108, %gt3A : i32
      %convert_element_type3A_133 = arith.extui %gt3A_132 : i1 to i32
      %cond3A_134 = arith.constant 0 : i32
      %cond3A_135 = arith.cmpi ne, %convert_element_type3A_133, %cond3A_134 : i32
      scf.if %cond3A_135 {
        %sub3A = arith.constant 1 : i32
        %sub3A_160 = arith.subi %mul3A_110, %sub3A : i32
        %dma_wait3A_161 = arith.constant 0 : i32
        %dma_wait3A_162 = tpu.memref_slice %arg6[%sub3A_160, %dma_wait3A_161] : memref<80x128xi32, #tpu.memory_space<vmem>> -> memref<1x128xi32, #tpu.memory_space<vmem>>
        %dma_wait3A_163 = tpu.memref_squeeze %dma_wait3A_162 : memref<1x128xi32, #tpu.memory_space<vmem>> -> memref<128xi32, #tpu.memory_space<vmem>>
        %dma_wait3A_164 = arith.constant 0 : i32
        %dma_wait3A_165 = arith.constant 0 : i32
        %dma_wait3A_166 = tpu.memref_slice %arg11[%dma_wait3A_164, %dma_wait3A_165] : memref<10240x128xf32, #tpu.memory_space<vmem_shared>> -> memref<10240x128xf32, #tpu.memory_space<vmem_shared>>
        tpu.wait_indirect_dma semaphore(%arg15 : memref<!tpu.dma_semaphore, #tpu.memory_space<semaphore_mem>>) src(%arg10 : memref<128x128xf32, #tpu.memory_space<vmem>>) dst(%dma_wait3A_166 : memref<10240x128xf32, #tpu.memory_space<vmem_shared>>)
      } else {
      }
      %dma_start3A_136 = arith.constant 0 : i32
      %dma_start3A_137 = arith.constant 0 : i32
      %dma_start3A_138 = tpu.memref_slice %arg4[%dma_start3A_136, %dma_start3A_137] : memref<10000x128xf32, #tpu.memory_space<hbm>> -> memref<10000x128xf32, #tpu.memory_space<hbm>>
      tpu.enqueue_indirect_dma source(%dma_start3A_138 : memref<10000x128xf32, #tpu.memory_space<hbm>>) target(%arg10 : memref<128x128xf32, #tpu.memory_space<vmem>>) offsets(%arg8 : memref<128xi32, #tpu.memory_space<vmem>>) semaphore(%arg13 : memref<!tpu.dma_semaphore, #tpu.memory_space<semaphore_mem>>)
      %lt3A_139 = arith.constant 39 : i32
      %lt3A_140 = arith.cmpi slt, %scan3A_108, %lt3A_139 : i32
      %convert_element_type3A_141 = arith.extui %lt3A_140 : i1 to i32
      %cond3A_142 = arith.constant 0 : i32
      %cond3A_143 = arith.cmpi ne, %convert_element_type3A_141, %cond3A_142 : i32
      scf.if %cond3A_143 {
        %add3A_160 = arith.constant 2 : i32
        %add3A_161 = arith.addi %mul3A_110, %add3A_160 : i32
        %lt3A_162 = arith.constant 31 : i32
        %lt3A_163 = arith.cmpi slt, %add3A, %lt3A_162 : i32
        %convert_element_type3A_164 = arith.extui %lt3A_163 : i1 to i32
        %cond3A_165 = arith.constant 0 : i32
        %cond3A_166 = arith.cmpi ne, %convert_element_type3A_164, %cond3A_165 : i32
        scf.if %cond3A_166 {
          %mul3A_172 = arith.constant 80 : i32
          %mul3A_173 = arith.muli %add3A, %mul3A_172 : i32
          %add3A_174 = arith.addi %mul3A_173, %add3A_161 : i32
          %run_scoped3A = arith.constant 0 : i32
          "tpu.region"() ({
            %run_scoped3A_175 = tpu.sem_alloc : memref<!tpu.dma_semaphore, #tpu.memory_space<semaphore_mem>>
            %dma_start3A_176 = arith.constant 0 : i32
            %dma_start3A_177 = tpu.memref_slice %arg2[%run_scoped3A, %add3A_174, %dma_start3A_176] : memref<2x2500x128xi32, #tpu.memory_space<hbm>> -> memref<1x1x128xi32, #tpu.memory_space<hbm>>
            %dma_start3A_178 = tpu.memref_squeeze %dma_start3A_177 : memref<1x1x128xi32, #tpu.memory_space<hbm>> -> memref<128xi32, #tpu.memory_space<hbm>>
            %dma_start3A_179 = arith.constant 0 : i32
            %dma_start3A_180 = tpu.memref_slice %arg2[%run_scoped3A, %add3A_174, %dma_start3A_179] : memref<2x2500x128xi32, #tpu.memory_space<hbm>> -> memref<1x1x128xi32, #tpu.memory_space<hbm>>
            %dma_start3A_181 = tpu.memref_squeeze %dma_start3A_180 : memref<1x1x128xi32, #tpu.memory_space<hbm>> -> memref<128xi32, #tpu.memory_space<hbm>>
            tpu.enqueue_dma source(%dma_start3A_181 : memref<128xi32, #tpu.memory_space<hbm>>) target(%arg7 : memref<128xi32, #tpu.memory_space<vmem>>) target_semaphore(%run_scoped3A_175 : memref<!tpu.dma_semaphore, #tpu.memory_space<semaphore_mem>>)
            %dma_wait3A_182 = arith.constant 0 : i32
            %dma_wait3A_183 = tpu.memref_slice %arg2[%run_scoped3A, %add3A_174, %dma_wait3A_182] : memref<2x2500x128xi32, #tpu.memory_space<hbm>> -> memref<1x1x128xi32, #tpu.memory_space<hbm>>
            %dma_wait3A_184 = tpu.memref_squeeze %dma_wait3A_183 : memref<1x1x128xi32, #tpu.memory_space<hbm>> -> memref<128xi32, #tpu.memory_space<hbm>>
            %dma_wait3A_185 = arith.constant 0 : i32
            %dma_wait3A_186 = tpu.memref_slice %arg2[%run_scoped3A, %add3A_174, %dma_wait3A_185] : memref<2x2500x128xi32, #tpu.memory_space<hbm>> -> memref<1x1x128xi32, #tpu.memory_space<hbm>>
            %dma_wait3A_187 = tpu.memref_squeeze %dma_wait3A_186 : memref<1x1x128xi32, #tpu.memory_space<hbm>> -> memref<128xi32, #tpu.memory_space<hbm>>
            tpu.wait_dma2 semaphore(%run_scoped3A_175 : memref<!tpu.dma_semaphore, #tpu.memory_space<semaphore_mem>>) src(%dma_wait3A_187 : memref<128xi32, #tpu.memory_space<hbm>>) dst(%arg7 : memref<128xi32, #tpu.memory_space<vmem>>)
            tpu.yield
          }) : () -> ()
        } else {
        }
        %eq3A_167 = arith.constant 31 : i32
        %eq3A_168 = arith.cmpi eq, %add3A, %eq3A_167 : i32
        %convert_element_type3A_169 = arith.extui %eq3A_168 : i1 to i32
        %cond3A_170 = arith.constant 0 : i32
        %cond3A_171 = arith.cmpi ne, %convert_element_type3A_169, %cond3A_170 : i32
        scf.if %cond3A_171 {
          %run_scoped3A = arith.constant 0 : i32
          "tpu.region"() ({
            %run_scoped3A_172 = tpu.sem_alloc : memref<!tpu.dma_semaphore, #tpu.memory_space<semaphore_mem>>
            %dma_start3A_173 = arith.constant 0 : i32
            %dma_start3A_174 = tpu.memref_slice %arg3[%run_scoped3A, %add3A_161, %dma_start3A_173] : memref<2x80x128xi32, #tpu.memory_space<hbm>> -> memref<1x1x128xi32, #tpu.memory_space<hbm>>
            %dma_start3A_175 = tpu.memref_squeeze %dma_start3A_174 : memref<1x1x128xi32, #tpu.memory_space<hbm>> -> memref<128xi32, #tpu.memory_space<hbm>>
            %dma_start3A_176 = arith.constant 0 : i32
            %dma_start3A_177 = tpu.memref_slice %arg3[%run_scoped3A, %add3A_161, %dma_start3A_176] : memref<2x80x128xi32, #tpu.memory_space<hbm>> -> memref<1x1x128xi32, #tpu.memory_space<hbm>>
            %dma_start3A_178 = tpu.memref_squeeze %dma_start3A_177 : memref<1x1x128xi32, #tpu.memory_space<hbm>> -> memref<128xi32, #tpu.memory_space<hbm>>
            tpu.enqueue_dma source(%dma_start3A_178 : memref<128xi32, #tpu.memory_space<hbm>>) target(%arg7 : memref<128xi32, #tpu.memory_space<vmem>>) target_semaphore(%run_scoped3A_172 : memref<!tpu.dma_semaphore, #tpu.memory_space<semaphore_mem>>)
            %dma_wait3A_179 = arith.constant 0 : i32
            %dma_wait3A_180 = tpu.memref_slice %arg3[%run_scoped3A, %add3A_161, %dma_wait3A_179] : memref<2x80x128xi32, #tpu.memory_space<hbm>> -> memref<1x1x128xi32, #tpu.memory_space<hbm>>
            %dma_wait3A_181 = tpu.memref_squeeze %dma_wait3A_180 : memref<1x1x128xi32, #tpu.memory_space<hbm>> -> memref<128xi32, #tpu.memory_space<hbm>>
            %dma_wait3A_182 = arith.constant 0 : i32
            %dma_wait3A_183 = tpu.memref_slice %arg3[%run_scoped3A, %add3A_161, %dma_wait3A_182] : memref<2x80x128xi32, #tpu.memory_space<hbm>> -> memref<1x1x128xi32, #tpu.memory_space<hbm>>
            %dma_wait3A_184 = tpu.memref_squeeze %dma_wait3A_183 : memref<1x1x128xi32, #tpu.memory_space<hbm>> -> memref<128xi32, #tpu.memory_space<hbm>>
            tpu.wait_dma2 semaphore(%run_scoped3A_172 : memref<!tpu.dma_semaphore, #tpu.memory_space<semaphore_mem>>) src(%dma_wait3A_184 : memref<128xi32, #tpu.memory_space<hbm>>) dst(%arg7 : memref<128xi32, #tpu.memory_space<vmem>>)
            tpu.yield
          }) : () -> ()
        } else {
        }
      } else {
      }
      %dma_wait3A_144 = arith.constant 0 : i32
      %dma_wait3A_145 = arith.constant 0 : i32
      %dma_wait3A_146 = tpu.memref_slice %arg4[%dma_wait3A_144, %dma_wait3A_145] : memref<10000x128xf32, #tpu.memory_space<hbm>> -> memref<10000x128xf32, #tpu.memory_space<hbm>>
      tpu.wait_indirect_dma semaphore(%arg13 : memref<!tpu.dma_semaphore, #tpu.memory_space<semaphore_mem>>) src(%dma_wait3A_146 : memref<10000x128xf32, #tpu.memory_space<hbm>>) dst(%arg10 : memref<128x128xf32, #tpu.memory_space<vmem>>)
      %add3A_147 = arith.constant 1 : i32
      %add3A_148 = arith.addi %mul3A_110, %add3A_147 : i32
      %dma_start3A_149 = arith.constant 0 : i32
      %dma_start3A_150 = tpu.memref_slice %arg6[%add3A_148, %dma_start3A_149] : memref<80x128xi32, #tpu.memory_space<vmem>> -> memref<1x128xi32, #tpu.memory_space<vmem>>
      %dma_start3A_151 = tpu.memref_squeeze %dma_start3A_150 : memref<1x128xi32, #tpu.memory_space<vmem>> -> memref<128xi32, #tpu.memory_space<vmem>>
      %dma_start3A_152 = arith.constant 0 : i32
      %dma_start3A_153 = arith.constant 0 : i32
      %dma_start3A_154 = tpu.memref_slice %arg11[%dma_start3A_152, %dma_start3A_153] : memref<10240x128xf32, #tpu.memory_space<vmem_shared>> -> memref<10240x128xf32, #tpu.memory_space<vmem_shared>>
      tpu.enqueue_indirect_dma source(%arg10 : memref<128x128xf32, #tpu.memory_space<vmem>>) target(%dma_start3A_154 : memref<10240x128xf32, #tpu.memory_space<vmem_shared>>) offsets(%dma_start3A_151 : memref<128xi32, #tpu.memory_space<vmem>>) semaphore(%arg15 : memref<!tpu.dma_semaphore, #tpu.memory_space<semaphore_mem>>) {add = true}
      %lt3A_155 = arith.constant 39 : i32
      %lt3A_156 = arith.cmpi slt, %scan3A_108, %lt3A_155 : i32
      %convert_element_type3A_157 = arith.extui %lt3A_156 : i1 to i32
      %cond3A_158 = arith.constant 0 : i32
      %cond3A_159 = arith.cmpi ne, %convert_element_type3A_157, %cond3A_158 : i32
      scf.if %cond3A_159 {
        %dma_wait3A_160 = arith.constant 0 : i32
        %dma_wait3A_161 = tpu.memref_slice %arg6[%mul3A_110, %dma_wait3A_160] : memref<80x128xi32, #tpu.memory_space<vmem>> -> memref<1x128xi32, #tpu.memory_space<vmem>>
        %dma_wait3A_162 = tpu.memref_squeeze %dma_wait3A_161 : memref<1x128xi32, #tpu.memory_space<vmem>> -> memref<128xi32, #tpu.memory_space<vmem>>
        %dma_wait3A_163 = arith.constant 0 : i32
        %dma_wait3A_164 = arith.constant 0 : i32
        %dma_wait3A_165 = tpu.memref_slice %arg11[%dma_wait3A_163, %dma_wait3A_164] : memref<10240x128xf32, #tpu.memory_space<vmem_shared>> -> memref<10240x128xf32, #tpu.memory_space<vmem_shared>>
        tpu.wait_indirect_dma semaphore(%arg14 : memref<!tpu.dma_semaphore, #tpu.memory_space<semaphore_mem>>) src(%arg9 : memref<128x128xf32, #tpu.memory_space<vmem>>) dst(%dma_wait3A_165 : memref<10240x128xf32, #tpu.memory_space<vmem_shared>>)
        %dma_start3A_166 = arith.constant 0 : i32
        %dma_start3A_167 = arith.constant 0 : i32
        %dma_start3A_168 = tpu.memref_slice %arg4[%dma_start3A_166, %dma_start3A_167] : memref<10000x128xf32, #tpu.memory_space<hbm>> -> memref<10000x128xf32, #tpu.memory_space<hbm>>
        tpu.enqueue_indirect_dma source(%dma_start3A_168 : memref<10000x128xf32, #tpu.memory_space<hbm>>) target(%arg9 : memref<128x128xf32, #tpu.memory_space<vmem>>) offsets(%arg7 : memref<128xi32, #tpu.memory_space<vmem>>) semaphore(%arg12 : memref<!tpu.dma_semaphore, #tpu.memory_space<semaphore_mem>>)
      } else {
      }
    }
    %scan3A_88 = arith.constant 40 : i32
    %dma_wait3A_89 = arith.constant 78 : i32
    %dma_wait3A_90 = arith.constant 0 : i32
    %dma_wait3A_91 = tpu.memref_slice %arg6[%dma_wait3A_89, %dma_wait3A_90] : memref<80x128xi32, #tpu.memory_space<vmem>> -> memref<1x128xi32, #tpu.memory_space<vmem>>
    %dma_wait3A_92 = tpu.memref_squeeze %dma_wait3A_91 : memref<1x128xi32, #tpu.memory_space<vmem>> -> memref<128xi32, #tpu.memory_space<vmem>>
    %dma_wait3A_93 = arith.constant 0 : i32
    %dma_wait3A_94 = arith.constant 0 : i32
    %dma_wait3A_95 = tpu.memref_slice %arg11[%dma_wait3A_93, %dma_wait3A_94] : memref<10240x128xf32, #tpu.memory_space<vmem_shared>> -> memref<10240x128xf32, #tpu.memory_space<vmem_shared>>
    tpu.wait_indirect_dma semaphore(%arg14 : memref<!tpu.dma_semaphore, #tpu.memory_space<semaphore_mem>>) src(%arg9 : memref<128x128xf32, #tpu.memory_space<vmem>>) dst(%dma_wait3A_95 : memref<10240x128xf32, #tpu.memory_space<vmem_shared>>)
    %dma_wait3A_96 = arith.constant 79 : i32
    %dma_wait3A_97 = arith.constant 0 : i32
    %dma_wait3A_98 = tpu.memref_slice %arg6[%dma_wait3A_96, %dma_wait3A_97] : memref<80x128xi32, #tpu.memory_space<vmem>> -> memref<1x128xi32, #tpu.memory_space<vmem>>
    %dma_wait3A_99 = tpu.memref_squeeze %dma_wait3A_98 : memref<1x128xi32, #tpu.memory_space<vmem>> -> memref<128xi32, #tpu.memory_space<vmem>>
    %dma_wait3A_100 = arith.constant 0 : i32
    %dma_wait3A_101 = arith.constant 0 : i32
    %dma_wait3A_102 = tpu.memref_slice %arg11[%dma_wait3A_100, %dma_wait3A_101] : memref<10240x128xf32, #tpu.memory_space<vmem_shared>> -> memref<10240x128xf32, #tpu.memory_space<vmem_shared>>
    tpu.wait_indirect_dma semaphore(%arg15 : memref<!tpu.dma_semaphore, #tpu.memory_space<semaphore_mem>>) src(%arg10 : memref<128x128xf32, #tpu.memory_space<vmem>>) dst(%dma_wait3A_102 : memref<10240x128xf32, #tpu.memory_space<vmem_shared>>)
    %barrier3A_103 = arith.constant 0 : index
    tpu.barrier barrier_id(%barrier3A_103)
    %mul3A_104 = arith.constant 640 : i32
    %mul3A_105 = arith.muli %arg1, %mul3A_104 : i32
    %mul3A_106 = arith.constant 640 : i32
    %mul3A_107 = arith.muli %arg1, %mul3A_106 : i32
    "tpu.region"() ({
      %run_scoped3A = tpu.sem_alloc : memref<!tpu.dma_semaphore, #tpu.memory_space<semaphore_mem>>
      %dma_start3A_108 = arith.constant 0 : i32
      %dma_start3A_109 = tpu.memref_slice %arg5[%arg0, %mul3A_107, %dma_start3A_108] : memref<2x10240x128xf32, #tpu.memory_space<hbm>> -> memref<1x640x128xf32, #tpu.memory_space<hbm>>
      %dma_start3A_110 = tpu.memref_squeeze %dma_start3A_109 : memref<1x640x128xf32, #tpu.memory_space<hbm>> -> memref<640x128xf32, #tpu.memory_space<hbm>>
      %dma_start3A_111 = arith.constant 0 : i32
      %dma_start3A_112 = tpu.memref_slice %arg11[%mul3A_105, %dma_start3A_111] : memref<10240x128xf32, #tpu.memory_space<vmem_shared>> -> memref<640x128xf32, #tpu.memory_space<vmem_shared>>
      tpu.enqueue_dma source(%dma_start3A_112 : memref<640x128xf32, #tpu.memory_space<vmem_shared>>) target(%dma_start3A_110 : memref<640x128xf32, #tpu.memory_space<hbm>>) target_semaphore(%run_scoped3A : memref<!tpu.dma_semaphore, #tpu.memory_space<semaphore_mem>>)
      %dma_wait3A_113 = arith.constant 0 : i32
      %dma_wait3A_114 = tpu.memref_slice %arg5[%arg0, %mul3A_107, %dma_wait3A_113] : memref<2x10240x128xf32, #tpu.memory_space<hbm>> -> memref<1x640x128xf32, #tpu.memory_space<hbm>>
      %dma_wait3A_115 = tpu.memref_squeeze %dma_wait3A_114 : memref<1x640x128xf32, #tpu.memory_space<hbm>> -> memref<640x128xf32, #tpu.memory_space<hbm>>
      %dma_wait3A_116 = arith.constant 0 : i32
      %dma_wait3A_117 = tpu.memref_slice %arg11[%mul3A_105, %dma_wait3A_116] : memref<10240x128xf32, #tpu.memory_space<vmem_shared>> -> memref<640x128xf32, #tpu.memory_space<vmem_shared>>
      tpu.wait_dma2 semaphore(%run_scoped3A : memref<!tpu.dma_semaphore, #tpu.memory_space<semaphore_mem>>) src(%dma_wait3A_117 : memref<640x128xf32, #tpu.memory_space<vmem_shared>>) dst(%dma_wait3A_115 : memref<640x128xf32, #tpu.memory_space<hbm>>)
      tpu.yield
    }) : () -> ()
    return
  }
}

#map = affine_map<(d0, d1) -> (0, 0, 0)>
#map1 = affine_map<(d0, d1) -> (0, 0)>
module attributes {stable_mosaic.version = 14 : i64} {
  func.func @_hist(%arg0: i32, %arg1: i32, %arg2: memref<2x2500x128xi32, #tpu.memory_space<hbm>>, %arg3: memref<2x80x128xi32, #tpu.memory_space<hbm>>, %arg4: memref<2x10240xf32, #tpu.memory_space<hbm>>, %arg5: memref<80x128xi32, #tpu.memory_space<vmem>>, %arg6: memref<128xf32, #tpu.memory_space<vmem>>, %arg7: memref<640xf32, #tpu.memory_space<vmem>>, %arg8: memref<10240xf32, #tpu.memory_space<vmem_shared>>, %arg9: memref<!tpu.dma_semaphore, #tpu.memory_space<semaphore_mem>>) attributes {dimension_semantics = [#tpu.dimension_semantics<core_parallel>, #tpu.dimension_semantics<subcore_parallel>], iteration_bounds = array<i64: 2, 16>, scalar_prefetch = 0 : i64, scratch_operands = 5 : i64, tpu.core_type = #tpu.core_type<sc_vector_subcore>, window_params = [{transform_indices = #map}, {transform_indices = #map}, {transform_indices = #map1}]} {
    %mul3A = arith.constant 16 : i32
    %mul3A_0 = arith.muli %arg0, %mul3A : i32
    %add3A = arith.addi %mul3A_0, %arg1 : i32
    %lt3A = arith.constant 31 : i32
    %lt3A_1 = arith.cmpi slt, %add3A, %lt3A : i32
    %convert_element_type3A = arith.extui %lt3A_1 : i1 to i32
    %cond3A = arith.constant 0 : i32
    %cond3A_2 = arith.cmpi ne, %convert_element_type3A, %cond3A : i32
    scf.if %cond3A_2 {
      %mul3A_1258 = arith.constant 80 : i32
      %mul3A_1259 = arith.muli %add3A, %mul3A_1258 : i32
      %run_scoped3A = arith.constant 1 : i32
      "tpu.region"() ({
        %run_scoped3A_1260 = tpu.sem_alloc : memref<!tpu.dma_semaphore, #tpu.memory_space<semaphore_mem>>
        %dma_start3A_1261 = arith.constant 0 : i32
        %dma_start3A_1262 = tpu.memref_slice %arg2[%run_scoped3A, %mul3A_1259, %dma_start3A_1261] : memref<2x2500x128xi32, #tpu.memory_space<hbm>> -> memref<1x80x128xi32, #tpu.memory_space<hbm>>
        %dma_start3A_1263 = tpu.memref_squeeze %dma_start3A_1262 : memref<1x80x128xi32, #tpu.memory_space<hbm>> -> memref<80x128xi32, #tpu.memory_space<hbm>>
        %dma_start3A_1264 = arith.constant 0 : i32
        %dma_start3A_1265 = tpu.memref_slice %arg2[%run_scoped3A, %mul3A_1259, %dma_start3A_1264] : memref<2x2500x128xi32, #tpu.memory_space<hbm>> -> memref<1x80x128xi32, #tpu.memory_space<hbm>>
        %dma_start3A_1266 = tpu.memref_squeeze %dma_start3A_1265 : memref<1x80x128xi32, #tpu.memory_space<hbm>> -> memref<80x128xi32, #tpu.memory_space<hbm>>
        tpu.enqueue_dma source(%dma_start3A_1266 : memref<80x128xi32, #tpu.memory_space<hbm>>) target(%arg5 : memref<80x128xi32, #tpu.memory_space<vmem>>) target_semaphore(%run_scoped3A_1260 : memref<!tpu.dma_semaphore, #tpu.memory_space<semaphore_mem>>)
        %dma_wait3A_1267 = arith.constant 0 : i32
        %dma_wait3A_1268 = tpu.memref_slice %arg2[%run_scoped3A, %mul3A_1259, %dma_wait3A_1267] : memref<2x2500x128xi32, #tpu.memory_space<hbm>> -> memref<1x80x128xi32, #tpu.memory_space<hbm>>
        %dma_wait3A_1269 = tpu.memref_squeeze %dma_wait3A_1268 : memref<1x80x128xi32, #tpu.memory_space<hbm>> -> memref<80x128xi32, #tpu.memory_space<hbm>>
        %dma_wait3A_1270 = arith.constant 0 : i32
        %dma_wait3A_1271 = tpu.memref_slice %arg2[%run_scoped3A, %mul3A_1259, %dma_wait3A_1270] : memref<2x2500x128xi32, #tpu.memory_space<hbm>> -> memref<1x80x128xi32, #tpu.memory_space<hbm>>
        %dma_wait3A_1272 = tpu.memref_squeeze %dma_wait3A_1271 : memref<1x80x128xi32, #tpu.memory_space<hbm>> -> memref<80x128xi32, #tpu.memory_space<hbm>>
        tpu.wait_dma2 semaphore(%run_scoped3A_1260 : memref<!tpu.dma_semaphore, #tpu.memory_space<semaphore_mem>>) src(%dma_wait3A_1272 : memref<80x128xi32, #tpu.memory_space<hbm>>) dst(%arg5 : memref<80x128xi32, #tpu.memory_space<vmem>>)
        tpu.yield
      }) : () -> ()
    } else {
    }
    %eq3A = arith.constant 31 : i32
    %eq3A_3 = arith.cmpi eq, %add3A, %eq3A : i32
    %convert_element_type3A_4 = arith.extui %eq3A_3 : i1 to i32
    %cond3A_5 = arith.constant 0 : i32
    %cond3A_6 = arith.cmpi ne, %convert_element_type3A_4, %cond3A_5 : i32
    scf.if %cond3A_6 {
      %run_scoped3A = arith.constant 1 : i32
      "tpu.region"() ({
        %run_scoped3A_1258 = tpu.sem_alloc : memref<!tpu.dma_semaphore, #tpu.memory_space<semaphore_mem>>
        %dma_start3A_1259 = arith.constant 0 : i32
        %dma_start3A_1260 = arith.constant 0 : i32
        %dma_start3A_1261 = tpu.memref_slice %arg3[%run_scoped3A, %dma_start3A_1259, %dma_start3A_1260] : memref<2x80x128xi32, #tpu.memory_space<hbm>> -> memref<1x80x128xi32, #tpu.memory_space<hbm>>
        %dma_start3A_1262 = tpu.memref_squeeze %dma_start3A_1261 : memref<1x80x128xi32, #tpu.memory_space<hbm>> -> memref<80x128xi32, #tpu.memory_space<hbm>>
        %dma_start3A_1263 = arith.constant 0 : i32
        %dma_start3A_1264 = arith.constant 0 : i32
        %dma_start3A_1265 = tpu.memref_slice %arg3[%run_scoped3A, %dma_start3A_1263, %dma_start3A_1264] : memref<2x80x128xi32, #tpu.memory_space<hbm>> -> memref<1x80x128xi32, #tpu.memory_space<hbm>>
        %dma_start3A_1266 = tpu.memref_squeeze %dma_start3A_1265 : memref<1x80x128xi32, #tpu.memory_space<hbm>> -> memref<80x128xi32, #tpu.memory_space<hbm>>
        tpu.enqueue_dma source(%dma_start3A_1266 : memref<80x128xi32, #tpu.memory_space<hbm>>) target(%arg5 : memref<80x128xi32, #tpu.memory_space<vmem>>) target_semaphore(%run_scoped3A_1258 : memref<!tpu.dma_semaphore, #tpu.memory_space<semaphore_mem>>)
        %dma_wait3A_1267 = arith.constant 0 : i32
        %dma_wait3A_1268 = arith.constant 0 : i32
        %dma_wait3A_1269 = tpu.memref_slice %arg3[%run_scoped3A, %dma_wait3A_1267, %dma_wait3A_1268] : memref<2x80x128xi32, #tpu.memory_space<hbm>> -> memref<1x80x128xi32, #tpu.memory_space<hbm>>
        %dma_wait3A_1270 = tpu.memref_squeeze %dma_wait3A_1269 : memref<1x80x128xi32, #tpu.memory_space<hbm>> -> memref<80x128xi32, #tpu.memory_space<hbm>>
        %dma_wait3A_1271 = arith.constant 0 : i32
        %dma_wait3A_1272 = arith.constant 0 : i32
        %dma_wait3A_1273 = tpu.memref_slice %arg3[%run_scoped3A, %dma_wait3A_1271, %dma_wait3A_1272] : memref<2x80x128xi32, #tpu.memory_space<hbm>> -> memref<1x80x128xi32, #tpu.memory_space<hbm>>
        %dma_wait3A_1274 = tpu.memref_squeeze %dma_wait3A_1273 : memref<1x80x128xi32, #tpu.memory_space<hbm>> -> memref<80x128xi32, #tpu.memory_space<hbm>>
        tpu.wait_dma2 semaphore(%run_scoped3A_1258 : memref<!tpu.dma_semaphore, #tpu.memory_space<semaphore_mem>>) src(%dma_wait3A_1274 : memref<80x128xi32, #tpu.memory_space<hbm>>) dst(%arg5 : memref<80x128xi32, #tpu.memory_space<vmem>>)
        tpu.yield
      }) : () -> ()
    } else {
    }
    %broadcast_in_dim3A = arith.constant 1.000000e+00 : f32
    %broadcast_in_dim3A_7 = vector.broadcast %broadcast_in_dim3A : f32 to vector<16xf32>
    %swap3A = arith.constant 0 : index
    %swap3A_8 = tpu.vector_load %arg6[%swap3A] {strides = array<i32>} : memref<128xf32, #tpu.memory_space<vmem>>, vector<16xf32>,
    %swap3A_9 = vector.shape_cast %swap3A_8 : vector<16xf32> to vector<16xf32>
    %swap3A_10 = vector.shape_cast %broadcast_in_dim3A_7 : vector<16xf32> to vector<16xf32>
    tpu.vector_store %arg6[%swap3A], %swap3A_10 {strides = array<i32>} : memref<128xf32, #tpu.memory_space<vmem>>, vector<16xf32>,
    %broadcast_in_dim3A_11 = arith.constant 1.000000e+00 : f32
    %broadcast_in_dim3A_12 = vector.broadcast %broadcast_in_dim3A_11 : f32 to vector<16xf32>
    %swap3A_13 = arith.constant 16 : index
    %swap3A_14 = tpu.vector_load %arg6[%swap3A_13] {strides = array<i32>} : memref<128xf32, #tpu.memory_space<vmem>>, vector<16xf32>,
    %swap3A_15 = vector.shape_cast %swap3A_14 : vector<16xf32> to vector<16xf32>
    %swap3A_16 = vector.shape_cast %broadcast_in_dim3A_12 : vector<16xf32> to vector<16xf32>
    tpu.vector_store %arg6[%swap3A_13], %swap3A_16 {strides = array<i32>} : memref<128xf32, #tpu.memory_space<vmem>>, vector<16xf32>,
    %broadcast_in_dim3A_17 = arith.constant 1.000000e+00 : f32
    %broadcast_in_dim3A_18 = vector.broadcast %broadcast_in_dim3A_17 : f32 to vector<16xf32>
    %swap3A_19 = arith.constant 32 : index
    %swap3A_20 = tpu.vector_load %arg6[%swap3A_19] {strides = array<i32>} : memref<128xf32, #tpu.memory_space<vmem>>, vector<16xf32>,
    %swap3A_21 = vector.shape_cast %swap3A_20 : vector<16xf32> to vector<16xf32>
    %swap3A_22 = vector.shape_cast %broadcast_in_dim3A_18 : vector<16xf32> to vector<16xf32>
    tpu.vector_store %arg6[%swap3A_19], %swap3A_22 {strides = array<i32>} : memref<128xf32, #tpu.memory_space<vmem>>, vector<16xf32>,
    %broadcast_in_dim3A_23 = arith.constant 1.000000e+00 : f32
    %broadcast_in_dim3A_24 = vector.broadcast %broadcast_in_dim3A_23 : f32 to vector<16xf32>
    %swap3A_25 = arith.constant 48 : index
    %swap3A_26 = tpu.vector_load %arg6[%swap3A_25] {strides = array<i32>} : memref<128xf32, #tpu.memory_space<vmem>>, vector<16xf32>,
    %swap3A_27 = vector.shape_cast %swap3A_26 : vector<16xf32> to vector<16xf32>
    %swap3A_28 = vector.shape_cast %broadcast_in_dim3A_24 : vector<16xf32> to vector<16xf32>
    tpu.vector_store %arg6[%swap3A_25], %swap3A_28 {strides = array<i32>} : memref<128xf32, #tpu.memory_space<vmem>>, vector<16xf32>,
    %broadcast_in_dim3A_29 = arith.constant 1.000000e+00 : f32
    %broadcast_in_dim3A_30 = vector.broadcast %broadcast_in_dim3A_29 : f32 to vector<16xf32>
    %swap3A_31 = arith.constant 64 : index
    %swap3A_32 = tpu.vector_load %arg6[%swap3A_31] {strides = array<i32>} : memref<128xf32, #tpu.memory_space<vmem>>, vector<16xf32>,
    %swap3A_33 = vector.shape_cast %swap3A_32 : vector<16xf32> to vector<16xf32>
    %swap3A_34 = vector.shape_cast %broadcast_in_dim3A_30 : vector<16xf32> to vector<16xf32>
    tpu.vector_store %arg6[%swap3A_31], %swap3A_34 {strides = array<i32>} : memref<128xf32, #tpu.memory_space<vmem>>, vector<16xf32>,
    %broadcast_in_dim3A_35 = arith.constant 1.000000e+00 : f32
    %broadcast_in_dim3A_36 = vector.broadcast %broadcast_in_dim3A_35 : f32 to vector<16xf32>
    %swap3A_37 = arith.constant 80 : index
    %swap3A_38 = tpu.vector_load %arg6[%swap3A_37] {strides = array<i32>} : memref<128xf32, #tpu.memory_space<vmem>>, vector<16xf32>,
    %swap3A_39 = vector.shape_cast %swap3A_38 : vector<16xf32> to vector<16xf32>
    %swap3A_40 = vector.shape_cast %broadcast_in_dim3A_36 : vector<16xf32> to vector<16xf32>
    tpu.vector_store %arg6[%swap3A_37], %swap3A_40 {strides = array<i32>} : memref<128xf32, #tpu.memory_space<vmem>>, vector<16xf32>,
    %broadcast_in_dim3A_41 = arith.constant 1.000000e+00 : f32
    %broadcast_in_dim3A_42 = vector.broadcast %broadcast_in_dim3A_41 : f32 to vector<16xf32>
    %swap3A_43 = arith.constant 96 : index
    %swap3A_44 = tpu.vector_load %arg6[%swap3A_43] {strides = array<i32>} : memref<128xf32, #tpu.memory_space<vmem>>, vector<16xf32>,
    %swap3A_45 = vector.shape_cast %swap3A_44 : vector<16xf32> to vector<16xf32>
    %swap3A_46 = vector.shape_cast %broadcast_in_dim3A_42 : vector<16xf32> to vector<16xf32>
    tpu.vector_store %arg6[%swap3A_43], %swap3A_46 {strides = array<i32>} : memref<128xf32, #tpu.memory_space<vmem>>, vector<16xf32>,
    %broadcast_in_dim3A_47 = arith.constant 1.000000e+00 : f32
    %broadcast_in_dim3A_48 = vector.broadcast %broadcast_in_dim3A_47 : f32 to vector<16xf32>
    %swap3A_49 = arith.constant 112 : index
    %swap3A_50 = tpu.vector_load %arg6[%swap3A_49] {strides = array<i32>} : memref<128xf32, #tpu.memory_space<vmem>>, vector<16xf32>,
    %swap3A_51 = vector.shape_cast %swap3A_50 : vector<16xf32> to vector<16xf32>
    %swap3A_52 = vector.shape_cast %broadcast_in_dim3A_48 : vector<16xf32> to vector<16xf32>
    tpu.vector_store %arg6[%swap3A_49], %swap3A_52 {strides = array<i32>} : memref<128xf32, #tpu.memory_space<vmem>>, vector<16xf32>,
    %broadcast_in_dim3A_53 = arith.constant 0.000000e+00 : f32
    %broadcast_in_dim3A_54 = vector.broadcast %broadcast_in_dim3A_53 : f32 to vector<16xf32>
    %swap3A_55 = arith.constant 0 : index
    %swap3A_56 = tpu.vector_load %arg7[%swap3A_55] {strides = array<i32>} : memref<640xf32, #tpu.memory_space<vmem>>, vector<16xf32>,
    %swap3A_57 = vector.shape_cast %swap3A_56 : vector<16xf32> to vector<16xf32>
    %swap3A_58 = vector.shape_cast %broadcast_in_dim3A_54 : vector<16xf32> to vector<16xf32>
    tpu.vector_store %arg7[%swap3A_55], %swap3A_58 {strides = array<i32>} : memref<640xf32, #tpu.memory_space<vmem>>, vector<16xf32>,
    %broadcast_in_dim3A_59 = arith.constant 0.000000e+00 : f32
    %broadcast_in_dim3A_60 = vector.broadcast %broadcast_in_dim3A_59 : f32 to vector<16xf32>
    %swap3A_61 = arith.constant 16 : index
    %swap3A_62 = tpu.vector_load %arg7[%swap3A_61] {strides = array<i32>} : memref<640xf32, #tpu.memory_space<vmem>>, vector<16xf32>,
    %swap3A_63 = vector.shape_cast %swap3A_62 : vector<16xf32> to vector<16xf32>
    %swap3A_64 = vector.shape_cast %broadcast_in_dim3A_60 : vector<16xf32> to vector<16xf32>
    tpu.vector_store %arg7[%swap3A_61], %swap3A_64 {strides = array<i32>} : memref<640xf32, #tpu.memory_space<vmem>>, vector<16xf32>,
    %broadcast_in_dim3A_65 = arith.constant 0.000000e+00 : f32
    %broadcast_in_dim3A_66 = vector.broadcast %broadcast_in_dim3A_65 : f32 to vector<16xf32>
    %swap3A_67 = arith.constant 32 : index
    %swap3A_68 = tpu.vector_load %arg7[%swap3A_67] {strides = array<i32>} : memref<640xf32, #tpu.memory_space<vmem>>, vector<16xf32>,
    %swap3A_69 = vector.shape_cast %swap3A_68 : vector<16xf32> to vector<16xf32>
    %swap3A_70 = vector.shape_cast %broadcast_in_dim3A_66 : vector<16xf32> to vector<16xf32>
    tpu.vector_store %arg7[%swap3A_67], %swap3A_70 {strides = array<i32>} : memref<640xf32, #tpu.memory_space<vmem>>, vector<16xf32>,
    %broadcast_in_dim3A_71 = arith.constant 0.000000e+00 : f32
    %broadcast_in_dim3A_72 = vector.broadcast %broadcast_in_dim3A_71 : f32 to vector<16xf32>
    %swap3A_73 = arith.constant 48 : index
    %swap3A_74 = tpu.vector_load %arg7[%swap3A_73] {strides = array<i32>} : memref<640xf32, #tpu.memory_space<vmem>>, vector<16xf32>,
    %swap3A_75 = vector.shape_cast %swap3A_74 : vector<16xf32> to vector<16xf32>
    %swap3A_76 = vector.shape_cast %broadcast_in_dim3A_72 : vector<16xf32> to vector<16xf32>
    tpu.vector_store %arg7[%swap3A_73], %swap3A_76 {strides = array<i32>} : memref<640xf32, #tpu.memory_space<vmem>>, vector<16xf32>,
    %broadcast_in_dim3A_77 = arith.constant 0.000000e+00 : f32
    %broadcast_in_dim3A_78 = vector.broadcast %broadcast_in_dim3A_77 : f32 to vector<16xf32>
    %swap3A_79 = arith.constant 64 : index
    %swap3A_80 = tpu.vector_load %arg7[%swap3A_79] {strides = array<i32>} : memref<640xf32, #tpu.memory_space<vmem>>, vector<16xf32>,
    %swap3A_81 = vector.shape_cast %swap3A_80 : vector<16xf32> to vector<16xf32>
    %swap3A_82 = vector.shape_cast %broadcast_in_dim3A_78 : vector<16xf32> to vector<16xf32>
    tpu.vector_store %arg7[%swap3A_79], %swap3A_82 {strides = array<i32>} : memref<640xf32, #tpu.memory_space<vmem>>, vector<16xf32>,
    %broadcast_in_dim3A_83 = arith.constant 0.000000e+00 : f32
    %broadcast_in_dim3A_84 = vector.broadcast %broadcast_in_dim3A_83 : f32 to vector<16xf32>
    %swap3A_85 = arith.constant 80 : index
    %swap3A_86 = tpu.vector_load %arg7[%swap3A_85] {strides = array<i32>} : memref<640xf32, #tpu.memory_space<vmem>>, vector<16xf32>,
    %swap3A_87 = vector.shape_cast %swap3A_86 : vector<16xf32> to vector<16xf32>
    %swap3A_88 = vector.shape_cast %broadcast_in_dim3A_84 : vector<16xf32> to vector<16xf32>
    tpu.vector_store %arg7[%swap3A_85], %swap3A_88 {strides = array<i32>} : memref<640xf32, #tpu.memory_space<vmem>>, vector<16xf32>,
    %broadcast_in_dim3A_89 = arith.constant 0.000000e+00 : f32
    %broadcast_in_dim3A_90 = vector.broadcast %broadcast_in_dim3A_89 : f32 to vector<16xf32>
    %swap3A_91 = arith.constant 96 : index
    %swap3A_92 = tpu.vector_load %arg7[%swap3A_91] {strides = array<i32>} : memref<640xf32, #tpu.memory_space<vmem>>, vector<16xf32>,
    %swap3A_93 = vector.shape_cast %swap3A_92 : vector<16xf32> to vector<16xf32>
    %swap3A_94 = vector.shape_cast %broadcast_in_dim3A_90 : vector<16xf32> to vector<16xf32>
    tpu.vector_store %arg7[%swap3A_91], %swap3A_94 {strides = array<i32>} : memref<640xf32, #tpu.memory_space<vmem>>, vector<16xf32>,
    %broadcast_in_dim3A_95 = arith.constant 0.000000e+00 : f32
    %broadcast_in_dim3A_96 = vector.broadcast %broadcast_in_dim3A_95 : f32 to vector<16xf32>
    %swap3A_97 = arith.constant 112 : index
    %swap3A_98 = tpu.vector_load %arg7[%swap3A_97] {strides = array<i32>} : memref<640xf32, #tpu.memory_space<vmem>>, vector<16xf32>,
    %swap3A_99 = vector.shape_cast %swap3A_98 : vector<16xf32> to vector<16xf32>
    %swap3A_100 = vector.shape_cast %broadcast_in_dim3A_96 : vector<16xf32> to vector<16xf32>
    tpu.vector_store %arg7[%swap3A_97], %swap3A_100 {strides = array<i32>} : memref<640xf32, #tpu.memory_space<vmem>>, vector<16xf32>,
    %broadcast_in_dim3A_101 = arith.constant 0.000000e+00 : f32
    %broadcast_in_dim3A_102 = vector.broadcast %broadcast_in_dim3A_101 : f32 to vector<16xf32>
    %swap3A_103 = arith.constant 128 : index
    %swap3A_104 = tpu.vector_load %arg7[%swap3A_103] {strides = array<i32>} : memref<640xf32, #tpu.memory_space<vmem>>, vector<16xf32>,
    %swap3A_105 = vector.shape_cast %swap3A_104 : vector<16xf32> to vector<16xf32>
    %swap3A_106 = vector.shape_cast %broadcast_in_dim3A_102 : vector<16xf32> to vector<16xf32>
    tpu.vector_store %arg7[%swap3A_103], %swap3A_106 {strides = array<i32>} : memref<640xf32, #tpu.memory_space<vmem>>, vector<16xf32>,
    %broadcast_in_dim3A_107 = arith.constant 0.000000e+00 : f32
    %broadcast_in_dim3A_108 = vector.broadcast %broadcast_in_dim3A_107 : f32 to vector<16xf32>
    %swap3A_109 = arith.constant 144 : index
    %swap3A_110 = tpu.vector_load %arg7[%swap3A_109] {strides = array<i32>} : memref<640xf32, #tpu.memory_space<vmem>>, vector<16xf32>,
    %swap3A_111 = vector.shape_cast %swap3A_110 : vector<16xf32> to vector<16xf32>
    %swap3A_112 = vector.shape_cast %broadcast_in_dim3A_108 : vector<16xf32> to vector<16xf32>
    tpu.vector_store %arg7[%swap3A_109], %swap3A_112 {strides = array<i32>} : memref<640xf32, #tpu.memory_space<vmem>>, vector<16xf32>,
    %broadcast_in_dim3A_113 = arith.constant 0.000000e+00 : f32
    %broadcast_in_dim3A_114 = vector.broadcast %broadcast_in_dim3A_113 : f32 to vector<16xf32>
    %swap3A_115 = arith.constant 160 : index
    %swap3A_116 = tpu.vector_load %arg7[%swap3A_115] {strides = array<i32>} : memref<640xf32, #tpu.memory_space<vmem>>, vector<16xf32>,
    %swap3A_117 = vector.shape_cast %swap3A_116 : vector<16xf32> to vector<16xf32>
    %swap3A_118 = vector.shape_cast %broadcast_in_dim3A_114 : vector<16xf32> to vector<16xf32>
    tpu.vector_store %arg7[%swap3A_115], %swap3A_118 {strides = array<i32>} : memref<640xf32, #tpu.memory_space<vmem>>, vector<16xf32>,
    %broadcast_in_dim3A_119 = arith.constant 0.000000e+00 : f32
    %broadcast_in_dim3A_120 = vector.broadcast %broadcast_in_dim3A_119 : f32 to vector<16xf32>
    %swap3A_121 = arith.constant 176 : index
    %swap3A_122 = tpu.vector_load %arg7[%swap3A_121] {strides = array<i32>} : memref<640xf32, #tpu.memory_space<vmem>>, vector<16xf32>,
    %swap3A_123 = vector.shape_cast %swap3A_122 : vector<16xf32> to vector<16xf32>
    %swap3A_124 = vector.shape_cast %broadcast_in_dim3A_120 : vector<16xf32> to vector<16xf32>
    tpu.vector_store %arg7[%swap3A_121], %swap3A_124 {strides = array<i32>} : memref<640xf32, #tpu.memory_space<vmem>>, vector<16xf32>,
    %broadcast_in_dim3A_125 = arith.constant 0.000000e+00 : f32
    %broadcast_in_dim3A_126 = vector.broadcast %broadcast_in_dim3A_125 : f32 to vector<16xf32>
    %swap3A_127 = arith.constant 192 : index
    %swap3A_128 = tpu.vector_load %arg7[%swap3A_127] {strides = array<i32>} : memref<640xf32, #tpu.memory_space<vmem>>, vector<16xf32>,
    %swap3A_129 = vector.shape_cast %swap3A_128 : vector<16xf32> to vector<16xf32>
    %swap3A_130 = vector.shape_cast %broadcast_in_dim3A_126 : vector<16xf32> to vector<16xf32>
    tpu.vector_store %arg7[%swap3A_127], %swap3A_130 {strides = array<i32>} : memref<640xf32, #tpu.memory_space<vmem>>, vector<16xf32>,
    %broadcast_in_dim3A_131 = arith.constant 0.000000e+00 : f32
    %broadcast_in_dim3A_132 = vector.broadcast %broadcast_in_dim3A_131 : f32 to vector<16xf32>
    %swap3A_133 = arith.constant 208 : index
    %swap3A_134 = tpu.vector_load %arg7[%swap3A_133] {strides = array<i32>} : memref<640xf32, #tpu.memory_space<vmem>>, vector<16xf32>,
    %swap3A_135 = vector.shape_cast %swap3A_134 : vector<16xf32> to vector<16xf32>
    %swap3A_136 = vector.shape_cast %broadcast_in_dim3A_132 : vector<16xf32> to vector<16xf32>
    tpu.vector_store %arg7[%swap3A_133], %swap3A_136 {strides = array<i32>} : memref<640xf32, #tpu.memory_space<vmem>>, vector<16xf32>,
    %broadcast_in_dim3A_137 = arith.constant 0.000000e+00 : f32
    %broadcast_in_dim3A_138 = vector.broadcast %broadcast_in_dim3A_137 : f32 to vector<16xf32>
    %swap3A_139 = arith.constant 224 : index
    %swap3A_140 = tpu.vector_load %arg7[%swap3A_139] {strides = array<i32>} : memref<640xf32, #tpu.memory_space<vmem>>, vector<16xf32>,
    %swap3A_141 = vector.shape_cast %swap3A_140 : vector<16xf32> to vector<16xf32>
    %swap3A_142 = vector.shape_cast %broadcast_in_dim3A_138 : vector<16xf32> to vector<16xf32>
    tpu.vector_store %arg7[%swap3A_139], %swap3A_142 {strides = array<i32>} : memref<640xf32, #tpu.memory_space<vmem>>, vector<16xf32>,
    %broadcast_in_dim3A_143 = arith.constant 0.000000e+00 : f32
    %broadcast_in_dim3A_144 = vector.broadcast %broadcast_in_dim3A_143 : f32 to vector<16xf32>
    %swap3A_145 = arith.constant 240 : index
    %swap3A_146 = tpu.vector_load %arg7[%swap3A_145] {strides = array<i32>} : memref<640xf32, #tpu.memory_space<vmem>>, vector<16xf32>,
    %swap3A_147 = vector.shape_cast %swap3A_146 : vector<16xf32> to vector<16xf32>
    %swap3A_148 = vector.shape_cast %broadcast_in_dim3A_144 : vector<16xf32> to vector<16xf32>
    tpu.vector_store %arg7[%swap3A_145], %swap3A_148 {strides = array<i32>} : memref<640xf32, #tpu.memory_space<vmem>>, vector<16xf32>,
    %broadcast_in_dim3A_149 = arith.constant 0.000000e+00 : f32
    %broadcast_in_dim3A_150 = vector.broadcast %broadcast_in_dim3A_149 : f32 to vector<16xf32>
    %swap3A_151 = arith.constant 256 : index
    %swap3A_152 = tpu.vector_load %arg7[%swap3A_151] {strides = array<i32>} : memref<640xf32, #tpu.memory_space<vmem>>, vector<16xf32>,
    %swap3A_153 = vector.shape_cast %swap3A_152 : vector<16xf32> to vector<16xf32>
    %swap3A_154 = vector.shape_cast %broadcast_in_dim3A_150 : vector<16xf32> to vector<16xf32>
    tpu.vector_store %arg7[%swap3A_151], %swap3A_154 {strides = array<i32>} : memref<640xf32, #tpu.memory_space<vmem>>, vector<16xf32>,
    %broadcast_in_dim3A_155 = arith.constant 0.000000e+00 : f32
    %broadcast_in_dim3A_156 = vector.broadcast %broadcast_in_dim3A_155 : f32 to vector<16xf32>
    %swap3A_157 = arith.constant 272 : index
    %swap3A_158 = tpu.vector_load %arg7[%swap3A_157] {strides = array<i32>} : memref<640xf32, #tpu.memory_space<vmem>>, vector<16xf32>,
    %swap3A_159 = vector.shape_cast %swap3A_158 : vector<16xf32> to vector<16xf32>
    %swap3A_160 = vector.shape_cast %broadcast_in_dim3A_156 : vector<16xf32> to vector<16xf32>
    tpu.vector_store %arg7[%swap3A_157], %swap3A_160 {strides = array<i32>} : memref<640xf32, #tpu.memory_space<vmem>>, vector<16xf32>,
    %broadcast_in_dim3A_161 = arith.constant 0.000000e+00 : f32
    %broadcast_in_dim3A_162 = vector.broadcast %broadcast_in_dim3A_161 : f32 to vector<16xf32>
    %swap3A_163 = arith.constant 288 : index
    %swap3A_164 = tpu.vector_load %arg7[%swap3A_163] {strides = array<i32>} : memref<640xf32, #tpu.memory_space<vmem>>, vector<16xf32>,
    %swap3A_165 = vector.shape_cast %swap3A_164 : vector<16xf32> to vector<16xf32>
    %swap3A_166 = vector.shape_cast %broadcast_in_dim3A_162 : vector<16xf32> to vector<16xf32>
    tpu.vector_store %arg7[%swap3A_163], %swap3A_166 {strides = array<i32>} : memref<640xf32, #tpu.memory_space<vmem>>, vector<16xf32>,
    %broadcast_in_dim3A_167 = arith.constant 0.000000e+00 : f32
    %broadcast_in_dim3A_168 = vector.broadcast %broadcast_in_dim3A_167 : f32 to vector<16xf32>
    %swap3A_169 = arith.constant 304 : index
    %swap3A_170 = tpu.vector_load %arg7[%swap3A_169] {strides = array<i32>} : memref<640xf32, #tpu.memory_space<vmem>>, vector<16xf32>,
    %swap3A_171 = vector.shape_cast %swap3A_170 : vector<16xf32> to vector<16xf32>
    %swap3A_172 = vector.shape_cast %broadcast_in_dim3A_168 : vector<16xf32> to vector<16xf32>
    tpu.vector_store %arg7[%swap3A_169], %swap3A_172 {strides = array<i32>} : memref<640xf32, #tpu.memory_space<vmem>>, vector<16xf32>,
    %broadcast_in_dim3A_173 = arith.constant 0.000000e+00 : f32
    %broadcast_in_dim3A_174 = vector.broadcast %broadcast_in_dim3A_173 : f32 to vector<16xf32>
    %swap3A_175 = arith.constant 320 : index
    %swap3A_176 = tpu.vector_load %arg7[%swap3A_175] {strides = array<i32>} : memref<640xf32, #tpu.memory_space<vmem>>, vector<16xf32>,
    %swap3A_177 = vector.shape_cast %swap3A_176 : vector<16xf32> to vector<16xf32>
    %swap3A_178 = vector.shape_cast %broadcast_in_dim3A_174 : vector<16xf32> to vector<16xf32>
    tpu.vector_store %arg7[%swap3A_175], %swap3A_178 {strides = array<i32>} : memref<640xf32, #tpu.memory_space<vmem>>, vector<16xf32>,
    %broadcast_in_dim3A_179 = arith.constant 0.000000e+00 : f32
    %broadcast_in_dim3A_180 = vector.broadcast %broadcast_in_dim3A_179 : f32 to vector<16xf32>
    %swap3A_181 = arith.constant 336 : index
    %swap3A_182 = tpu.vector_load %arg7[%swap3A_181] {strides = array<i32>} : memref<640xf32, #tpu.memory_space<vmem>>, vector<16xf32>,
    %swap3A_183 = vector.shape_cast %swap3A_182 : vector<16xf32> to vector<16xf32>
    %swap3A_184 = vector.shape_cast %broadcast_in_dim3A_180 : vector<16xf32> to vector<16xf32>
    tpu.vector_store %arg7[%swap3A_181], %swap3A_184 {strides = array<i32>} : memref<640xf32, #tpu.memory_space<vmem>>, vector<16xf32>,
    %broadcast_in_dim3A_185 = arith.constant 0.000000e+00 : f32
    %broadcast_in_dim3A_186 = vector.broadcast %broadcast_in_dim3A_185 : f32 to vector<16xf32>
    %swap3A_187 = arith.constant 352 : index
    %swap3A_188 = tpu.vector_load %arg7[%swap3A_187] {strides = array<i32>} : memref<640xf32, #tpu.memory_space<vmem>>, vector<16xf32>,
    %swap3A_189 = vector.shape_cast %swap3A_188 : vector<16xf32> to vector<16xf32>
    %swap3A_190 = vector.shape_cast %broadcast_in_dim3A_186 : vector<16xf32> to vector<16xf32>
    tpu.vector_store %arg7[%swap3A_187], %swap3A_190 {strides = array<i32>} : memref<640xf32, #tpu.memory_space<vmem>>, vector<16xf32>,
    %broadcast_in_dim3A_191 = arith.constant 0.000000e+00 : f32
    %broadcast_in_dim3A_192 = vector.broadcast %broadcast_in_dim3A_191 : f32 to vector<16xf32>
    %swap3A_193 = arith.constant 368 : index
    %swap3A_194 = tpu.vector_load %arg7[%swap3A_193] {strides = array<i32>} : memref<640xf32, #tpu.memory_space<vmem>>, vector<16xf32>,
    %swap3A_195 = vector.shape_cast %swap3A_194 : vector<16xf32> to vector<16xf32>
    %swap3A_196 = vector.shape_cast %broadcast_in_dim3A_192 : vector<16xf32> to vector<16xf32>
    tpu.vector_store %arg7[%swap3A_193], %swap3A_196 {strides = array<i32>} : memref<640xf32, #tpu.memory_space<vmem>>, vector<16xf32>,
    %broadcast_in_dim3A_197 = arith.constant 0.000000e+00 : f32
    %broadcast_in_dim3A_198 = vector.broadcast %broadcast_in_dim3A_197 : f32 to vector<16xf32>
    %swap3A_199 = arith.constant 384 : index
    %swap3A_200 = tpu.vector_load %arg7[%swap3A_199] {strides = array<i32>} : memref<640xf32, #tpu.memory_space<vmem>>, vector<16xf32>,
    %swap3A_201 = vector.shape_cast %swap3A_200 : vector<16xf32> to vector<16xf32>
    %swap3A_202 = vector.shape_cast %broadcast_in_dim3A_198 : vector<16xf32> to vector<16xf32>
    tpu.vector_store %arg7[%swap3A_199], %swap3A_202 {strides = array<i32>} : memref<640xf32, #tpu.memory_space<vmem>>, vector<16xf32>,
    %broadcast_in_dim3A_203 = arith.constant 0.000000e+00 : f32
    %broadcast_in_dim3A_204 = vector.broadcast %broadcast_in_dim3A_203 : f32 to vector<16xf32>
    %swap3A_205 = arith.constant 400 : index
    %swap3A_206 = tpu.vector_load %arg7[%swap3A_205] {strides = array<i32>} : memref<640xf32, #tpu.memory_space<vmem>>, vector<16xf32>,
    %swap3A_207 = vector.shape_cast %swap3A_206 : vector<16xf32> to vector<16xf32>
    %swap3A_208 = vector.shape_cast %broadcast_in_dim3A_204 : vector<16xf32> to vector<16xf32>
    tpu.vector_store %arg7[%swap3A_205], %swap3A_208 {strides = array<i32>} : memref<640xf32, #tpu.memory_space<vmem>>, vector<16xf32>,
    %broadcast_in_dim3A_209 = arith.constant 0.000000e+00 : f32
    %broadcast_in_dim3A_210 = vector.broadcast %broadcast_in_dim3A_209 : f32 to vector<16xf32>
    %swap3A_211 = arith.constant 416 : index
    %swap3A_212 = tpu.vector_load %arg7[%swap3A_211] {strides = array<i32>} : memref<640xf32, #tpu.memory_space<vmem>>, vector<16xf32>,
    %swap3A_213 = vector.shape_cast %swap3A_212 : vector<16xf32> to vector<16xf32>
    %swap3A_214 = vector.shape_cast %broadcast_in_dim3A_210 : vector<16xf32> to vector<16xf32>
    tpu.vector_store %arg7[%swap3A_211], %swap3A_214 {strides = array<i32>} : memref<640xf32, #tpu.memory_space<vmem>>, vector<16xf32>,
    %broadcast_in_dim3A_215 = arith.constant 0.000000e+00 : f32
    %broadcast_in_dim3A_216 = vector.broadcast %broadcast_in_dim3A_215 : f32 to vector<16xf32>
    %swap3A_217 = arith.constant 432 : index
    %swap3A_218 = tpu.vector_load %arg7[%swap3A_217] {strides = array<i32>} : memref<640xf32, #tpu.memory_space<vmem>>, vector<16xf32>,
    %swap3A_219 = vector.shape_cast %swap3A_218 : vector<16xf32> to vector<16xf32>
    %swap3A_220 = vector.shape_cast %broadcast_in_dim3A_216 : vector<16xf32> to vector<16xf32>
    tpu.vector_store %arg7[%swap3A_217], %swap3A_220 {strides = array<i32>} : memref<640xf32, #tpu.memory_space<vmem>>, vector<16xf32>,
    %broadcast_in_dim3A_221 = arith.constant 0.000000e+00 : f32
    %broadcast_in_dim3A_222 = vector.broadcast %broadcast_in_dim3A_221 : f32 to vector<16xf32>
    %swap3A_223 = arith.constant 448 : index
    %swap3A_224 = tpu.vector_load %arg7[%swap3A_223] {strides = array<i32>} : memref<640xf32, #tpu.memory_space<vmem>>, vector<16xf32>,
    %swap3A_225 = vector.shape_cast %swap3A_224 : vector<16xf32> to vector<16xf32>
    %swap3A_226 = vector.shape_cast %broadcast_in_dim3A_222 : vector<16xf32> to vector<16xf32>
    tpu.vector_store %arg7[%swap3A_223], %swap3A_226 {strides = array<i32>} : memref<640xf32, #tpu.memory_space<vmem>>, vector<16xf32>,
    %broadcast_in_dim3A_227 = arith.constant 0.000000e+00 : f32
    %broadcast_in_dim3A_228 = vector.broadcast %broadcast_in_dim3A_227 : f32 to vector<16xf32>
    %swap3A_229 = arith.constant 464 : index
    %swap3A_230 = tpu.vector_load %arg7[%swap3A_229] {strides = array<i32>} : memref<640xf32, #tpu.memory_space<vmem>>, vector<16xf32>,
    %swap3A_231 = vector.shape_cast %swap3A_230 : vector<16xf32> to vector<16xf32>
    %swap3A_232 = vector.shape_cast %broadcast_in_dim3A_228 : vector<16xf32> to vector<16xf32>
    tpu.vector_store %arg7[%swap3A_229], %swap3A_232 {strides = array<i32>} : memref<640xf32, #tpu.memory_space<vmem>>, vector<16xf32>,
    %broadcast_in_dim3A_233 = arith.constant 0.000000e+00 : f32
    %broadcast_in_dim3A_234 = vector.broadcast %broadcast_in_dim3A_233 : f32 to vector<16xf32>
    %swap3A_235 = arith.constant 480 : index
    %swap3A_236 = tpu.vector_load %arg7[%swap3A_235] {strides = array<i32>} : memref<640xf32, #tpu.memory_space<vmem>>, vector<16xf32>,
    %swap3A_237 = vector.shape_cast %swap3A_236 : vector<16xf32> to vector<16xf32>
    %swap3A_238 = vector.shape_cast %broadcast_in_dim3A_234 : vector<16xf32> to vector<16xf32>
    tpu.vector_store %arg7[%swap3A_235], %swap3A_238 {strides = array<i32>} : memref<640xf32, #tpu.memory_space<vmem>>, vector<16xf32>,
    %broadcast_in_dim3A_239 = arith.constant 0.000000e+00 : f32
    %broadcast_in_dim3A_240 = vector.broadcast %broadcast_in_dim3A_239 : f32 to vector<16xf32>
    %swap3A_241 = arith.constant 496 : index
    %swap3A_242 = tpu.vector_load %arg7[%swap3A_241] {strides = array<i32>} : memref<640xf32, #tpu.memory_space<vmem>>, vector<16xf32>,
    %swap3A_243 = vector.shape_cast %swap3A_242 : vector<16xf32> to vector<16xf32>
    %swap3A_244 = vector.shape_cast %broadcast_in_dim3A_240 : vector<16xf32> to vector<16xf32>
    tpu.vector_store %arg7[%swap3A_241], %swap3A_244 {strides = array<i32>} : memref<640xf32, #tpu.memory_space<vmem>>, vector<16xf32>,
    %broadcast_in_dim3A_245 = arith.constant 0.000000e+00 : f32
    %broadcast_in_dim3A_246 = vector.broadcast %broadcast_in_dim3A_245 : f32 to vector<16xf32>
    %swap3A_247 = arith.constant 512 : index
    %swap3A_248 = tpu.vector_load %arg7[%swap3A_247] {strides = array<i32>} : memref<640xf32, #tpu.memory_space<vmem>>, vector<16xf32>,
    %swap3A_249 = vector.shape_cast %swap3A_248 : vector<16xf32> to vector<16xf32>
    %swap3A_250 = vector.shape_cast %broadcast_in_dim3A_246 : vector<16xf32> to vector<16xf32>
    tpu.vector_store %arg7[%swap3A_247], %swap3A_250 {strides = array<i32>} : memref<640xf32, #tpu.memory_space<vmem>>, vector<16xf32>,
    %broadcast_in_dim3A_251 = arith.constant 0.000000e+00 : f32
    %broadcast_in_dim3A_252 = vector.broadcast %broadcast_in_dim3A_251 : f32 to vector<16xf32>
    %swap3A_253 = arith.constant 528 : index
    %swap3A_254 = tpu.vector_load %arg7[%swap3A_253] {strides = array<i32>} : memref<640xf32, #tpu.memory_space<vmem>>, vector<16xf32>,
    %swap3A_255 = vector.shape_cast %swap3A_254 : vector<16xf32> to vector<16xf32>
    %swap3A_256 = vector.shape_cast %broadcast_in_dim3A_252 : vector<16xf32> to vector<16xf32>
    tpu.vector_store %arg7[%swap3A_253], %swap3A_256 {strides = array<i32>} : memref<640xf32, #tpu.memory_space<vmem>>, vector<16xf32>,
    %broadcast_in_dim3A_257 = arith.constant 0.000000e+00 : f32
    %broadcast_in_dim3A_258 = vector.broadcast %broadcast_in_dim3A_257 : f32 to vector<16xf32>
    %swap3A_259 = arith.constant 544 : index
    %swap3A_260 = tpu.vector_load %arg7[%swap3A_259] {strides = array<i32>} : memref<640xf32, #tpu.memory_space<vmem>>, vector<16xf32>,
    %swap3A_261 = vector.shape_cast %swap3A_260 : vector<16xf32> to vector<16xf32>
    %swap3A_262 = vector.shape_cast %broadcast_in_dim3A_258 : vector<16xf32> to vector<16xf32>
    tpu.vector_store %arg7[%swap3A_259], %swap3A_262 {strides = array<i32>} : memref<640xf32, #tpu.memory_space<vmem>>, vector<16xf32>,
    %broadcast_in_dim3A_263 = arith.constant 0.000000e+00 : f32
    %broadcast_in_dim3A_264 = vector.broadcast %broadcast_in_dim3A_263 : f32 to vector<16xf32>
    %swap3A_265 = arith.constant 560 : index
    %swap3A_266 = tpu.vector_load %arg7[%swap3A_265] {strides = array<i32>} : memref<640xf32, #tpu.memory_space<vmem>>, vector<16xf32>,
    %swap3A_267 = vector.shape_cast %swap3A_266 : vector<16xf32> to vector<16xf32>
    %swap3A_268 = vector.shape_cast %broadcast_in_dim3A_264 : vector<16xf32> to vector<16xf32>
    tpu.vector_store %arg7[%swap3A_265], %swap3A_268 {strides = array<i32>} : memref<640xf32, #tpu.memory_space<vmem>>, vector<16xf32>,
    %broadcast_in_dim3A_269 = arith.constant 0.000000e+00 : f32
    %broadcast_in_dim3A_270 = vector.broadcast %broadcast_in_dim3A_269 : f32 to vector<16xf32>
    %swap3A_271 = arith.constant 576 : index
    %swap3A_272 = tpu.vector_load %arg7[%swap3A_271] {strides = array<i32>} : memref<640xf32, #tpu.memory_space<vmem>>, vector<16xf32>,
    %swap3A_273 = vector.shape_cast %swap3A_272 : vector<16xf32> to vector<16xf32>
    %swap3A_274 = vector.shape_cast %broadcast_in_dim3A_270 : vector<16xf32> to vector<16xf32>
    tpu.vector_store %arg7[%swap3A_271], %swap3A_274 {strides = array<i32>} : memref<640xf32, #tpu.memory_space<vmem>>, vector<16xf32>,
    %broadcast_in_dim3A_275 = arith.constant 0.000000e+00 : f32
    %broadcast_in_dim3A_276 = vector.broadcast %broadcast_in_dim3A_275 : f32 to vector<16xf32>
    %swap3A_277 = arith.constant 592 : index
    %swap3A_278 = tpu.vector_load %arg7[%swap3A_277] {strides = array<i32>} : memref<640xf32, #tpu.memory_space<vmem>>, vector<16xf32>,
    %swap3A_279 = vector.shape_cast %swap3A_278 : vector<16xf32> to vector<16xf32>
    %swap3A_280 = vector.shape_cast %broadcast_in_dim3A_276 : vector<16xf32> to vector<16xf32>
    tpu.vector_store %arg7[%swap3A_277], %swap3A_280 {strides = array<i32>} : memref<640xf32, #tpu.memory_space<vmem>>, vector<16xf32>,
    %broadcast_in_dim3A_281 = arith.constant 0.000000e+00 : f32
    %broadcast_in_dim3A_282 = vector.broadcast %broadcast_in_dim3A_281 : f32 to vector<16xf32>
    %swap3A_283 = arith.constant 608 : index
    %swap3A_284 = tpu.vector_load %arg7[%swap3A_283] {strides = array<i32>} : memref<640xf32, #tpu.memory_space<vmem>>, vector<16xf32>,
    %swap3A_285 = vector.shape_cast %swap3A_284 : vector<16xf32> to vector<16xf32>
    %swap3A_286 = vector.shape_cast %broadcast_in_dim3A_282 : vector<16xf32> to vector<16xf32>
    tpu.vector_store %arg7[%swap3A_283], %swap3A_286 {strides = array<i32>} : memref<640xf32, #tpu.memory_space<vmem>>, vector<16xf32>,
    %broadcast_in_dim3A_287 = arith.constant 0.000000e+00 : f32
    %broadcast_in_dim3A_288 = vector.broadcast %broadcast_in_dim3A_287 : f32 to vector<16xf32>
    %swap3A_289 = arith.constant 624 : index
    %swap3A_290 = tpu.vector_load %arg7[%swap3A_289] {strides = array<i32>} : memref<640xf32, #tpu.memory_space<vmem>>, vector<16xf32>,
    %swap3A_291 = vector.shape_cast %swap3A_290 : vector<16xf32> to vector<16xf32>
    %swap3A_292 = vector.shape_cast %broadcast_in_dim3A_288 : vector<16xf32> to vector<16xf32>
    tpu.vector_store %arg7[%swap3A_289], %swap3A_292 {strides = array<i32>} : memref<640xf32, #tpu.memory_space<vmem>>, vector<16xf32>,
    %mul3A_293 = arith.constant 640 : i32
    %mul3A_294 = arith.muli %arg1, %mul3A_293 : i32
    "tpu.region"() ({
      %run_scoped3A = tpu.sem_alloc : memref<!tpu.dma_semaphore, #tpu.memory_space<semaphore_mem>>
      %dma_start3A_1258 = tpu.memref_slice %arg8[%mul3A_294] : memref<10240xf32, #tpu.memory_space<vmem_shared>> -> memref<640xf32, #tpu.memory_space<vmem_shared>>
      %dma_start3A_1259 = tpu.memref_slice %arg8[%mul3A_294] : memref<10240xf32, #tpu.memory_space<vmem_shared>> -> memref<640xf32, #tpu.memory_space<vmem_shared>>
      tpu.enqueue_dma source(%arg7 : memref<640xf32, #tpu.memory_space<vmem>>) target(%dma_start3A_1259 : memref<640xf32, #tpu.memory_space<vmem_shared>>) target_semaphore(%run_scoped3A : memref<!tpu.dma_semaphore, #tpu.memory_space<semaphore_mem>>)
      %dma_wait3A_1260 = tpu.memref_slice %arg8[%mul3A_294] : memref<10240xf32, #tpu.memory_space<vmem_shared>> -> memref<640xf32, #tpu.memory_space<vmem_shared>>
      %dma_wait3A_1261 = tpu.memref_slice %arg8[%mul3A_294] : memref<10240xf32, #tpu.memory_space<vmem_shared>> -> memref<640xf32, #tpu.memory_space<vmem_shared>>
      tpu.wait_dma2 semaphore(%run_scoped3A : memref<!tpu.dma_semaphore, #tpu.memory_space<semaphore_mem>>) src(%arg7 : memref<640xf32, #tpu.memory_space<vmem>>) dst(%dma_wait3A_1261 : memref<640xf32, #tpu.memory_space<vmem_shared>>)
      tpu.yield
    }) : () -> ()
    %barrier3A = arith.constant 0 : index
    tpu.barrier barrier_id(%barrier3A)
    %dma_start3A = arith.constant 0 : i32
    %dma_start3A_295 = arith.constant 0 : i32
    %dma_start3A_296 = tpu.memref_slice %arg5[%dma_start3A, %dma_start3A_295] : memref<80x128xi32, #tpu.memory_space<vmem>> -> memref<1x128xi32, #tpu.memory_space<vmem>>
    %dma_start3A_297 = tpu.memref_squeeze %dma_start3A_296 : memref<1x128xi32, #tpu.memory_space<vmem>> -> memref<128xi32, #tpu.memory_space<vmem>>
    %dma_start3A_298 = arith.constant 0 : i32
    %dma_start3A_299 = tpu.memref_slice %arg8[%dma_start3A_298] : memref<10240xf32, #tpu.memory_space<vmem_shared>> -> memref<10240xf32, #tpu.memory_space<vmem_shared>>
    tpu.enqueue_indirect_dma source(%arg6 : memref<128xf32, #tpu.memory_space<vmem>>) target(%dma_start3A_299 : memref<10240xf32, #tpu.memory_space<vmem_shared>>) offsets(%dma_start3A_297 : memref<128xi32, #tpu.memory_space<vmem>>) semaphore(%arg9 : memref<!tpu.dma_semaphore, #tpu.memory_space<semaphore_mem>>) {add = true}
    %dma_start3A_300 = arith.constant 1 : i32
    %dma_start3A_301 = arith.constant 0 : i32
    %dma_start3A_302 = tpu.memref_slice %arg5[%dma_start3A_300, %dma_start3A_301] : memref<80x128xi32, #tpu.memory_space<vmem>> -> memref<1x128xi32, #tpu.memory_space<vmem>>
    %dma_start3A_303 = tpu.memref_squeeze %dma_start3A_302 : memref<1x128xi32, #tpu.memory_space<vmem>> -> memref<128xi32, #tpu.memory_space<vmem>>
    %dma_start3A_304 = arith.constant 0 : i32
    %dma_start3A_305 = tpu.memref_slice %arg8[%dma_start3A_304] : memref<10240xf32, #tpu.memory_space<vmem_shared>> -> memref<10240xf32, #tpu.memory_space<vmem_shared>>
    tpu.enqueue_indirect_dma source(%arg6 : memref<128xf32, #tpu.memory_space<vmem>>) target(%dma_start3A_305 : memref<10240xf32, #tpu.memory_space<vmem_shared>>) offsets(%dma_start3A_303 : memref<128xi32, #tpu.memory_space<vmem>>) semaphore(%arg9 : memref<!tpu.dma_semaphore, #tpu.memory_space<semaphore_mem>>) {add = true}
    %dma_start3A_306 = arith.constant 2 : i32
    %dma_start3A_307 = arith.constant 0 : i32
    %dma_start3A_308 = tpu.memref_slice %arg5[%dma_start3A_306, %dma_start3A_307] : memref<80x128xi32, #tpu.memory_space<vmem>> -> memref<1x128xi32, #tpu.memory_space<vmem>>
    %dma_start3A_309 = tpu.memref_squeeze %dma_start3A_308 : memref<1x128xi32, #tpu.memory_space<vmem>> -> memref<128xi32, #tpu.memory_space<vmem>>
    %dma_start3A_310 = arith.constant 0 : i32
    %dma_start3A_311 = tpu.memref_slice %arg8[%dma_start3A_310] : memref<10240xf32, #tpu.memory_space<vmem_shared>> -> memref<10240xf32, #tpu.memory_space<vmem_shared>>
    tpu.enqueue_indirect_dma source(%arg6 : memref<128xf32, #tpu.memory_space<vmem>>) target(%dma_start3A_311 : memref<10240xf32, #tpu.memory_space<vmem_shared>>) offsets(%dma_start3A_309 : memref<128xi32, #tpu.memory_space<vmem>>) semaphore(%arg9 : memref<!tpu.dma_semaphore, #tpu.memory_space<semaphore_mem>>) {add = true}
    %dma_start3A_312 = arith.constant 3 : i32
    %dma_start3A_313 = arith.constant 0 : i32
    %dma_start3A_314 = tpu.memref_slice %arg5[%dma_start3A_312, %dma_start3A_313] : memref<80x128xi32, #tpu.memory_space<vmem>> -> memref<1x128xi32, #tpu.memory_space<vmem>>
    %dma_start3A_315 = tpu.memref_squeeze %dma_start3A_314 : memref<1x128xi32, #tpu.memory_space<vmem>> -> memref<128xi32, #tpu.memory_space<vmem>>
    %dma_start3A_316 = arith.constant 0 : i32
    %dma_start3A_317 = tpu.memref_slice %arg8[%dma_start3A_316] : memref<10240xf32, #tpu.memory_space<vmem_shared>> -> memref<10240xf32, #tpu.memory_space<vmem_shared>>
    tpu.enqueue_indirect_dma source(%arg6 : memref<128xf32, #tpu.memory_space<vmem>>) target(%dma_start3A_317 : memref<10240xf32, #tpu.memory_space<vmem_shared>>) offsets(%dma_start3A_315 : memref<128xi32, #tpu.memory_space<vmem>>) semaphore(%arg9 : memref<!tpu.dma_semaphore, #tpu.memory_space<semaphore_mem>>) {add = true}
    %dma_start3A_318 = arith.constant 4 : i32
    %dma_start3A_319 = arith.constant 0 : i32
    %dma_start3A_320 = tpu.memref_slice %arg5[%dma_start3A_318, %dma_start3A_319] : memref<80x128xi32, #tpu.memory_space<vmem>> -> memref<1x128xi32, #tpu.memory_space<vmem>>
    %dma_start3A_321 = tpu.memref_squeeze %dma_start3A_320 : memref<1x128xi32, #tpu.memory_space<vmem>> -> memref<128xi32, #tpu.memory_space<vmem>>
    %dma_start3A_322 = arith.constant 0 : i32
    %dma_start3A_323 = tpu.memref_slice %arg8[%dma_start3A_322] : memref<10240xf32, #tpu.memory_space<vmem_shared>> -> memref<10240xf32, #tpu.memory_space<vmem_shared>>
    tpu.enqueue_indirect_dma source(%arg6 : memref<128xf32, #tpu.memory_space<vmem>>) target(%dma_start3A_323 : memref<10240xf32, #tpu.memory_space<vmem_shared>>) offsets(%dma_start3A_321 : memref<128xi32, #tpu.memory_space<vmem>>) semaphore(%arg9 : memref<!tpu.dma_semaphore, #tpu.memory_space<semaphore_mem>>) {add = true}
    %dma_start3A_324 = arith.constant 5 : i32
    %dma_start3A_325 = arith.constant 0 : i32
    %dma_start3A_326 = tpu.memref_slice %arg5[%dma_start3A_324, %dma_start3A_325] : memref<80x128xi32, #tpu.memory_space<vmem>> -> memref<1x128xi32, #tpu.memory_space<vmem>>
    %dma_start3A_327 = tpu.memref_squeeze %dma_start3A_326 : memref<1x128xi32, #tpu.memory_space<vmem>> -> memref<128xi32, #tpu.memory_space<vmem>>
    %dma_start3A_328 = arith.constant 0 : i32
    %dma_start3A_329 = tpu.memref_slice %arg8[%dma_start3A_328] : memref<10240xf32, #tpu.memory_space<vmem_shared>> -> memref<10240xf32, #tpu.memory_space<vmem_shared>>
    tpu.enqueue_indirect_dma source(%arg6 : memref<128xf32, #tpu.memory_space<vmem>>) target(%dma_start3A_329 : memref<10240xf32, #tpu.memory_space<vmem_shared>>) offsets(%dma_start3A_327 : memref<128xi32, #tpu.memory_space<vmem>>) semaphore(%arg9 : memref<!tpu.dma_semaphore, #tpu.memory_space<semaphore_mem>>) {add = true}
    %dma_start3A_330 = arith.constant 6 : i32
    %dma_start3A_331 = arith.constant 0 : i32
    %dma_start3A_332 = tpu.memref_slice %arg5[%dma_start3A_330, %dma_start3A_331] : memref<80x128xi32, #tpu.memory_space<vmem>> -> memref<1x128xi32, #tpu.memory_space<vmem>>
    %dma_start3A_333 = tpu.memref_squeeze %dma_start3A_332 : memref<1x128xi32, #tpu.memory_space<vmem>> -> memref<128xi32, #tpu.memory_space<vmem>>
    %dma_start3A_334 = arith.constant 0 : i32
    %dma_start3A_335 = tpu.memref_slice %arg8[%dma_start3A_334] : memref<10240xf32, #tpu.memory_space<vmem_shared>> -> memref<10240xf32, #tpu.memory_space<vmem_shared>>
    tpu.enqueue_indirect_dma source(%arg6 : memref<128xf32, #tpu.memory_space<vmem>>) target(%dma_start3A_335 : memref<10240xf32, #tpu.memory_space<vmem_shared>>) offsets(%dma_start3A_333 : memref<128xi32, #tpu.memory_space<vmem>>) semaphore(%arg9 : memref<!tpu.dma_semaphore, #tpu.memory_space<semaphore_mem>>) {add = true}
    %dma_start3A_336 = arith.constant 7 : i32
    %dma_start3A_337 = arith.constant 0 : i32
    %dma_start3A_338 = tpu.memref_slice %arg5[%dma_start3A_336, %dma_start3A_337] : memref<80x128xi32, #tpu.memory_space<vmem>> -> memref<1x128xi32, #tpu.memory_space<vmem>>
    %dma_start3A_339 = tpu.memref_squeeze %dma_start3A_338 : memref<1x128xi32, #tpu.memory_space<vmem>> -> memref<128xi32, #tpu.memory_space<vmem>>
    %dma_start3A_340 = arith.constant 0 : i32
    %dma_start3A_341 = tpu.memref_slice %arg8[%dma_start3A_340] : memref<10240xf32, #tpu.memory_space<vmem_shared>> -> memref<10240xf32, #tpu.memory_space<vmem_shared>>
    tpu.enqueue_indirect_dma source(%arg6 : memref<128xf32, #tpu.memory_space<vmem>>) target(%dma_start3A_341 : memref<10240xf32, #tpu.memory_space<vmem_shared>>) offsets(%dma_start3A_339 : memref<128xi32, #tpu.memory_space<vmem>>) semaphore(%arg9 : memref<!tpu.dma_semaphore, #tpu.memory_space<semaphore_mem>>) {add = true}
    %dma_wait3A = arith.constant 0 : i32
    %dma_wait3A_342 = arith.constant 0 : i32
    %dma_wait3A_343 = tpu.memref_slice %arg5[%dma_wait3A, %dma_wait3A_342] : memref<80x128xi32, #tpu.memory_space<vmem>> -> memref<1x128xi32, #tpu.memory_space<vmem>>
    %dma_wait3A_344 = tpu.memref_squeeze %dma_wait3A_343 : memref<1x128xi32, #tpu.memory_space<vmem>> -> memref<128xi32, #tpu.memory_space<vmem>>
    %dma_wait3A_345 = arith.constant 0 : i32
    %dma_wait3A_346 = tpu.memref_slice %arg8[%dma_wait3A_345] : memref<10240xf32, #tpu.memory_space<vmem_shared>> -> memref<10240xf32, #tpu.memory_space<vmem_shared>>
    tpu.wait_indirect_dma semaphore(%arg9 : memref<!tpu.dma_semaphore, #tpu.memory_space<semaphore_mem>>) src(%arg6 : memref<128xf32, #tpu.memory_space<vmem>>) dst(%dma_wait3A_346 : memref<10240xf32, #tpu.memory_space<vmem_shared>>)
    %dma_start3A_347 = arith.constant 8 : i32
    %dma_start3A_348 = arith.constant 0 : i32
    %dma_start3A_349 = tpu.memref_slice %arg5[%dma_start3A_347, %dma_start3A_348] : memref<80x128xi32, #tpu.memory_space<vmem>> -> memref<1x128xi32, #tpu.memory_space<vmem>>
    %dma_start3A_350 = tpu.memref_squeeze %dma_start3A_349 : memref<1x128xi32, #tpu.memory_space<vmem>> -> memref<128xi32, #tpu.memory_space<vmem>>
    %dma_start3A_351 = arith.constant 0 : i32
    %dma_start3A_352 = tpu.memref_slice %arg8[%dma_start3A_351] : memref<10240xf32, #tpu.memory_space<vmem_shared>> -> memref<10240xf32, #tpu.memory_space<vmem_shared>>
    tpu.enqueue_indirect_dma source(%arg6 : memref<128xf32, #tpu.memory_space<vmem>>) target(%dma_start3A_352 : memref<10240xf32, #tpu.memory_space<vmem_shared>>) offsets(%dma_start3A_350 : memref<128xi32, #tpu.memory_space<vmem>>) semaphore(%arg9 : memref<!tpu.dma_semaphore, #tpu.memory_space<semaphore_mem>>) {add = true}
    %dma_wait3A_353 = arith.constant 1 : i32
    %dma_wait3A_354 = arith.constant 0 : i32
    %dma_wait3A_355 = tpu.memref_slice %arg5[%dma_wait3A_353, %dma_wait3A_354] : memref<80x128xi32, #tpu.memory_space<vmem>> -> memref<1x128xi32, #tpu.memory_space<vmem>>
    %dma_wait3A_356 = tpu.memref_squeeze %dma_wait3A_355 : memref<1x128xi32, #tpu.memory_space<vmem>> -> memref<128xi32, #tpu.memory_space<vmem>>
    %dma_wait3A_357 = arith.constant 0 : i32
    %dma_wait3A_358 = tpu.memref_slice %arg8[%dma_wait3A_357] : memref<10240xf32, #tpu.memory_space<vmem_shared>> -> memref<10240xf32, #tpu.memory_space<vmem_shared>>
    tpu.wait_indirect_dma semaphore(%arg9 : memref<!tpu.dma_semaphore, #tpu.memory_space<semaphore_mem>>) src(%arg6 : memref<128xf32, #tpu.memory_space<vmem>>) dst(%dma_wait3A_358 : memref<10240xf32, #tpu.memory_space<vmem_shared>>)
    %dma_start3A_359 = arith.constant 9 : i32
    %dma_start3A_360 = arith.constant 0 : i32
    %dma_start3A_361 = tpu.memref_slice %arg5[%dma_start3A_359, %dma_start3A_360] : memref<80x128xi32, #tpu.memory_space<vmem>> -> memref<1x128xi32, #tpu.memory_space<vmem>>
    %dma_start3A_362 = tpu.memref_squeeze %dma_start3A_361 : memref<1x128xi32, #tpu.memory_space<vmem>> -> memref<128xi32, #tpu.memory_space<vmem>>
    %dma_start3A_363 = arith.constant 0 : i32
    %dma_start3A_364 = tpu.memref_slice %arg8[%dma_start3A_363] : memref<10240xf32, #tpu.memory_space<vmem_shared>> -> memref<10240xf32, #tpu.memory_space<vmem_shared>>
    tpu.enqueue_indirect_dma source(%arg6 : memref<128xf32, #tpu.memory_space<vmem>>) target(%dma_start3A_364 : memref<10240xf32, #tpu.memory_space<vmem_shared>>) offsets(%dma_start3A_362 : memref<128xi32, #tpu.memory_space<vmem>>) semaphore(%arg9 : memref<!tpu.dma_semaphore, #tpu.memory_space<semaphore_mem>>) {add = true}
    %dma_wait3A_365 = arith.constant 2 : i32
    %dma_wait3A_366 = arith.constant 0 : i32
    %dma_wait3A_367 = tpu.memref_slice %arg5[%dma_wait3A_365, %dma_wait3A_366] : memref<80x128xi32, #tpu.memory_space<vmem>> -> memref<1x128xi32, #tpu.memory_space<vmem>>
    %dma_wait3A_368 = tpu.memref_squeeze %dma_wait3A_367 : memref<1x128xi32, #tpu.memory_space<vmem>> -> memref<128xi32, #tpu.memory_space<vmem>>
    %dma_wait3A_369 = arith.constant 0 : i32
    %dma_wait3A_370 = tpu.memref_slice %arg8[%dma_wait3A_369] : memref<10240xf32, #tpu.memory_space<vmem_shared>> -> memref<10240xf32, #tpu.memory_space<vmem_shared>>
    tpu.wait_indirect_dma semaphore(%arg9 : memref<!tpu.dma_semaphore, #tpu.memory_space<semaphore_mem>>) src(%arg6 : memref<128xf32, #tpu.memory_space<vmem>>) dst(%dma_wait3A_370 : memref<10240xf32, #tpu.memory_space<vmem_shared>>)
    %dma_start3A_371 = arith.constant 10 : i32
    %dma_start3A_372 = arith.constant 0 : i32
    %dma_start3A_373 = tpu.memref_slice %arg5[%dma_start3A_371, %dma_start3A_372] : memref<80x128xi32, #tpu.memory_space<vmem>> -> memref<1x128xi32, #tpu.memory_space<vmem>>
    %dma_start3A_374 = tpu.memref_squeeze %dma_start3A_373 : memref<1x128xi32, #tpu.memory_space<vmem>> -> memref<128xi32, #tpu.memory_space<vmem>>
    %dma_start3A_375 = arith.constant 0 : i32
    %dma_start3A_376 = tpu.memref_slice %arg8[%dma_start3A_375] : memref<10240xf32, #tpu.memory_space<vmem_shared>> -> memref<10240xf32, #tpu.memory_space<vmem_shared>>
    tpu.enqueue_indirect_dma source(%arg6 : memref<128xf32, #tpu.memory_space<vmem>>) target(%dma_start3A_376 : memref<10240xf32, #tpu.memory_space<vmem_shared>>) offsets(%dma_start3A_374 : memref<128xi32, #tpu.memory_space<vmem>>) semaphore(%arg9 : memref<!tpu.dma_semaphore, #tpu.memory_space<semaphore_mem>>) {add = true}
    %dma_wait3A_377 = arith.constant 3 : i32
    %dma_wait3A_378 = arith.constant 0 : i32
    %dma_wait3A_379 = tpu.memref_slice %arg5[%dma_wait3A_377, %dma_wait3A_378] : memref<80x128xi32, #tpu.memory_space<vmem>> -> memref<1x128xi32, #tpu.memory_space<vmem>>
    %dma_wait3A_380 = tpu.memref_squeeze %dma_wait3A_379 : memref<1x128xi32, #tpu.memory_space<vmem>> -> memref<128xi32, #tpu.memory_space<vmem>>
    %dma_wait3A_381 = arith.constant 0 : i32
    %dma_wait3A_382 = tpu.memref_slice %arg8[%dma_wait3A_381] : memref<10240xf32, #tpu.memory_space<vmem_shared>> -> memref<10240xf32, #tpu.memory_space<vmem_shared>>
    tpu.wait_indirect_dma semaphore(%arg9 : memref<!tpu.dma_semaphore, #tpu.memory_space<semaphore_mem>>) src(%arg6 : memref<128xf32, #tpu.memory_space<vmem>>) dst(%dma_wait3A_382 : memref<10240xf32, #tpu.memory_space<vmem_shared>>)
    %dma_start3A_383 = arith.constant 11 : i32
    %dma_start3A_384 = arith.constant 0 : i32
    %dma_start3A_385 = tpu.memref_slice %arg5[%dma_start3A_383, %dma_start3A_384] : memref<80x128xi32, #tpu.memory_space<vmem>> -> memref<1x128xi32, #tpu.memory_space<vmem>>
    %dma_start3A_386 = tpu.memref_squeeze %dma_start3A_385 : memref<1x128xi32, #tpu.memory_space<vmem>> -> memref<128xi32, #tpu.memory_space<vmem>>
    %dma_start3A_387 = arith.constant 0 : i32
    %dma_start3A_388 = tpu.memref_slice %arg8[%dma_start3A_387] : memref<10240xf32, #tpu.memory_space<vmem_shared>> -> memref<10240xf32, #tpu.memory_space<vmem_shared>>
    tpu.enqueue_indirect_dma source(%arg6 : memref<128xf32, #tpu.memory_space<vmem>>) target(%dma_start3A_388 : memref<10240xf32, #tpu.memory_space<vmem_shared>>) offsets(%dma_start3A_386 : memref<128xi32, #tpu.memory_space<vmem>>) semaphore(%arg9 : memref<!tpu.dma_semaphore, #tpu.memory_space<semaphore_mem>>) {add = true}
    %dma_wait3A_389 = arith.constant 4 : i32
    %dma_wait3A_390 = arith.constant 0 : i32
    %dma_wait3A_391 = tpu.memref_slice %arg5[%dma_wait3A_389, %dma_wait3A_390] : memref<80x128xi32, #tpu.memory_space<vmem>> -> memref<1x128xi32, #tpu.memory_space<vmem>>
    %dma_wait3A_392 = tpu.memref_squeeze %dma_wait3A_391 : memref<1x128xi32, #tpu.memory_space<vmem>> -> memref<128xi32, #tpu.memory_space<vmem>>
    %dma_wait3A_393 = arith.constant 0 : i32
    %dma_wait3A_394 = tpu.memref_slice %arg8[%dma_wait3A_393] : memref<10240xf32, #tpu.memory_space<vmem_shared>> -> memref<10240xf32, #tpu.memory_space<vmem_shared>>
    tpu.wait_indirect_dma semaphore(%arg9 : memref<!tpu.dma_semaphore, #tpu.memory_space<semaphore_mem>>) src(%arg6 : memref<128xf32, #tpu.memory_space<vmem>>) dst(%dma_wait3A_394 : memref<10240xf32, #tpu.memory_space<vmem_shared>>)
    %dma_start3A_395 = arith.constant 12 : i32
    %dma_start3A_396 = arith.constant 0 : i32
    %dma_start3A_397 = tpu.memref_slice %arg5[%dma_start3A_395, %dma_start3A_396] : memref<80x128xi32, #tpu.memory_space<vmem>> -> memref<1x128xi32, #tpu.memory_space<vmem>>
    %dma_start3A_398 = tpu.memref_squeeze %dma_start3A_397 : memref<1x128xi32, #tpu.memory_space<vmem>> -> memref<128xi32, #tpu.memory_space<vmem>>
    %dma_start3A_399 = arith.constant 0 : i32
    %dma_start3A_400 = tpu.memref_slice %arg8[%dma_start3A_399] : memref<10240xf32, #tpu.memory_space<vmem_shared>> -> memref<10240xf32, #tpu.memory_space<vmem_shared>>
    tpu.enqueue_indirect_dma source(%arg6 : memref<128xf32, #tpu.memory_space<vmem>>) target(%dma_start3A_400 : memref<10240xf32, #tpu.memory_space<vmem_shared>>) offsets(%dma_start3A_398 : memref<128xi32, #tpu.memory_space<vmem>>) semaphore(%arg9 : memref<!tpu.dma_semaphore, #tpu.memory_space<semaphore_mem>>) {add = true}
    %dma_wait3A_401 = arith.constant 5 : i32
    %dma_wait3A_402 = arith.constant 0 : i32
    %dma_wait3A_403 = tpu.memref_slice %arg5[%dma_wait3A_401, %dma_wait3A_402] : memref<80x128xi32, #tpu.memory_space<vmem>> -> memref<1x128xi32, #tpu.memory_space<vmem>>
    %dma_wait3A_404 = tpu.memref_squeeze %dma_wait3A_403 : memref<1x128xi32, #tpu.memory_space<vmem>> -> memref<128xi32, #tpu.memory_space<vmem>>
    %dma_wait3A_405 = arith.constant 0 : i32
    %dma_wait3A_406 = tpu.memref_slice %arg8[%dma_wait3A_405] : memref<10240xf32, #tpu.memory_space<vmem_shared>> -> memref<10240xf32, #tpu.memory_space<vmem_shared>>
    tpu.wait_indirect_dma semaphore(%arg9 : memref<!tpu.dma_semaphore, #tpu.memory_space<semaphore_mem>>) src(%arg6 : memref<128xf32, #tpu.memory_space<vmem>>) dst(%dma_wait3A_406 : memref<10240xf32, #tpu.memory_space<vmem_shared>>)
    %dma_start3A_407 = arith.constant 13 : i32
    %dma_start3A_408 = arith.constant 0 : i32
    %dma_start3A_409 = tpu.memref_slice %arg5[%dma_start3A_407, %dma_start3A_408] : memref<80x128xi32, #tpu.memory_space<vmem>> -> memref<1x128xi32, #tpu.memory_space<vmem>>
    %dma_start3A_410 = tpu.memref_squeeze %dma_start3A_409 : memref<1x128xi32, #tpu.memory_space<vmem>> -> memref<128xi32, #tpu.memory_space<vmem>>
    %dma_start3A_411 = arith.constant 0 : i32
    %dma_start3A_412 = tpu.memref_slice %arg8[%dma_start3A_411] : memref<10240xf32, #tpu.memory_space<vmem_shared>> -> memref<10240xf32, #tpu.memory_space<vmem_shared>>
    tpu.enqueue_indirect_dma source(%arg6 : memref<128xf32, #tpu.memory_space<vmem>>) target(%dma_start3A_412 : memref<10240xf32, #tpu.memory_space<vmem_shared>>) offsets(%dma_start3A_410 : memref<128xi32, #tpu.memory_space<vmem>>) semaphore(%arg9 : memref<!tpu.dma_semaphore, #tpu.memory_space<semaphore_mem>>) {add = true}
    %dma_wait3A_413 = arith.constant 6 : i32
    %dma_wait3A_414 = arith.constant 0 : i32
    %dma_wait3A_415 = tpu.memref_slice %arg5[%dma_wait3A_413, %dma_wait3A_414] : memref<80x128xi32, #tpu.memory_space<vmem>> -> memref<1x128xi32, #tpu.memory_space<vmem>>
    %dma_wait3A_416 = tpu.memref_squeeze %dma_wait3A_415 : memref<1x128xi32, #tpu.memory_space<vmem>> -> memref<128xi32, #tpu.memory_space<vmem>>
    %dma_wait3A_417 = arith.constant 0 : i32
    %dma_wait3A_418 = tpu.memref_slice %arg8[%dma_wait3A_417] : memref<10240xf32, #tpu.memory_space<vmem_shared>> -> memref<10240xf32, #tpu.memory_space<vmem_shared>>
    tpu.wait_indirect_dma semaphore(%arg9 : memref<!tpu.dma_semaphore, #tpu.memory_space<semaphore_mem>>) src(%arg6 : memref<128xf32, #tpu.memory_space<vmem>>) dst(%dma_wait3A_418 : memref<10240xf32, #tpu.memory_space<vmem_shared>>)
    %dma_start3A_419 = arith.constant 14 : i32
    %dma_start3A_420 = arith.constant 0 : i32
    %dma_start3A_421 = tpu.memref_slice %arg5[%dma_start3A_419, %dma_start3A_420] : memref<80x128xi32, #tpu.memory_space<vmem>> -> memref<1x128xi32, #tpu.memory_space<vmem>>
    %dma_start3A_422 = tpu.memref_squeeze %dma_start3A_421 : memref<1x128xi32, #tpu.memory_space<vmem>> -> memref<128xi32, #tpu.memory_space<vmem>>
    %dma_start3A_423 = arith.constant 0 : i32
    %dma_start3A_424 = tpu.memref_slice %arg8[%dma_start3A_423] : memref<10240xf32, #tpu.memory_space<vmem_shared>> -> memref<10240xf32, #tpu.memory_space<vmem_shared>>
    tpu.enqueue_indirect_dma source(%arg6 : memref<128xf32, #tpu.memory_space<vmem>>) target(%dma_start3A_424 : memref<10240xf32, #tpu.memory_space<vmem_shared>>) offsets(%dma_start3A_422 : memref<128xi32, #tpu.memory_space<vmem>>) semaphore(%arg9 : memref<!tpu.dma_semaphore, #tpu.memory_space<semaphore_mem>>) {add = true}
    %dma_wait3A_425 = arith.constant 7 : i32
    %dma_wait3A_426 = arith.constant 0 : i32
    %dma_wait3A_427 = tpu.memref_slice %arg5[%dma_wait3A_425, %dma_wait3A_426] : memref<80x128xi32, #tpu.memory_space<vmem>> -> memref<1x128xi32, #tpu.memory_space<vmem>>
    %dma_wait3A_428 = tpu.memref_squeeze %dma_wait3A_427 : memref<1x128xi32, #tpu.memory_space<vmem>> -> memref<128xi32, #tpu.memory_space<vmem>>
    %dma_wait3A_429 = arith.constant 0 : i32
    %dma_wait3A_430 = tpu.memref_slice %arg8[%dma_wait3A_429] : memref<10240xf32, #tpu.memory_space<vmem_shared>> -> memref<10240xf32, #tpu.memory_space<vmem_shared>>
    tpu.wait_indirect_dma semaphore(%arg9 : memref<!tpu.dma_semaphore, #tpu.memory_space<semaphore_mem>>) src(%arg6 : memref<128xf32, #tpu.memory_space<vmem>>) dst(%dma_wait3A_430 : memref<10240xf32, #tpu.memory_space<vmem_shared>>)
    %dma_start3A_431 = arith.constant 15 : i32
    %dma_start3A_432 = arith.constant 0 : i32
    %dma_start3A_433 = tpu.memref_slice %arg5[%dma_start3A_431, %dma_start3A_432] : memref<80x128xi32, #tpu.memory_space<vmem>> -> memref<1x128xi32, #tpu.memory_space<vmem>>
    %dma_start3A_434 = tpu.memref_squeeze %dma_start3A_433 : memref<1x128xi32, #tpu.memory_space<vmem>> -> memref<128xi32, #tpu.memory_space<vmem>>
    %dma_start3A_435 = arith.constant 0 : i32
    %dma_start3A_436 = tpu.memref_slice %arg8[%dma_start3A_435] : memref<10240xf32, #tpu.memory_space<vmem_shared>> -> memref<10240xf32, #tpu.memory_space<vmem_shared>>
    tpu.enqueue_indirect_dma source(%arg6 : memref<128xf32, #tpu.memory_space<vmem>>) target(%dma_start3A_436 : memref<10240xf32, #tpu.memory_space<vmem_shared>>) offsets(%dma_start3A_434 : memref<128xi32, #tpu.memory_space<vmem>>) semaphore(%arg9 : memref<!tpu.dma_semaphore, #tpu.memory_space<semaphore_mem>>) {add = true}
    %dma_wait3A_437 = arith.constant 8 : i32
    %dma_wait3A_438 = arith.constant 0 : i32
    %dma_wait3A_439 = tpu.memref_slice %arg5[%dma_wait3A_437, %dma_wait3A_438] : memref<80x128xi32, #tpu.memory_space<vmem>> -> memref<1x128xi32, #tpu.memory_space<vmem>>
    %dma_wait3A_440 = tpu.memref_squeeze %dma_wait3A_439 : memref<1x128xi32, #tpu.memory_space<vmem>> -> memref<128xi32, #tpu.memory_space<vmem>>
    %dma_wait3A_441 = arith.constant 0 : i32
    %dma_wait3A_442 = tpu.memref_slice %arg8[%dma_wait3A_441] : memref<10240xf32, #tpu.memory_space<vmem_shared>> -> memref<10240xf32, #tpu.memory_space<vmem_shared>>
    tpu.wait_indirect_dma semaphore(%arg9 : memref<!tpu.dma_semaphore, #tpu.memory_space<semaphore_mem>>) src(%arg6 : memref<128xf32, #tpu.memory_space<vmem>>) dst(%dma_wait3A_442 : memref<10240xf32, #tpu.memory_space<vmem_shared>>)
    %dma_start3A_443 = arith.constant 16 : i32
    %dma_start3A_444 = arith.constant 0 : i32
    %dma_start3A_445 = tpu.memref_slice %arg5[%dma_start3A_443, %dma_start3A_444] : memref<80x128xi32, #tpu.memory_space<vmem>> -> memref<1x128xi32, #tpu.memory_space<vmem>>
    %dma_start3A_446 = tpu.memref_squeeze %dma_start3A_445 : memref<1x128xi32, #tpu.memory_space<vmem>> -> memref<128xi32, #tpu.memory_space<vmem>>
    %dma_start3A_447 = arith.constant 0 : i32
    %dma_start3A_448 = tpu.memref_slice %arg8[%dma_start3A_447] : memref<10240xf32, #tpu.memory_space<vmem_shared>> -> memref<10240xf32, #tpu.memory_space<vmem_shared>>
    tpu.enqueue_indirect_dma source(%arg6 : memref<128xf32, #tpu.memory_space<vmem>>) target(%dma_start3A_448 : memref<10240xf32, #tpu.memory_space<vmem_shared>>) offsets(%dma_start3A_446 : memref<128xi32, #tpu.memory_space<vmem>>) semaphore(%arg9 : memref<!tpu.dma_semaphore, #tpu.memory_space<semaphore_mem>>) {add = true}
    %dma_wait3A_449 = arith.constant 9 : i32
    %dma_wait3A_450 = arith.constant 0 : i32
    %dma_wait3A_451 = tpu.memref_slice %arg5[%dma_wait3A_449, %dma_wait3A_450] : memref<80x128xi32, #tpu.memory_space<vmem>> -> memref<1x128xi32, #tpu.memory_space<vmem>>
    %dma_wait3A_452 = tpu.memref_squeeze %dma_wait3A_451 : memref<1x128xi32, #tpu.memory_space<vmem>> -> memref<128xi32, #tpu.memory_space<vmem>>
    %dma_wait3A_453 = arith.constant 0 : i32
    %dma_wait3A_454 = tpu.memref_slice %arg8[%dma_wait3A_453] : memref<10240xf32, #tpu.memory_space<vmem_shared>> -> memref<10240xf32, #tpu.memory_space<vmem_shared>>
    tpu.wait_indirect_dma semaphore(%arg9 : memref<!tpu.dma_semaphore, #tpu.memory_space<semaphore_mem>>) src(%arg6 : memref<128xf32, #tpu.memory_space<vmem>>) dst(%dma_wait3A_454 : memref<10240xf32, #tpu.memory_space<vmem_shared>>)
    %dma_start3A_455 = arith.constant 17 : i32
    %dma_start3A_456 = arith.constant 0 : i32
    %dma_start3A_457 = tpu.memref_slice %arg5[%dma_start3A_455, %dma_start3A_456] : memref<80x128xi32, #tpu.memory_space<vmem>> -> memref<1x128xi32, #tpu.memory_space<vmem>>
    %dma_start3A_458 = tpu.memref_squeeze %dma_start3A_457 : memref<1x128xi32, #tpu.memory_space<vmem>> -> memref<128xi32, #tpu.memory_space<vmem>>
    %dma_start3A_459 = arith.constant 0 : i32
    %dma_start3A_460 = tpu.memref_slice %arg8[%dma_start3A_459] : memref<10240xf32, #tpu.memory_space<vmem_shared>> -> memref<10240xf32, #tpu.memory_space<vmem_shared>>
    tpu.enqueue_indirect_dma source(%arg6 : memref<128xf32, #tpu.memory_space<vmem>>) target(%dma_start3A_460 : memref<10240xf32, #tpu.memory_space<vmem_shared>>) offsets(%dma_start3A_458 : memref<128xi32, #tpu.memory_space<vmem>>) semaphore(%arg9 : memref<!tpu.dma_semaphore, #tpu.memory_space<semaphore_mem>>) {add = true}
    %dma_wait3A_461 = arith.constant 10 : i32
    %dma_wait3A_462 = arith.constant 0 : i32
    %dma_wait3A_463 = tpu.memref_slice %arg5[%dma_wait3A_461, %dma_wait3A_462] : memref<80x128xi32, #tpu.memory_space<vmem>> -> memref<1x128xi32, #tpu.memory_space<vmem>>
    %dma_wait3A_464 = tpu.memref_squeeze %dma_wait3A_463 : memref<1x128xi32, #tpu.memory_space<vmem>> -> memref<128xi32, #tpu.memory_space<vmem>>
    %dma_wait3A_465 = arith.constant 0 : i32
    %dma_wait3A_466 = tpu.memref_slice %arg8[%dma_wait3A_465] : memref<10240xf32, #tpu.memory_space<vmem_shared>> -> memref<10240xf32, #tpu.memory_space<vmem_shared>>
    tpu.wait_indirect_dma semaphore(%arg9 : memref<!tpu.dma_semaphore, #tpu.memory_space<semaphore_mem>>) src(%arg6 : memref<128xf32, #tpu.memory_space<vmem>>) dst(%dma_wait3A_466 : memref<10240xf32, #tpu.memory_space<vmem_shared>>)
    %dma_start3A_467 = arith.constant 18 : i32
    %dma_start3A_468 = arith.constant 0 : i32
    %dma_start3A_469 = tpu.memref_slice %arg5[%dma_start3A_467, %dma_start3A_468] : memref<80x128xi32, #tpu.memory_space<vmem>> -> memref<1x128xi32, #tpu.memory_space<vmem>>
    %dma_start3A_470 = tpu.memref_squeeze %dma_start3A_469 : memref<1x128xi32, #tpu.memory_space<vmem>> -> memref<128xi32, #tpu.memory_space<vmem>>
    %dma_start3A_471 = arith.constant 0 : i32
    %dma_start3A_472 = tpu.memref_slice %arg8[%dma_start3A_471] : memref<10240xf32, #tpu.memory_space<vmem_shared>> -> memref<10240xf32, #tpu.memory_space<vmem_shared>>
    tpu.enqueue_indirect_dma source(%arg6 : memref<128xf32, #tpu.memory_space<vmem>>) target(%dma_start3A_472 : memref<10240xf32, #tpu.memory_space<vmem_shared>>) offsets(%dma_start3A_470 : memref<128xi32, #tpu.memory_space<vmem>>) semaphore(%arg9 : memref<!tpu.dma_semaphore, #tpu.memory_space<semaphore_mem>>) {add = true}
    %dma_wait3A_473 = arith.constant 11 : i32
    %dma_wait3A_474 = arith.constant 0 : i32
    %dma_wait3A_475 = tpu.memref_slice %arg5[%dma_wait3A_473, %dma_wait3A_474] : memref<80x128xi32, #tpu.memory_space<vmem>> -> memref<1x128xi32, #tpu.memory_space<vmem>>
    %dma_wait3A_476 = tpu.memref_squeeze %dma_wait3A_475 : memref<1x128xi32, #tpu.memory_space<vmem>> -> memref<128xi32, #tpu.memory_space<vmem>>
    %dma_wait3A_477 = arith.constant 0 : i32
    %dma_wait3A_478 = tpu.memref_slice %arg8[%dma_wait3A_477] : memref<10240xf32, #tpu.memory_space<vmem_shared>> -> memref<10240xf32, #tpu.memory_space<vmem_shared>>
    tpu.wait_indirect_dma semaphore(%arg9 : memref<!tpu.dma_semaphore, #tpu.memory_space<semaphore_mem>>) src(%arg6 : memref<128xf32, #tpu.memory_space<vmem>>) dst(%dma_wait3A_478 : memref<10240xf32, #tpu.memory_space<vmem_shared>>)
    %dma_start3A_479 = arith.constant 19 : i32
    %dma_start3A_480 = arith.constant 0 : i32
    %dma_start3A_481 = tpu.memref_slice %arg5[%dma_start3A_479, %dma_start3A_480] : memref<80x128xi32, #tpu.memory_space<vmem>> -> memref<1x128xi32, #tpu.memory_space<vmem>>
    %dma_start3A_482 = tpu.memref_squeeze %dma_start3A_481 : memref<1x128xi32, #tpu.memory_space<vmem>> -> memref<128xi32, #tpu.memory_space<vmem>>
    %dma_start3A_483 = arith.constant 0 : i32
    %dma_start3A_484 = tpu.memref_slice %arg8[%dma_start3A_483] : memref<10240xf32, #tpu.memory_space<vmem_shared>> -> memref<10240xf32, #tpu.memory_space<vmem_shared>>
    tpu.enqueue_indirect_dma source(%arg6 : memref<128xf32, #tpu.memory_space<vmem>>) target(%dma_start3A_484 : memref<10240xf32, #tpu.memory_space<vmem_shared>>) offsets(%dma_start3A_482 : memref<128xi32, #tpu.memory_space<vmem>>) semaphore(%arg9 : memref<!tpu.dma_semaphore, #tpu.memory_space<semaphore_mem>>) {add = true}
    %dma_wait3A_485 = arith.constant 12 : i32
    %dma_wait3A_486 = arith.constant 0 : i32
    %dma_wait3A_487 = tpu.memref_slice %arg5[%dma_wait3A_485, %dma_wait3A_486] : memref<80x128xi32, #tpu.memory_space<vmem>> -> memref<1x128xi32, #tpu.memory_space<vmem>>
    %dma_wait3A_488 = tpu.memref_squeeze %dma_wait3A_487 : memref<1x128xi32, #tpu.memory_space<vmem>> -> memref<128xi32, #tpu.memory_space<vmem>>
    %dma_wait3A_489 = arith.constant 0 : i32
    %dma_wait3A_490 = tpu.memref_slice %arg8[%dma_wait3A_489] : memref<10240xf32, #tpu.memory_space<vmem_shared>> -> memref<10240xf32, #tpu.memory_space<vmem_shared>>
    tpu.wait_indirect_dma semaphore(%arg9 : memref<!tpu.dma_semaphore, #tpu.memory_space<semaphore_mem>>) src(%arg6 : memref<128xf32, #tpu.memory_space<vmem>>) dst(%dma_wait3A_490 : memref<10240xf32, #tpu.memory_space<vmem_shared>>)
    %dma_start3A_491 = arith.constant 20 : i32
    %dma_start3A_492 = arith.constant 0 : i32
    %dma_start3A_493 = tpu.memref_slice %arg5[%dma_start3A_491, %dma_start3A_492] : memref<80x128xi32, #tpu.memory_space<vmem>> -> memref<1x128xi32, #tpu.memory_space<vmem>>
    %dma_start3A_494 = tpu.memref_squeeze %dma_start3A_493 : memref<1x128xi32, #tpu.memory_space<vmem>> -> memref<128xi32, #tpu.memory_space<vmem>>
    %dma_start3A_495 = arith.constant 0 : i32
    %dma_start3A_496 = tpu.memref_slice %arg8[%dma_start3A_495] : memref<10240xf32, #tpu.memory_space<vmem_shared>> -> memref<10240xf32, #tpu.memory_space<vmem_shared>>
    tpu.enqueue_indirect_dma source(%arg6 : memref<128xf32, #tpu.memory_space<vmem>>) target(%dma_start3A_496 : memref<10240xf32, #tpu.memory_space<vmem_shared>>) offsets(%dma_start3A_494 : memref<128xi32, #tpu.memory_space<vmem>>) semaphore(%arg9 : memref<!tpu.dma_semaphore, #tpu.memory_space<semaphore_mem>>) {add = true}
    %dma_wait3A_497 = arith.constant 13 : i32
    %dma_wait3A_498 = arith.constant 0 : i32
    %dma_wait3A_499 = tpu.memref_slice %arg5[%dma_wait3A_497, %dma_wait3A_498] : memref<80x128xi32, #tpu.memory_space<vmem>> -> memref<1x128xi32, #tpu.memory_space<vmem>>
    %dma_wait3A_500 = tpu.memref_squeeze %dma_wait3A_499 : memref<1x128xi32, #tpu.memory_space<vmem>> -> memref<128xi32, #tpu.memory_space<vmem>>
    %dma_wait3A_501 = arith.constant 0 : i32
    %dma_wait3A_502 = tpu.memref_slice %arg8[%dma_wait3A_501] : memref<10240xf32, #tpu.memory_space<vmem_shared>> -> memref<10240xf32, #tpu.memory_space<vmem_shared>>
    tpu.wait_indirect_dma semaphore(%arg9 : memref<!tpu.dma_semaphore, #tpu.memory_space<semaphore_mem>>) src(%arg6 : memref<128xf32, #tpu.memory_space<vmem>>) dst(%dma_wait3A_502 : memref<10240xf32, #tpu.memory_space<vmem_shared>>)
    %dma_start3A_503 = arith.constant 21 : i32
    %dma_start3A_504 = arith.constant 0 : i32
    %dma_start3A_505 = tpu.memref_slice %arg5[%dma_start3A_503, %dma_start3A_504] : memref<80x128xi32, #tpu.memory_space<vmem>> -> memref<1x128xi32, #tpu.memory_space<vmem>>
    %dma_start3A_506 = tpu.memref_squeeze %dma_start3A_505 : memref<1x128xi32, #tpu.memory_space<vmem>> -> memref<128xi32, #tpu.memory_space<vmem>>
    %dma_start3A_507 = arith.constant 0 : i32
    %dma_start3A_508 = tpu.memref_slice %arg8[%dma_start3A_507] : memref<10240xf32, #tpu.memory_space<vmem_shared>> -> memref<10240xf32, #tpu.memory_space<vmem_shared>>
    tpu.enqueue_indirect_dma source(%arg6 : memref<128xf32, #tpu.memory_space<vmem>>) target(%dma_start3A_508 : memref<10240xf32, #tpu.memory_space<vmem_shared>>) offsets(%dma_start3A_506 : memref<128xi32, #tpu.memory_space<vmem>>) semaphore(%arg9 : memref<!tpu.dma_semaphore, #tpu.memory_space<semaphore_mem>>) {add = true}
    %dma_wait3A_509 = arith.constant 14 : i32
    %dma_wait3A_510 = arith.constant 0 : i32
    %dma_wait3A_511 = tpu.memref_slice %arg5[%dma_wait3A_509, %dma_wait3A_510] : memref<80x128xi32, #tpu.memory_space<vmem>> -> memref<1x128xi32, #tpu.memory_space<vmem>>
    %dma_wait3A_512 = tpu.memref_squeeze %dma_wait3A_511 : memref<1x128xi32, #tpu.memory_space<vmem>> -> memref<128xi32, #tpu.memory_space<vmem>>
    %dma_wait3A_513 = arith.constant 0 : i32
    %dma_wait3A_514 = tpu.memref_slice %arg8[%dma_wait3A_513] : memref<10240xf32, #tpu.memory_space<vmem_shared>> -> memref<10240xf32, #tpu.memory_space<vmem_shared>>
    tpu.wait_indirect_dma semaphore(%arg9 : memref<!tpu.dma_semaphore, #tpu.memory_space<semaphore_mem>>) src(%arg6 : memref<128xf32, #tpu.memory_space<vmem>>) dst(%dma_wait3A_514 : memref<10240xf32, #tpu.memory_space<vmem_shared>>)
    %dma_start3A_515 = arith.constant 22 : i32
    %dma_start3A_516 = arith.constant 0 : i32
    %dma_start3A_517 = tpu.memref_slice %arg5[%dma_start3A_515, %dma_start3A_516] : memref<80x128xi32, #tpu.memory_space<vmem>> -> memref<1x128xi32, #tpu.memory_space<vmem>>
    %dma_start3A_518 = tpu.memref_squeeze %dma_start3A_517 : memref<1x128xi32, #tpu.memory_space<vmem>> -> memref<128xi32, #tpu.memory_space<vmem>>
    %dma_start3A_519 = arith.constant 0 : i32
    %dma_start3A_520 = tpu.memref_slice %arg8[%dma_start3A_519] : memref<10240xf32, #tpu.memory_space<vmem_shared>> -> memref<10240xf32, #tpu.memory_space<vmem_shared>>
    tpu.enqueue_indirect_dma source(%arg6 : memref<128xf32, #tpu.memory_space<vmem>>) target(%dma_start3A_520 : memref<10240xf32, #tpu.memory_space<vmem_shared>>) offsets(%dma_start3A_518 : memref<128xi32, #tpu.memory_space<vmem>>) semaphore(%arg9 : memref<!tpu.dma_semaphore, #tpu.memory_space<semaphore_mem>>) {add = true}
    %dma_wait3A_521 = arith.constant 15 : i32
    %dma_wait3A_522 = arith.constant 0 : i32
    %dma_wait3A_523 = tpu.memref_slice %arg5[%dma_wait3A_521, %dma_wait3A_522] : memref<80x128xi32, #tpu.memory_space<vmem>> -> memref<1x128xi32, #tpu.memory_space<vmem>>
    %dma_wait3A_524 = tpu.memref_squeeze %dma_wait3A_523 : memref<1x128xi32, #tpu.memory_space<vmem>> -> memref<128xi32, #tpu.memory_space<vmem>>
    %dma_wait3A_525 = arith.constant 0 : i32
    %dma_wait3A_526 = tpu.memref_slice %arg8[%dma_wait3A_525] : memref<10240xf32, #tpu.memory_space<vmem_shared>> -> memref<10240xf32, #tpu.memory_space<vmem_shared>>
    tpu.wait_indirect_dma semaphore(%arg9 : memref<!tpu.dma_semaphore, #tpu.memory_space<semaphore_mem>>) src(%arg6 : memref<128xf32, #tpu.memory_space<vmem>>) dst(%dma_wait3A_526 : memref<10240xf32, #tpu.memory_space<vmem_shared>>)
    %dma_start3A_527 = arith.constant 23 : i32
    %dma_start3A_528 = arith.constant 0 : i32
    %dma_start3A_529 = tpu.memref_slice %arg5[%dma_start3A_527, %dma_start3A_528] : memref<80x128xi32, #tpu.memory_space<vmem>> -> memref<1x128xi32, #tpu.memory_space<vmem>>
    %dma_start3A_530 = tpu.memref_squeeze %dma_start3A_529 : memref<1x128xi32, #tpu.memory_space<vmem>> -> memref<128xi32, #tpu.memory_space<vmem>>
    %dma_start3A_531 = arith.constant 0 : i32
    %dma_start3A_532 = tpu.memref_slice %arg8[%dma_start3A_531] : memref<10240xf32, #tpu.memory_space<vmem_shared>> -> memref<10240xf32, #tpu.memory_space<vmem_shared>>
    tpu.enqueue_indirect_dma source(%arg6 : memref<128xf32, #tpu.memory_space<vmem>>) target(%dma_start3A_532 : memref<10240xf32, #tpu.memory_space<vmem_shared>>) offsets(%dma_start3A_530 : memref<128xi32, #tpu.memory_space<vmem>>) semaphore(%arg9 : memref<!tpu.dma_semaphore, #tpu.memory_space<semaphore_mem>>) {add = true}
    %dma_wait3A_533 = arith.constant 16 : i32
    %dma_wait3A_534 = arith.constant 0 : i32
    %dma_wait3A_535 = tpu.memref_slice %arg5[%dma_wait3A_533, %dma_wait3A_534] : memref<80x128xi32, #tpu.memory_space<vmem>> -> memref<1x128xi32, #tpu.memory_space<vmem>>
    %dma_wait3A_536 = tpu.memref_squeeze %dma_wait3A_535 : memref<1x128xi32, #tpu.memory_space<vmem>> -> memref<128xi32, #tpu.memory_space<vmem>>
    %dma_wait3A_537 = arith.constant 0 : i32
    %dma_wait3A_538 = tpu.memref_slice %arg8[%dma_wait3A_537] : memref<10240xf32, #tpu.memory_space<vmem_shared>> -> memref<10240xf32, #tpu.memory_space<vmem_shared>>
    tpu.wait_indirect_dma semaphore(%arg9 : memref<!tpu.dma_semaphore, #tpu.memory_space<semaphore_mem>>) src(%arg6 : memref<128xf32, #tpu.memory_space<vmem>>) dst(%dma_wait3A_538 : memref<10240xf32, #tpu.memory_space<vmem_shared>>)
    %dma_start3A_539 = arith.constant 24 : i32
    %dma_start3A_540 = arith.constant 0 : i32
    %dma_start3A_541 = tpu.memref_slice %arg5[%dma_start3A_539, %dma_start3A_540] : memref<80x128xi32, #tpu.memory_space<vmem>> -> memref<1x128xi32, #tpu.memory_space<vmem>>
    %dma_start3A_542 = tpu.memref_squeeze %dma_start3A_541 : memref<1x128xi32, #tpu.memory_space<vmem>> -> memref<128xi32, #tpu.memory_space<vmem>>
    %dma_start3A_543 = arith.constant 0 : i32
    %dma_start3A_544 = tpu.memref_slice %arg8[%dma_start3A_543] : memref<10240xf32, #tpu.memory_space<vmem_shared>> -> memref<10240xf32, #tpu.memory_space<vmem_shared>>
    tpu.enqueue_indirect_dma source(%arg6 : memref<128xf32, #tpu.memory_space<vmem>>) target(%dma_start3A_544 : memref<10240xf32, #tpu.memory_space<vmem_shared>>) offsets(%dma_start3A_542 : memref<128xi32, #tpu.memory_space<vmem>>) semaphore(%arg9 : memref<!tpu.dma_semaphore, #tpu.memory_space<semaphore_mem>>) {add = true}
    %dma_wait3A_545 = arith.constant 17 : i32
    %dma_wait3A_546 = arith.constant 0 : i32
    %dma_wait3A_547 = tpu.memref_slice %arg5[%dma_wait3A_545, %dma_wait3A_546] : memref<80x128xi32, #tpu.memory_space<vmem>> -> memref<1x128xi32, #tpu.memory_space<vmem>>
    %dma_wait3A_548 = tpu.memref_squeeze %dma_wait3A_547 : memref<1x128xi32, #tpu.memory_space<vmem>> -> memref<128xi32, #tpu.memory_space<vmem>>
    %dma_wait3A_549 = arith.constant 0 : i32
    %dma_wait3A_550 = tpu.memref_slice %arg8[%dma_wait3A_549] : memref<10240xf32, #tpu.memory_space<vmem_shared>> -> memref<10240xf32, #tpu.memory_space<vmem_shared>>
    tpu.wait_indirect_dma semaphore(%arg9 : memref<!tpu.dma_semaphore, #tpu.memory_space<semaphore_mem>>) src(%arg6 : memref<128xf32, #tpu.memory_space<vmem>>) dst(%dma_wait3A_550 : memref<10240xf32, #tpu.memory_space<vmem_shared>>)
    %dma_start3A_551 = arith.constant 25 : i32
    %dma_start3A_552 = arith.constant 0 : i32
    %dma_start3A_553 = tpu.memref_slice %arg5[%dma_start3A_551, %dma_start3A_552] : memref<80x128xi32, #tpu.memory_space<vmem>> -> memref<1x128xi32, #tpu.memory_space<vmem>>
    %dma_start3A_554 = tpu.memref_squeeze %dma_start3A_553 : memref<1x128xi32, #tpu.memory_space<vmem>> -> memref<128xi32, #tpu.memory_space<vmem>>
    %dma_start3A_555 = arith.constant 0 : i32
    %dma_start3A_556 = tpu.memref_slice %arg8[%dma_start3A_555] : memref<10240xf32, #tpu.memory_space<vmem_shared>> -> memref<10240xf32, #tpu.memory_space<vmem_shared>>
    tpu.enqueue_indirect_dma source(%arg6 : memref<128xf32, #tpu.memory_space<vmem>>) target(%dma_start3A_556 : memref<10240xf32, #tpu.memory_space<vmem_shared>>) offsets(%dma_start3A_554 : memref<128xi32, #tpu.memory_space<vmem>>) semaphore(%arg9 : memref<!tpu.dma_semaphore, #tpu.memory_space<semaphore_mem>>) {add = true}
    %dma_wait3A_557 = arith.constant 18 : i32
    %dma_wait3A_558 = arith.constant 0 : i32
    %dma_wait3A_559 = tpu.memref_slice %arg5[%dma_wait3A_557, %dma_wait3A_558] : memref<80x128xi32, #tpu.memory_space<vmem>> -> memref<1x128xi32, #tpu.memory_space<vmem>>
    %dma_wait3A_560 = tpu.memref_squeeze %dma_wait3A_559 : memref<1x128xi32, #tpu.memory_space<vmem>> -> memref<128xi32, #tpu.memory_space<vmem>>
    %dma_wait3A_561 = arith.constant 0 : i32
    %dma_wait3A_562 = tpu.memref_slice %arg8[%dma_wait3A_561] : memref<10240xf32, #tpu.memory_space<vmem_shared>> -> memref<10240xf32, #tpu.memory_space<vmem_shared>>
    tpu.wait_indirect_dma semaphore(%arg9 : memref<!tpu.dma_semaphore, #tpu.memory_space<semaphore_mem>>) src(%arg6 : memref<128xf32, #tpu.memory_space<vmem>>) dst(%dma_wait3A_562 : memref<10240xf32, #tpu.memory_space<vmem_shared>>)
    %dma_start3A_563 = arith.constant 26 : i32
    %dma_start3A_564 = arith.constant 0 : i32
    %dma_start3A_565 = tpu.memref_slice %arg5[%dma_start3A_563, %dma_start3A_564] : memref<80x128xi32, #tpu.memory_space<vmem>> -> memref<1x128xi32, #tpu.memory_space<vmem>>
    %dma_start3A_566 = tpu.memref_squeeze %dma_start3A_565 : memref<1x128xi32, #tpu.memory_space<vmem>> -> memref<128xi32, #tpu.memory_space<vmem>>
    %dma_start3A_567 = arith.constant 0 : i32
    %dma_start3A_568 = tpu.memref_slice %arg8[%dma_start3A_567] : memref<10240xf32, #tpu.memory_space<vmem_shared>> -> memref<10240xf32, #tpu.memory_space<vmem_shared>>
    tpu.enqueue_indirect_dma source(%arg6 : memref<128xf32, #tpu.memory_space<vmem>>) target(%dma_start3A_568 : memref<10240xf32, #tpu.memory_space<vmem_shared>>) offsets(%dma_start3A_566 : memref<128xi32, #tpu.memory_space<vmem>>) semaphore(%arg9 : memref<!tpu.dma_semaphore, #tpu.memory_space<semaphore_mem>>) {add = true}
    %dma_wait3A_569 = arith.constant 19 : i32
    %dma_wait3A_570 = arith.constant 0 : i32
    %dma_wait3A_571 = tpu.memref_slice %arg5[%dma_wait3A_569, %dma_wait3A_570] : memref<80x128xi32, #tpu.memory_space<vmem>> -> memref<1x128xi32, #tpu.memory_space<vmem>>
    %dma_wait3A_572 = tpu.memref_squeeze %dma_wait3A_571 : memref<1x128xi32, #tpu.memory_space<vmem>> -> memref<128xi32, #tpu.memory_space<vmem>>
    %dma_wait3A_573 = arith.constant 0 : i32
    %dma_wait3A_574 = tpu.memref_slice %arg8[%dma_wait3A_573] : memref<10240xf32, #tpu.memory_space<vmem_shared>> -> memref<10240xf32, #tpu.memory_space<vmem_shared>>
    tpu.wait_indirect_dma semaphore(%arg9 : memref<!tpu.dma_semaphore, #tpu.memory_space<semaphore_mem>>) src(%arg6 : memref<128xf32, #tpu.memory_space<vmem>>) dst(%dma_wait3A_574 : memref<10240xf32, #tpu.memory_space<vmem_shared>>)
    %dma_start3A_575 = arith.constant 27 : i32
    %dma_start3A_576 = arith.constant 0 : i32
    %dma_start3A_577 = tpu.memref_slice %arg5[%dma_start3A_575, %dma_start3A_576] : memref<80x128xi32, #tpu.memory_space<vmem>> -> memref<1x128xi32, #tpu.memory_space<vmem>>
    %dma_start3A_578 = tpu.memref_squeeze %dma_start3A_577 : memref<1x128xi32, #tpu.memory_space<vmem>> -> memref<128xi32, #tpu.memory_space<vmem>>
    %dma_start3A_579 = arith.constant 0 : i32
    %dma_start3A_580 = tpu.memref_slice %arg8[%dma_start3A_579] : memref<10240xf32, #tpu.memory_space<vmem_shared>> -> memref<10240xf32, #tpu.memory_space<vmem_shared>>
    tpu.enqueue_indirect_dma source(%arg6 : memref<128xf32, #tpu.memory_space<vmem>>) target(%dma_start3A_580 : memref<10240xf32, #tpu.memory_space<vmem_shared>>) offsets(%dma_start3A_578 : memref<128xi32, #tpu.memory_space<vmem>>) semaphore(%arg9 : memref<!tpu.dma_semaphore, #tpu.memory_space<semaphore_mem>>) {add = true}
    %dma_wait3A_581 = arith.constant 20 : i32
    %dma_wait3A_582 = arith.constant 0 : i32
    %dma_wait3A_583 = tpu.memref_slice %arg5[%dma_wait3A_581, %dma_wait3A_582] : memref<80x128xi32, #tpu.memory_space<vmem>> -> memref<1x128xi32, #tpu.memory_space<vmem>>
    %dma_wait3A_584 = tpu.memref_squeeze %dma_wait3A_583 : memref<1x128xi32, #tpu.memory_space<vmem>> -> memref<128xi32, #tpu.memory_space<vmem>>
    %dma_wait3A_585 = arith.constant 0 : i32
    %dma_wait3A_586 = tpu.memref_slice %arg8[%dma_wait3A_585] : memref<10240xf32, #tpu.memory_space<vmem_shared>> -> memref<10240xf32, #tpu.memory_space<vmem_shared>>
    tpu.wait_indirect_dma semaphore(%arg9 : memref<!tpu.dma_semaphore, #tpu.memory_space<semaphore_mem>>) src(%arg6 : memref<128xf32, #tpu.memory_space<vmem>>) dst(%dma_wait3A_586 : memref<10240xf32, #tpu.memory_space<vmem_shared>>)
    %dma_start3A_587 = arith.constant 28 : i32
    %dma_start3A_588 = arith.constant 0 : i32
    %dma_start3A_589 = tpu.memref_slice %arg5[%dma_start3A_587, %dma_start3A_588] : memref<80x128xi32, #tpu.memory_space<vmem>> -> memref<1x128xi32, #tpu.memory_space<vmem>>
    %dma_start3A_590 = tpu.memref_squeeze %dma_start3A_589 : memref<1x128xi32, #tpu.memory_space<vmem>> -> memref<128xi32, #tpu.memory_space<vmem>>
    %dma_start3A_591 = arith.constant 0 : i32
    %dma_start3A_592 = tpu.memref_slice %arg8[%dma_start3A_591] : memref<10240xf32, #tpu.memory_space<vmem_shared>> -> memref<10240xf32, #tpu.memory_space<vmem_shared>>
    tpu.enqueue_indirect_dma source(%arg6 : memref<128xf32, #tpu.memory_space<vmem>>) target(%dma_start3A_592 : memref<10240xf32, #tpu.memory_space<vmem_shared>>) offsets(%dma_start3A_590 : memref<128xi32, #tpu.memory_space<vmem>>) semaphore(%arg9 : memref<!tpu.dma_semaphore, #tpu.memory_space<semaphore_mem>>) {add = true}
    %dma_wait3A_593 = arith.constant 21 : i32
    %dma_wait3A_594 = arith.constant 0 : i32
    %dma_wait3A_595 = tpu.memref_slice %arg5[%dma_wait3A_593, %dma_wait3A_594] : memref<80x128xi32, #tpu.memory_space<vmem>> -> memref<1x128xi32, #tpu.memory_space<vmem>>
    %dma_wait3A_596 = tpu.memref_squeeze %dma_wait3A_595 : memref<1x128xi32, #tpu.memory_space<vmem>> -> memref<128xi32, #tpu.memory_space<vmem>>
    %dma_wait3A_597 = arith.constant 0 : i32
    %dma_wait3A_598 = tpu.memref_slice %arg8[%dma_wait3A_597] : memref<10240xf32, #tpu.memory_space<vmem_shared>> -> memref<10240xf32, #tpu.memory_space<vmem_shared>>
    tpu.wait_indirect_dma semaphore(%arg9 : memref<!tpu.dma_semaphore, #tpu.memory_space<semaphore_mem>>) src(%arg6 : memref<128xf32, #tpu.memory_space<vmem>>) dst(%dma_wait3A_598 : memref<10240xf32, #tpu.memory_space<vmem_shared>>)
    %dma_start3A_599 = arith.constant 29 : i32
    %dma_start3A_600 = arith.constant 0 : i32
    %dma_start3A_601 = tpu.memref_slice %arg5[%dma_start3A_599, %dma_start3A_600] : memref<80x128xi32, #tpu.memory_space<vmem>> -> memref<1x128xi32, #tpu.memory_space<vmem>>
    %dma_start3A_602 = tpu.memref_squeeze %dma_start3A_601 : memref<1x128xi32, #tpu.memory_space<vmem>> -> memref<128xi32, #tpu.memory_space<vmem>>
    %dma_start3A_603 = arith.constant 0 : i32
    %dma_start3A_604 = tpu.memref_slice %arg8[%dma_start3A_603] : memref<10240xf32, #tpu.memory_space<vmem_shared>> -> memref<10240xf32, #tpu.memory_space<vmem_shared>>
    tpu.enqueue_indirect_dma source(%arg6 : memref<128xf32, #tpu.memory_space<vmem>>) target(%dma_start3A_604 : memref<10240xf32, #tpu.memory_space<vmem_shared>>) offsets(%dma_start3A_602 : memref<128xi32, #tpu.memory_space<vmem>>) semaphore(%arg9 : memref<!tpu.dma_semaphore, #tpu.memory_space<semaphore_mem>>) {add = true}
    %dma_wait3A_605 = arith.constant 22 : i32
    %dma_wait3A_606 = arith.constant 0 : i32
    %dma_wait3A_607 = tpu.memref_slice %arg5[%dma_wait3A_605, %dma_wait3A_606] : memref<80x128xi32, #tpu.memory_space<vmem>> -> memref<1x128xi32, #tpu.memory_space<vmem>>
    %dma_wait3A_608 = tpu.memref_squeeze %dma_wait3A_607 : memref<1x128xi32, #tpu.memory_space<vmem>> -> memref<128xi32, #tpu.memory_space<vmem>>
    %dma_wait3A_609 = arith.constant 0 : i32
    %dma_wait3A_610 = tpu.memref_slice %arg8[%dma_wait3A_609] : memref<10240xf32, #tpu.memory_space<vmem_shared>> -> memref<10240xf32, #tpu.memory_space<vmem_shared>>
    tpu.wait_indirect_dma semaphore(%arg9 : memref<!tpu.dma_semaphore, #tpu.memory_space<semaphore_mem>>) src(%arg6 : memref<128xf32, #tpu.memory_space<vmem>>) dst(%dma_wait3A_610 : memref<10240xf32, #tpu.memory_space<vmem_shared>>)
    %dma_start3A_611 = arith.constant 30 : i32
    %dma_start3A_612 = arith.constant 0 : i32
    %dma_start3A_613 = tpu.memref_slice %arg5[%dma_start3A_611, %dma_start3A_612] : memref<80x128xi32, #tpu.memory_space<vmem>> -> memref<1x128xi32, #tpu.memory_space<vmem>>
    %dma_start3A_614 = tpu.memref_squeeze %dma_start3A_613 : memref<1x128xi32, #tpu.memory_space<vmem>> -> memref<128xi32, #tpu.memory_space<vmem>>
    %dma_start3A_615 = arith.constant 0 : i32
    %dma_start3A_616 = tpu.memref_slice %arg8[%dma_start3A_615] : memref<10240xf32, #tpu.memory_space<vmem_shared>> -> memref<10240xf32, #tpu.memory_space<vmem_shared>>
    tpu.enqueue_indirect_dma source(%arg6 : memref<128xf32, #tpu.memory_space<vmem>>) target(%dma_start3A_616 : memref<10240xf32, #tpu.memory_space<vmem_shared>>) offsets(%dma_start3A_614 : memref<128xi32, #tpu.memory_space<vmem>>) semaphore(%arg9 : memref<!tpu.dma_semaphore, #tpu.memory_space<semaphore_mem>>) {add = true}
    %dma_wait3A_617 = arith.constant 23 : i32
    %dma_wait3A_618 = arith.constant 0 : i32
    %dma_wait3A_619 = tpu.memref_slice %arg5[%dma_wait3A_617, %dma_wait3A_618] : memref<80x128xi32, #tpu.memory_space<vmem>> -> memref<1x128xi32, #tpu.memory_space<vmem>>
    %dma_wait3A_620 = tpu.memref_squeeze %dma_wait3A_619 : memref<1x128xi32, #tpu.memory_space<vmem>> -> memref<128xi32, #tpu.memory_space<vmem>>
    %dma_wait3A_621 = arith.constant 0 : i32
    %dma_wait3A_622 = tpu.memref_slice %arg8[%dma_wait3A_621] : memref<10240xf32, #tpu.memory_space<vmem_shared>> -> memref<10240xf32, #tpu.memory_space<vmem_shared>>
    tpu.wait_indirect_dma semaphore(%arg9 : memref<!tpu.dma_semaphore, #tpu.memory_space<semaphore_mem>>) src(%arg6 : memref<128xf32, #tpu.memory_space<vmem>>) dst(%dma_wait3A_622 : memref<10240xf32, #tpu.memory_space<vmem_shared>>)
    %dma_start3A_623 = arith.constant 31 : i32
    %dma_start3A_624 = arith.constant 0 : i32
    %dma_start3A_625 = tpu.memref_slice %arg5[%dma_start3A_623, %dma_start3A_624] : memref<80x128xi32, #tpu.memory_space<vmem>> -> memref<1x128xi32, #tpu.memory_space<vmem>>
    %dma_start3A_626 = tpu.memref_squeeze %dma_start3A_625 : memref<1x128xi32, #tpu.memory_space<vmem>> -> memref<128xi32, #tpu.memory_space<vmem>>
    %dma_start3A_627 = arith.constant 0 : i32
    %dma_start3A_628 = tpu.memref_slice %arg8[%dma_start3A_627] : memref<10240xf32, #tpu.memory_space<vmem_shared>> -> memref<10240xf32, #tpu.memory_space<vmem_shared>>
    tpu.enqueue_indirect_dma source(%arg6 : memref<128xf32, #tpu.memory_space<vmem>>) target(%dma_start3A_628 : memref<10240xf32, #tpu.memory_space<vmem_shared>>) offsets(%dma_start3A_626 : memref<128xi32, #tpu.memory_space<vmem>>) semaphore(%arg9 : memref<!tpu.dma_semaphore, #tpu.memory_space<semaphore_mem>>) {add = true}
    %dma_wait3A_629 = arith.constant 24 : i32
    %dma_wait3A_630 = arith.constant 0 : i32
    %dma_wait3A_631 = tpu.memref_slice %arg5[%dma_wait3A_629, %dma_wait3A_630] : memref<80x128xi32, #tpu.memory_space<vmem>> -> memref<1x128xi32, #tpu.memory_space<vmem>>
    %dma_wait3A_632 = tpu.memref_squeeze %dma_wait3A_631 : memref<1x128xi32, #tpu.memory_space<vmem>> -> memref<128xi32, #tpu.memory_space<vmem>>
    %dma_wait3A_633 = arith.constant 0 : i32
    %dma_wait3A_634 = tpu.memref_slice %arg8[%dma_wait3A_633] : memref<10240xf32, #tpu.memory_space<vmem_shared>> -> memref<10240xf32, #tpu.memory_space<vmem_shared>>
    tpu.wait_indirect_dma semaphore(%arg9 : memref<!tpu.dma_semaphore, #tpu.memory_space<semaphore_mem>>) src(%arg6 : memref<128xf32, #tpu.memory_space<vmem>>) dst(%dma_wait3A_634 : memref<10240xf32, #tpu.memory_space<vmem_shared>>)
    %dma_start3A_635 = arith.constant 32 : i32
    %dma_start3A_636 = arith.constant 0 : i32
    %dma_start3A_637 = tpu.memref_slice %arg5[%dma_start3A_635, %dma_start3A_636] : memref<80x128xi32, #tpu.memory_space<vmem>> -> memref<1x128xi32, #tpu.memory_space<vmem>>
    %dma_start3A_638 = tpu.memref_squeeze %dma_start3A_637 : memref<1x128xi32, #tpu.memory_space<vmem>> -> memref<128xi32, #tpu.memory_space<vmem>>
    %dma_start3A_639 = arith.constant 0 : i32
    %dma_start3A_640 = tpu.memref_slice %arg8[%dma_start3A_639] : memref<10240xf32, #tpu.memory_space<vmem_shared>> -> memref<10240xf32, #tpu.memory_space<vmem_shared>>
    tpu.enqueue_indirect_dma source(%arg6 : memref<128xf32, #tpu.memory_space<vmem>>) target(%dma_start3A_640 : memref<10240xf32, #tpu.memory_space<vmem_shared>>) offsets(%dma_start3A_638 : memref<128xi32, #tpu.memory_space<vmem>>) semaphore(%arg9 : memref<!tpu.dma_semaphore, #tpu.memory_space<semaphore_mem>>) {add = true}
    %dma_wait3A_641 = arith.constant 25 : i32
    %dma_wait3A_642 = arith.constant 0 : i32
    %dma_wait3A_643 = tpu.memref_slice %arg5[%dma_wait3A_641, %dma_wait3A_642] : memref<80x128xi32, #tpu.memory_space<vmem>> -> memref<1x128xi32, #tpu.memory_space<vmem>>
    %dma_wait3A_644 = tpu.memref_squeeze %dma_wait3A_643 : memref<1x128xi32, #tpu.memory_space<vmem>> -> memref<128xi32, #tpu.memory_space<vmem>>
    %dma_wait3A_645 = arith.constant 0 : i32
    %dma_wait3A_646 = tpu.memref_slice %arg8[%dma_wait3A_645] : memref<10240xf32, #tpu.memory_space<vmem_shared>> -> memref<10240xf32, #tpu.memory_space<vmem_shared>>
    tpu.wait_indirect_dma semaphore(%arg9 : memref<!tpu.dma_semaphore, #tpu.memory_space<semaphore_mem>>) src(%arg6 : memref<128xf32, #tpu.memory_space<vmem>>) dst(%dma_wait3A_646 : memref<10240xf32, #tpu.memory_space<vmem_shared>>)
    %dma_start3A_647 = arith.constant 33 : i32
    %dma_start3A_648 = arith.constant 0 : i32
    %dma_start3A_649 = tpu.memref_slice %arg5[%dma_start3A_647, %dma_start3A_648] : memref<80x128xi32, #tpu.memory_space<vmem>> -> memref<1x128xi32, #tpu.memory_space<vmem>>
    %dma_start3A_650 = tpu.memref_squeeze %dma_start3A_649 : memref<1x128xi32, #tpu.memory_space<vmem>> -> memref<128xi32, #tpu.memory_space<vmem>>
    %dma_start3A_651 = arith.constant 0 : i32
    %dma_start3A_652 = tpu.memref_slice %arg8[%dma_start3A_651] : memref<10240xf32, #tpu.memory_space<vmem_shared>> -> memref<10240xf32, #tpu.memory_space<vmem_shared>>
    tpu.enqueue_indirect_dma source(%arg6 : memref<128xf32, #tpu.memory_space<vmem>>) target(%dma_start3A_652 : memref<10240xf32, #tpu.memory_space<vmem_shared>>) offsets(%dma_start3A_650 : memref<128xi32, #tpu.memory_space<vmem>>) semaphore(%arg9 : memref<!tpu.dma_semaphore, #tpu.memory_space<semaphore_mem>>) {add = true}
    %dma_wait3A_653 = arith.constant 26 : i32
    %dma_wait3A_654 = arith.constant 0 : i32
    %dma_wait3A_655 = tpu.memref_slice %arg5[%dma_wait3A_653, %dma_wait3A_654] : memref<80x128xi32, #tpu.memory_space<vmem>> -> memref<1x128xi32, #tpu.memory_space<vmem>>
    %dma_wait3A_656 = tpu.memref_squeeze %dma_wait3A_655 : memref<1x128xi32, #tpu.memory_space<vmem>> -> memref<128xi32, #tpu.memory_space<vmem>>
    %dma_wait3A_657 = arith.constant 0 : i32
    %dma_wait3A_658 = tpu.memref_slice %arg8[%dma_wait3A_657] : memref<10240xf32, #tpu.memory_space<vmem_shared>> -> memref<10240xf32, #tpu.memory_space<vmem_shared>>
    tpu.wait_indirect_dma semaphore(%arg9 : memref<!tpu.dma_semaphore, #tpu.memory_space<semaphore_mem>>) src(%arg6 : memref<128xf32, #tpu.memory_space<vmem>>) dst(%dma_wait3A_658 : memref<10240xf32, #tpu.memory_space<vmem_shared>>)
    %dma_start3A_659 = arith.constant 34 : i32
    %dma_start3A_660 = arith.constant 0 : i32
    %dma_start3A_661 = tpu.memref_slice %arg5[%dma_start3A_659, %dma_start3A_660] : memref<80x128xi32, #tpu.memory_space<vmem>> -> memref<1x128xi32, #tpu.memory_space<vmem>>
    %dma_start3A_662 = tpu.memref_squeeze %dma_start3A_661 : memref<1x128xi32, #tpu.memory_space<vmem>> -> memref<128xi32, #tpu.memory_space<vmem>>
    %dma_start3A_663 = arith.constant 0 : i32
    %dma_start3A_664 = tpu.memref_slice %arg8[%dma_start3A_663] : memref<10240xf32, #tpu.memory_space<vmem_shared>> -> memref<10240xf32, #tpu.memory_space<vmem_shared>>
    tpu.enqueue_indirect_dma source(%arg6 : memref<128xf32, #tpu.memory_space<vmem>>) target(%dma_start3A_664 : memref<10240xf32, #tpu.memory_space<vmem_shared>>) offsets(%dma_start3A_662 : memref<128xi32, #tpu.memory_space<vmem>>) semaphore(%arg9 : memref<!tpu.dma_semaphore, #tpu.memory_space<semaphore_mem>>) {add = true}
    %dma_wait3A_665 = arith.constant 27 : i32
    %dma_wait3A_666 = arith.constant 0 : i32
    %dma_wait3A_667 = tpu.memref_slice %arg5[%dma_wait3A_665, %dma_wait3A_666] : memref<80x128xi32, #tpu.memory_space<vmem>> -> memref<1x128xi32, #tpu.memory_space<vmem>>
    %dma_wait3A_668 = tpu.memref_squeeze %dma_wait3A_667 : memref<1x128xi32, #tpu.memory_space<vmem>> -> memref<128xi32, #tpu.memory_space<vmem>>
    %dma_wait3A_669 = arith.constant 0 : i32
    %dma_wait3A_670 = tpu.memref_slice %arg8[%dma_wait3A_669] : memref<10240xf32, #tpu.memory_space<vmem_shared>> -> memref<10240xf32, #tpu.memory_space<vmem_shared>>
    tpu.wait_indirect_dma semaphore(%arg9 : memref<!tpu.dma_semaphore, #tpu.memory_space<semaphore_mem>>) src(%arg6 : memref<128xf32, #tpu.memory_space<vmem>>) dst(%dma_wait3A_670 : memref<10240xf32, #tpu.memory_space<vmem_shared>>)
    %dma_start3A_671 = arith.constant 35 : i32
    %dma_start3A_672 = arith.constant 0 : i32
    %dma_start3A_673 = tpu.memref_slice %arg5[%dma_start3A_671, %dma_start3A_672] : memref<80x128xi32, #tpu.memory_space<vmem>> -> memref<1x128xi32, #tpu.memory_space<vmem>>
    %dma_start3A_674 = tpu.memref_squeeze %dma_start3A_673 : memref<1x128xi32, #tpu.memory_space<vmem>> -> memref<128xi32, #tpu.memory_space<vmem>>
    %dma_start3A_675 = arith.constant 0 : i32
    %dma_start3A_676 = tpu.memref_slice %arg8[%dma_start3A_675] : memref<10240xf32, #tpu.memory_space<vmem_shared>> -> memref<10240xf32, #tpu.memory_space<vmem_shared>>
    tpu.enqueue_indirect_dma source(%arg6 : memref<128xf32, #tpu.memory_space<vmem>>) target(%dma_start3A_676 : memref<10240xf32, #tpu.memory_space<vmem_shared>>) offsets(%dma_start3A_674 : memref<128xi32, #tpu.memory_space<vmem>>) semaphore(%arg9 : memref<!tpu.dma_semaphore, #tpu.memory_space<semaphore_mem>>) {add = true}
    %dma_wait3A_677 = arith.constant 28 : i32
    %dma_wait3A_678 = arith.constant 0 : i32
    %dma_wait3A_679 = tpu.memref_slice %arg5[%dma_wait3A_677, %dma_wait3A_678] : memref<80x128xi32, #tpu.memory_space<vmem>> -> memref<1x128xi32, #tpu.memory_space<vmem>>
    %dma_wait3A_680 = tpu.memref_squeeze %dma_wait3A_679 : memref<1x128xi32, #tpu.memory_space<vmem>> -> memref<128xi32, #tpu.memory_space<vmem>>
    %dma_wait3A_681 = arith.constant 0 : i32
    %dma_wait3A_682 = tpu.memref_slice %arg8[%dma_wait3A_681] : memref<10240xf32, #tpu.memory_space<vmem_shared>> -> memref<10240xf32, #tpu.memory_space<vmem_shared>>
    tpu.wait_indirect_dma semaphore(%arg9 : memref<!tpu.dma_semaphore, #tpu.memory_space<semaphore_mem>>) src(%arg6 : memref<128xf32, #tpu.memory_space<vmem>>) dst(%dma_wait3A_682 : memref<10240xf32, #tpu.memory_space<vmem_shared>>)
    %dma_start3A_683 = arith.constant 36 : i32
    %dma_start3A_684 = arith.constant 0 : i32
    %dma_start3A_685 = tpu.memref_slice %arg5[%dma_start3A_683, %dma_start3A_684] : memref<80x128xi32, #tpu.memory_space<vmem>> -> memref<1x128xi32, #tpu.memory_space<vmem>>
    %dma_start3A_686 = tpu.memref_squeeze %dma_start3A_685 : memref<1x128xi32, #tpu.memory_space<vmem>> -> memref<128xi32, #tpu.memory_space<vmem>>
    %dma_start3A_687 = arith.constant 0 : i32
    %dma_start3A_688 = tpu.memref_slice %arg8[%dma_start3A_687] : memref<10240xf32, #tpu.memory_space<vmem_shared>> -> memref<10240xf32, #tpu.memory_space<vmem_shared>>
    tpu.enqueue_indirect_dma source(%arg6 : memref<128xf32, #tpu.memory_space<vmem>>) target(%dma_start3A_688 : memref<10240xf32, #tpu.memory_space<vmem_shared>>) offsets(%dma_start3A_686 : memref<128xi32, #tpu.memory_space<vmem>>) semaphore(%arg9 : memref<!tpu.dma_semaphore, #tpu.memory_space<semaphore_mem>>) {add = true}
    %dma_wait3A_689 = arith.constant 29 : i32
    %dma_wait3A_690 = arith.constant 0 : i32
    %dma_wait3A_691 = tpu.memref_slice %arg5[%dma_wait3A_689, %dma_wait3A_690] : memref<80x128xi32, #tpu.memory_space<vmem>> -> memref<1x128xi32, #tpu.memory_space<vmem>>
    %dma_wait3A_692 = tpu.memref_squeeze %dma_wait3A_691 : memref<1x128xi32, #tpu.memory_space<vmem>> -> memref<128xi32, #tpu.memory_space<vmem>>
    %dma_wait3A_693 = arith.constant 0 : i32
    %dma_wait3A_694 = tpu.memref_slice %arg8[%dma_wait3A_693] : memref<10240xf32, #tpu.memory_space<vmem_shared>> -> memref<10240xf32, #tpu.memory_space<vmem_shared>>
    tpu.wait_indirect_dma semaphore(%arg9 : memref<!tpu.dma_semaphore, #tpu.memory_space<semaphore_mem>>) src(%arg6 : memref<128xf32, #tpu.memory_space<vmem>>) dst(%dma_wait3A_694 : memref<10240xf32, #tpu.memory_space<vmem_shared>>)
    %dma_start3A_695 = arith.constant 37 : i32
    %dma_start3A_696 = arith.constant 0 : i32
    %dma_start3A_697 = tpu.memref_slice %arg5[%dma_start3A_695, %dma_start3A_696] : memref<80x128xi32, #tpu.memory_space<vmem>> -> memref<1x128xi32, #tpu.memory_space<vmem>>
    %dma_start3A_698 = tpu.memref_squeeze %dma_start3A_697 : memref<1x128xi32, #tpu.memory_space<vmem>> -> memref<128xi32, #tpu.memory_space<vmem>>
    %dma_start3A_699 = arith.constant 0 : i32
    %dma_start3A_700 = tpu.memref_slice %arg8[%dma_start3A_699] : memref<10240xf32, #tpu.memory_space<vmem_shared>> -> memref<10240xf32, #tpu.memory_space<vmem_shared>>
    tpu.enqueue_indirect_dma source(%arg6 : memref<128xf32, #tpu.memory_space<vmem>>) target(%dma_start3A_700 : memref<10240xf32, #tpu.memory_space<vmem_shared>>) offsets(%dma_start3A_698 : memref<128xi32, #tpu.memory_space<vmem>>) semaphore(%arg9 : memref<!tpu.dma_semaphore, #tpu.memory_space<semaphore_mem>>) {add = true}
    %dma_wait3A_701 = arith.constant 30 : i32
    %dma_wait3A_702 = arith.constant 0 : i32
    %dma_wait3A_703 = tpu.memref_slice %arg5[%dma_wait3A_701, %dma_wait3A_702] : memref<80x128xi32, #tpu.memory_space<vmem>> -> memref<1x128xi32, #tpu.memory_space<vmem>>
    %dma_wait3A_704 = tpu.memref_squeeze %dma_wait3A_703 : memref<1x128xi32, #tpu.memory_space<vmem>> -> memref<128xi32, #tpu.memory_space<vmem>>
    %dma_wait3A_705 = arith.constant 0 : i32
    %dma_wait3A_706 = tpu.memref_slice %arg8[%dma_wait3A_705] : memref<10240xf32, #tpu.memory_space<vmem_shared>> -> memref<10240xf32, #tpu.memory_space<vmem_shared>>
    tpu.wait_indirect_dma semaphore(%arg9 : memref<!tpu.dma_semaphore, #tpu.memory_space<semaphore_mem>>) src(%arg6 : memref<128xf32, #tpu.memory_space<vmem>>) dst(%dma_wait3A_706 : memref<10240xf32, #tpu.memory_space<vmem_shared>>)
    %dma_start3A_707 = arith.constant 38 : i32
    %dma_start3A_708 = arith.constant 0 : i32
    %dma_start3A_709 = tpu.memref_slice %arg5[%dma_start3A_707, %dma_start3A_708] : memref<80x128xi32, #tpu.memory_space<vmem>> -> memref<1x128xi32, #tpu.memory_space<vmem>>
    %dma_start3A_710 = tpu.memref_squeeze %dma_start3A_709 : memref<1x128xi32, #tpu.memory_space<vmem>> -> memref<128xi32, #tpu.memory_space<vmem>>
    %dma_start3A_711 = arith.constant 0 : i32
    %dma_start3A_712 = tpu.memref_slice %arg8[%dma_start3A_711] : memref<10240xf32, #tpu.memory_space<vmem_shared>> -> memref<10240xf32, #tpu.memory_space<vmem_shared>>
    tpu.enqueue_indirect_dma source(%arg6 : memref<128xf32, #tpu.memory_space<vmem>>) target(%dma_start3A_712 : memref<10240xf32, #tpu.memory_space<vmem_shared>>) offsets(%dma_start3A_710 : memref<128xi32, #tpu.memory_space<vmem>>) semaphore(%arg9 : memref<!tpu.dma_semaphore, #tpu.memory_space<semaphore_mem>>) {add = true}
    %dma_wait3A_713 = arith.constant 31 : i32
    %dma_wait3A_714 = arith.constant 0 : i32
    %dma_wait3A_715 = tpu.memref_slice %arg5[%dma_wait3A_713, %dma_wait3A_714] : memref<80x128xi32, #tpu.memory_space<vmem>> -> memref<1x128xi32, #tpu.memory_space<vmem>>
    %dma_wait3A_716 = tpu.memref_squeeze %dma_wait3A_715 : memref<1x128xi32, #tpu.memory_space<vmem>> -> memref<128xi32, #tpu.memory_space<vmem>>
    %dma_wait3A_717 = arith.constant 0 : i32
    %dma_wait3A_718 = tpu.memref_slice %arg8[%dma_wait3A_717] : memref<10240xf32, #tpu.memory_space<vmem_shared>> -> memref<10240xf32, #tpu.memory_space<vmem_shared>>
    tpu.wait_indirect_dma semaphore(%arg9 : memref<!tpu.dma_semaphore, #tpu.memory_space<semaphore_mem>>) src(%arg6 : memref<128xf32, #tpu.memory_space<vmem>>) dst(%dma_wait3A_718 : memref<10240xf32, #tpu.memory_space<vmem_shared>>)
    %dma_start3A_719 = arith.constant 39 : i32
    %dma_start3A_720 = arith.constant 0 : i32
    %dma_start3A_721 = tpu.memref_slice %arg5[%dma_start3A_719, %dma_start3A_720] : memref<80x128xi32, #tpu.memory_space<vmem>> -> memref<1x128xi32, #tpu.memory_space<vmem>>
    %dma_start3A_722 = tpu.memref_squeeze %dma_start3A_721 : memref<1x128xi32, #tpu.memory_space<vmem>> -> memref<128xi32, #tpu.memory_space<vmem>>
    %dma_start3A_723 = arith.constant 0 : i32
    %dma_start3A_724 = tpu.memref_slice %arg8[%dma_start3A_723] : memref<10240xf32, #tpu.memory_space<vmem_shared>> -> memref<10240xf32, #tpu.memory_space<vmem_shared>>
    tpu.enqueue_indirect_dma source(%arg6 : memref<128xf32, #tpu.memory_space<vmem>>) target(%dma_start3A_724 : memref<10240xf32, #tpu.memory_space<vmem_shared>>) offsets(%dma_start3A_722 : memref<128xi32, #tpu.memory_space<vmem>>) semaphore(%arg9 : memref<!tpu.dma_semaphore, #tpu.memory_space<semaphore_mem>>) {add = true}
    %dma_wait3A_725 = arith.constant 32 : i32
    %dma_wait3A_726 = arith.constant 0 : i32
    %dma_wait3A_727 = tpu.memref_slice %arg5[%dma_wait3A_725, %dma_wait3A_726] : memref<80x128xi32, #tpu.memory_space<vmem>> -> memref<1x128xi32, #tpu.memory_space<vmem>>
    %dma_wait3A_728 = tpu.memref_squeeze %dma_wait3A_727 : memref<1x128xi32, #tpu.memory_space<vmem>> -> memref<128xi32, #tpu.memory_space<vmem>>
    %dma_wait3A_729 = arith.constant 0 : i32
    %dma_wait3A_730 = tpu.memref_slice %arg8[%dma_wait3A_729] : memref<10240xf32, #tpu.memory_space<vmem_shared>> -> memref<10240xf32, #tpu.memory_space<vmem_shared>>
    tpu.wait_indirect_dma semaphore(%arg9 : memref<!tpu.dma_semaphore, #tpu.memory_space<semaphore_mem>>) src(%arg6 : memref<128xf32, #tpu.memory_space<vmem>>) dst(%dma_wait3A_730 : memref<10240xf32, #tpu.memory_space<vmem_shared>>)
    %dma_start3A_731 = arith.constant 40 : i32
    %dma_start3A_732 = arith.constant 0 : i32
    %dma_start3A_733 = tpu.memref_slice %arg5[%dma_start3A_731, %dma_start3A_732] : memref<80x128xi32, #tpu.memory_space<vmem>> -> memref<1x128xi32, #tpu.memory_space<vmem>>
    %dma_start3A_734 = tpu.memref_squeeze %dma_start3A_733 : memref<1x128xi32, #tpu.memory_space<vmem>> -> memref<128xi32, #tpu.memory_space<vmem>>
    %dma_start3A_735 = arith.constant 0 : i32
    %dma_start3A_736 = tpu.memref_slice %arg8[%dma_start3A_735] : memref<10240xf32, #tpu.memory_space<vmem_shared>> -> memref<10240xf32, #tpu.memory_space<vmem_shared>>
    tpu.enqueue_indirect_dma source(%arg6 : memref<128xf32, #tpu.memory_space<vmem>>) target(%dma_start3A_736 : memref<10240xf32, #tpu.memory_space<vmem_shared>>) offsets(%dma_start3A_734 : memref<128xi32, #tpu.memory_space<vmem>>) semaphore(%arg9 : memref<!tpu.dma_semaphore, #tpu.memory_space<semaphore_mem>>) {add = true}
    %dma_wait3A_737 = arith.constant 33 : i32
    %dma_wait3A_738 = arith.constant 0 : i32
    %dma_wait3A_739 = tpu.memref_slice %arg5[%dma_wait3A_737, %dma_wait3A_738] : memref<80x128xi32, #tpu.memory_space<vmem>> -> memref<1x128xi32, #tpu.memory_space<vmem>>
    %dma_wait3A_740 = tpu.memref_squeeze %dma_wait3A_739 : memref<1x128xi32, #tpu.memory_space<vmem>> -> memref<128xi32, #tpu.memory_space<vmem>>
    %dma_wait3A_741 = arith.constant 0 : i32
    %dma_wait3A_742 = tpu.memref_slice %arg8[%dma_wait3A_741] : memref<10240xf32, #tpu.memory_space<vmem_shared>> -> memref<10240xf32, #tpu.memory_space<vmem_shared>>
    tpu.wait_indirect_dma semaphore(%arg9 : memref<!tpu.dma_semaphore, #tpu.memory_space<semaphore_mem>>) src(%arg6 : memref<128xf32, #tpu.memory_space<vmem>>) dst(%dma_wait3A_742 : memref<10240xf32, #tpu.memory_space<vmem_shared>>)
    %dma_start3A_743 = arith.constant 41 : i32
    %dma_start3A_744 = arith.constant 0 : i32
    %dma_start3A_745 = tpu.memref_slice %arg5[%dma_start3A_743, %dma_start3A_744] : memref<80x128xi32, #tpu.memory_space<vmem>> -> memref<1x128xi32, #tpu.memory_space<vmem>>
    %dma_start3A_746 = tpu.memref_squeeze %dma_start3A_745 : memref<1x128xi32, #tpu.memory_space<vmem>> -> memref<128xi32, #tpu.memory_space<vmem>>
    %dma_start3A_747 = arith.constant 0 : i32
    %dma_start3A_748 = tpu.memref_slice %arg8[%dma_start3A_747] : memref<10240xf32, #tpu.memory_space<vmem_shared>> -> memref<10240xf32, #tpu.memory_space<vmem_shared>>
    tpu.enqueue_indirect_dma source(%arg6 : memref<128xf32, #tpu.memory_space<vmem>>) target(%dma_start3A_748 : memref<10240xf32, #tpu.memory_space<vmem_shared>>) offsets(%dma_start3A_746 : memref<128xi32, #tpu.memory_space<vmem>>) semaphore(%arg9 : memref<!tpu.dma_semaphore, #tpu.memory_space<semaphore_mem>>) {add = true}
    %dma_wait3A_749 = arith.constant 34 : i32
    %dma_wait3A_750 = arith.constant 0 : i32
    %dma_wait3A_751 = tpu.memref_slice %arg5[%dma_wait3A_749, %dma_wait3A_750] : memref<80x128xi32, #tpu.memory_space<vmem>> -> memref<1x128xi32, #tpu.memory_space<vmem>>
    %dma_wait3A_752 = tpu.memref_squeeze %dma_wait3A_751 : memref<1x128xi32, #tpu.memory_space<vmem>> -> memref<128xi32, #tpu.memory_space<vmem>>
    %dma_wait3A_753 = arith.constant 0 : i32
    %dma_wait3A_754 = tpu.memref_slice %arg8[%dma_wait3A_753] : memref<10240xf32, #tpu.memory_space<vmem_shared>> -> memref<10240xf32, #tpu.memory_space<vmem_shared>>
    tpu.wait_indirect_dma semaphore(%arg9 : memref<!tpu.dma_semaphore, #tpu.memory_space<semaphore_mem>>) src(%arg6 : memref<128xf32, #tpu.memory_space<vmem>>) dst(%dma_wait3A_754 : memref<10240xf32, #tpu.memory_space<vmem_shared>>)
    %dma_start3A_755 = arith.constant 42 : i32
    %dma_start3A_756 = arith.constant 0 : i32
    %dma_start3A_757 = tpu.memref_slice %arg5[%dma_start3A_755, %dma_start3A_756] : memref<80x128xi32, #tpu.memory_space<vmem>> -> memref<1x128xi32, #tpu.memory_space<vmem>>
    %dma_start3A_758 = tpu.memref_squeeze %dma_start3A_757 : memref<1x128xi32, #tpu.memory_space<vmem>> -> memref<128xi32, #tpu.memory_space<vmem>>
    %dma_start3A_759 = arith.constant 0 : i32
    %dma_start3A_760 = tpu.memref_slice %arg8[%dma_start3A_759] : memref<10240xf32, #tpu.memory_space<vmem_shared>> -> memref<10240xf32, #tpu.memory_space<vmem_shared>>
    tpu.enqueue_indirect_dma source(%arg6 : memref<128xf32, #tpu.memory_space<vmem>>) target(%dma_start3A_760 : memref<10240xf32, #tpu.memory_space<vmem_shared>>) offsets(%dma_start3A_758 : memref<128xi32, #tpu.memory_space<vmem>>) semaphore(%arg9 : memref<!tpu.dma_semaphore, #tpu.memory_space<semaphore_mem>>) {add = true}
    %dma_wait3A_761 = arith.constant 35 : i32
    %dma_wait3A_762 = arith.constant 0 : i32
    %dma_wait3A_763 = tpu.memref_slice %arg5[%dma_wait3A_761, %dma_wait3A_762] : memref<80x128xi32, #tpu.memory_space<vmem>> -> memref<1x128xi32, #tpu.memory_space<vmem>>
    %dma_wait3A_764 = tpu.memref_squeeze %dma_wait3A_763 : memref<1x128xi32, #tpu.memory_space<vmem>> -> memref<128xi32, #tpu.memory_space<vmem>>
    %dma_wait3A_765 = arith.constant 0 : i32
    %dma_wait3A_766 = tpu.memref_slice %arg8[%dma_wait3A_765] : memref<10240xf32, #tpu.memory_space<vmem_shared>> -> memref<10240xf32, #tpu.memory_space<vmem_shared>>
    tpu.wait_indirect_dma semaphore(%arg9 : memref<!tpu.dma_semaphore, #tpu.memory_space<semaphore_mem>>) src(%arg6 : memref<128xf32, #tpu.memory_space<vmem>>) dst(%dma_wait3A_766 : memref<10240xf32, #tpu.memory_space<vmem_shared>>)
    %dma_start3A_767 = arith.constant 43 : i32
    %dma_start3A_768 = arith.constant 0 : i32
    %dma_start3A_769 = tpu.memref_slice %arg5[%dma_start3A_767, %dma_start3A_768] : memref<80x128xi32, #tpu.memory_space<vmem>> -> memref<1x128xi32, #tpu.memory_space<vmem>>
    %dma_start3A_770 = tpu.memref_squeeze %dma_start3A_769 : memref<1x128xi32, #tpu.memory_space<vmem>> -> memref<128xi32, #tpu.memory_space<vmem>>
    %dma_start3A_771 = arith.constant 0 : i32
    %dma_start3A_772 = tpu.memref_slice %arg8[%dma_start3A_771] : memref<10240xf32, #tpu.memory_space<vmem_shared>> -> memref<10240xf32, #tpu.memory_space<vmem_shared>>
    tpu.enqueue_indirect_dma source(%arg6 : memref<128xf32, #tpu.memory_space<vmem>>) target(%dma_start3A_772 : memref<10240xf32, #tpu.memory_space<vmem_shared>>) offsets(%dma_start3A_770 : memref<128xi32, #tpu.memory_space<vmem>>) semaphore(%arg9 : memref<!tpu.dma_semaphore, #tpu.memory_space<semaphore_mem>>) {add = true}
    %dma_wait3A_773 = arith.constant 36 : i32
    %dma_wait3A_774 = arith.constant 0 : i32
    %dma_wait3A_775 = tpu.memref_slice %arg5[%dma_wait3A_773, %dma_wait3A_774] : memref<80x128xi32, #tpu.memory_space<vmem>> -> memref<1x128xi32, #tpu.memory_space<vmem>>
    %dma_wait3A_776 = tpu.memref_squeeze %dma_wait3A_775 : memref<1x128xi32, #tpu.memory_space<vmem>> -> memref<128xi32, #tpu.memory_space<vmem>>
    %dma_wait3A_777 = arith.constant 0 : i32
    %dma_wait3A_778 = tpu.memref_slice %arg8[%dma_wait3A_777] : memref<10240xf32, #tpu.memory_space<vmem_shared>> -> memref<10240xf32, #tpu.memory_space<vmem_shared>>
    tpu.wait_indirect_dma semaphore(%arg9 : memref<!tpu.dma_semaphore, #tpu.memory_space<semaphore_mem>>) src(%arg6 : memref<128xf32, #tpu.memory_space<vmem>>) dst(%dma_wait3A_778 : memref<10240xf32, #tpu.memory_space<vmem_shared>>)
    %dma_start3A_779 = arith.constant 44 : i32
    %dma_start3A_780 = arith.constant 0 : i32
    %dma_start3A_781 = tpu.memref_slice %arg5[%dma_start3A_779, %dma_start3A_780] : memref<80x128xi32, #tpu.memory_space<vmem>> -> memref<1x128xi32, #tpu.memory_space<vmem>>
    %dma_start3A_782 = tpu.memref_squeeze %dma_start3A_781 : memref<1x128xi32, #tpu.memory_space<vmem>> -> memref<128xi32, #tpu.memory_space<vmem>>
    %dma_start3A_783 = arith.constant 0 : i32
    %dma_start3A_784 = tpu.memref_slice %arg8[%dma_start3A_783] : memref<10240xf32, #tpu.memory_space<vmem_shared>> -> memref<10240xf32, #tpu.memory_space<vmem_shared>>
    tpu.enqueue_indirect_dma source(%arg6 : memref<128xf32, #tpu.memory_space<vmem>>) target(%dma_start3A_784 : memref<10240xf32, #tpu.memory_space<vmem_shared>>) offsets(%dma_start3A_782 : memref<128xi32, #tpu.memory_space<vmem>>) semaphore(%arg9 : memref<!tpu.dma_semaphore, #tpu.memory_space<semaphore_mem>>) {add = true}
    %dma_wait3A_785 = arith.constant 37 : i32
    %dma_wait3A_786 = arith.constant 0 : i32
    %dma_wait3A_787 = tpu.memref_slice %arg5[%dma_wait3A_785, %dma_wait3A_786] : memref<80x128xi32, #tpu.memory_space<vmem>> -> memref<1x128xi32, #tpu.memory_space<vmem>>
    %dma_wait3A_788 = tpu.memref_squeeze %dma_wait3A_787 : memref<1x128xi32, #tpu.memory_space<vmem>> -> memref<128xi32, #tpu.memory_space<vmem>>
    %dma_wait3A_789 = arith.constant 0 : i32
    %dma_wait3A_790 = tpu.memref_slice %arg8[%dma_wait3A_789] : memref<10240xf32, #tpu.memory_space<vmem_shared>> -> memref<10240xf32, #tpu.memory_space<vmem_shared>>
    tpu.wait_indirect_dma semaphore(%arg9 : memref<!tpu.dma_semaphore, #tpu.memory_space<semaphore_mem>>) src(%arg6 : memref<128xf32, #tpu.memory_space<vmem>>) dst(%dma_wait3A_790 : memref<10240xf32, #tpu.memory_space<vmem_shared>>)
    %dma_start3A_791 = arith.constant 45 : i32
    %dma_start3A_792 = arith.constant 0 : i32
    %dma_start3A_793 = tpu.memref_slice %arg5[%dma_start3A_791, %dma_start3A_792] : memref<80x128xi32, #tpu.memory_space<vmem>> -> memref<1x128xi32, #tpu.memory_space<vmem>>
    %dma_start3A_794 = tpu.memref_squeeze %dma_start3A_793 : memref<1x128xi32, #tpu.memory_space<vmem>> -> memref<128xi32, #tpu.memory_space<vmem>>
    %dma_start3A_795 = arith.constant 0 : i32
    %dma_start3A_796 = tpu.memref_slice %arg8[%dma_start3A_795] : memref<10240xf32, #tpu.memory_space<vmem_shared>> -> memref<10240xf32, #tpu.memory_space<vmem_shared>>
    tpu.enqueue_indirect_dma source(%arg6 : memref<128xf32, #tpu.memory_space<vmem>>) target(%dma_start3A_796 : memref<10240xf32, #tpu.memory_space<vmem_shared>>) offsets(%dma_start3A_794 : memref<128xi32, #tpu.memory_space<vmem>>) semaphore(%arg9 : memref<!tpu.dma_semaphore, #tpu.memory_space<semaphore_mem>>) {add = true}
    %dma_wait3A_797 = arith.constant 38 : i32
    %dma_wait3A_798 = arith.constant 0 : i32
    %dma_wait3A_799 = tpu.memref_slice %arg5[%dma_wait3A_797, %dma_wait3A_798] : memref<80x128xi32, #tpu.memory_space<vmem>> -> memref<1x128xi32, #tpu.memory_space<vmem>>
    %dma_wait3A_800 = tpu.memref_squeeze %dma_wait3A_799 : memref<1x128xi32, #tpu.memory_space<vmem>> -> memref<128xi32, #tpu.memory_space<vmem>>
    %dma_wait3A_801 = arith.constant 0 : i32
    %dma_wait3A_802 = tpu.memref_slice %arg8[%dma_wait3A_801] : memref<10240xf32, #tpu.memory_space<vmem_shared>> -> memref<10240xf32, #tpu.memory_space<vmem_shared>>
    tpu.wait_indirect_dma semaphore(%arg9 : memref<!tpu.dma_semaphore, #tpu.memory_space<semaphore_mem>>) src(%arg6 : memref<128xf32, #tpu.memory_space<vmem>>) dst(%dma_wait3A_802 : memref<10240xf32, #tpu.memory_space<vmem_shared>>)
    %dma_start3A_803 = arith.constant 46 : i32
    %dma_start3A_804 = arith.constant 0 : i32
    %dma_start3A_805 = tpu.memref_slice %arg5[%dma_start3A_803, %dma_start3A_804] : memref<80x128xi32, #tpu.memory_space<vmem>> -> memref<1x128xi32, #tpu.memory_space<vmem>>
    %dma_start3A_806 = tpu.memref_squeeze %dma_start3A_805 : memref<1x128xi32, #tpu.memory_space<vmem>> -> memref<128xi32, #tpu.memory_space<vmem>>
    %dma_start3A_807 = arith.constant 0 : i32
    %dma_start3A_808 = tpu.memref_slice %arg8[%dma_start3A_807] : memref<10240xf32, #tpu.memory_space<vmem_shared>> -> memref<10240xf32, #tpu.memory_space<vmem_shared>>
    tpu.enqueue_indirect_dma source(%arg6 : memref<128xf32, #tpu.memory_space<vmem>>) target(%dma_start3A_808 : memref<10240xf32, #tpu.memory_space<vmem_shared>>) offsets(%dma_start3A_806 : memref<128xi32, #tpu.memory_space<vmem>>) semaphore(%arg9 : memref<!tpu.dma_semaphore, #tpu.memory_space<semaphore_mem>>) {add = true}
    %dma_wait3A_809 = arith.constant 39 : i32
    %dma_wait3A_810 = arith.constant 0 : i32
    %dma_wait3A_811 = tpu.memref_slice %arg5[%dma_wait3A_809, %dma_wait3A_810] : memref<80x128xi32, #tpu.memory_space<vmem>> -> memref<1x128xi32, #tpu.memory_space<vmem>>
    %dma_wait3A_812 = tpu.memref_squeeze %dma_wait3A_811 : memref<1x128xi32, #tpu.memory_space<vmem>> -> memref<128xi32, #tpu.memory_space<vmem>>
    %dma_wait3A_813 = arith.constant 0 : i32
    %dma_wait3A_814 = tpu.memref_slice %arg8[%dma_wait3A_813] : memref<10240xf32, #tpu.memory_space<vmem_shared>> -> memref<10240xf32, #tpu.memory_space<vmem_shared>>
    tpu.wait_indirect_dma semaphore(%arg9 : memref<!tpu.dma_semaphore, #tpu.memory_space<semaphore_mem>>) src(%arg6 : memref<128xf32, #tpu.memory_space<vmem>>) dst(%dma_wait3A_814 : memref<10240xf32, #tpu.memory_space<vmem_shared>>)
    %dma_start3A_815 = arith.constant 47 : i32
    %dma_start3A_816 = arith.constant 0 : i32
    %dma_start3A_817 = tpu.memref_slice %arg5[%dma_start3A_815, %dma_start3A_816] : memref<80x128xi32, #tpu.memory_space<vmem>> -> memref<1x128xi32, #tpu.memory_space<vmem>>
    %dma_start3A_818 = tpu.memref_squeeze %dma_start3A_817 : memref<1x128xi32, #tpu.memory_space<vmem>> -> memref<128xi32, #tpu.memory_space<vmem>>
    %dma_start3A_819 = arith.constant 0 : i32
    %dma_start3A_820 = tpu.memref_slice %arg8[%dma_start3A_819] : memref<10240xf32, #tpu.memory_space<vmem_shared>> -> memref<10240xf32, #tpu.memory_space<vmem_shared>>
    tpu.enqueue_indirect_dma source(%arg6 : memref<128xf32, #tpu.memory_space<vmem>>) target(%dma_start3A_820 : memref<10240xf32, #tpu.memory_space<vmem_shared>>) offsets(%dma_start3A_818 : memref<128xi32, #tpu.memory_space<vmem>>) semaphore(%arg9 : memref<!tpu.dma_semaphore, #tpu.memory_space<semaphore_mem>>) {add = true}
    %dma_wait3A_821 = arith.constant 40 : i32
    %dma_wait3A_822 = arith.constant 0 : i32
    %dma_wait3A_823 = tpu.memref_slice %arg5[%dma_wait3A_821, %dma_wait3A_822] : memref<80x128xi32, #tpu.memory_space<vmem>> -> memref<1x128xi32, #tpu.memory_space<vmem>>
    %dma_wait3A_824 = tpu.memref_squeeze %dma_wait3A_823 : memref<1x128xi32, #tpu.memory_space<vmem>> -> memref<128xi32, #tpu.memory_space<vmem>>
    %dma_wait3A_825 = arith.constant 0 : i32
    %dma_wait3A_826 = tpu.memref_slice %arg8[%dma_wait3A_825] : memref<10240xf32, #tpu.memory_space<vmem_shared>> -> memref<10240xf32, #tpu.memory_space<vmem_shared>>
    tpu.wait_indirect_dma semaphore(%arg9 : memref<!tpu.dma_semaphore, #tpu.memory_space<semaphore_mem>>) src(%arg6 : memref<128xf32, #tpu.memory_space<vmem>>) dst(%dma_wait3A_826 : memref<10240xf32, #tpu.memory_space<vmem_shared>>)
    %dma_start3A_827 = arith.constant 48 : i32
    %dma_start3A_828 = arith.constant 0 : i32
    %dma_start3A_829 = tpu.memref_slice %arg5[%dma_start3A_827, %dma_start3A_828] : memref<80x128xi32, #tpu.memory_space<vmem>> -> memref<1x128xi32, #tpu.memory_space<vmem>>
    %dma_start3A_830 = tpu.memref_squeeze %dma_start3A_829 : memref<1x128xi32, #tpu.memory_space<vmem>> -> memref<128xi32, #tpu.memory_space<vmem>>
    %dma_start3A_831 = arith.constant 0 : i32
    %dma_start3A_832 = tpu.memref_slice %arg8[%dma_start3A_831] : memref<10240xf32, #tpu.memory_space<vmem_shared>> -> memref<10240xf32, #tpu.memory_space<vmem_shared>>
    tpu.enqueue_indirect_dma source(%arg6 : memref<128xf32, #tpu.memory_space<vmem>>) target(%dma_start3A_832 : memref<10240xf32, #tpu.memory_space<vmem_shared>>) offsets(%dma_start3A_830 : memref<128xi32, #tpu.memory_space<vmem>>) semaphore(%arg9 : memref<!tpu.dma_semaphore, #tpu.memory_space<semaphore_mem>>) {add = true}
    %dma_wait3A_833 = arith.constant 41 : i32
    %dma_wait3A_834 = arith.constant 0 : i32
    %dma_wait3A_835 = tpu.memref_slice %arg5[%dma_wait3A_833, %dma_wait3A_834] : memref<80x128xi32, #tpu.memory_space<vmem>> -> memref<1x128xi32, #tpu.memory_space<vmem>>
    %dma_wait3A_836 = tpu.memref_squeeze %dma_wait3A_835 : memref<1x128xi32, #tpu.memory_space<vmem>> -> memref<128xi32, #tpu.memory_space<vmem>>
    %dma_wait3A_837 = arith.constant 0 : i32
    %dma_wait3A_838 = tpu.memref_slice %arg8[%dma_wait3A_837] : memref<10240xf32, #tpu.memory_space<vmem_shared>> -> memref<10240xf32, #tpu.memory_space<vmem_shared>>
    tpu.wait_indirect_dma semaphore(%arg9 : memref<!tpu.dma_semaphore, #tpu.memory_space<semaphore_mem>>) src(%arg6 : memref<128xf32, #tpu.memory_space<vmem>>) dst(%dma_wait3A_838 : memref<10240xf32, #tpu.memory_space<vmem_shared>>)
    %dma_start3A_839 = arith.constant 49 : i32
    %dma_start3A_840 = arith.constant 0 : i32
    %dma_start3A_841 = tpu.memref_slice %arg5[%dma_start3A_839, %dma_start3A_840] : memref<80x128xi32, #tpu.memory_space<vmem>> -> memref<1x128xi32, #tpu.memory_space<vmem>>
    %dma_start3A_842 = tpu.memref_squeeze %dma_start3A_841 : memref<1x128xi32, #tpu.memory_space<vmem>> -> memref<128xi32, #tpu.memory_space<vmem>>
    %dma_start3A_843 = arith.constant 0 : i32
    %dma_start3A_844 = tpu.memref_slice %arg8[%dma_start3A_843] : memref<10240xf32, #tpu.memory_space<vmem_shared>> -> memref<10240xf32, #tpu.memory_space<vmem_shared>>
    tpu.enqueue_indirect_dma source(%arg6 : memref<128xf32, #tpu.memory_space<vmem>>) target(%dma_start3A_844 : memref<10240xf32, #tpu.memory_space<vmem_shared>>) offsets(%dma_start3A_842 : memref<128xi32, #tpu.memory_space<vmem>>) semaphore(%arg9 : memref<!tpu.dma_semaphore, #tpu.memory_space<semaphore_mem>>) {add = true}
    %dma_wait3A_845 = arith.constant 42 : i32
    %dma_wait3A_846 = arith.constant 0 : i32
    %dma_wait3A_847 = tpu.memref_slice %arg5[%dma_wait3A_845, %dma_wait3A_846] : memref<80x128xi32, #tpu.memory_space<vmem>> -> memref<1x128xi32, #tpu.memory_space<vmem>>
    %dma_wait3A_848 = tpu.memref_squeeze %dma_wait3A_847 : memref<1x128xi32, #tpu.memory_space<vmem>> -> memref<128xi32, #tpu.memory_space<vmem>>
    %dma_wait3A_849 = arith.constant 0 : i32
    %dma_wait3A_850 = tpu.memref_slice %arg8[%dma_wait3A_849] : memref<10240xf32, #tpu.memory_space<vmem_shared>> -> memref<10240xf32, #tpu.memory_space<vmem_shared>>
    tpu.wait_indirect_dma semaphore(%arg9 : memref<!tpu.dma_semaphore, #tpu.memory_space<semaphore_mem>>) src(%arg6 : memref<128xf32, #tpu.memory_space<vmem>>) dst(%dma_wait3A_850 : memref<10240xf32, #tpu.memory_space<vmem_shared>>)
    %dma_start3A_851 = arith.constant 50 : i32
    %dma_start3A_852 = arith.constant 0 : i32
    %dma_start3A_853 = tpu.memref_slice %arg5[%dma_start3A_851, %dma_start3A_852] : memref<80x128xi32, #tpu.memory_space<vmem>> -> memref<1x128xi32, #tpu.memory_space<vmem>>
    %dma_start3A_854 = tpu.memref_squeeze %dma_start3A_853 : memref<1x128xi32, #tpu.memory_space<vmem>> -> memref<128xi32, #tpu.memory_space<vmem>>
    %dma_start3A_855 = arith.constant 0 : i32
    %dma_start3A_856 = tpu.memref_slice %arg8[%dma_start3A_855] : memref<10240xf32, #tpu.memory_space<vmem_shared>> -> memref<10240xf32, #tpu.memory_space<vmem_shared>>
    tpu.enqueue_indirect_dma source(%arg6 : memref<128xf32, #tpu.memory_space<vmem>>) target(%dma_start3A_856 : memref<10240xf32, #tpu.memory_space<vmem_shared>>) offsets(%dma_start3A_854 : memref<128xi32, #tpu.memory_space<vmem>>) semaphore(%arg9 : memref<!tpu.dma_semaphore, #tpu.memory_space<semaphore_mem>>) {add = true}
    %dma_wait3A_857 = arith.constant 43 : i32
    %dma_wait3A_858 = arith.constant 0 : i32
    %dma_wait3A_859 = tpu.memref_slice %arg5[%dma_wait3A_857, %dma_wait3A_858] : memref<80x128xi32, #tpu.memory_space<vmem>> -> memref<1x128xi32, #tpu.memory_space<vmem>>
    %dma_wait3A_860 = tpu.memref_squeeze %dma_wait3A_859 : memref<1x128xi32, #tpu.memory_space<vmem>> -> memref<128xi32, #tpu.memory_space<vmem>>
    %dma_wait3A_861 = arith.constant 0 : i32
    %dma_wait3A_862 = tpu.memref_slice %arg8[%dma_wait3A_861] : memref<10240xf32, #tpu.memory_space<vmem_shared>> -> memref<10240xf32, #tpu.memory_space<vmem_shared>>
    tpu.wait_indirect_dma semaphore(%arg9 : memref<!tpu.dma_semaphore, #tpu.memory_space<semaphore_mem>>) src(%arg6 : memref<128xf32, #tpu.memory_space<vmem>>) dst(%dma_wait3A_862 : memref<10240xf32, #tpu.memory_space<vmem_shared>>)
    %dma_start3A_863 = arith.constant 51 : i32
    %dma_start3A_864 = arith.constant 0 : i32
    %dma_start3A_865 = tpu.memref_slice %arg5[%dma_start3A_863, %dma_start3A_864] : memref<80x128xi32, #tpu.memory_space<vmem>> -> memref<1x128xi32, #tpu.memory_space<vmem>>
    %dma_start3A_866 = tpu.memref_squeeze %dma_start3A_865 : memref<1x128xi32, #tpu.memory_space<vmem>> -> memref<128xi32, #tpu.memory_space<vmem>>
    %dma_start3A_867 = arith.constant 0 : i32
    %dma_start3A_868 = tpu.memref_slice %arg8[%dma_start3A_867] : memref<10240xf32, #tpu.memory_space<vmem_shared>> -> memref<10240xf32, #tpu.memory_space<vmem_shared>>
    tpu.enqueue_indirect_dma source(%arg6 : memref<128xf32, #tpu.memory_space<vmem>>) target(%dma_start3A_868 : memref<10240xf32, #tpu.memory_space<vmem_shared>>) offsets(%dma_start3A_866 : memref<128xi32, #tpu.memory_space<vmem>>) semaphore(%arg9 : memref<!tpu.dma_semaphore, #tpu.memory_space<semaphore_mem>>) {add = true}
    %dma_wait3A_869 = arith.constant 44 : i32
    %dma_wait3A_870 = arith.constant 0 : i32
    %dma_wait3A_871 = tpu.memref_slice %arg5[%dma_wait3A_869, %dma_wait3A_870] : memref<80x128xi32, #tpu.memory_space<vmem>> -> memref<1x128xi32, #tpu.memory_space<vmem>>
    %dma_wait3A_872 = tpu.memref_squeeze %dma_wait3A_871 : memref<1x128xi32, #tpu.memory_space<vmem>> -> memref<128xi32, #tpu.memory_space<vmem>>
    %dma_wait3A_873 = arith.constant 0 : i32
    %dma_wait3A_874 = tpu.memref_slice %arg8[%dma_wait3A_873] : memref<10240xf32, #tpu.memory_space<vmem_shared>> -> memref<10240xf32, #tpu.memory_space<vmem_shared>>
    tpu.wait_indirect_dma semaphore(%arg9 : memref<!tpu.dma_semaphore, #tpu.memory_space<semaphore_mem>>) src(%arg6 : memref<128xf32, #tpu.memory_space<vmem>>) dst(%dma_wait3A_874 : memref<10240xf32, #tpu.memory_space<vmem_shared>>)
    %dma_start3A_875 = arith.constant 52 : i32
    %dma_start3A_876 = arith.constant 0 : i32
    %dma_start3A_877 = tpu.memref_slice %arg5[%dma_start3A_875, %dma_start3A_876] : memref<80x128xi32, #tpu.memory_space<vmem>> -> memref<1x128xi32, #tpu.memory_space<vmem>>
    %dma_start3A_878 = tpu.memref_squeeze %dma_start3A_877 : memref<1x128xi32, #tpu.memory_space<vmem>> -> memref<128xi32, #tpu.memory_space<vmem>>
    %dma_start3A_879 = arith.constant 0 : i32
    %dma_start3A_880 = tpu.memref_slice %arg8[%dma_start3A_879] : memref<10240xf32, #tpu.memory_space<vmem_shared>> -> memref<10240xf32, #tpu.memory_space<vmem_shared>>
    tpu.enqueue_indirect_dma source(%arg6 : memref<128xf32, #tpu.memory_space<vmem>>) target(%dma_start3A_880 : memref<10240xf32, #tpu.memory_space<vmem_shared>>) offsets(%dma_start3A_878 : memref<128xi32, #tpu.memory_space<vmem>>) semaphore(%arg9 : memref<!tpu.dma_semaphore, #tpu.memory_space<semaphore_mem>>) {add = true}
    %dma_wait3A_881 = arith.constant 45 : i32
    %dma_wait3A_882 = arith.constant 0 : i32
    %dma_wait3A_883 = tpu.memref_slice %arg5[%dma_wait3A_881, %dma_wait3A_882] : memref<80x128xi32, #tpu.memory_space<vmem>> -> memref<1x128xi32, #tpu.memory_space<vmem>>
    %dma_wait3A_884 = tpu.memref_squeeze %dma_wait3A_883 : memref<1x128xi32, #tpu.memory_space<vmem>> -> memref<128xi32, #tpu.memory_space<vmem>>
    %dma_wait3A_885 = arith.constant 0 : i32
    %dma_wait3A_886 = tpu.memref_slice %arg8[%dma_wait3A_885] : memref<10240xf32, #tpu.memory_space<vmem_shared>> -> memref<10240xf32, #tpu.memory_space<vmem_shared>>
    tpu.wait_indirect_dma semaphore(%arg9 : memref<!tpu.dma_semaphore, #tpu.memory_space<semaphore_mem>>) src(%arg6 : memref<128xf32, #tpu.memory_space<vmem>>) dst(%dma_wait3A_886 : memref<10240xf32, #tpu.memory_space<vmem_shared>>)
    %dma_start3A_887 = arith.constant 53 : i32
    %dma_start3A_888 = arith.constant 0 : i32
    %dma_start3A_889 = tpu.memref_slice %arg5[%dma_start3A_887, %dma_start3A_888] : memref<80x128xi32, #tpu.memory_space<vmem>> -> memref<1x128xi32, #tpu.memory_space<vmem>>
    %dma_start3A_890 = tpu.memref_squeeze %dma_start3A_889 : memref<1x128xi32, #tpu.memory_space<vmem>> -> memref<128xi32, #tpu.memory_space<vmem>>
    %dma_start3A_891 = arith.constant 0 : i32
    %dma_start3A_892 = tpu.memref_slice %arg8[%dma_start3A_891] : memref<10240xf32, #tpu.memory_space<vmem_shared>> -> memref<10240xf32, #tpu.memory_space<vmem_shared>>
    tpu.enqueue_indirect_dma source(%arg6 : memref<128xf32, #tpu.memory_space<vmem>>) target(%dma_start3A_892 : memref<10240xf32, #tpu.memory_space<vmem_shared>>) offsets(%dma_start3A_890 : memref<128xi32, #tpu.memory_space<vmem>>) semaphore(%arg9 : memref<!tpu.dma_semaphore, #tpu.memory_space<semaphore_mem>>) {add = true}
    %dma_wait3A_893 = arith.constant 46 : i32
    %dma_wait3A_894 = arith.constant 0 : i32
    %dma_wait3A_895 = tpu.memref_slice %arg5[%dma_wait3A_893, %dma_wait3A_894] : memref<80x128xi32, #tpu.memory_space<vmem>> -> memref<1x128xi32, #tpu.memory_space<vmem>>
    %dma_wait3A_896 = tpu.memref_squeeze %dma_wait3A_895 : memref<1x128xi32, #tpu.memory_space<vmem>> -> memref<128xi32, #tpu.memory_space<vmem>>
    %dma_wait3A_897 = arith.constant 0 : i32
    %dma_wait3A_898 = tpu.memref_slice %arg8[%dma_wait3A_897] : memref<10240xf32, #tpu.memory_space<vmem_shared>> -> memref<10240xf32, #tpu.memory_space<vmem_shared>>
    tpu.wait_indirect_dma semaphore(%arg9 : memref<!tpu.dma_semaphore, #tpu.memory_space<semaphore_mem>>) src(%arg6 : memref<128xf32, #tpu.memory_space<vmem>>) dst(%dma_wait3A_898 : memref<10240xf32, #tpu.memory_space<vmem_shared>>)
    %dma_start3A_899 = arith.constant 54 : i32
    %dma_start3A_900 = arith.constant 0 : i32
    %dma_start3A_901 = tpu.memref_slice %arg5[%dma_start3A_899, %dma_start3A_900] : memref<80x128xi32, #tpu.memory_space<vmem>> -> memref<1x128xi32, #tpu.memory_space<vmem>>
    %dma_start3A_902 = tpu.memref_squeeze %dma_start3A_901 : memref<1x128xi32, #tpu.memory_space<vmem>> -> memref<128xi32, #tpu.memory_space<vmem>>
    %dma_start3A_903 = arith.constant 0 : i32
    %dma_start3A_904 = tpu.memref_slice %arg8[%dma_start3A_903] : memref<10240xf32, #tpu.memory_space<vmem_shared>> -> memref<10240xf32, #tpu.memory_space<vmem_shared>>
    tpu.enqueue_indirect_dma source(%arg6 : memref<128xf32, #tpu.memory_space<vmem>>) target(%dma_start3A_904 : memref<10240xf32, #tpu.memory_space<vmem_shared>>) offsets(%dma_start3A_902 : memref<128xi32, #tpu.memory_space<vmem>>) semaphore(%arg9 : memref<!tpu.dma_semaphore, #tpu.memory_space<semaphore_mem>>) {add = true}
    %dma_wait3A_905 = arith.constant 47 : i32
    %dma_wait3A_906 = arith.constant 0 : i32
    %dma_wait3A_907 = tpu.memref_slice %arg5[%dma_wait3A_905, %dma_wait3A_906] : memref<80x128xi32, #tpu.memory_space<vmem>> -> memref<1x128xi32, #tpu.memory_space<vmem>>
    %dma_wait3A_908 = tpu.memref_squeeze %dma_wait3A_907 : memref<1x128xi32, #tpu.memory_space<vmem>> -> memref<128xi32, #tpu.memory_space<vmem>>
    %dma_wait3A_909 = arith.constant 0 : i32
    %dma_wait3A_910 = tpu.memref_slice %arg8[%dma_wait3A_909] : memref<10240xf32, #tpu.memory_space<vmem_shared>> -> memref<10240xf32, #tpu.memory_space<vmem_shared>>
    tpu.wait_indirect_dma semaphore(%arg9 : memref<!tpu.dma_semaphore, #tpu.memory_space<semaphore_mem>>) src(%arg6 : memref<128xf32, #tpu.memory_space<vmem>>) dst(%dma_wait3A_910 : memref<10240xf32, #tpu.memory_space<vmem_shared>>)
    %dma_start3A_911 = arith.constant 55 : i32
    %dma_start3A_912 = arith.constant 0 : i32
    %dma_start3A_913 = tpu.memref_slice %arg5[%dma_start3A_911, %dma_start3A_912] : memref<80x128xi32, #tpu.memory_space<vmem>> -> memref<1x128xi32, #tpu.memory_space<vmem>>
    %dma_start3A_914 = tpu.memref_squeeze %dma_start3A_913 : memref<1x128xi32, #tpu.memory_space<vmem>> -> memref<128xi32, #tpu.memory_space<vmem>>
    %dma_start3A_915 = arith.constant 0 : i32
    %dma_start3A_916 = tpu.memref_slice %arg8[%dma_start3A_915] : memref<10240xf32, #tpu.memory_space<vmem_shared>> -> memref<10240xf32, #tpu.memory_space<vmem_shared>>
    tpu.enqueue_indirect_dma source(%arg6 : memref<128xf32, #tpu.memory_space<vmem>>) target(%dma_start3A_916 : memref<10240xf32, #tpu.memory_space<vmem_shared>>) offsets(%dma_start3A_914 : memref<128xi32, #tpu.memory_space<vmem>>) semaphore(%arg9 : memref<!tpu.dma_semaphore, #tpu.memory_space<semaphore_mem>>) {add = true}
    %dma_wait3A_917 = arith.constant 48 : i32
    %dma_wait3A_918 = arith.constant 0 : i32
    %dma_wait3A_919 = tpu.memref_slice %arg5[%dma_wait3A_917, %dma_wait3A_918] : memref<80x128xi32, #tpu.memory_space<vmem>> -> memref<1x128xi32, #tpu.memory_space<vmem>>
    %dma_wait3A_920 = tpu.memref_squeeze %dma_wait3A_919 : memref<1x128xi32, #tpu.memory_space<vmem>> -> memref<128xi32, #tpu.memory_space<vmem>>
    %dma_wait3A_921 = arith.constant 0 : i32
    %dma_wait3A_922 = tpu.memref_slice %arg8[%dma_wait3A_921] : memref<10240xf32, #tpu.memory_space<vmem_shared>> -> memref<10240xf32, #tpu.memory_space<vmem_shared>>
    tpu.wait_indirect_dma semaphore(%arg9 : memref<!tpu.dma_semaphore, #tpu.memory_space<semaphore_mem>>) src(%arg6 : memref<128xf32, #tpu.memory_space<vmem>>) dst(%dma_wait3A_922 : memref<10240xf32, #tpu.memory_space<vmem_shared>>)
    %dma_start3A_923 = arith.constant 56 : i32
    %dma_start3A_924 = arith.constant 0 : i32
    %dma_start3A_925 = tpu.memref_slice %arg5[%dma_start3A_923, %dma_start3A_924] : memref<80x128xi32, #tpu.memory_space<vmem>> -> memref<1x128xi32, #tpu.memory_space<vmem>>
    %dma_start3A_926 = tpu.memref_squeeze %dma_start3A_925 : memref<1x128xi32, #tpu.memory_space<vmem>> -> memref<128xi32, #tpu.memory_space<vmem>>
    %dma_start3A_927 = arith.constant 0 : i32
    %dma_start3A_928 = tpu.memref_slice %arg8[%dma_start3A_927] : memref<10240xf32, #tpu.memory_space<vmem_shared>> -> memref<10240xf32, #tpu.memory_space<vmem_shared>>
    tpu.enqueue_indirect_dma source(%arg6 : memref<128xf32, #tpu.memory_space<vmem>>) target(%dma_start3A_928 : memref<10240xf32, #tpu.memory_space<vmem_shared>>) offsets(%dma_start3A_926 : memref<128xi32, #tpu.memory_space<vmem>>) semaphore(%arg9 : memref<!tpu.dma_semaphore, #tpu.memory_space<semaphore_mem>>) {add = true}
    %dma_wait3A_929 = arith.constant 49 : i32
    %dma_wait3A_930 = arith.constant 0 : i32
    %dma_wait3A_931 = tpu.memref_slice %arg5[%dma_wait3A_929, %dma_wait3A_930] : memref<80x128xi32, #tpu.memory_space<vmem>> -> memref<1x128xi32, #tpu.memory_space<vmem>>
    %dma_wait3A_932 = tpu.memref_squeeze %dma_wait3A_931 : memref<1x128xi32, #tpu.memory_space<vmem>> -> memref<128xi32, #tpu.memory_space<vmem>>
    %dma_wait3A_933 = arith.constant 0 : i32
    %dma_wait3A_934 = tpu.memref_slice %arg8[%dma_wait3A_933] : memref<10240xf32, #tpu.memory_space<vmem_shared>> -> memref<10240xf32, #tpu.memory_space<vmem_shared>>
    tpu.wait_indirect_dma semaphore(%arg9 : memref<!tpu.dma_semaphore, #tpu.memory_space<semaphore_mem>>) src(%arg6 : memref<128xf32, #tpu.memory_space<vmem>>) dst(%dma_wait3A_934 : memref<10240xf32, #tpu.memory_space<vmem_shared>>)
    %dma_start3A_935 = arith.constant 57 : i32
    %dma_start3A_936 = arith.constant 0 : i32
    %dma_start3A_937 = tpu.memref_slice %arg5[%dma_start3A_935, %dma_start3A_936] : memref<80x128xi32, #tpu.memory_space<vmem>> -> memref<1x128xi32, #tpu.memory_space<vmem>>
    %dma_start3A_938 = tpu.memref_squeeze %dma_start3A_937 : memref<1x128xi32, #tpu.memory_space<vmem>> -> memref<128xi32, #tpu.memory_space<vmem>>
    %dma_start3A_939 = arith.constant 0 : i32
    %dma_start3A_940 = tpu.memref_slice %arg8[%dma_start3A_939] : memref<10240xf32, #tpu.memory_space<vmem_shared>> -> memref<10240xf32, #tpu.memory_space<vmem_shared>>
    tpu.enqueue_indirect_dma source(%arg6 : memref<128xf32, #tpu.memory_space<vmem>>) target(%dma_start3A_940 : memref<10240xf32, #tpu.memory_space<vmem_shared>>) offsets(%dma_start3A_938 : memref<128xi32, #tpu.memory_space<vmem>>) semaphore(%arg9 : memref<!tpu.dma_semaphore, #tpu.memory_space<semaphore_mem>>) {add = true}
    %dma_wait3A_941 = arith.constant 50 : i32
    %dma_wait3A_942 = arith.constant 0 : i32
    %dma_wait3A_943 = tpu.memref_slice %arg5[%dma_wait3A_941, %dma_wait3A_942] : memref<80x128xi32, #tpu.memory_space<vmem>> -> memref<1x128xi32, #tpu.memory_space<vmem>>
    %dma_wait3A_944 = tpu.memref_squeeze %dma_wait3A_943 : memref<1x128xi32, #tpu.memory_space<vmem>> -> memref<128xi32, #tpu.memory_space<vmem>>
    %dma_wait3A_945 = arith.constant 0 : i32
    %dma_wait3A_946 = tpu.memref_slice %arg8[%dma_wait3A_945] : memref<10240xf32, #tpu.memory_space<vmem_shared>> -> memref<10240xf32, #tpu.memory_space<vmem_shared>>
    tpu.wait_indirect_dma semaphore(%arg9 : memref<!tpu.dma_semaphore, #tpu.memory_space<semaphore_mem>>) src(%arg6 : memref<128xf32, #tpu.memory_space<vmem>>) dst(%dma_wait3A_946 : memref<10240xf32, #tpu.memory_space<vmem_shared>>)
    %dma_start3A_947 = arith.constant 58 : i32
    %dma_start3A_948 = arith.constant 0 : i32
    %dma_start3A_949 = tpu.memref_slice %arg5[%dma_start3A_947, %dma_start3A_948] : memref<80x128xi32, #tpu.memory_space<vmem>> -> memref<1x128xi32, #tpu.memory_space<vmem>>
    %dma_start3A_950 = tpu.memref_squeeze %dma_start3A_949 : memref<1x128xi32, #tpu.memory_space<vmem>> -> memref<128xi32, #tpu.memory_space<vmem>>
    %dma_start3A_951 = arith.constant 0 : i32
    %dma_start3A_952 = tpu.memref_slice %arg8[%dma_start3A_951] : memref<10240xf32, #tpu.memory_space<vmem_shared>> -> memref<10240xf32, #tpu.memory_space<vmem_shared>>
    tpu.enqueue_indirect_dma source(%arg6 : memref<128xf32, #tpu.memory_space<vmem>>) target(%dma_start3A_952 : memref<10240xf32, #tpu.memory_space<vmem_shared>>) offsets(%dma_start3A_950 : memref<128xi32, #tpu.memory_space<vmem>>) semaphore(%arg9 : memref<!tpu.dma_semaphore, #tpu.memory_space<semaphore_mem>>) {add = true}
    %dma_wait3A_953 = arith.constant 51 : i32
    %dma_wait3A_954 = arith.constant 0 : i32
    %dma_wait3A_955 = tpu.memref_slice %arg5[%dma_wait3A_953, %dma_wait3A_954] : memref<80x128xi32, #tpu.memory_space<vmem>> -> memref<1x128xi32, #tpu.memory_space<vmem>>
    %dma_wait3A_956 = tpu.memref_squeeze %dma_wait3A_955 : memref<1x128xi32, #tpu.memory_space<vmem>> -> memref<128xi32, #tpu.memory_space<vmem>>
    %dma_wait3A_957 = arith.constant 0 : i32
    %dma_wait3A_958 = tpu.memref_slice %arg8[%dma_wait3A_957] : memref<10240xf32, #tpu.memory_space<vmem_shared>> -> memref<10240xf32, #tpu.memory_space<vmem_shared>>
    tpu.wait_indirect_dma semaphore(%arg9 : memref<!tpu.dma_semaphore, #tpu.memory_space<semaphore_mem>>) src(%arg6 : memref<128xf32, #tpu.memory_space<vmem>>) dst(%dma_wait3A_958 : memref<10240xf32, #tpu.memory_space<vmem_shared>>)
    %dma_start3A_959 = arith.constant 59 : i32
    %dma_start3A_960 = arith.constant 0 : i32
    %dma_start3A_961 = tpu.memref_slice %arg5[%dma_start3A_959, %dma_start3A_960] : memref<80x128xi32, #tpu.memory_space<vmem>> -> memref<1x128xi32, #tpu.memory_space<vmem>>
    %dma_start3A_962 = tpu.memref_squeeze %dma_start3A_961 : memref<1x128xi32, #tpu.memory_space<vmem>> -> memref<128xi32, #tpu.memory_space<vmem>>
    %dma_start3A_963 = arith.constant 0 : i32
    %dma_start3A_964 = tpu.memref_slice %arg8[%dma_start3A_963] : memref<10240xf32, #tpu.memory_space<vmem_shared>> -> memref<10240xf32, #tpu.memory_space<vmem_shared>>
    tpu.enqueue_indirect_dma source(%arg6 : memref<128xf32, #tpu.memory_space<vmem>>) target(%dma_start3A_964 : memref<10240xf32, #tpu.memory_space<vmem_shared>>) offsets(%dma_start3A_962 : memref<128xi32, #tpu.memory_space<vmem>>) semaphore(%arg9 : memref<!tpu.dma_semaphore, #tpu.memory_space<semaphore_mem>>) {add = true}
    %dma_wait3A_965 = arith.constant 52 : i32
    %dma_wait3A_966 = arith.constant 0 : i32
    %dma_wait3A_967 = tpu.memref_slice %arg5[%dma_wait3A_965, %dma_wait3A_966] : memref<80x128xi32, #tpu.memory_space<vmem>> -> memref<1x128xi32, #tpu.memory_space<vmem>>
    %dma_wait3A_968 = tpu.memref_squeeze %dma_wait3A_967 : memref<1x128xi32, #tpu.memory_space<vmem>> -> memref<128xi32, #tpu.memory_space<vmem>>
    %dma_wait3A_969 = arith.constant 0 : i32
    %dma_wait3A_970 = tpu.memref_slice %arg8[%dma_wait3A_969] : memref<10240xf32, #tpu.memory_space<vmem_shared>> -> memref<10240xf32, #tpu.memory_space<vmem_shared>>
    tpu.wait_indirect_dma semaphore(%arg9 : memref<!tpu.dma_semaphore, #tpu.memory_space<semaphore_mem>>) src(%arg6 : memref<128xf32, #tpu.memory_space<vmem>>) dst(%dma_wait3A_970 : memref<10240xf32, #tpu.memory_space<vmem_shared>>)
    %dma_start3A_971 = arith.constant 60 : i32
    %dma_start3A_972 = arith.constant 0 : i32
    %dma_start3A_973 = tpu.memref_slice %arg5[%dma_start3A_971, %dma_start3A_972] : memref<80x128xi32, #tpu.memory_space<vmem>> -> memref<1x128xi32, #tpu.memory_space<vmem>>
    %dma_start3A_974 = tpu.memref_squeeze %dma_start3A_973 : memref<1x128xi32, #tpu.memory_space<vmem>> -> memref<128xi32, #tpu.memory_space<vmem>>
    %dma_start3A_975 = arith.constant 0 : i32
    %dma_start3A_976 = tpu.memref_slice %arg8[%dma_start3A_975] : memref<10240xf32, #tpu.memory_space<vmem_shared>> -> memref<10240xf32, #tpu.memory_space<vmem_shared>>
    tpu.enqueue_indirect_dma source(%arg6 : memref<128xf32, #tpu.memory_space<vmem>>) target(%dma_start3A_976 : memref<10240xf32, #tpu.memory_space<vmem_shared>>) offsets(%dma_start3A_974 : memref<128xi32, #tpu.memory_space<vmem>>) semaphore(%arg9 : memref<!tpu.dma_semaphore, #tpu.memory_space<semaphore_mem>>) {add = true}
    %dma_wait3A_977 = arith.constant 53 : i32
    %dma_wait3A_978 = arith.constant 0 : i32
    %dma_wait3A_979 = tpu.memref_slice %arg5[%dma_wait3A_977, %dma_wait3A_978] : memref<80x128xi32, #tpu.memory_space<vmem>> -> memref<1x128xi32, #tpu.memory_space<vmem>>
    %dma_wait3A_980 = tpu.memref_squeeze %dma_wait3A_979 : memref<1x128xi32, #tpu.memory_space<vmem>> -> memref<128xi32, #tpu.memory_space<vmem>>
    %dma_wait3A_981 = arith.constant 0 : i32
    %dma_wait3A_982 = tpu.memref_slice %arg8[%dma_wait3A_981] : memref<10240xf32, #tpu.memory_space<vmem_shared>> -> memref<10240xf32, #tpu.memory_space<vmem_shared>>
    tpu.wait_indirect_dma semaphore(%arg9 : memref<!tpu.dma_semaphore, #tpu.memory_space<semaphore_mem>>) src(%arg6 : memref<128xf32, #tpu.memory_space<vmem>>) dst(%dma_wait3A_982 : memref<10240xf32, #tpu.memory_space<vmem_shared>>)
    %dma_start3A_983 = arith.constant 61 : i32
    %dma_start3A_984 = arith.constant 0 : i32
    %dma_start3A_985 = tpu.memref_slice %arg5[%dma_start3A_983, %dma_start3A_984] : memref<80x128xi32, #tpu.memory_space<vmem>> -> memref<1x128xi32, #tpu.memory_space<vmem>>
    %dma_start3A_986 = tpu.memref_squeeze %dma_start3A_985 : memref<1x128xi32, #tpu.memory_space<vmem>> -> memref<128xi32, #tpu.memory_space<vmem>>
    %dma_start3A_987 = arith.constant 0 : i32
    %dma_start3A_988 = tpu.memref_slice %arg8[%dma_start3A_987] : memref<10240xf32, #tpu.memory_space<vmem_shared>> -> memref<10240xf32, #tpu.memory_space<vmem_shared>>
    tpu.enqueue_indirect_dma source(%arg6 : memref<128xf32, #tpu.memory_space<vmem>>) target(%dma_start3A_988 : memref<10240xf32, #tpu.memory_space<vmem_shared>>) offsets(%dma_start3A_986 : memref<128xi32, #tpu.memory_space<vmem>>) semaphore(%arg9 : memref<!tpu.dma_semaphore, #tpu.memory_space<semaphore_mem>>) {add = true}
    %dma_wait3A_989 = arith.constant 54 : i32
    %dma_wait3A_990 = arith.constant 0 : i32
    %dma_wait3A_991 = tpu.memref_slice %arg5[%dma_wait3A_989, %dma_wait3A_990] : memref<80x128xi32, #tpu.memory_space<vmem>> -> memref<1x128xi32, #tpu.memory_space<vmem>>
    %dma_wait3A_992 = tpu.memref_squeeze %dma_wait3A_991 : memref<1x128xi32, #tpu.memory_space<vmem>> -> memref<128xi32, #tpu.memory_space<vmem>>
    %dma_wait3A_993 = arith.constant 0 : i32
    %dma_wait3A_994 = tpu.memref_slice %arg8[%dma_wait3A_993] : memref<10240xf32, #tpu.memory_space<vmem_shared>> -> memref<10240xf32, #tpu.memory_space<vmem_shared>>
    tpu.wait_indirect_dma semaphore(%arg9 : memref<!tpu.dma_semaphore, #tpu.memory_space<semaphore_mem>>) src(%arg6 : memref<128xf32, #tpu.memory_space<vmem>>) dst(%dma_wait3A_994 : memref<10240xf32, #tpu.memory_space<vmem_shared>>)
    %dma_start3A_995 = arith.constant 62 : i32
    %dma_start3A_996 = arith.constant 0 : i32
    %dma_start3A_997 = tpu.memref_slice %arg5[%dma_start3A_995, %dma_start3A_996] : memref<80x128xi32, #tpu.memory_space<vmem>> -> memref<1x128xi32, #tpu.memory_space<vmem>>
    %dma_start3A_998 = tpu.memref_squeeze %dma_start3A_997 : memref<1x128xi32, #tpu.memory_space<vmem>> -> memref<128xi32, #tpu.memory_space<vmem>>
    %dma_start3A_999 = arith.constant 0 : i32
    %dma_start3A_1000 = tpu.memref_slice %arg8[%dma_start3A_999] : memref<10240xf32, #tpu.memory_space<vmem_shared>> -> memref<10240xf32, #tpu.memory_space<vmem_shared>>
    tpu.enqueue_indirect_dma source(%arg6 : memref<128xf32, #tpu.memory_space<vmem>>) target(%dma_start3A_1000 : memref<10240xf32, #tpu.memory_space<vmem_shared>>) offsets(%dma_start3A_998 : memref<128xi32, #tpu.memory_space<vmem>>) semaphore(%arg9 : memref<!tpu.dma_semaphore, #tpu.memory_space<semaphore_mem>>) {add = true}
    %dma_wait3A_1001 = arith.constant 55 : i32
    %dma_wait3A_1002 = arith.constant 0 : i32
    %dma_wait3A_1003 = tpu.memref_slice %arg5[%dma_wait3A_1001, %dma_wait3A_1002] : memref<80x128xi32, #tpu.memory_space<vmem>> -> memref<1x128xi32, #tpu.memory_space<vmem>>
    %dma_wait3A_1004 = tpu.memref_squeeze %dma_wait3A_1003 : memref<1x128xi32, #tpu.memory_space<vmem>> -> memref<128xi32, #tpu.memory_space<vmem>>
    %dma_wait3A_1005 = arith.constant 0 : i32
    %dma_wait3A_1006 = tpu.memref_slice %arg8[%dma_wait3A_1005] : memref<10240xf32, #tpu.memory_space<vmem_shared>> -> memref<10240xf32, #tpu.memory_space<vmem_shared>>
    tpu.wait_indirect_dma semaphore(%arg9 : memref<!tpu.dma_semaphore, #tpu.memory_space<semaphore_mem>>) src(%arg6 : memref<128xf32, #tpu.memory_space<vmem>>) dst(%dma_wait3A_1006 : memref<10240xf32, #tpu.memory_space<vmem_shared>>)
    %dma_start3A_1007 = arith.constant 63 : i32
    %dma_start3A_1008 = arith.constant 0 : i32
    %dma_start3A_1009 = tpu.memref_slice %arg5[%dma_start3A_1007, %dma_start3A_1008] : memref<80x128xi32, #tpu.memory_space<vmem>> -> memref<1x128xi32, #tpu.memory_space<vmem>>
    %dma_start3A_1010 = tpu.memref_squeeze %dma_start3A_1009 : memref<1x128xi32, #tpu.memory_space<vmem>> -> memref<128xi32, #tpu.memory_space<vmem>>
    %dma_start3A_1011 = arith.constant 0 : i32
    %dma_start3A_1012 = tpu.memref_slice %arg8[%dma_start3A_1011] : memref<10240xf32, #tpu.memory_space<vmem_shared>> -> memref<10240xf32, #tpu.memory_space<vmem_shared>>
    tpu.enqueue_indirect_dma source(%arg6 : memref<128xf32, #tpu.memory_space<vmem>>) target(%dma_start3A_1012 : memref<10240xf32, #tpu.memory_space<vmem_shared>>) offsets(%dma_start3A_1010 : memref<128xi32, #tpu.memory_space<vmem>>) semaphore(%arg9 : memref<!tpu.dma_semaphore, #tpu.memory_space<semaphore_mem>>) {add = true}
    %dma_wait3A_1013 = arith.constant 56 : i32
    %dma_wait3A_1014 = arith.constant 0 : i32
    %dma_wait3A_1015 = tpu.memref_slice %arg5[%dma_wait3A_1013, %dma_wait3A_1014] : memref<80x128xi32, #tpu.memory_space<vmem>> -> memref<1x128xi32, #tpu.memory_space<vmem>>
    %dma_wait3A_1016 = tpu.memref_squeeze %dma_wait3A_1015 : memref<1x128xi32, #tpu.memory_space<vmem>> -> memref<128xi32, #tpu.memory_space<vmem>>
    %dma_wait3A_1017 = arith.constant 0 : i32
    %dma_wait3A_1018 = tpu.memref_slice %arg8[%dma_wait3A_1017] : memref<10240xf32, #tpu.memory_space<vmem_shared>> -> memref<10240xf32, #tpu.memory_space<vmem_shared>>
    tpu.wait_indirect_dma semaphore(%arg9 : memref<!tpu.dma_semaphore, #tpu.memory_space<semaphore_mem>>) src(%arg6 : memref<128xf32, #tpu.memory_space<vmem>>) dst(%dma_wait3A_1018 : memref<10240xf32, #tpu.memory_space<vmem_shared>>)
    %dma_start3A_1019 = arith.constant 64 : i32
    %dma_start3A_1020 = arith.constant 0 : i32
    %dma_start3A_1021 = tpu.memref_slice %arg5[%dma_start3A_1019, %dma_start3A_1020] : memref<80x128xi32, #tpu.memory_space<vmem>> -> memref<1x128xi32, #tpu.memory_space<vmem>>
    %dma_start3A_1022 = tpu.memref_squeeze %dma_start3A_1021 : memref<1x128xi32, #tpu.memory_space<vmem>> -> memref<128xi32, #tpu.memory_space<vmem>>
    %dma_start3A_1023 = arith.constant 0 : i32
    %dma_start3A_1024 = tpu.memref_slice %arg8[%dma_start3A_1023] : memref<10240xf32, #tpu.memory_space<vmem_shared>> -> memref<10240xf32, #tpu.memory_space<vmem_shared>>
    tpu.enqueue_indirect_dma source(%arg6 : memref<128xf32, #tpu.memory_space<vmem>>) target(%dma_start3A_1024 : memref<10240xf32, #tpu.memory_space<vmem_shared>>) offsets(%dma_start3A_1022 : memref<128xi32, #tpu.memory_space<vmem>>) semaphore(%arg9 : memref<!tpu.dma_semaphore, #tpu.memory_space<semaphore_mem>>) {add = true}
    %dma_wait3A_1025 = arith.constant 57 : i32
    %dma_wait3A_1026 = arith.constant 0 : i32
    %dma_wait3A_1027 = tpu.memref_slice %arg5[%dma_wait3A_1025, %dma_wait3A_1026] : memref<80x128xi32, #tpu.memory_space<vmem>> -> memref<1x128xi32, #tpu.memory_space<vmem>>
    %dma_wait3A_1028 = tpu.memref_squeeze %dma_wait3A_1027 : memref<1x128xi32, #tpu.memory_space<vmem>> -> memref<128xi32, #tpu.memory_space<vmem>>
    %dma_wait3A_1029 = arith.constant 0 : i32
    %dma_wait3A_1030 = tpu.memref_slice %arg8[%dma_wait3A_1029] : memref<10240xf32, #tpu.memory_space<vmem_shared>> -> memref<10240xf32, #tpu.memory_space<vmem_shared>>
    tpu.wait_indirect_dma semaphore(%arg9 : memref<!tpu.dma_semaphore, #tpu.memory_space<semaphore_mem>>) src(%arg6 : memref<128xf32, #tpu.memory_space<vmem>>) dst(%dma_wait3A_1030 : memref<10240xf32, #tpu.memory_space<vmem_shared>>)
    %dma_start3A_1031 = arith.constant 65 : i32
    %dma_start3A_1032 = arith.constant 0 : i32
    %dma_start3A_1033 = tpu.memref_slice %arg5[%dma_start3A_1031, %dma_start3A_1032] : memref<80x128xi32, #tpu.memory_space<vmem>> -> memref<1x128xi32, #tpu.memory_space<vmem>>
    %dma_start3A_1034 = tpu.memref_squeeze %dma_start3A_1033 : memref<1x128xi32, #tpu.memory_space<vmem>> -> memref<128xi32, #tpu.memory_space<vmem>>
    %dma_start3A_1035 = arith.constant 0 : i32
    %dma_start3A_1036 = tpu.memref_slice %arg8[%dma_start3A_1035] : memref<10240xf32, #tpu.memory_space<vmem_shared>> -> memref<10240xf32, #tpu.memory_space<vmem_shared>>
    tpu.enqueue_indirect_dma source(%arg6 : memref<128xf32, #tpu.memory_space<vmem>>) target(%dma_start3A_1036 : memref<10240xf32, #tpu.memory_space<vmem_shared>>) offsets(%dma_start3A_1034 : memref<128xi32, #tpu.memory_space<vmem>>) semaphore(%arg9 : memref<!tpu.dma_semaphore, #tpu.memory_space<semaphore_mem>>) {add = true}
    %dma_wait3A_1037 = arith.constant 58 : i32
    %dma_wait3A_1038 = arith.constant 0 : i32
    %dma_wait3A_1039 = tpu.memref_slice %arg5[%dma_wait3A_1037, %dma_wait3A_1038] : memref<80x128xi32, #tpu.memory_space<vmem>> -> memref<1x128xi32, #tpu.memory_space<vmem>>
    %dma_wait3A_1040 = tpu.memref_squeeze %dma_wait3A_1039 : memref<1x128xi32, #tpu.memory_space<vmem>> -> memref<128xi32, #tpu.memory_space<vmem>>
    %dma_wait3A_1041 = arith.constant 0 : i32
    %dma_wait3A_1042 = tpu.memref_slice %arg8[%dma_wait3A_1041] : memref<10240xf32, #tpu.memory_space<vmem_shared>> -> memref<10240xf32, #tpu.memory_space<vmem_shared>>
    tpu.wait_indirect_dma semaphore(%arg9 : memref<!tpu.dma_semaphore, #tpu.memory_space<semaphore_mem>>) src(%arg6 : memref<128xf32, #tpu.memory_space<vmem>>) dst(%dma_wait3A_1042 : memref<10240xf32, #tpu.memory_space<vmem_shared>>)
    %dma_start3A_1043 = arith.constant 66 : i32
    %dma_start3A_1044 = arith.constant 0 : i32
    %dma_start3A_1045 = tpu.memref_slice %arg5[%dma_start3A_1043, %dma_start3A_1044] : memref<80x128xi32, #tpu.memory_space<vmem>> -> memref<1x128xi32, #tpu.memory_space<vmem>>
    %dma_start3A_1046 = tpu.memref_squeeze %dma_start3A_1045 : memref<1x128xi32, #tpu.memory_space<vmem>> -> memref<128xi32, #tpu.memory_space<vmem>>
    %dma_start3A_1047 = arith.constant 0 : i32
    %dma_start3A_1048 = tpu.memref_slice %arg8[%dma_start3A_1047] : memref<10240xf32, #tpu.memory_space<vmem_shared>> -> memref<10240xf32, #tpu.memory_space<vmem_shared>>
    tpu.enqueue_indirect_dma source(%arg6 : memref<128xf32, #tpu.memory_space<vmem>>) target(%dma_start3A_1048 : memref<10240xf32, #tpu.memory_space<vmem_shared>>) offsets(%dma_start3A_1046 : memref<128xi32, #tpu.memory_space<vmem>>) semaphore(%arg9 : memref<!tpu.dma_semaphore, #tpu.memory_space<semaphore_mem>>) {add = true}
    %dma_wait3A_1049 = arith.constant 59 : i32
    %dma_wait3A_1050 = arith.constant 0 : i32
    %dma_wait3A_1051 = tpu.memref_slice %arg5[%dma_wait3A_1049, %dma_wait3A_1050] : memref<80x128xi32, #tpu.memory_space<vmem>> -> memref<1x128xi32, #tpu.memory_space<vmem>>
    %dma_wait3A_1052 = tpu.memref_squeeze %dma_wait3A_1051 : memref<1x128xi32, #tpu.memory_space<vmem>> -> memref<128xi32, #tpu.memory_space<vmem>>
    %dma_wait3A_1053 = arith.constant 0 : i32
    %dma_wait3A_1054 = tpu.memref_slice %arg8[%dma_wait3A_1053] : memref<10240xf32, #tpu.memory_space<vmem_shared>> -> memref<10240xf32, #tpu.memory_space<vmem_shared>>
    tpu.wait_indirect_dma semaphore(%arg9 : memref<!tpu.dma_semaphore, #tpu.memory_space<semaphore_mem>>) src(%arg6 : memref<128xf32, #tpu.memory_space<vmem>>) dst(%dma_wait3A_1054 : memref<10240xf32, #tpu.memory_space<vmem_shared>>)
    %dma_start3A_1055 = arith.constant 67 : i32
    %dma_start3A_1056 = arith.constant 0 : i32
    %dma_start3A_1057 = tpu.memref_slice %arg5[%dma_start3A_1055, %dma_start3A_1056] : memref<80x128xi32, #tpu.memory_space<vmem>> -> memref<1x128xi32, #tpu.memory_space<vmem>>
    %dma_start3A_1058 = tpu.memref_squeeze %dma_start3A_1057 : memref<1x128xi32, #tpu.memory_space<vmem>> -> memref<128xi32, #tpu.memory_space<vmem>>
    %dma_start3A_1059 = arith.constant 0 : i32
    %dma_start3A_1060 = tpu.memref_slice %arg8[%dma_start3A_1059] : memref<10240xf32, #tpu.memory_space<vmem_shared>> -> memref<10240xf32, #tpu.memory_space<vmem_shared>>
    tpu.enqueue_indirect_dma source(%arg6 : memref<128xf32, #tpu.memory_space<vmem>>) target(%dma_start3A_1060 : memref<10240xf32, #tpu.memory_space<vmem_shared>>) offsets(%dma_start3A_1058 : memref<128xi32, #tpu.memory_space<vmem>>) semaphore(%arg9 : memref<!tpu.dma_semaphore, #tpu.memory_space<semaphore_mem>>) {add = true}
    %dma_wait3A_1061 = arith.constant 60 : i32
    %dma_wait3A_1062 = arith.constant 0 : i32
    %dma_wait3A_1063 = tpu.memref_slice %arg5[%dma_wait3A_1061, %dma_wait3A_1062] : memref<80x128xi32, #tpu.memory_space<vmem>> -> memref<1x128xi32, #tpu.memory_space<vmem>>
    %dma_wait3A_1064 = tpu.memref_squeeze %dma_wait3A_1063 : memref<1x128xi32, #tpu.memory_space<vmem>> -> memref<128xi32, #tpu.memory_space<vmem>>
    %dma_wait3A_1065 = arith.constant 0 : i32
    %dma_wait3A_1066 = tpu.memref_slice %arg8[%dma_wait3A_1065] : memref<10240xf32, #tpu.memory_space<vmem_shared>> -> memref<10240xf32, #tpu.memory_space<vmem_shared>>
    tpu.wait_indirect_dma semaphore(%arg9 : memref<!tpu.dma_semaphore, #tpu.memory_space<semaphore_mem>>) src(%arg6 : memref<128xf32, #tpu.memory_space<vmem>>) dst(%dma_wait3A_1066 : memref<10240xf32, #tpu.memory_space<vmem_shared>>)
    %dma_start3A_1067 = arith.constant 68 : i32
    %dma_start3A_1068 = arith.constant 0 : i32
    %dma_start3A_1069 = tpu.memref_slice %arg5[%dma_start3A_1067, %dma_start3A_1068] : memref<80x128xi32, #tpu.memory_space<vmem>> -> memref<1x128xi32, #tpu.memory_space<vmem>>
    %dma_start3A_1070 = tpu.memref_squeeze %dma_start3A_1069 : memref<1x128xi32, #tpu.memory_space<vmem>> -> memref<128xi32, #tpu.memory_space<vmem>>
    %dma_start3A_1071 = arith.constant 0 : i32
    %dma_start3A_1072 = tpu.memref_slice %arg8[%dma_start3A_1071] : memref<10240xf32, #tpu.memory_space<vmem_shared>> -> memref<10240xf32, #tpu.memory_space<vmem_shared>>
    tpu.enqueue_indirect_dma source(%arg6 : memref<128xf32, #tpu.memory_space<vmem>>) target(%dma_start3A_1072 : memref<10240xf32, #tpu.memory_space<vmem_shared>>) offsets(%dma_start3A_1070 : memref<128xi32, #tpu.memory_space<vmem>>) semaphore(%arg9 : memref<!tpu.dma_semaphore, #tpu.memory_space<semaphore_mem>>) {add = true}
    %dma_wait3A_1073 = arith.constant 61 : i32
    %dma_wait3A_1074 = arith.constant 0 : i32
    %dma_wait3A_1075 = tpu.memref_slice %arg5[%dma_wait3A_1073, %dma_wait3A_1074] : memref<80x128xi32, #tpu.memory_space<vmem>> -> memref<1x128xi32, #tpu.memory_space<vmem>>
    %dma_wait3A_1076 = tpu.memref_squeeze %dma_wait3A_1075 : memref<1x128xi32, #tpu.memory_space<vmem>> -> memref<128xi32, #tpu.memory_space<vmem>>
    %dma_wait3A_1077 = arith.constant 0 : i32
    %dma_wait3A_1078 = tpu.memref_slice %arg8[%dma_wait3A_1077] : memref<10240xf32, #tpu.memory_space<vmem_shared>> -> memref<10240xf32, #tpu.memory_space<vmem_shared>>
    tpu.wait_indirect_dma semaphore(%arg9 : memref<!tpu.dma_semaphore, #tpu.memory_space<semaphore_mem>>) src(%arg6 : memref<128xf32, #tpu.memory_space<vmem>>) dst(%dma_wait3A_1078 : memref<10240xf32, #tpu.memory_space<vmem_shared>>)
    %dma_start3A_1079 = arith.constant 69 : i32
    %dma_start3A_1080 = arith.constant 0 : i32
    %dma_start3A_1081 = tpu.memref_slice %arg5[%dma_start3A_1079, %dma_start3A_1080] : memref<80x128xi32, #tpu.memory_space<vmem>> -> memref<1x128xi32, #tpu.memory_space<vmem>>
    %dma_start3A_1082 = tpu.memref_squeeze %dma_start3A_1081 : memref<1x128xi32, #tpu.memory_space<vmem>> -> memref<128xi32, #tpu.memory_space<vmem>>
    %dma_start3A_1083 = arith.constant 0 : i32
    %dma_start3A_1084 = tpu.memref_slice %arg8[%dma_start3A_1083] : memref<10240xf32, #tpu.memory_space<vmem_shared>> -> memref<10240xf32, #tpu.memory_space<vmem_shared>>
    tpu.enqueue_indirect_dma source(%arg6 : memref<128xf32, #tpu.memory_space<vmem>>) target(%dma_start3A_1084 : memref<10240xf32, #tpu.memory_space<vmem_shared>>) offsets(%dma_start3A_1082 : memref<128xi32, #tpu.memory_space<vmem>>) semaphore(%arg9 : memref<!tpu.dma_semaphore, #tpu.memory_space<semaphore_mem>>) {add = true}
    %dma_wait3A_1085 = arith.constant 62 : i32
    %dma_wait3A_1086 = arith.constant 0 : i32
    %dma_wait3A_1087 = tpu.memref_slice %arg5[%dma_wait3A_1085, %dma_wait3A_1086] : memref<80x128xi32, #tpu.memory_space<vmem>> -> memref<1x128xi32, #tpu.memory_space<vmem>>
    %dma_wait3A_1088 = tpu.memref_squeeze %dma_wait3A_1087 : memref<1x128xi32, #tpu.memory_space<vmem>> -> memref<128xi32, #tpu.memory_space<vmem>>
    %dma_wait3A_1089 = arith.constant 0 : i32
    %dma_wait3A_1090 = tpu.memref_slice %arg8[%dma_wait3A_1089] : memref<10240xf32, #tpu.memory_space<vmem_shared>> -> memref<10240xf32, #tpu.memory_space<vmem_shared>>
    tpu.wait_indirect_dma semaphore(%arg9 : memref<!tpu.dma_semaphore, #tpu.memory_space<semaphore_mem>>) src(%arg6 : memref<128xf32, #tpu.memory_space<vmem>>) dst(%dma_wait3A_1090 : memref<10240xf32, #tpu.memory_space<vmem_shared>>)
    %dma_start3A_1091 = arith.constant 70 : i32
    %dma_start3A_1092 = arith.constant 0 : i32
    %dma_start3A_1093 = tpu.memref_slice %arg5[%dma_start3A_1091, %dma_start3A_1092] : memref<80x128xi32, #tpu.memory_space<vmem>> -> memref<1x128xi32, #tpu.memory_space<vmem>>
    %dma_start3A_1094 = tpu.memref_squeeze %dma_start3A_1093 : memref<1x128xi32, #tpu.memory_space<vmem>> -> memref<128xi32, #tpu.memory_space<vmem>>
    %dma_start3A_1095 = arith.constant 0 : i32
    %dma_start3A_1096 = tpu.memref_slice %arg8[%dma_start3A_1095] : memref<10240xf32, #tpu.memory_space<vmem_shared>> -> memref<10240xf32, #tpu.memory_space<vmem_shared>>
    tpu.enqueue_indirect_dma source(%arg6 : memref<128xf32, #tpu.memory_space<vmem>>) target(%dma_start3A_1096 : memref<10240xf32, #tpu.memory_space<vmem_shared>>) offsets(%dma_start3A_1094 : memref<128xi32, #tpu.memory_space<vmem>>) semaphore(%arg9 : memref<!tpu.dma_semaphore, #tpu.memory_space<semaphore_mem>>) {add = true}
    %dma_wait3A_1097 = arith.constant 63 : i32
    %dma_wait3A_1098 = arith.constant 0 : i32
    %dma_wait3A_1099 = tpu.memref_slice %arg5[%dma_wait3A_1097, %dma_wait3A_1098] : memref<80x128xi32, #tpu.memory_space<vmem>> -> memref<1x128xi32, #tpu.memory_space<vmem>>
    %dma_wait3A_1100 = tpu.memref_squeeze %dma_wait3A_1099 : memref<1x128xi32, #tpu.memory_space<vmem>> -> memref<128xi32, #tpu.memory_space<vmem>>
    %dma_wait3A_1101 = arith.constant 0 : i32
    %dma_wait3A_1102 = tpu.memref_slice %arg8[%dma_wait3A_1101] : memref<10240xf32, #tpu.memory_space<vmem_shared>> -> memref<10240xf32, #tpu.memory_space<vmem_shared>>
    tpu.wait_indirect_dma semaphore(%arg9 : memref<!tpu.dma_semaphore, #tpu.memory_space<semaphore_mem>>) src(%arg6 : memref<128xf32, #tpu.memory_space<vmem>>) dst(%dma_wait3A_1102 : memref<10240xf32, #tpu.memory_space<vmem_shared>>)
    %dma_start3A_1103 = arith.constant 71 : i32
    %dma_start3A_1104 = arith.constant 0 : i32
    %dma_start3A_1105 = tpu.memref_slice %arg5[%dma_start3A_1103, %dma_start3A_1104] : memref<80x128xi32, #tpu.memory_space<vmem>> -> memref<1x128xi32, #tpu.memory_space<vmem>>
    %dma_start3A_1106 = tpu.memref_squeeze %dma_start3A_1105 : memref<1x128xi32, #tpu.memory_space<vmem>> -> memref<128xi32, #tpu.memory_space<vmem>>
    %dma_start3A_1107 = arith.constant 0 : i32
    %dma_start3A_1108 = tpu.memref_slice %arg8[%dma_start3A_1107] : memref<10240xf32, #tpu.memory_space<vmem_shared>> -> memref<10240xf32, #tpu.memory_space<vmem_shared>>
    tpu.enqueue_indirect_dma source(%arg6 : memref<128xf32, #tpu.memory_space<vmem>>) target(%dma_start3A_1108 : memref<10240xf32, #tpu.memory_space<vmem_shared>>) offsets(%dma_start3A_1106 : memref<128xi32, #tpu.memory_space<vmem>>) semaphore(%arg9 : memref<!tpu.dma_semaphore, #tpu.memory_space<semaphore_mem>>) {add = true}
    %dma_wait3A_1109 = arith.constant 64 : i32
    %dma_wait3A_1110 = arith.constant 0 : i32
    %dma_wait3A_1111 = tpu.memref_slice %arg5[%dma_wait3A_1109, %dma_wait3A_1110] : memref<80x128xi32, #tpu.memory_space<vmem>> -> memref<1x128xi32, #tpu.memory_space<vmem>>
    %dma_wait3A_1112 = tpu.memref_squeeze %dma_wait3A_1111 : memref<1x128xi32, #tpu.memory_space<vmem>> -> memref<128xi32, #tpu.memory_space<vmem>>
    %dma_wait3A_1113 = arith.constant 0 : i32
    %dma_wait3A_1114 = tpu.memref_slice %arg8[%dma_wait3A_1113] : memref<10240xf32, #tpu.memory_space<vmem_shared>> -> memref<10240xf32, #tpu.memory_space<vmem_shared>>
    tpu.wait_indirect_dma semaphore(%arg9 : memref<!tpu.dma_semaphore, #tpu.memory_space<semaphore_mem>>) src(%arg6 : memref<128xf32, #tpu.memory_space<vmem>>) dst(%dma_wait3A_1114 : memref<10240xf32, #tpu.memory_space<vmem_shared>>)
    %dma_start3A_1115 = arith.constant 72 : i32
    %dma_start3A_1116 = arith.constant 0 : i32
    %dma_start3A_1117 = tpu.memref_slice %arg5[%dma_start3A_1115, %dma_start3A_1116] : memref<80x128xi32, #tpu.memory_space<vmem>> -> memref<1x128xi32, #tpu.memory_space<vmem>>
    %dma_start3A_1118 = tpu.memref_squeeze %dma_start3A_1117 : memref<1x128xi32, #tpu.memory_space<vmem>> -> memref<128xi32, #tpu.memory_space<vmem>>
    %dma_start3A_1119 = arith.constant 0 : i32
    %dma_start3A_1120 = tpu.memref_slice %arg8[%dma_start3A_1119] : memref<10240xf32, #tpu.memory_space<vmem_shared>> -> memref<10240xf32, #tpu.memory_space<vmem_shared>>
    tpu.enqueue_indirect_dma source(%arg6 : memref<128xf32, #tpu.memory_space<vmem>>) target(%dma_start3A_1120 : memref<10240xf32, #tpu.memory_space<vmem_shared>>) offsets(%dma_start3A_1118 : memref<128xi32, #tpu.memory_space<vmem>>) semaphore(%arg9 : memref<!tpu.dma_semaphore, #tpu.memory_space<semaphore_mem>>) {add = true}
    %dma_wait3A_1121 = arith.constant 65 : i32
    %dma_wait3A_1122 = arith.constant 0 : i32
    %dma_wait3A_1123 = tpu.memref_slice %arg5[%dma_wait3A_1121, %dma_wait3A_1122] : memref<80x128xi32, #tpu.memory_space<vmem>> -> memref<1x128xi32, #tpu.memory_space<vmem>>
    %dma_wait3A_1124 = tpu.memref_squeeze %dma_wait3A_1123 : memref<1x128xi32, #tpu.memory_space<vmem>> -> memref<128xi32, #tpu.memory_space<vmem>>
    %dma_wait3A_1125 = arith.constant 0 : i32
    %dma_wait3A_1126 = tpu.memref_slice %arg8[%dma_wait3A_1125] : memref<10240xf32, #tpu.memory_space<vmem_shared>> -> memref<10240xf32, #tpu.memory_space<vmem_shared>>
    tpu.wait_indirect_dma semaphore(%arg9 : memref<!tpu.dma_semaphore, #tpu.memory_space<semaphore_mem>>) src(%arg6 : memref<128xf32, #tpu.memory_space<vmem>>) dst(%dma_wait3A_1126 : memref<10240xf32, #tpu.memory_space<vmem_shared>>)
    %dma_start3A_1127 = arith.constant 73 : i32
    %dma_start3A_1128 = arith.constant 0 : i32
    %dma_start3A_1129 = tpu.memref_slice %arg5[%dma_start3A_1127, %dma_start3A_1128] : memref<80x128xi32, #tpu.memory_space<vmem>> -> memref<1x128xi32, #tpu.memory_space<vmem>>
    %dma_start3A_1130 = tpu.memref_squeeze %dma_start3A_1129 : memref<1x128xi32, #tpu.memory_space<vmem>> -> memref<128xi32, #tpu.memory_space<vmem>>
    %dma_start3A_1131 = arith.constant 0 : i32
    %dma_start3A_1132 = tpu.memref_slice %arg8[%dma_start3A_1131] : memref<10240xf32, #tpu.memory_space<vmem_shared>> -> memref<10240xf32, #tpu.memory_space<vmem_shared>>
    tpu.enqueue_indirect_dma source(%arg6 : memref<128xf32, #tpu.memory_space<vmem>>) target(%dma_start3A_1132 : memref<10240xf32, #tpu.memory_space<vmem_shared>>) offsets(%dma_start3A_1130 : memref<128xi32, #tpu.memory_space<vmem>>) semaphore(%arg9 : memref<!tpu.dma_semaphore, #tpu.memory_space<semaphore_mem>>) {add = true}
    %dma_wait3A_1133 = arith.constant 66 : i32
    %dma_wait3A_1134 = arith.constant 0 : i32
    %dma_wait3A_1135 = tpu.memref_slice %arg5[%dma_wait3A_1133, %dma_wait3A_1134] : memref<80x128xi32, #tpu.memory_space<vmem>> -> memref<1x128xi32, #tpu.memory_space<vmem>>
    %dma_wait3A_1136 = tpu.memref_squeeze %dma_wait3A_1135 : memref<1x128xi32, #tpu.memory_space<vmem>> -> memref<128xi32, #tpu.memory_space<vmem>>
    %dma_wait3A_1137 = arith.constant 0 : i32
    %dma_wait3A_1138 = tpu.memref_slice %arg8[%dma_wait3A_1137] : memref<10240xf32, #tpu.memory_space<vmem_shared>> -> memref<10240xf32, #tpu.memory_space<vmem_shared>>
    tpu.wait_indirect_dma semaphore(%arg9 : memref<!tpu.dma_semaphore, #tpu.memory_space<semaphore_mem>>) src(%arg6 : memref<128xf32, #tpu.memory_space<vmem>>) dst(%dma_wait3A_1138 : memref<10240xf32, #tpu.memory_space<vmem_shared>>)
    %dma_start3A_1139 = arith.constant 74 : i32
    %dma_start3A_1140 = arith.constant 0 : i32
    %dma_start3A_1141 = tpu.memref_slice %arg5[%dma_start3A_1139, %dma_start3A_1140] : memref<80x128xi32, #tpu.memory_space<vmem>> -> memref<1x128xi32, #tpu.memory_space<vmem>>
    %dma_start3A_1142 = tpu.memref_squeeze %dma_start3A_1141 : memref<1x128xi32, #tpu.memory_space<vmem>> -> memref<128xi32, #tpu.memory_space<vmem>>
    %dma_start3A_1143 = arith.constant 0 : i32
    %dma_start3A_1144 = tpu.memref_slice %arg8[%dma_start3A_1143] : memref<10240xf32, #tpu.memory_space<vmem_shared>> -> memref<10240xf32, #tpu.memory_space<vmem_shared>>
    tpu.enqueue_indirect_dma source(%arg6 : memref<128xf32, #tpu.memory_space<vmem>>) target(%dma_start3A_1144 : memref<10240xf32, #tpu.memory_space<vmem_shared>>) offsets(%dma_start3A_1142 : memref<128xi32, #tpu.memory_space<vmem>>) semaphore(%arg9 : memref<!tpu.dma_semaphore, #tpu.memory_space<semaphore_mem>>) {add = true}
    %dma_wait3A_1145 = arith.constant 67 : i32
    %dma_wait3A_1146 = arith.constant 0 : i32
    %dma_wait3A_1147 = tpu.memref_slice %arg5[%dma_wait3A_1145, %dma_wait3A_1146] : memref<80x128xi32, #tpu.memory_space<vmem>> -> memref<1x128xi32, #tpu.memory_space<vmem>>
    %dma_wait3A_1148 = tpu.memref_squeeze %dma_wait3A_1147 : memref<1x128xi32, #tpu.memory_space<vmem>> -> memref<128xi32, #tpu.memory_space<vmem>>
    %dma_wait3A_1149 = arith.constant 0 : i32
    %dma_wait3A_1150 = tpu.memref_slice %arg8[%dma_wait3A_1149] : memref<10240xf32, #tpu.memory_space<vmem_shared>> -> memref<10240xf32, #tpu.memory_space<vmem_shared>>
    tpu.wait_indirect_dma semaphore(%arg9 : memref<!tpu.dma_semaphore, #tpu.memory_space<semaphore_mem>>) src(%arg6 : memref<128xf32, #tpu.memory_space<vmem>>) dst(%dma_wait3A_1150 : memref<10240xf32, #tpu.memory_space<vmem_shared>>)
    %dma_start3A_1151 = arith.constant 75 : i32
    %dma_start3A_1152 = arith.constant 0 : i32
    %dma_start3A_1153 = tpu.memref_slice %arg5[%dma_start3A_1151, %dma_start3A_1152] : memref<80x128xi32, #tpu.memory_space<vmem>> -> memref<1x128xi32, #tpu.memory_space<vmem>>
    %dma_start3A_1154 = tpu.memref_squeeze %dma_start3A_1153 : memref<1x128xi32, #tpu.memory_space<vmem>> -> memref<128xi32, #tpu.memory_space<vmem>>
    %dma_start3A_1155 = arith.constant 0 : i32
    %dma_start3A_1156 = tpu.memref_slice %arg8[%dma_start3A_1155] : memref<10240xf32, #tpu.memory_space<vmem_shared>> -> memref<10240xf32, #tpu.memory_space<vmem_shared>>
    tpu.enqueue_indirect_dma source(%arg6 : memref<128xf32, #tpu.memory_space<vmem>>) target(%dma_start3A_1156 : memref<10240xf32, #tpu.memory_space<vmem_shared>>) offsets(%dma_start3A_1154 : memref<128xi32, #tpu.memory_space<vmem>>) semaphore(%arg9 : memref<!tpu.dma_semaphore, #tpu.memory_space<semaphore_mem>>) {add = true}
    %dma_wait3A_1157 = arith.constant 68 : i32
    %dma_wait3A_1158 = arith.constant 0 : i32
    %dma_wait3A_1159 = tpu.memref_slice %arg5[%dma_wait3A_1157, %dma_wait3A_1158] : memref<80x128xi32, #tpu.memory_space<vmem>> -> memref<1x128xi32, #tpu.memory_space<vmem>>
    %dma_wait3A_1160 = tpu.memref_squeeze %dma_wait3A_1159 : memref<1x128xi32, #tpu.memory_space<vmem>> -> memref<128xi32, #tpu.memory_space<vmem>>
    %dma_wait3A_1161 = arith.constant 0 : i32
    %dma_wait3A_1162 = tpu.memref_slice %arg8[%dma_wait3A_1161] : memref<10240xf32, #tpu.memory_space<vmem_shared>> -> memref<10240xf32, #tpu.memory_space<vmem_shared>>
    tpu.wait_indirect_dma semaphore(%arg9 : memref<!tpu.dma_semaphore, #tpu.memory_space<semaphore_mem>>) src(%arg6 : memref<128xf32, #tpu.memory_space<vmem>>) dst(%dma_wait3A_1162 : memref<10240xf32, #tpu.memory_space<vmem_shared>>)
    %dma_start3A_1163 = arith.constant 76 : i32
    %dma_start3A_1164 = arith.constant 0 : i32
    %dma_start3A_1165 = tpu.memref_slice %arg5[%dma_start3A_1163, %dma_start3A_1164] : memref<80x128xi32, #tpu.memory_space<vmem>> -> memref<1x128xi32, #tpu.memory_space<vmem>>
    %dma_start3A_1166 = tpu.memref_squeeze %dma_start3A_1165 : memref<1x128xi32, #tpu.memory_space<vmem>> -> memref<128xi32, #tpu.memory_space<vmem>>
    %dma_start3A_1167 = arith.constant 0 : i32
    %dma_start3A_1168 = tpu.memref_slice %arg8[%dma_start3A_1167] : memref<10240xf32, #tpu.memory_space<vmem_shared>> -> memref<10240xf32, #tpu.memory_space<vmem_shared>>
    tpu.enqueue_indirect_dma source(%arg6 : memref<128xf32, #tpu.memory_space<vmem>>) target(%dma_start3A_1168 : memref<10240xf32, #tpu.memory_space<vmem_shared>>) offsets(%dma_start3A_1166 : memref<128xi32, #tpu.memory_space<vmem>>) semaphore(%arg9 : memref<!tpu.dma_semaphore, #tpu.memory_space<semaphore_mem>>) {add = true}
    %dma_wait3A_1169 = arith.constant 69 : i32
    %dma_wait3A_1170 = arith.constant 0 : i32
    %dma_wait3A_1171 = tpu.memref_slice %arg5[%dma_wait3A_1169, %dma_wait3A_1170] : memref<80x128xi32, #tpu.memory_space<vmem>> -> memref<1x128xi32, #tpu.memory_space<vmem>>
    %dma_wait3A_1172 = tpu.memref_squeeze %dma_wait3A_1171 : memref<1x128xi32, #tpu.memory_space<vmem>> -> memref<128xi32, #tpu.memory_space<vmem>>
    %dma_wait3A_1173 = arith.constant 0 : i32
    %dma_wait3A_1174 = tpu.memref_slice %arg8[%dma_wait3A_1173] : memref<10240xf32, #tpu.memory_space<vmem_shared>> -> memref<10240xf32, #tpu.memory_space<vmem_shared>>
    tpu.wait_indirect_dma semaphore(%arg9 : memref<!tpu.dma_semaphore, #tpu.memory_space<semaphore_mem>>) src(%arg6 : memref<128xf32, #tpu.memory_space<vmem>>) dst(%dma_wait3A_1174 : memref<10240xf32, #tpu.memory_space<vmem_shared>>)
    %dma_start3A_1175 = arith.constant 77 : i32
    %dma_start3A_1176 = arith.constant 0 : i32
    %dma_start3A_1177 = tpu.memref_slice %arg5[%dma_start3A_1175, %dma_start3A_1176] : memref<80x128xi32, #tpu.memory_space<vmem>> -> memref<1x128xi32, #tpu.memory_space<vmem>>
    %dma_start3A_1178 = tpu.memref_squeeze %dma_start3A_1177 : memref<1x128xi32, #tpu.memory_space<vmem>> -> memref<128xi32, #tpu.memory_space<vmem>>
    %dma_start3A_1179 = arith.constant 0 : i32
    %dma_start3A_1180 = tpu.memref_slice %arg8[%dma_start3A_1179] : memref<10240xf32, #tpu.memory_space<vmem_shared>> -> memref<10240xf32, #tpu.memory_space<vmem_shared>>
    tpu.enqueue_indirect_dma source(%arg6 : memref<128xf32, #tpu.memory_space<vmem>>) target(%dma_start3A_1180 : memref<10240xf32, #tpu.memory_space<vmem_shared>>) offsets(%dma_start3A_1178 : memref<128xi32, #tpu.memory_space<vmem>>) semaphore(%arg9 : memref<!tpu.dma_semaphore, #tpu.memory_space<semaphore_mem>>) {add = true}
    %dma_wait3A_1181 = arith.constant 70 : i32
    %dma_wait3A_1182 = arith.constant 0 : i32
    %dma_wait3A_1183 = tpu.memref_slice %arg5[%dma_wait3A_1181, %dma_wait3A_1182] : memref<80x128xi32, #tpu.memory_space<vmem>> -> memref<1x128xi32, #tpu.memory_space<vmem>>
    %dma_wait3A_1184 = tpu.memref_squeeze %dma_wait3A_1183 : memref<1x128xi32, #tpu.memory_space<vmem>> -> memref<128xi32, #tpu.memory_space<vmem>>
    %dma_wait3A_1185 = arith.constant 0 : i32
    %dma_wait3A_1186 = tpu.memref_slice %arg8[%dma_wait3A_1185] : memref<10240xf32, #tpu.memory_space<vmem_shared>> -> memref<10240xf32, #tpu.memory_space<vmem_shared>>
    tpu.wait_indirect_dma semaphore(%arg9 : memref<!tpu.dma_semaphore, #tpu.memory_space<semaphore_mem>>) src(%arg6 : memref<128xf32, #tpu.memory_space<vmem>>) dst(%dma_wait3A_1186 : memref<10240xf32, #tpu.memory_space<vmem_shared>>)
    %dma_start3A_1187 = arith.constant 78 : i32
    %dma_start3A_1188 = arith.constant 0 : i32
    %dma_start3A_1189 = tpu.memref_slice %arg5[%dma_start3A_1187, %dma_start3A_1188] : memref<80x128xi32, #tpu.memory_space<vmem>> -> memref<1x128xi32, #tpu.memory_space<vmem>>
    %dma_start3A_1190 = tpu.memref_squeeze %dma_start3A_1189 : memref<1x128xi32, #tpu.memory_space<vmem>> -> memref<128xi32, #tpu.memory_space<vmem>>
    %dma_start3A_1191 = arith.constant 0 : i32
    %dma_start3A_1192 = tpu.memref_slice %arg8[%dma_start3A_1191] : memref<10240xf32, #tpu.memory_space<vmem_shared>> -> memref<10240xf32, #tpu.memory_space<vmem_shared>>
    tpu.enqueue_indirect_dma source(%arg6 : memref<128xf32, #tpu.memory_space<vmem>>) target(%dma_start3A_1192 : memref<10240xf32, #tpu.memory_space<vmem_shared>>) offsets(%dma_start3A_1190 : memref<128xi32, #tpu.memory_space<vmem>>) semaphore(%arg9 : memref<!tpu.dma_semaphore, #tpu.memory_space<semaphore_mem>>) {add = true}
    %dma_wait3A_1193 = arith.constant 71 : i32
    %dma_wait3A_1194 = arith.constant 0 : i32
    %dma_wait3A_1195 = tpu.memref_slice %arg5[%dma_wait3A_1193, %dma_wait3A_1194] : memref<80x128xi32, #tpu.memory_space<vmem>> -> memref<1x128xi32, #tpu.memory_space<vmem>>
    %dma_wait3A_1196 = tpu.memref_squeeze %dma_wait3A_1195 : memref<1x128xi32, #tpu.memory_space<vmem>> -> memref<128xi32, #tpu.memory_space<vmem>>
    %dma_wait3A_1197 = arith.constant 0 : i32
    %dma_wait3A_1198 = tpu.memref_slice %arg8[%dma_wait3A_1197] : memref<10240xf32, #tpu.memory_space<vmem_shared>> -> memref<10240xf32, #tpu.memory_space<vmem_shared>>
    tpu.wait_indirect_dma semaphore(%arg9 : memref<!tpu.dma_semaphore, #tpu.memory_space<semaphore_mem>>) src(%arg6 : memref<128xf32, #tpu.memory_space<vmem>>) dst(%dma_wait3A_1198 : memref<10240xf32, #tpu.memory_space<vmem_shared>>)
    %dma_start3A_1199 = arith.constant 79 : i32
    %dma_start3A_1200 = arith.constant 0 : i32
    %dma_start3A_1201 = tpu.memref_slice %arg5[%dma_start3A_1199, %dma_start3A_1200] : memref<80x128xi32, #tpu.memory_space<vmem>> -> memref<1x128xi32, #tpu.memory_space<vmem>>
    %dma_start3A_1202 = tpu.memref_squeeze %dma_start3A_1201 : memref<1x128xi32, #tpu.memory_space<vmem>> -> memref<128xi32, #tpu.memory_space<vmem>>
    %dma_start3A_1203 = arith.constant 0 : i32
    %dma_start3A_1204 = tpu.memref_slice %arg8[%dma_start3A_1203] : memref<10240xf32, #tpu.memory_space<vmem_shared>> -> memref<10240xf32, #tpu.memory_space<vmem_shared>>
    tpu.enqueue_indirect_dma source(%arg6 : memref<128xf32, #tpu.memory_space<vmem>>) target(%dma_start3A_1204 : memref<10240xf32, #tpu.memory_space<vmem_shared>>) offsets(%dma_start3A_1202 : memref<128xi32, #tpu.memory_space<vmem>>) semaphore(%arg9 : memref<!tpu.dma_semaphore, #tpu.memory_space<semaphore_mem>>) {add = true}
    %dma_wait3A_1205 = arith.constant 72 : i32
    %dma_wait3A_1206 = arith.constant 0 : i32
    %dma_wait3A_1207 = tpu.memref_slice %arg5[%dma_wait3A_1205, %dma_wait3A_1206] : memref<80x128xi32, #tpu.memory_space<vmem>> -> memref<1x128xi32, #tpu.memory_space<vmem>>
    %dma_wait3A_1208 = tpu.memref_squeeze %dma_wait3A_1207 : memref<1x128xi32, #tpu.memory_space<vmem>> -> memref<128xi32, #tpu.memory_space<vmem>>
    %dma_wait3A_1209 = arith.constant 0 : i32
    %dma_wait3A_1210 = tpu.memref_slice %arg8[%dma_wait3A_1209] : memref<10240xf32, #tpu.memory_space<vmem_shared>> -> memref<10240xf32, #tpu.memory_space<vmem_shared>>
    tpu.wait_indirect_dma semaphore(%arg9 : memref<!tpu.dma_semaphore, #tpu.memory_space<semaphore_mem>>) src(%arg6 : memref<128xf32, #tpu.memory_space<vmem>>) dst(%dma_wait3A_1210 : memref<10240xf32, #tpu.memory_space<vmem_shared>>)
    %dma_wait3A_1211 = arith.constant 73 : i32
    %dma_wait3A_1212 = arith.constant 0 : i32
    %dma_wait3A_1213 = tpu.memref_slice %arg5[%dma_wait3A_1211, %dma_wait3A_1212] : memref<80x128xi32, #tpu.memory_space<vmem>> -> memref<1x128xi32, #tpu.memory_space<vmem>>
    %dma_wait3A_1214 = tpu.memref_squeeze %dma_wait3A_1213 : memref<1x128xi32, #tpu.memory_space<vmem>> -> memref<128xi32, #tpu.memory_space<vmem>>
    %dma_wait3A_1215 = arith.constant 0 : i32
    %dma_wait3A_1216 = tpu.memref_slice %arg8[%dma_wait3A_1215] : memref<10240xf32, #tpu.memory_space<vmem_shared>> -> memref<10240xf32, #tpu.memory_space<vmem_shared>>
    tpu.wait_indirect_dma semaphore(%arg9 : memref<!tpu.dma_semaphore, #tpu.memory_space<semaphore_mem>>) src(%arg6 : memref<128xf32, #tpu.memory_space<vmem>>) dst(%dma_wait3A_1216 : memref<10240xf32, #tpu.memory_space<vmem_shared>>)
    %dma_wait3A_1217 = arith.constant 74 : i32
    %dma_wait3A_1218 = arith.constant 0 : i32
    %dma_wait3A_1219 = tpu.memref_slice %arg5[%dma_wait3A_1217, %dma_wait3A_1218] : memref<80x128xi32, #tpu.memory_space<vmem>> -> memref<1x128xi32, #tpu.memory_space<vmem>>
    %dma_wait3A_1220 = tpu.memref_squeeze %dma_wait3A_1219 : memref<1x128xi32, #tpu.memory_space<vmem>> -> memref<128xi32, #tpu.memory_space<vmem>>
    %dma_wait3A_1221 = arith.constant 0 : i32
    %dma_wait3A_1222 = tpu.memref_slice %arg8[%dma_wait3A_1221] : memref<10240xf32, #tpu.memory_space<vmem_shared>> -> memref<10240xf32, #tpu.memory_space<vmem_shared>>
    tpu.wait_indirect_dma semaphore(%arg9 : memref<!tpu.dma_semaphore, #tpu.memory_space<semaphore_mem>>) src(%arg6 : memref<128xf32, #tpu.memory_space<vmem>>) dst(%dma_wait3A_1222 : memref<10240xf32, #tpu.memory_space<vmem_shared>>)
    %dma_wait3A_1223 = arith.constant 75 : i32
    %dma_wait3A_1224 = arith.constant 0 : i32
    %dma_wait3A_1225 = tpu.memref_slice %arg5[%dma_wait3A_1223, %dma_wait3A_1224] : memref<80x128xi32, #tpu.memory_space<vmem>> -> memref<1x128xi32, #tpu.memory_space<vmem>>
    %dma_wait3A_1226 = tpu.memref_squeeze %dma_wait3A_1225 : memref<1x128xi32, #tpu.memory_space<vmem>> -> memref<128xi32, #tpu.memory_space<vmem>>
    %dma_wait3A_1227 = arith.constant 0 : i32
    %dma_wait3A_1228 = tpu.memref_slice %arg8[%dma_wait3A_1227] : memref<10240xf32, #tpu.memory_space<vmem_shared>> -> memref<10240xf32, #tpu.memory_space<vmem_shared>>
    tpu.wait_indirect_dma semaphore(%arg9 : memref<!tpu.dma_semaphore, #tpu.memory_space<semaphore_mem>>) src(%arg6 : memref<128xf32, #tpu.memory_space<vmem>>) dst(%dma_wait3A_1228 : memref<10240xf32, #tpu.memory_space<vmem_shared>>)
    %dma_wait3A_1229 = arith.constant 76 : i32
    %dma_wait3A_1230 = arith.constant 0 : i32
    %dma_wait3A_1231 = tpu.memref_slice %arg5[%dma_wait3A_1229, %dma_wait3A_1230] : memref<80x128xi32, #tpu.memory_space<vmem>> -> memref<1x128xi32, #tpu.memory_space<vmem>>
    %dma_wait3A_1232 = tpu.memref_squeeze %dma_wait3A_1231 : memref<1x128xi32, #tpu.memory_space<vmem>> -> memref<128xi32, #tpu.memory_space<vmem>>
    %dma_wait3A_1233 = arith.constant 0 : i32
    %dma_wait3A_1234 = tpu.memref_slice %arg8[%dma_wait3A_1233] : memref<10240xf32, #tpu.memory_space<vmem_shared>> -> memref<10240xf32, #tpu.memory_space<vmem_shared>>
    tpu.wait_indirect_dma semaphore(%arg9 : memref<!tpu.dma_semaphore, #tpu.memory_space<semaphore_mem>>) src(%arg6 : memref<128xf32, #tpu.memory_space<vmem>>) dst(%dma_wait3A_1234 : memref<10240xf32, #tpu.memory_space<vmem_shared>>)
    %dma_wait3A_1235 = arith.constant 77 : i32
    %dma_wait3A_1236 = arith.constant 0 : i32
    %dma_wait3A_1237 = tpu.memref_slice %arg5[%dma_wait3A_1235, %dma_wait3A_1236] : memref<80x128xi32, #tpu.memory_space<vmem>> -> memref<1x128xi32, #tpu.memory_space<vmem>>
    %dma_wait3A_1238 = tpu.memref_squeeze %dma_wait3A_1237 : memref<1x128xi32, #tpu.memory_space<vmem>> -> memref<128xi32, #tpu.memory_space<vmem>>
    %dma_wait3A_1239 = arith.constant 0 : i32
    %dma_wait3A_1240 = tpu.memref_slice %arg8[%dma_wait3A_1239] : memref<10240xf32, #tpu.memory_space<vmem_shared>> -> memref<10240xf32, #tpu.memory_space<vmem_shared>>
    tpu.wait_indirect_dma semaphore(%arg9 : memref<!tpu.dma_semaphore, #tpu.memory_space<semaphore_mem>>) src(%arg6 : memref<128xf32, #tpu.memory_space<vmem>>) dst(%dma_wait3A_1240 : memref<10240xf32, #tpu.memory_space<vmem_shared>>)
    %dma_wait3A_1241 = arith.constant 78 : i32
    %dma_wait3A_1242 = arith.constant 0 : i32
    %dma_wait3A_1243 = tpu.memref_slice %arg5[%dma_wait3A_1241, %dma_wait3A_1242] : memref<80x128xi32, #tpu.memory_space<vmem>> -> memref<1x128xi32, #tpu.memory_space<vmem>>
    %dma_wait3A_1244 = tpu.memref_squeeze %dma_wait3A_1243 : memref<1x128xi32, #tpu.memory_space<vmem>> -> memref<128xi32, #tpu.memory_space<vmem>>
    %dma_wait3A_1245 = arith.constant 0 : i32
    %dma_wait3A_1246 = tpu.memref_slice %arg8[%dma_wait3A_1245] : memref<10240xf32, #tpu.memory_space<vmem_shared>> -> memref<10240xf32, #tpu.memory_space<vmem_shared>>
    tpu.wait_indirect_dma semaphore(%arg9 : memref<!tpu.dma_semaphore, #tpu.memory_space<semaphore_mem>>) src(%arg6 : memref<128xf32, #tpu.memory_space<vmem>>) dst(%dma_wait3A_1246 : memref<10240xf32, #tpu.memory_space<vmem_shared>>)
    %dma_wait3A_1247 = arith.constant 79 : i32
    %dma_wait3A_1248 = arith.constant 0 : i32
    %dma_wait3A_1249 = tpu.memref_slice %arg5[%dma_wait3A_1247, %dma_wait3A_1248] : memref<80x128xi32, #tpu.memory_space<vmem>> -> memref<1x128xi32, #tpu.memory_space<vmem>>
    %dma_wait3A_1250 = tpu.memref_squeeze %dma_wait3A_1249 : memref<1x128xi32, #tpu.memory_space<vmem>> -> memref<128xi32, #tpu.memory_space<vmem>>
    %dma_wait3A_1251 = arith.constant 0 : i32
    %dma_wait3A_1252 = tpu.memref_slice %arg8[%dma_wait3A_1251] : memref<10240xf32, #tpu.memory_space<vmem_shared>> -> memref<10240xf32, #tpu.memory_space<vmem_shared>>
    tpu.wait_indirect_dma semaphore(%arg9 : memref<!tpu.dma_semaphore, #tpu.memory_space<semaphore_mem>>) src(%arg6 : memref<128xf32, #tpu.memory_space<vmem>>) dst(%dma_wait3A_1252 : memref<10240xf32, #tpu.memory_space<vmem_shared>>)
    %barrier3A_1253 = arith.constant 0 : index
    tpu.barrier barrier_id(%barrier3A_1253)
    %mul3A_1254 = arith.constant 640 : i32
    %mul3A_1255 = arith.muli %arg1, %mul3A_1254 : i32
    "tpu.region"() ({
      %run_scoped3A = tpu.sem_alloc : memref<!tpu.dma_semaphore, #tpu.memory_space<semaphore_mem>>
      %dma_start3A_1258 = tpu.memref_slice %arg8[%mul3A_1255] : memref<10240xf32, #tpu.memory_space<vmem_shared>> -> memref<640xf32, #tpu.memory_space<vmem_shared>>
      %dma_start3A_1259 = tpu.memref_slice %arg8[%mul3A_1255] : memref<10240xf32, #tpu.memory_space<vmem_shared>> -> memref<640xf32, #tpu.memory_space<vmem_shared>>
      tpu.enqueue_dma source(%dma_start3A_1259 : memref<640xf32, #tpu.memory_space<vmem_shared>>) target(%arg7 : memref<640xf32, #tpu.memory_space<vmem>>) target_semaphore(%run_scoped3A : memref<!tpu.dma_semaphore, #tpu.memory_space<semaphore_mem>>)
      %dma_wait3A_1260 = tpu.memref_slice %arg8[%mul3A_1255] : memref<10240xf32, #tpu.memory_space<vmem_shared>> -> memref<640xf32, #tpu.memory_space<vmem_shared>>
      %dma_wait3A_1261 = tpu.memref_slice %arg8[%mul3A_1255] : memref<10240xf32, #tpu.memory_space<vmem_shared>> -> memref<640xf32, #tpu.memory_space<vmem_shared>>
      tpu.wait_dma2 semaphore(%run_scoped3A : memref<!tpu.dma_semaphore, #tpu.memory_space<semaphore_mem>>) src(%dma_wait3A_1261 : memref<640xf32, #tpu.memory_space<vmem_shared>>) dst(%arg7 : memref<640xf32, #tpu.memory_space<vmem>>)
      tpu.yield
    }) : () -> ()
    %mul3A_1256 = arith.constant 640 : i32
    %mul3A_1257 = arith.muli %arg1, %mul3A_1256 : i32
    "tpu.region"() ({
      %run_scoped3A = tpu.sem_alloc : memref<!tpu.dma_semaphore, #tpu.memory_space<semaphore_mem>>
      %dma_start3A_1258 = tpu.memref_slice %arg4[%arg0, %mul3A_1257] : memref<2x10240xf32, #tpu.memory_space<hbm>> -> memref<1x640xf32, #tpu.memory_space<hbm>>
      %dma_start3A_1259 = tpu.memref_squeeze %dma_start3A_1258 : memref<1x640xf32, #tpu.memory_space<hbm>> -> memref<640xf32, #tpu.memory_space<hbm>>
      %dma_start3A_1260 = tpu.memref_slice %arg4[%arg0, %mul3A_1257] : memref<2x10240xf32, #tpu.memory_space<hbm>> -> memref<1x640xf32, #tpu.memory_space<hbm>>
      %dma_start3A_1261 = tpu.memref_squeeze %dma_start3A_1260 : memref<1x640xf32, #tpu.memory_space<hbm>> -> memref<640xf32, #tpu.memory_space<hbm>>
      tpu.enqueue_dma source(%arg7 : memref<640xf32, #tpu.memory_space<vmem>>) target(%dma_start3A_1261 : memref<640xf32, #tpu.memory_space<hbm>>) target_semaphore(%run_scoped3A : memref<!tpu.dma_semaphore, #tpu.memory_space<semaphore_mem>>)
      %dma_wait3A_1262 = tpu.memref_slice %arg4[%arg0, %mul3A_1257] : memref<2x10240xf32, #tpu.memory_space<hbm>> -> memref<1x640xf32, #tpu.memory_space<hbm>>
      %dma_wait3A_1263 = tpu.memref_squeeze %dma_wait3A_1262 : memref<1x640xf32, #tpu.memory_space<hbm>> -> memref<640xf32, #tpu.memory_space<hbm>>
      %dma_wait3A_1264 = tpu.memref_slice %arg4[%arg0, %mul3A_1257] : memref<2x10240xf32, #tpu.memory_space<hbm>> -> memref<1x640xf32, #tpu.memory_space<hbm>>
      %dma_wait3A_1265 = tpu.memref_squeeze %dma_wait3A_1264 : memref<1x640xf32, #tpu.memory_space<hbm>> -> memref<640xf32, #tpu.memory_space<hbm>>
      tpu.wait_dma2 semaphore(%run_scoped3A : memref<!tpu.dma_semaphore, #tpu.memory_space<semaphore_mem>>) src(%arg7 : memref<640xf32, #tpu.memory_space<vmem>>) dst(%dma_wait3A_1265 : memref<640xf32, #tpu.memory_space<hbm>>)
      tpu.yield
    }) : () -> ()
    return
  }
}

module attributes {stable_mosaic.version = 14 : i64} {
  func.func @_prep_body(%arg0: i32, %arg1: memref<2x2000x1xf32, #tpu.memory_space<vmem>>, %arg2: memref<2000x128xf32, #tpu.memory_space<vmem>>, %arg3: memref<2000x1xf32, #tpu.memory_space<vmem>>, %arg4: memref<2000x128xf32, #tpu.memory_space<vmem>>) attributes {dimension_semantics = [#tpu.dimension_semantics<arbitrary>], iteration_bounds = array<i64: 5>, scalar_prefetch = 0 : i64, scratch_operands = 0 : i64, tpu.core_type = #tpu.core_type<tc>, window_params = [{transform_indices = @transform_0, window_bounds = array<i64: 2, 2000, 1>}, {transform_indices = @transform_1, window_bounds = array<i64: 2000, 128>}, {transform_indices = @transform_2, window_bounds = array<i64: 2000, 1>}, {transform_indices = @transform_3, window_bounds = array<i64: 2000, 128>}]} {
    %get3A = arith.constant 0 : index
    %get3A_0 = arith.constant 0 : index
    %get3A_1 = arith.constant 0 : index
    %get3A_2 = vector.load %arg1[%get3A, %get3A_0, %get3A_1] : memref<2x2000x1xf32, #tpu.memory_space<vmem>>, vector<1x2000x1xf32>
    %get3A_3 = vector.shape_cast %get3A_2 : vector<1x2000x1xf32> to vector<2000x1xf32>
    %get3A_4 = arith.constant 1 : index
    %get3A_5 = arith.constant 0 : index
    %get3A_6 = arith.constant 0 : index
    %get3A_7 = vector.load %arg1[%get3A_4, %get3A_5, %get3A_6] : memref<2x2000x1xf32, #tpu.memory_space<vmem>>, vector<1x2000x1xf32>
    %get3A_8 = vector.shape_cast %get3A_7 : vector<1x2000x1xf32> to vector<2000x1xf32>
    %add3A = arith.addf %get3A_3, %get3A_8 : vector<2000x1xf32>
    %add3A_9 = arith.constant 1.000000e+00 : f32
    %add3A_10 = vector.broadcast %add3A_9 : f32 to vector<2000x1xf32>
    %add3A_11 = arith.addf %add3A, %add3A_10 : vector<2000x1xf32>
    %rsqrt3A = math.rsqrt %add3A_11 : vector<2000x1xf32>
    %swap3A = arith.constant 0 : index
    %swap3A_12 = arith.constant 0 : index
    %swap3A_13 = vector.load %arg3[%swap3A, %swap3A_12] : memref<2000x1xf32, #tpu.memory_space<vmem>>, vector<2000x1xf32>
    tpu.vector_store %arg3[%swap3A, %swap3A_12], %rsqrt3A {strides = array<i32>} : memref<2000x1xf32, #tpu.memory_space<vmem>>, vector<2000x1xf32>,
    %get3A_14 = arith.constant 0 : index
    %get3A_15 = arith.constant 0 : index
    %get3A_16 = vector.load %arg2[%get3A_14, %get3A_15] : memref<2000x128xf32, #tpu.memory_space<vmem>>, vector<2000x128xf32>
    %mul3A = vector.broadcast %rsqrt3A : vector<2000x1xf32> to vector<2000x128xf32>
    %mul3A_17 = arith.mulf %mul3A, %get3A_16 : vector<2000x128xf32>
    %swap3A_18 = arith.constant 0 : index
    %swap3A_19 = arith.constant 0 : index
    %swap3A_20 = vector.load %arg4[%swap3A_18, %swap3A_19] : memref<2000x128xf32, #tpu.memory_space<vmem>>, vector<2000x128xf32>
    tpu.vector_store %arg4[%swap3A_18, %swap3A_19], %mul3A_17 {strides = array<i32>} : memref<2000x128xf32, #tpu.memory_space<vmem>>, vector<2000x128xf32>,
    return
  }
  func.func @transform_0(%arg0: i32) -> (i32, i32, i32) {
    %c0_i32 = arith.constant 0 : i32
    %c0_i32_0 = arith.constant 0 : i32
    %c0_i32_1 = arith.constant 0 : i32
    return %c0_i32, %arg0, %c0_i32_0 : i32, i32, i32
  }
  func.func @transform_1(%arg0: i32) -> (i32, i32) {
    %c0_i32 = arith.constant 0 : i32
    %c0_i32_0 = arith.constant 0 : i32
    return %arg0, %c0_i32 : i32, i32
  }
  func.func @transform_2(%arg0: i32) -> (i32, i32) {
    %c0_i32 = arith.constant 0 : i32
    %c0_i32_0 = arith.constant 0 : i32
    return %arg0, %c0_i32 : i32, i32
  }
  func.func @transform_3(%arg0: i32) -> (i32, i32) {
    %c0_i32 = arith.constant 0 : i32
    %c0_i32_0 = arith.constant 0 : i32
    return %arg0, %c0_i32 : i32, i32
  }
}

module attributes {stable_mosaic.version = 14 : i64} {
  func.func @_final_body(%arg0: i32, %arg1: memref<2000x128xf32, #tpu.memory_space<vmem>>, %arg2: memref<2000x1xf32, #tpu.memory_space<vmem>>, %arg3: memref<1x2000x128xf32, #tpu.memory_space<vmem>>, %arg4: memref<1x2000x128xf32, #tpu.memory_space<vmem>>, %arg5: memref<2000x128xf32, #tpu.memory_space<vmem>>) attributes {dimension_semantics = [#tpu.dimension_semantics<arbitrary>], iteration_bounds = array<i64: 5>, scalar_prefetch = 0 : i64, scratch_operands = 0 : i64, tpu.core_type = #tpu.core_type<tc>, window_params = [{transform_indices = @transform_0, window_bounds = array<i64: 2000, 128>}, {transform_indices = @transform_1, window_bounds = array<i64: 2000, 1>}, {transform_indices = @transform_2, window_bounds = array<i64: 1, 2000, 128>}, {transform_indices = @transform_3, window_bounds = array<i64: 1, 2000, 128>}, {transform_indices = @transform_4, window_bounds = array<i64: 2000, 128>}]} {
    %get3A = arith.constant 0 : index
    %get3A_0 = arith.constant 0 : index
    %get3A_1 = vector.load %arg1[%get3A, %get3A_0] : memref<2000x128xf32, #tpu.memory_space<vmem>>, vector<2000x128xf32>
    %get3A_2 = arith.constant 0 : index
    %get3A_3 = arith.constant 0 : index
    %get3A_4 = vector.load %arg2[%get3A_2, %get3A_3] : memref<2000x1xf32, #tpu.memory_space<vmem>>, vector<2000x1xf32>
    %mul3A = vector.broadcast %get3A_4 : vector<2000x1xf32> to vector<2000x128xf32>
    %mul3A_5 = arith.mulf %mul3A, %get3A_1 : vector<2000x128xf32>
    %get3A_6 = arith.constant 0 : index
    %get3A_7 = arith.constant 0 : index
    %get3A_8 = arith.constant 0 : index
    %get3A_9 = vector.load %arg3[%get3A_6, %get3A_7, %get3A_8] : memref<1x2000x128xf32, #tpu.memory_space<vmem>>, vector<1x2000x128xf32>
    %get3A_10 = vector.shape_cast %get3A_9 : vector<1x2000x128xf32> to vector<2000x128xf32>
    %add3A = arith.addf %mul3A_5, %get3A_10 : vector<2000x128xf32>
    %get3A_11 = arith.constant 0 : index
    %get3A_12 = arith.constant 0 : index
    %get3A_13 = arith.constant 0 : index
    %get3A_14 = vector.load %arg4[%get3A_11, %get3A_12, %get3A_13] : memref<1x2000x128xf32, #tpu.memory_space<vmem>>, vector<1x2000x128xf32>
    %get3A_15 = vector.shape_cast %get3A_14 : vector<1x2000x128xf32> to vector<2000x128xf32>
    %add3A_16 = arith.addf %add3A, %get3A_15 : vector<2000x128xf32>
    %mul3A_17 = vector.broadcast %get3A_4 : vector<2000x1xf32> to vector<2000x128xf32>
    %mul3A_18 = arith.mulf %mul3A_17, %add3A_16 : vector<2000x128xf32>
    %mul3A_19 = arith.mulf %get3A_1, %mul3A_18 : vector<2000x128xf32>
    %add3A_20 = arith.addf %get3A_1, %mul3A_19 : vector<2000x128xf32>
    %swap3A = arith.constant 0 : index
    %swap3A_21 = arith.constant 0 : index
    %swap3A_22 = vector.load %arg5[%swap3A, %swap3A_21] : memref<2000x128xf32, #tpu.memory_space<vmem>>, vector<2000x128xf32>
    tpu.vector_store %arg5[%swap3A, %swap3A_21], %add3A_20 {strides = array<i32>} : memref<2000x128xf32, #tpu.memory_space<vmem>>, vector<2000x128xf32>,
    return
  }
  func.func @transform_0(%arg0: i32) -> (i32, i32) {
    %c0_i32 = arith.constant 0 : i32
    %c0_i32_0 = arith.constant 0 : i32
    return %arg0, %c0_i32 : i32, i32
  }
  func.func @transform_1(%arg0: i32) -> (i32, i32) {
    %c0_i32 = arith.constant 0 : i32
    %c0_i32_0 = arith.constant 0 : i32
    return %arg0, %c0_i32 : i32, i32
  }
  func.func @transform_2(%arg0: i32) -> (i32, i32, i32) {
    %c0_i32 = arith.constant 0 : i32
    %c0_i32_0 = arith.constant 0 : i32
    %c0_i32_1 = arith.constant 0 : i32
    return %c0_i32, %arg0, %c0_i32_0 : i32, i32, i32
  }
  func.func @transform_3(%arg0: i32) -> (i32, i32, i32) {
    %c1_i32 = arith.constant 1 : i32
    %c0_i32 = arith.constant 0 : i32
    %c0_i32_0 = arith.constant 0 : i32
    return %c1_i32, %arg0, %c0_i32 : i32, i32, i32
  }
  func.func @transform_4(%arg0: i32) -> (i32, i32) {
    %c0_i32 = arith.constant 0 : i32
    %c0_i32_0 = arith.constant 0 : i32
    return %arg0, %c0_i32 : i32, i32
  }
}

</mosaic_0001>

<sc_bundles>
// kernel: kernel.6.cloned.1.call-start
scs
__scs_entry_jumppad:
0x0: {  	(pc) =	sbr.rel $0x88, $3  }
0x1: {  	(tag) =	ssettag $0x0;
	lr =	simm.s32 $0x1  }
0x2: {  	[smem:$0x3F9F] =	sst lr;
	_ =	strace $0xD0000000  }
0x3: {  	_ = 	snop  }
0x4: {  	_ = 	snop  }
0x5: {  	_ = 	snop  }
0x6: {  	_ = 	snop  }
0x7: {  	_ = 	snop  }
__scs_overlays_trampoline_lowered:
0x8: {  	[smem:$0x3FAE] =	sst s0  }
0x9: {  	[smem:$0x3FAF] =	sst s1  }
0xa: {  	[smem:$0x3FB0] =	sst s2  }
0xb: {  	[smem:$0x3FB1] =	sst s3  }
0xc: {  	[smem:$0x3FB2] =	sst s4  }
0xd: {  	[smem:$0x3FB3] =	sst s5  }
0xe: {  	[smem:$0x3FB4] =	sst s6  }
0xf: {  	[smem:$0x3FB5] =	sst s7  }
0x10: {  	[smem:$0x3FB6] =	sst s8  }
0x11: {  	[smem:$0x3FB7] =	sst s9;
	s0 =	simm.s32 @!p0 $0x0  }
0x12: {  	s1 =	sld [smem:$0x3F9D];
	s0 =	simm.s32 @p0 $0x1  }
0x13: {  	[smem:$0x3FB8] =	sst s0;
	s0 =	simm.s32 @!p1 $0x0  }
0x14: {  	s2 =	sld [smem:$0x3F9C];
	s0 =	simm.s32 @p1 $0x1  }
0x15: {  	[smem:$0x3FB9] =	sst s0;
	s0 =	simm.s32 @!p2 $0x0  }
0x16: {  	s3 =	sld [smem:$0x3FDB];
	s0 =	simm.s32 @p2 $0x1  }
0x17: {  	s4 =	simm.s32 $0x1BF5;
	[smem:$0x3FBB] =	sst s0  }
0x18: {  	s0 =	sld [smem:$0x3F9E];
	_ =	swait.ge [sflag:s4], $0x0  }
0x19: {  	s7 =	sld [smem:$0x3F9F]  }
0x1a: {  	s8 =	sadd.s32 $0xFFFFE003, lr  }
0x1b: {  	s9 =	sadd.s32 $0xFFFFFEF7, lr;
	s5 =	simm.s32 $0xFFFFFFFF;
	p2 =	slt.u32 s8, $0xFFFFF086  }
0x1c: {  	p1 =	slt.u32 s9, $0xF7A;
	s5 =	simm.s32 @!p2 $0x0  }
0x1d: {  	s5 =	simm.s32 @p1 $0x1;
	p0 =	seq.s32 s7, s2  }
0x1e: {  	s7 =	smul.u32 @!p0 $0xF7A, s2;
	p2 =	seq.s32 @!p0 s5, $0x0  }
0x1f: {  	s9 =	smul.u32 $0xF7A, s1;
	s8 =	simm.s32 @!p0 $0x1BF5;
	p2 =	por !p2, p0  }
0x20: {  	[sflag:s8] =	ssyncset.s32 @!p0 $0xFFFFF086;
	s6 =	sadd.s32 @!p0 s3, s7;
	s7 =	simm.s32 @!p0 $0x108  }
0x21: {  	s3 =	sadd.s32 s3, s9;
	s6 =	sadd.s32 @!p0 $0x88, s6;
	s7 =	simm.s32 @p2 $0x1082  }
0x22: {  	[simem:s7], [sflag:s8] =	dma.local @!p0 [hbm:s6], $0xF7A  }
0x23: {  	s9 =	sor.u32 $0xD0000000, s2;
	s6 =	simm.s32 $0x108;
	_ =	swait.ge @!p0 [sflag:s8], $0x0  }
0x24: {  	s3 =	sadd.s32 $0x88, s3;
	s6 =	simm.s32 @!p1 $0x1082;
	[sflag:s4] =	ssyncset.s32 $0xFFFFF086  }
0x25: {  	[simem:s6], [sflag:s4] =	dma.local [hbm:s3], $0xF7A  }
0x26: {  	[smem:$0x3F9F] =	sst s1;
	(tag) =	ssettag s2;
	_ =	strace s9  }
0x27: {  	s1 =	sld [smem:$0x3FAF]  }
0x28: {  	s2 =	sld [smem:$0x3FB0]  }
0x29: {  	s4 =	sld [smem:$0x3FB2]  }
0x2a: {  	p0 =	seq.s32 s5, $0x0;
	s5 =	sld [smem:$0x3FB3]  }
0x2b: {  	s6 =	sld [smem:$0x3FB4]  }
0x2c: {  	s7 =	sld [smem:$0x3FB5]  }
0x2d: {  	s3 =	simm.s32 $0x108;
	s8 =	sld [smem:$0x3FB6]  }
0x2e: {  	s3 =	simm.s32 @!p0 $0x1082;
	s9 =	sld [smem:$0x3FB7]  }
0x2f: {  	lr =	sadd.s32 s0, s3;
	s0 =	sld [smem:$0x3FAE]  }
0x30: {  	s3 =	sld [smem:$0x3FB1]  }
0x31: {  	[smem:$0x3FBA] =	sst s10  }
0x32: {  	s10 =	sld [smem:$0x3FB8];
	_ =	sdelay $0x3  }
0x33: {  	p0 =	seq.s32 s10, $0x1;
	s10 =	sld [smem:$0x3FBA];
	_ =	sdelay $0x3  }
0x34: {  	[smem:$0x3FBA] =	sst s10  }
0x35: {  	s10 =	sld [smem:$0x3FB9];
	_ =	sdelay $0x3  }
0x36: {  	p1 =	seq.s32 s10, $0x1;
	s10 =	sld [smem:$0x3FBA];
	_ =	sdelay $0x3  }
0x37: {  	[smem:$0x3FBA] =	sst s10  }
0x38: {  	s10 =	sld [smem:$0x3FBB]  }
0x39: {  	_ = 	snop;
	(pc) =	sbr.ind lr, $3  }
0x3a: {  	_ = 	snop  }
0x3b: {  	_ = 	snop  }
0x3c: {  	p2 =	seq.s32 s10, $0x1;
	s10 =	sld [smem:$0x3FBA]  }
0x3d: {  	_ =	shalt  }
0x3e: {  	_ =	shalt  }
0x3f: {  	_ =	shalt  }
0x40: {  	_ =	shalt  }
0x41: {  	_ =	shalt  }
0x42: {  	_ =	shalt  }
0x43: {  	_ =	shalt  }
0x44: {  	_ =	shalt  }
0x45: {  	_ =	shalt  }
0x46: {  	_ =	shalt  }
0x47: {  	_ =	shalt  }
0x48: {  	_ =	shalt  }
0x49: {  	_ =	shalt  }
0x4a: {  	_ =	shalt  }
0x4b: {  	_ =	shalt  }
0x4c: {  	_ =	shalt  }
0x4d: {  	_ =	shalt  }
0x4e: {  	_ =	shalt  }
0x4f: {  	_ =	shalt  }
0x50: {  	_ =	shalt  }
0x51: {  	_ =	shalt  }
0x52: {  	_ =	shalt  }
0x53: {  	_ =	shalt  }
0x54: {  	_ =	shalt  }
0x55: {  	_ =	shalt  }
0x56: {  	_ =	shalt  }
0x57: {  	_ =	shalt  }
0x58: {  	_ =	shalt  }
0x59: {  	_ =	shalt  }
0x5a: {  	_ =	shalt  }
0x5b: {  	_ =	shalt  }
0x5c: {  	_ =	shalt  }
0x5d: {  	_ =	shalt  }
0x5e: {  	_ =	shalt  }
0x5f: {  	_ =	shalt  }
0x60: {  	_ =	shalt  }
0x61: {  	_ =	shalt  }
0x62: {  	_ =	shalt  }
0x63: {  	_ =	shalt  }
0x64: {  	_ =	shalt  }
0x65: {  	_ =	shalt  }
0x66: {  	_ =	shalt  }
0x67: {  	_ =	shalt  }
0x68: {  	_ =	shalt  }
0x69: {  	_ =	shalt  }
0x6a: {  	_ =	shalt  }
0x6b: {  	_ =	shalt  }
0x6c: {  	_ =	shalt  }
0x6d: {  	_ =	shalt  }
0x6e: {  	_ =	shalt  }
0x6f: {  	_ =	shalt  }
0x70: {  	_ =	shalt  }
0x71: {  	_ =	shalt  }
0x72: {  	_ =	shalt  }
0x73: {  	_ =	shalt  }
0x74: {  	_ =	shalt  }
0x75: {  	_ =	shalt  }
0x76: {  	_ =	shalt  }
0x77: {  	_ =	shalt  }
0x78: {  	_ =	shalt  }
0x79: {  	_ =	shalt  }
0x7a: {  	_ =	shalt  }
0x7b: {  	_ =	shalt  }
0x7c: {  	_ =	shalt  }
0x7d: {  	_ =	shalt  }
0x7e: {  	_ =	shalt  }
0x7f: {  	_ =	shalt  }
0x80: {  	_ =	shalt  }
0x81: {  	_ =	shalt  }
0x82: {  	_ =	shalt  }
0x83: {  	_ =	shalt  }
0x84: {  	_ =	shalt  }
0x85: {  	_ =	shalt  }
0x86: {  	_ =	shalt  }
0x87: {  	_ =	shalt  }
.Lfunc_end0:
.L_simem_size_0:
called_computation_lowered:
.L_overlay_start_0:
0x88: {  	s2 =	sld [smem:$0x3FD9]  }
0x89: {  	s3 =	sld [smem:$0x3FFE];
	_ =	sdelay $0x1  }
0x8a: {  	s1 =	srdreg.scid  }
0x8b: {  	s0 =	sand.u32 $0x1, s1  }
0x8c: {  	s17 =	sshll.u32 s0, $0xA;
	s2 =	sadd.s32 s3, s2  }
0x8d: {  	s2 =	sadd.s32 s2, s17  }
0x8e: {  	[smem:$0x3FC6] =	sst s2  }
0x8f: {  	_ = 	snop  }
0x90: {  	s2 =	sld [smem:$0x3FD0];
	(tm) =	ssettm $0x1  }
0x91: {  	s18 =	sld [smem:$0x3FFB];
	_ =	sdelay $0x3  }
0x92: {  	_ =	strace s18  }
0x93: {  	s3 =	sld [smem:$0x3FFC];
	_ =	sdelay $0x3  }
0x94: {  	_ =	strace s3  }
0x95: {  	s3 =	sld [smem:$0x3FFD];
	_ =	sdelay $0x3  }
0x96: {  	_ =	strace s3  }
0x97: {  	_ =	strace $0x8FFFFFFF  }
0x98: {  	s19 =	sld [smem:$0x3FDB];
	_ =	sdelay $0x1  }
0x99: {  	s4 =	simm.s32 $_scs_section_size  }
0x9a: {  	s5 =	simm.s32 $_size__tile_overlayer_lowered;
	s6 =	simm.s32 $_tile_overlayer_lowered  }
0x9b: {  	s22 =	simm.s32 $0x1BFF;
	s21 =	sshll.u32 s6, $0x1;
	s3 =	sadd.s32 s4, s19  }
0x9c: {  	s7 =	simm.s32 $0x0;
	s20 =	sshll.u32 s5, $0x1;
	s5 =	sadd.s32 s21, s3  }
0x9d: {  	[timem:s7], [sflag:s22] =	dma.local [hbm:s5], s20  }
0x9e: {  	_ =	swait.ge [sflag:s22], s20  }
0x9f: {  	s4 =	ssub.s32 $0x0, s20;
	[sflag:s22] =	ssyncset.done $0x0  }
0xa0: {  	[sflag:s22] =	ssyncadd.s32 s4;
	_ =	sdelay $0x1  }
0xa1: {  	s23 =	simm.s32 $0x1B8B  }
0xa2: {  	_ =	swait.ge [sflag:s23], $0x1  }
0xa3: {  	[sflag:s23] =	ssyncset.done $0x0  }
0xa4: {  	s25 =	simm.s32 $0x1B8E;
	s24 =	sld [smem:$0x3FFE];
	[sflag:s23] =	ssyncadd.s32 $0xFFFFFFFF  }
0xa5: {  	s26 =	simm.s32 $execute0_lowered;
	[smem:$0x3FD2] =	sst s25  }
0xa6: {  	s5 =	sshll.u32 s26, $0x1;
	_ =	strace $0x80000046;
	[dreg:$0x1] =	wrdreg $0xFFFFFFFF  }
0xa7: {  	s28 =	simm.s32 $_size_execute0_lowered;
	s3 =	sadd.s32 s3, s5;
	[dreg:$0x0] =	wrdreg $0x0  }
0xa8: {  	s5 =	sshll.u32 s28, $0x1;
	[dreg:$0x2] =	wrdreg s3  }
0xa9: {  	[dreg:$0x3] =	wrdreg s5  }
0xaa: {  	[dreg:$0x4] =	wrdreg $0xC0  }
0xab: {  	_ =	task [dreg:s7], $0x5FFFF  }
0xac: {  	[dreg:$0x1] =	wrdreg $0xFFFFFFFF  }
0xad: {  	[dreg:$0x0] =	wrdreg $0x60  }
0xae: {  	[dreg:$0x2] =	wrdreg s24  }
0xaf: {  	[dreg:$0x3] =	wrdreg s2  }
0xb0: {  	[dreg:$0x4] =	wrdreg $0x2B000  }
0xb1: {  	[dreg:$0x5] =	wrdreg $0x9  }
0xb2: {  	_ =	task.clear_ibuf [dreg:s7], $0x6FFFF;
	_ =	strace $0x90000046  }
0xb3: {  	s29 =	simm.s32 $0x9;
	_ =	strace $0x80000048  }
0xb4: {  	_ =	swait.ge [sflag:s29], $0x1  }
0xb5: {  	[sflag:s29] =	ssyncadd.s32 $0xFFFFFFFF  }
0xb6: {  	_ =	strace $0x90000048  }
0xb7: {  	_ =	sfence  }
0xb8: {  	s30 =	sld [smem:$0x0];
	_ =	sdelay $0x2  }
0xb9: {  	s31 =	sshll.u32 s1, $0xD;
	s1 =	sshrl.u32 s1, $0x2  }
0xba: {  	s3 =	sand.u32 $0x4000, s31;
	s1 =	sadd.s32 s1, s30  }
0xbb: {  	s0 =	sor.u32 s3, s0;
	s1 =	sshll.u32 s1, $0x11  }
0xbc: {  	s0 =	sor.u32 s1, s0  }
0xbd: {  	s0 =	sadd.s32 $0x8F2B, s0  }
0xbe: {  	[sflag:s0] =	ssyncadd.remote.s32 $0x1  }
0xbf: {  	_ =	sfence.sel $0xFFFF  }
0xc0: {  	[dreg:$0x0] =	wrdreg $0xFFFFFFFF;
	(pc) =	sbr.abs _section_cstart, $3  }
0xc1: {  	[dreg:$0x1] =	wrdreg $0xFFFFFFFF  }
0xc2: {  	_ =	task.clear_ibuf [dreg:s7], $0x2FFFF;
	_ =	strace $0x9FFFFFFF  }
0xc3: {  	(tm) =	ssettm $0x7FFFFFFF  }
tec
execute0_lowered:
.L_overlay_start_1:
0x0: {  	(tag) =	ssettag $0x1  }
0x1: {  	s0 =	srdreg.scid;
	s4 =	rddreg [dreg:$0x0]  }
0x2: {  	s5 =	rddreg [dreg:$0x1];
	s3 =	simm.s32 $0x0;
	s1 =	sand.u32 $0x1, s0  }
0x3: {  	s0 =	stileid.u32;
	[smem:$0x7FF] =	sst s3;
	s2 =	sshll.u32 s1, $0x4  }
0x4: {  	s11 =	simm.s32 $0x180;
	s6 =	sor.u32 s0, s2;
	s2 =	rddreg [dreg:$0x2]  }
0x5: {  	s12 =	simm.s32 $0x200;
	_ =	strace $0x80000047;
	[dreg:$0x6] =	wrdreg s11  }
0x6: {  	s13 =	simm.s32 $0x280;
	[dreg:$0x7] =	wrdreg s12  }
0x7: {  	s14 =	simm.s32 $0x300;
	[dreg:$0x8] =	wrdreg s13  }
0x8: {  	s15 =	simm.s32 $0x380;
	[dreg:$0x9] =	wrdreg s14  }
0x9: {  	s16 =	simm.s32 $0x400;
	[dreg:$0xa] =	wrdreg s15  }
0xa: {  	s17 =	simm.s32 $0x480;
	[dreg:$0xb] =	wrdreg s16  }
0xb: {  	s18 =	simm.s32 $0x500;
	[dreg:$0xc] =	wrdreg s17  }
0xc: {  	s19 =	simm.s32 $0x580;
	[dreg:$0xd] =	wrdreg s18  }
0xd: {  	s20 =	simm.s32 $0x600;
	[dreg:$0xe] =	wrdreg s19  }
0xe: {  	s21 =	simm.s32 $0x680;
	[dreg:$0xf] =	wrdreg s20  }
0xf: {  	s22 =	simm.s32 $0x700;
	[dreg:$0x10] =	wrdreg s21  }
0x10: {  	s23 =	simm.s32 $0x780;
	[dreg:$0x11] =	wrdreg s22  }
0x11: {  	s24 =	simm.s32 $0x800;
	[dreg:$0x12] =	wrdreg s23  }
0x12: {  	s25 =	simm.s32 $0x880;
	[dreg:$0x13] =	wrdreg s24  }
0x13: {  	s26 =	simm.s32 $0x900;
	[dreg:$0x14] =	wrdreg s25  }
0x14: {  	[dreg:$0x15] =	wrdreg s26;
	s11 =	simm.s32 $0xC80  }
0x15: {  	s12 =	simm.s32 $0xD00;
	[dreg:$0x1c] =	wrdreg s11  }
0x16: {  	s13 =	simm.s32 $0xD80;
	[dreg:$0x1d] =	wrdreg s12  }
0x17: {  	s14 =	simm.s32 $0xE00;
	[dreg:$0x1e] =	wrdreg s13  }
0x18: {  	s15 =	simm.s32 $0xE80;
	[dreg:$0x1f] =	wrdreg s14  }
0x19: {  	s16 =	simm.s32 $0xF00;
	[smem:$0x7DF] =	sst s15  }
0x1a: {  	s17 =	simm.s32 $0xF80;
	[smem:$0x7E0] =	sst s16  }
0x1b: {  	s18 =	simm.s32 $0x1000;
	[smem:$0x7E1] =	sst s17  }
0x1c: {  	s19 =	simm.s32 $0x1080;
	[smem:$0x7E2] =	sst s18  }
0x1d: {  	s20 =	simm.s32 $0x1100;
	[smem:$0x7E3] =	sst s19  }
0x1e: {  	s21 =	simm.s32 $0x1180;
	[smem:$0x7E4] =	sst s20  }
0x1f: {  	s22 =	simm.s32 $0x1200;
	[smem:$0x7E5] =	sst s21  }
0x20: {  	s23 =	simm.s32 $0x1280;
	[smem:$0x7E6] =	sst s22  }
0x21: {  	s24 =	simm.s32 $0x1300;
	[smem:$0x7E7] =	sst s23  }
0x22: {  	s25 =	simm.s32 $0x1380;
	[smem:$0x7E8] =	sst s24  }
0x23: {  	s28 =	simm.s32 $0x2580;
	s26 =	simm.s32 $0x1400;
	[smem:$0x7E9] =	sst s25  }
0x24: {  	s29 =	simm.s32 $0x2600;
	[smem:$0x7EA] =	sst s26;
	s11 =	simm.s32 $0x1780  }
0x25: {  	s30 =	simm.s32 $0x2680;
	s13 =	simm.s32 $0x1800;
	[smem:$0x7F1] =	sst s11  }
0x26: {  	s31 =	simm.s32 $0x2700;
	s15 =	simm.s32 $0x1880;
	[smem:$0x7F2] =	sst s13  }
0x27: {  	s8 =	smul.u32 $0x500, s0;
	s16 =	simm.s32 $0x1900;
	[smem:$0x7F3] =	sst s15  }
0x28: {  	s9 =	sshll.u32 s1, $0x7;
	s18 =	simm.s32 $0x1980;
	[smem:$0x7F4] =	sst s16  }
0x29: {  	s1 =	ssub.s32 $0x2, s1;
	s19 =	simm.s32 $0x1A00;
	[smem:$0x7F5] =	sst s18  }
0x2a: {  	s7 =	smul.u32 $0x2800, s6;
	s20 =	simm.s32 $0x1A80;
	[smem:$0x7F6] =	sst s19  }
0x2b: {  	s8 =	sor.u32 s9, s8;
	s21 =	simm.s32 $0x1B00;
	[smem:$0x7F7] =	sst s20  }
0x2c: {  	p0 =	seq.s32 s6, $0x1F;
	s22 =	simm.s32 $0x1B80;
	[smem:$0x7F8] =	sst s21  }
0x2d: {  	s12 =	sshrl.u32 s1, $0x1;
	s23 =	simm.s32 $0x1C00;
	[smem:$0x7F9] =	sst s22  }
0x2e: {  	s14 =	smul.u32 $0xA00, s0;
	s24 =	simm.s32 $0x1C80;
	[smem:$0x7FA] =	sst s23  }
0x2f: {  	s25 =	simm.s32 $0x1D00;
	s26 =	simm.s32 $0x1D80;
	[smem:$0x7FB] =	sst s24  }
0x30: {  	s10 =	sshrl.u32 s8, $0x3;
	s8 =	simm.s32 $0xB00;
	[smem:$0x7FC] =	sst s25  }
0x31: {  	s1 =	ssub.s32 s1, s12;
	s11 =	simm.s32 $0x1;
	[smem:$0x7FD] =	sst s26  }
0x32: {  	s13 =	simm.s32 $0x1E80;
	s15 =	simm.s32 $0x1F80;
	s16 =	simm.s32 $0x2000  }
0x33: {  	s18 =	simm.s32 $0x2100;
	s19 =	simm.s32 $0x2180;
	s20 =	simm.s32 $0x2200  }
0x34: {  	s21 =	simm.s32 $0x2280;
	s22 =	simm.s32 $0x2300;
	s23 =	simm.s32 $0x2380  }
0x35: {  	s24 =	simm.s32 $0x2400;
	s25 =	simm.s32 $0x2480;
	s26 =	simm.s32 $0x2500  }
0x36: {  	s7 =	sshrl.u32 s7, $0x3;
	s5 =	sadd.s32 s5, s10;
	[dreg:$0x19] =	wrdreg s8  }
0x37: {  	s10 =	simm.s32 $0xC00;
	s8 =	simm.s32 $0x1600;
	[dreg:$0x4] =	wrdreg s5  }
0x38: {  	s17 =	sshrl.u32 s14, $0x2;
	s14 =	simm.s32 $0x1F00;
	[dreg:$0x1b] =	wrdreg s10  }
0x39: {  	s9 =	sadd.s32 s4, s7;
	s5 =	simm.s32 $0x980;
	[smem:$0x7EE] =	sst s8  }
0x3a: {  	s4 =	sadd.s32 $0x15B00, s4;
	s7 =	simm.s32 $0xA80;
	[dreg:$0x16] =	wrdreg s5  }
0x3b: {  	s10 =	simm.s32 $0x1700;
	s8 =	simm.s32 $0x80;
	[dreg:$0x18] =	wrdreg s7  }
0x3c: {  	s6 =	sadd.s32 $0xB880, s9;
	s9 =	simm.s32 $0xB80;
	[smem:$0x7F0] =	sst s10  }
0x3d: {  	s5 =	simm.s32 $0x1480;
	s7 =	simm.s32 $0x1580;
	[dreg:$0x1a] =	wrdreg s9  }
0x3e: {  	s10 =	simm.s32 $0x100;
	s6 =	smov.u32 @p0 s4;
	[smem:$0x7EB] =	sst s5  }
0x3f: {  	[smem:$0x7ED] =	sst s7;
	s9 =	simm.s32 $0x1680;
	s4 =	sadd.s32 s17, s2  }
0x40: {  	s5 =	smax.u32 s1, $0x1;
	s7 =	simm.s32 $0x2880;
	[dreg:$0x5] =	wrdreg s6  }
0x41: {  	s17 =	simm.s32 $0x2080;
	s6 =	simm.s32 $0xA00;
	[smem:$0x7EF] =	sst s9  }
0x42: {  	s1 =	simm.s32 $0x2780;
	[dreg:$0x17] =	wrdreg s6;
	s6 =	simm.s32 $0x1500  }
0x43: {  	v0 =	vimm.f32 $1.000000000e+00;
	v1 =	vimm.f32 $0.0e+00;
	s9 =	simm.s32 $0x2800;
	[smem:$0x7EC] =	sst s6;
	s6 =	simm.s32 $0x2  }
.LBB2_1:
0x44: {  	s0 =	rddreg [dreg:$0x5]  }
0x45: {  	[tilespmem:s3], [sflag:$0x2] =	stream.linear.gather [hbm4b:s0+s3], $0x2800, $0x38;
	[tilespmem:$0x2D80] =	vst v63  }
0x46: {  	_ =	swait.ge [sflag:s6], $0x2800  }
0x47: {  	[sflag:s6] =	ssyncset.done $0x0  }
0x48: {  	[sflag:s6] =	ssyncadd.s32 $0xFFFFD800  }
0x49: {  	[tilespmem:$0x2800] =	vst v0  }
0x4a: {  	[tilespmem:$0x2810] =	vst v0  }
0x4b: {  	[tilespmem:$0x2820] =	vst v0  }
0x4c: {  	[tilespmem:$0x2830] =	vst v0  }
0x4d: {  	[tilespmem:$0x2840] =	vst v0  }
0x4e: {  	[tilespmem:$0x2850] =	vst v0  }
0x4f: {  	[tilespmem:$0x2860] =	vst v0  }
0x50: {  	[tilespmem:$0x2870] =	vst v0  }
0x51: {  	[tilespmem:$0x2880] =	vst v1  }
0x52: {  	[tilespmem:$0x2890] =	vst v1  }
0x53: {  	[tilespmem:$0x28A0] =	vst v1  }
0x54: {  	[tilespmem:$0x28B0] =	vst v1  }
0x55: {  	[tilespmem:$0x28C0] =	vst v1  }
0x56: {  	[tilespmem:$0x28D0] =	vst v1  }
0x57: {  	[tilespmem:$0x28E0] =	vst v1  }
0x58: {  	[tilespmem:$0x28F0] =	vst v1  }
0x59: {  	[tilespmem:$0x2900] =	vst v1  }
0x5a: {  	[tilespmem:$0x2910] =	vst v1  }
0x5b: {  	[tilespmem:$0x2920] =	vst v1  }
0x5c: {  	[tilespmem:$0x2930] =	vst v1  }
0x5d: {  	[tilespmem:$0x2940] =	vst v1  }
0x5e: {  	[tilespmem:$0x2950] =	vst v1  }
0x5f: {  	[tilespmem:$0x2960] =	vst v1  }
0x60: {  	[tilespmem:$0x2970] =	vst v1  }
0x61: {  	[tilespmem:$0x2980] =	vst v1  }
0x62: {  	[tilespmem:$0x2990] =	vst v1  }
0x63: {  	[tilespmem:$0x29A0] =	vst v1  }
0x64: {  	[tilespmem:$0x29B0] =	vst v1  }
0x65: {  	[tilespmem:$0x29C0] =	vst v1  }
0x66: {  	[tilespmem:$0x29D0] =	vst v1  }
0x67: {  	[tilespmem:$0x29E0] =	vst v1  }
0x68: {  	[tilespmem:$0x29F0] =	vst v1  }
0x69: {  	[tilespmem:$0x2A00] =	vst v1  }
0x6a: {  	[tilespmem:$0x2A10] =	vst v1  }
0x6b: {  	[tilespmem:$0x2A20] =	vst v1  }
0x6c: {  	[tilespmem:$0x2A30] =	vst v1  }
0x6d: {  	[tilespmem:$0x2A40] =	vst v1  }
0x6e: {  	[tilespmem:$0x2A50] =	vst v1  }
0x6f: {  	[tilespmem:$0x2A60] =	vst v1  }
0x70: {  	[tilespmem:$0x2A70] =	vst v1  }
0x71: {  	[tilespmem:$0x2A80] =	vst v1  }
0x72: {  	[tilespmem:$0x2A90] =	vst v1  }
0x73: {  	[tilespmem:$0x2AA0] =	vst v1  }
0x74: {  	[tilespmem:$0x2AB0] =	vst v1  }
0x75: {  	[tilespmem:$0x2AC0] =	vst v1  }
0x76: {  	[tilespmem:$0x2AD0] =	vst v1  }
0x77: {  	[tilespmem:$0x2AE0] =	vst v1  }
0x78: {  	[tilespmem:$0x2AF0] =	vst v1  }
0x79: {  	[spmem:s4] =	stream.linear.scatter [tilespmem:s7], [sflag:$0x2], $0x280, $0x38;
	[tilespmem:$0x2D80] =	vst v63  }
0x7a: {  	_ =	swait.ge [sflag:s6], $0x280  }
0x7b: {  	[sflag:s6] =	ssyncset.done $0x0  }
0x7c: {  	[sflag:s6] =	ssyncadd.s32 $0xFFFFFD80  }
0x7d: {  	[bflag:$0x0] =	sbarrier.arrive $0xFFFF  }
0x7e: {  	[spmem:s2] =	stream.indirect.scatter.add.f32 [tilespmem:s9], [sflag:$0x1], $0x1, s3, s8, $0xb8;
	[tilespmem:$0x2D80] =	vst v63  }
0x7f: {  	_ = 	snop  }
0x80: {  	[spmem:s2] =	stream.indirect.scatter.add.f32 [tilespmem:s9], [sflag:$0x1], $0x1, s8, s8, $0xb8;
	[tilespmem:$0x2D80] =	vst v63  }
0x81: {  	_ = 	snop  }
0x82: {  	[spmem:s2] =	stream.indirect.scatter.add.f32 [tilespmem:s9], [sflag:$0x1], $0x1, s10, s8, $0xb8;
	[tilespmem:$0x2D80] =	vst v63  }
0x83: {  	s0 =	rddreg [dreg:$0x6]  }
0x84: {  	[spmem:s2] =	stream.indirect.scatter.add.f32 [tilespmem:s9], [sflag:$0x1], $0x1, s0, s8, $0xb8;
	[tilespmem:$0x2D80] =	vst v63  }
0x85: {  	s12 =	rddreg [dreg:$0x7]  }
0x86: {  	[spmem:s2] =	stream.indirect.scatter.add.f32 [tilespmem:s9], [sflag:$0x1], $0x1, s12, s8, $0xb8;
	[tilespmem:$0x2D80] =	vst v63  }
0x87: {  	s0 =	rddreg [dreg:$0x8]  }
0x88: {  	[spmem:s2] =	stream.indirect.scatter.add.f32 [tilespmem:s9], [sflag:$0x1], $0x1, s0, s8, $0xb8;
	[tilespmem:$0x2D80] =	vst v63  }
0x89: {  	s12 =	rddreg [dreg:$0x9]  }
0x8a: {  	[spmem:s2] =	stream.indirect.scatter.add.f32 [tilespmem:s9], [sflag:$0x1], $0x1, s12, s8, $0xb8;
	[tilespmem:$0x2D80] =	vst v63  }
0x8b: {  	s0 =	rddreg [dreg:$0xa]  }
0x8c: {  	[spmem:s2] =	stream.indirect.scatter.add.f32 [tilespmem:s9], [sflag:$0x1], $0x1, s0, s8, $0xb8;
	[tilespmem:$0x2D80] =	vst v63  }
0x8d: {  	_ =	swait.ge [sflag:s11], $0x80  }
0x8e: {  	[sflag:s11] =	ssyncset.done $0x0  }
0x8f: {  	s12 =	rddreg [dreg:$0xb];
	[sflag:s11] =	ssyncadd.s32 $0xFFFFFF80  }
0x90: {  	[spmem:s2] =	stream.indirect.scatter.add.f32 [tilespmem:s9], [sflag:$0x1], $0x1, s12, s8, $0xb8;
	[tilespmem:$0x2D80] =	vst v63  }
0x91: {  	_ =	swait.ge [sflag:s11], $0x80  }
0x92: {  	[sflag:s11] =	ssyncset.done $0x0  }
0x93: {  	s12 =	rddreg [dreg:$0xc];
	[sflag:s11] =	ssyncadd.s32 $0xFFFFFF80  }
0x94: {  	[spmem:s2] =	stream.indirect.scatter.add.f32 [tilespmem:s9], [sflag:$0x1], $0x1, s12, s8, $0xb8;
	[tilespmem:$0x2D80] =	vst v63  }
0x95: {  	_ =	swait.ge [sflag:s11], $0x80  }
0x96: {  	[sflag:s11] =	ssyncset.done $0x0  }
0x97: {  	s12 =	rddreg [dreg:$0xd];
	[sflag:s11] =	ssyncadd.s32 $0xFFFFFF80  }
0x98: {  	[spmem:s2] =	stream.indirect.scatter.add.f32 [tilespmem:s9], [sflag:$0x1], $0x1, s12, s8, $0xb8;
	[tilespmem:$0x2D80] =	vst v63  }
0x99: {  	_ =	swait.ge [sflag:s11], $0x80  }
0x9a: {  	[sflag:s11] =	ssyncset.done $0x0  }
0x9b: {  	s12 =	rddreg [dreg:$0xe];
	[sflag:s11] =	ssyncadd.s32 $0xFFFFFF80  }
0x9c: {  	[spmem:s2] =	stream.indirect.scatter.add.f32 [tilespmem:s9], [sflag:$0x1], $0x1, s12, s8, $0xb8;
	[tilespmem:$0x2D80] =	vst v63  }
0x9d: {  	_ =	swait.ge [sflag:s11], $0x80  }
0x9e: {  	[sflag:s11] =	ssyncset.done $0x0  }
0x9f: {  	s12 =	rddreg [dreg:$0xf];
	[sflag:s11] =	ssyncadd.s32 $0xFFFFFF80  }
0xa0: {  	[spmem:s2] =	stream.indirect.scatter.add.f32 [tilespmem:s9], [sflag:$0x1], $0x1, s12, s8, $0xb8;
	[tilespmem:$0x2D80] =	vst v63  }
0xa1: {  	_ =	swait.ge [sflag:s11], $0x80  }
0xa2: {  	[sflag:s11] =	ssyncset.done $0x0  }
0xa3: {  	s12 =	rddreg [dreg:$0x10];
	[sflag:s11] =	ssyncadd.s32 $0xFFFFFF80  }
0xa4: {  	[spmem:s2] =	stream.indirect.scatter.add.f32 [tilespmem:s9], [sflag:$0x1], $0x1, s12, s8, $0xb8;
	[tilespmem:$0x2D80] =	vst v63  }
0xa5: {  	_ =	swait.ge [sflag:s11], $0x80  }
0xa6: {  	[sflag:s11] =	ssyncset.done $0x0  }
0xa7: {  	s12 =	rddreg [dreg:$0x11];
	[sflag:s11] =	ssyncadd.s32 $0xFFFFFF80  }
0xa8: {  	[spmem:s2] =	stream.indirect.scatter.add.f32 [tilespmem:s9], [sflag:$0x1], $0x1, s12, s8, $0xb8;
	[tilespmem:$0x2D80] =	vst v63  }
0xa9: {  	_ =	swait.ge [sflag:s11], $0x80  }
0xaa: {  	[sflag:s11] =	ssyncset.done $0x0  }
0xab: {  	s12 =	rddreg [dreg:$0x12];
	[sflag:s11] =	ssyncadd.s32 $0xFFFFFF80  }
0xac: {  	[spmem:s2] =	stream.indirect.scatter.add.f32 [tilespmem:s9], [sflag:$0x1], $0x1, s12, s8, $0xb8;
	[tilespmem:$0x2D80] =	vst v63  }
0xad: {  	_ =	swait.ge [sflag:s11], $0x80  }
0xae: {  	[sflag:s11] =	ssyncset.done $0x0  }
0xaf: {  	s12 =	rddreg [dreg:$0x13];
	[sflag:s11] =	ssyncadd.s32 $0xFFFFFF80  }
0xb0: {  	[spmem:s2] =	stream.indirect.scatter.add.f32 [tilespmem:s9], [sflag:$0x1], $0x1, s12, s8, $0xb8;
	[tilespmem:$0x2D80] =	vst v63  }
0xb1: {  	_ =	swait.ge [sflag:s11], $0x80  }
0xb2: {  	[sflag:s11] =	ssyncset.done $0x0  }
0xb3: {  	s12 =	rddreg [dreg:$0x14];
	[sflag:s11] =	ssyncadd.s32 $0xFFFFFF80  }
0xb4: {  	[spmem:s2] =	stream.indirect.scatter.add.f32 [tilespmem:s9], [sflag:$0x1], $0x1, s12, s8, $0xb8;
	[tilespmem:$0x2D80] =	vst v63  }
0xb5: {  	_ =	swait.ge [sflag:s11], $0x80  }
0xb6: {  	[sflag:s11] =	ssyncset.done $0x0  }
0xb7: {  	s12 =	rddreg [dreg:$0x15];
	[sflag:s11] =	ssyncadd.s32 $0xFFFFFF80  }
0xb8: {  	[spmem:s2] =	stream.indirect.scatter.add.f32 [tilespmem:s9], [sflag:$0x1], $0x1, s12, s8, $0xb8;
	[tilespmem:$0x2D80] =	vst v63  }
0xb9: {  	_ =	swait.ge [sflag:s11], $0x80  }
0xba: {  	[sflag:s11] =	ssyncset.done $0x0  }
0xbb: {  	s12 =	rddreg [dreg:$0x16];
	[sflag:s11] =	ssyncadd.s32 $0xFFFFFF80  }
0xbc: {  	[spmem:s2] =	stream.indirect.scatter.add.f32 [tilespmem:s9], [sflag:$0x1], $0x1, s12, s8, $0xb8;
	[tilespmem:$0x2D80] =	vst v63  }
0xbd: {  	_ =	swait.ge [sflag:s11], $0x80  }
0xbe: {  	[sflag:s11] =	ssyncset.done $0x0  }
0xbf: {  	s12 =	rddreg [dreg:$0x17];
	[sflag:s11] =	ssyncadd.s32 $0xFFFFFF80  }
0xc0: {  	[spmem:s2] =	stream.indirect.scatter.add.f32 [tilespmem:s9], [sflag:$0x1], $0x1, s12, s8, $0xb8;
	[tilespmem:$0x2D80] =	vst v63  }
0xc1: {  	_ =	swait.ge [sflag:s11], $0x80  }
0xc2: {  	[sflag:s11] =	ssyncset.done $0x0  }
0xc3: {  	s12 =	rddreg [dreg:$0x18];
	[sflag:s11] =	ssyncadd.s32 $0xFFFFFF80  }
0xc4: {  	[spmem:s2] =	stream.indirect.scatter.add.f32 [tilespmem:s9], [sflag:$0x1], $0x1, s12, s8, $0xb8;
	[tilespmem:$0x2D80] =	vst v63  }
0xc5: {  	_ =	swait.ge [sflag:s11], $0x80  }
0xc6: {  	[sflag:s11] =	ssyncset.done $0x0  }
0xc7: {  	s12 =	rddreg [dreg:$0x19];
	[sflag:s11] =	ssyncadd.s32 $0xFFFFFF80  }
0xc8: {  	[spmem:s2] =	stream.indirect.scatter.add.f32 [tilespmem:s9], [sflag:$0x1], $0x1, s12, s8, $0xb8;
	[tilespmem:$0x2D80] =	vst v63  }
0xc9: {  	_ =	swait.ge [sflag:s11], $0x80  }
0xca: {  	[sflag:s11] =	ssyncset.done $0x0  }
0xcb: {  	s12 =	rddreg [dreg:$0x1a];
	[sflag:s11] =	ssyncadd.s32 $0xFFFFFF80  }
0xcc: {  	[spmem:s2] =	stream.indirect.scatter.add.f32 [tilespmem:s9], [sflag:$0x1], $0x1, s12, s8, $0xb8;
	[tilespmem:$0x2D80] =	vst v63  }
0xcd: {  	_ =	swait.ge [sflag:s11], $0x80  }
0xce: {  	[sflag:s11] =	ssyncset.done $0x0  }
0xcf: {  	s12 =	rddreg [dreg:$0x1b];
	[sflag:s11] =	ssyncadd.s32 $0xFFFFFF80  }
0xd0: {  	[spmem:s2] =	stream.indirect.scatter.add.f32 [tilespmem:s9], [sflag:$0x1], $0x1, s12, s8, $0xb8;
	[tilespmem:$0x2D80] =	vst v63  }
0xd1: {  	_ =	swait.ge [sflag:s11], $0x80  }
0xd2: {  	[sflag:s11] =	ssyncset.done $0x0  }
0xd3: {  	s12 =	rddreg [dreg:$0x1c];
	[sflag:s11] =	ssyncadd.s32 $0xFFFFFF80  }
0xd4: {  	[spmem:s2] =	stream.indirect.scatter.add.f32 [tilespmem:s9], [sflag:$0x1], $0x1, s12, s8, $0xb8;
	[tilespmem:$0x2D80] =	vst v63  }
0xd5: {  	_ =	swait.ge [sflag:s11], $0x80  }
0xd6: {  	[sflag:s11] =	ssyncset.done $0x0  }
0xd7: {  	s12 =	rddreg [dreg:$0x1d];
	[sflag:s11] =	ssyncadd.s32 $0xFFFFFF80  }
0xd8: {  	[spmem:s2] =	stream.indirect.scatter.add.f32 [tilespmem:s9], [sflag:$0x1], $0x1, s12, s8, $0xb8;
	[tilespmem:$0x2D80] =	vst v63  }
0xd9: {  	_ =	swait.ge [sflag:s11], $0x80  }
0xda: {  	[sflag:s11] =	ssyncset.done $0x0  }
0xdb: {  	s12 =	rddreg [dreg:$0x1e];
	[sflag:s11] =	ssyncadd.s32 $0xFFFFFF80  }
0xdc: {  	[spmem:s2] =	stream.indirect.scatter.add.f32 [tilespmem:s9], [sflag:$0x1], $0x1, s12, s8, $0xb8;
	[tilespmem:$0x2D80] =	vst v63  }
0xdd: {  	_ =	swait.ge [sflag:s11], $0x80  }
0xde: {  	[sflag:s11] =	ssyncset.done $0x0  }
0xdf: {  	s12 =	rddreg [dreg:$0x1f];
	[sflag:s11] =	ssyncadd.s32 $0xFFFFFF80  }
0xe0: {  	[spmem:s2] =	stream.indirect.scatter.add.f32 [tilespmem:s9], [sflag:$0x1], $0x1, s12, s8, $0xb8;
	[tilespmem:$0x2D80] =	vst v63  }
0xe1: {  	_ =	swait.ge [sflag:s11], $0x80  }
0xe2: {  	s12 =	sld [smem:$0x7DF]  }
0xe3: {  	[sflag:s11] =	ssyncset.done $0x0  }
0xe4: {  	[sflag:s11] =	ssyncadd.s32 $0xFFFFFF80  }
0xe5: {  	[spmem:s2] =	stream.indirect.scatter.add.f32 [tilespmem:s9], [sflag:$0x1], $0x1, s12, s8, $0xb8;
	[tilespmem:$0x2D80] =	vst v63  }
0xe6: {  	_ =	swait.ge [sflag:s11], $0x80  }
0xe7: {  	s12 =	sld [smem:$0x7E0]  }
0xe8: {  	[sflag:s11] =	ssyncset.done $0x0  }
0xe9: {  	[sflag:s11] =	ssyncadd.s32 $0xFFFFFF80  }
0xea: {  	[spmem:s2] =	stream.indirect.scatter.add.f32 [tilespmem:s9], [sflag:$0x1], $0x1, s12, s8, $0xb8;
	[tilespmem:$0x2D80] =	vst v63  }
0xeb: {  	_ =	swait.ge [sflag:s11], $0x80  }
0xec: {  	s12 =	sld [smem:$0x7E1]  }
0xed: {  	[sflag:s11] =	ssyncset.done $0x0  }
0xee: {  	[sflag:s11] =	ssyncadd.s32 $0xFFFFFF80  }
0xef: {  	[spmem:s2] =	stream.indirect.scatter.add.f32 [tilespmem:s9], [sflag:$0x1], $0x1, s12, s8, $0xb8;
	[tilespmem:$0x2D80] =	vst v63  }
0xf0: {  	_ =	swait.ge [sflag:s11], $0x80  }
0xf1: {  	s12 =	sld [smem:$0x7E2]  }
0xf2: {  	[sflag:s11] =	ssyncset.done $0x0  }
0xf3: {  	[sflag:s11] =	ssyncadd.s32 $0xFFFFFF80  }
0xf4: {  	[spmem:s2] =	stream.indirect.scatter.add.f32 [tilespmem:s9], [sflag:$0x1], $0x1, s12, s8, $0xb8;
	[tilespmem:$0x2D80] =	vst v63  }
0xf5: {  	_ =	swait.ge [sflag:s11], $0x80  }
0xf6: {  	s12 =	sld [smem:$0x7E3]  }
0xf7: {  	[sflag:s11] =	ssyncset.done $0x0  }
0xf8: {  	[sflag:s11] =	ssyncadd.s32 $0xFFFFFF80  }
0xf9: {  	[spmem:s2] =	stream.indirect.scatter.add.f32 [tilespmem:s9], [sflag:$0x1], $0x1, s12, s8, $0xb8;
	[tilespmem:$0x2D80] =	vst v63  }
0xfa: {  	_ =	swait.ge [sflag:s11], $0x80  }
0xfb: {  	s12 =	sld [smem:$0x7E4]  }
0xfc: {  	[sflag:s11] =	ssyncset.done $0x0  }
0xfd: {  	[sflag:s11] =	ssyncadd.s32 $0xFFFFFF80  }
0xfe: {  	[spmem:s2] =	stream.indirect.scatter.add.f32 [tilespmem:s9], [sflag:$0x1], $0x1, s12, s8, $0xb8;
	[tilespmem:$0x2D80] =	vst v63  }
0xff: {  	_ =	swait.ge [sflag:s11], $0x80  }
0x100: {  	s12 =	sld [smem:$0x7E5]  }
0x101: {  	[sflag:s11] =	ssyncset.done $0x0  }
0x102: {  	[sflag:s11] =	ssyncadd.s32 $0xFFFFFF80  }
0x103: {  	[spmem:s2] =	stream.indirect.scatter.add.f32 [tilespmem:s9], [sflag:$0x1], $0x1, s12, s8, $0xb8;
	[tilespmem:$0x2D80] =	vst v63  }
0x104: {  	_ =	swait.ge [sflag:s11], $0x80  }
0x105: {  	s12 =	sld [smem:$0x7E6]  }
0x106: {  	[sflag:s11] =	ssyncset.done $0x0  }
0x107: {  	[sflag:s11] =	ssyncadd.s32 $0xFFFFFF80  }
0x108: {  	[spmem:s2] =	stream.indirect.scatter.add.f32 [tilespmem:s9], [sflag:$0x1], $0x1, s12, s8, $0xb8;
	[tilespmem:$0x2D80] =	vst v63  }
0x109: {  	_ =	swait.ge [sflag:s11], $0x80  }
0x10a: {  	s12 =	sld [smem:$0x7E7]  }
0x10b: {  	[sflag:s11] =	ssyncset.done $0x0  }
0x10c: {  	[sflag:s11] =	ssyncadd.s32 $0xFFFFFF80  }
0x10d: {  	[spmem:s2] =	stream.indirect.scatter.add.f32 [tilespmem:s9], [sflag:$0x1], $0x1, s12, s8, $0xb8;
	[tilespmem:$0x2D80] =	vst v63  }
0x10e: {  	_ =	swait.ge [sflag:s11], $0x80  }
0x10f: {  	s12 =	sld [smem:$0x7E8]  }
0x110: {  	[sflag:s11] =	ssyncset.done $0x0  }
0x111: {  	[sflag:s11] =	ssyncadd.s32 $0xFFFFFF80  }
0x112: {  	[spmem:s2] =	stream.indirect.scatter.add.f32 [tilespmem:s9], [sflag:$0x1], $0x1, s12, s8, $0xb8;
	[tilespmem:$0x2D80] =	vst v63  }
0x113: {  	_ =	swait.ge [sflag:s11], $0x80  }
0x114: {  	s12 =	sld [smem:$0x7E9]  }
0x115: {  	[sflag:s11] =	ssyncset.done $0x0  }
0x116: {  	[sflag:s11] =	ssyncadd.s32 $0xFFFFFF80  }
0x117: {  	[spmem:s2] =	stream.indirect.scatter.add.f32 [tilespmem:s9], [sflag:$0x1], $0x1, s12, s8, $0xb8;
	[tilespmem:$0x2D80] =	vst v63  }
0x118: {  	_ =	swait.ge [sflag:s11], $0x80  }
0x119: {  	s12 =	sld [smem:$0x7EA]  }
0x11a: {  	[sflag:s11] =	ssyncset.done $0x0  }
0x11b: {  	[sflag:s11] =	ssyncadd.s32 $0xFFFFFF80  }
0x11c: {  	[spmem:s2] =	stream.indirect.scatter.add.f32 [tilespmem:s9], [sflag:$0x1], $0x1, s12, s8, $0xb8;
	[tilespmem:$0x2D80] =	vst v63  }
0x11d: {  	_ =	swait.ge [sflag:s11], $0x80  }
0x11e: {  	s12 =	sld [smem:$0x7EB]  }
0x11f: {  	[sflag:s11] =	ssyncset.done $0x0  }
0x120: {  	[sflag:s11] =	ssyncadd.s32 $0xFFFFFF80  }
0x121: {  	[spmem:s2] =	stream.indirect.scatter.add.f32 [tilespmem:s9], [sflag:$0x1], $0x1, s12, s8, $0xb8;
	[tilespmem:$0x2D80] =	vst v63  }
0x122: {  	_ =	swait.ge [sflag:s11], $0x80  }
0x123: {  	s12 =	sld [smem:$0x7EC]  }
0x124: {  	[sflag:s11] =	ssyncset.done $0x0  }
0x125: {  	[sflag:s11] =	ssyncadd.s32 $0xFFFFFF80  }
0x126: {  	[spmem:s2] =	stream.indirect.scatter.add.f32 [tilespmem:s9], [sflag:$0x1], $0x1, s12, s8, $0xb8;
	[tilespmem:$0x2D80] =	vst v63  }
0x127: {  	_ =	swait.ge [sflag:s11], $0x80  }
0x128: {  	s12 =	sld [smem:$0x7ED]  }
0x129: {  	[sflag:s11] =	ssyncset.done $0x0  }
0x12a: {  	[sflag:s11] =	ssyncadd.s32 $0xFFFFFF80  }
0x12b: {  	[spmem:s2] =	stream.indirect.scatter.add.f32 [tilespmem:s9], [sflag:$0x1], $0x1, s12, s8, $0xb8;
	[tilespmem:$0x2D80] =	vst v63  }
0x12c: {  	_ =	swait.ge [sflag:s11], $0x80  }
0x12d: {  	s12 =	sld [smem:$0x7EE]  }
0x12e: {  	[sflag:s11] =	ssyncset.done $0x0  }
0x12f: {  	[sflag:s11] =	ssyncadd.s32 $0xFFFFFF80  }
0x130: {  	[spmem:s2] =	stream.indirect.scatter.add.f32 [tilespmem:s9], [sflag:$0x1], $0x1, s12, s8, $0xb8;
	[tilespmem:$0x2D80] =	vst v63  }
0x131: {  	_ =	swait.ge [sflag:s11], $0x80  }
0x132: {  	s12 =	sld [smem:$0x7EF]  }
0x133: {  	[sflag:s11] =	ssyncset.done $0x0  }
0x134: {  	[sflag:s11] =	ssyncadd.s32 $0xFFFFFF80  }
0x135: {  	[spmem:s2] =	stream.indirect.scatter.add.f32 [tilespmem:s9], [sflag:$0x1], $0x1, s12, s8, $0xb8;
	[tilespmem:$0x2D80] =	vst v63  }
0x136: {  	_ =	swait.ge [sflag:s11], $0x80  }
0x137: {  	s12 =	sld [smem:$0x7F0]  }
0x138: {  	[sflag:s11] =	ssyncset.done $0x0  }
0x139: {  	[sflag:s11] =	ssyncadd.s32 $0xFFFFFF80  }
0x13a: {  	[spmem:s2] =	stream.indirect.scatter.add.f32 [tilespmem:s9], [sflag:$0x1], $0x1, s12, s8, $0xb8;
	[tilespmem:$0x2D80] =	vst v63  }
0x13b: {  	_ =	swait.ge [sflag:s11], $0x80  }
0x13c: {  	s12 =	sld [smem:$0x7F1]  }
0x13d: {  	[sflag:s11] =	ssyncset.done $0x0  }
0x13e: {  	[sflag:s11] =	ssyncadd.s32 $0xFFFFFF80  }
0x13f: {  	[spmem:s2] =	stream.indirect.scatter.add.f32 [tilespmem:s9], [sflag:$0x1], $0x1, s12, s8, $0xb8;
	[tilespmem:$0x2D80] =	vst v63  }
0x140: {  	_ =	swait.ge [sflag:s11], $0x80  }
0x141: {  	s12 =	sld [smem:$0x7F2]  }
0x142: {  	[sflag:s11] =	ssyncset.done $0x0  }
0x143: {  	[sflag:s11] =	ssyncadd.s32 $0xFFFFFF80  }
0x144: {  	[spmem:s2] =	stream.indirect.scatter.add.f32 [tilespmem:s9], [sflag:$0x1], $0x1, s12, s8, $0xb8;
	[tilespmem:$0x2D80] =	vst v63  }
0x145: {  	_ =	swait.ge [sflag:s11], $0x80  }
0x146: {  	s12 =	sld [smem:$0x7F3]  }
0x147: {  	[sflag:s11] =	ssyncset.done $0x0  }
0x148: {  	[sflag:s11] =	ssyncadd.s32 $0xFFFFFF80  }
0x149: {  	[spmem:s2] =	stream.indirect.scatter.add.f32 [tilespmem:s9], [sflag:$0x1], $0x1, s12, s8, $0xb8;
	[tilespmem:$0x2D80] =	vst v63  }
0x14a: {  	_ =	swait.ge [sflag:s11], $0x80  }
0x14b: {  	s12 =	sld [smem:$0x7F4]  }
0x14c: {  	[sflag:s11] =	ssyncset.done $0x0  }
0x14d: {  	[sflag:s11] =	ssyncadd.s32 $0xFFFFFF80  }
0x14e: {  	[spmem:s2] =	stream.indirect.scatter.add.f32 [tilespmem:s9], [sflag:$0x1], $0x1, s12, s8, $0xb8;
	[tilespmem:$0x2D80] =	vst v63  }
0x14f: {  	_ =	swait.ge [sflag:s11], $0x80  }
0x150: {  	s12 =	sld [smem:$0x7F5]  }
0x151: {  	[sflag:s11] =	ssyncset.done $0x0  }
0x152: {  	[sflag:s11] =	ssyncadd.s32 $0xFFFFFF80  }
0x153: {  	[spmem:s2] =	stream.indirect.scatter.add.f32 [tilespmem:s9], [sflag:$0x1], $0x1, s12, s8, $0xb8;
	[tilespmem:$0x2D80] =	vst v63  }
0x154: {  	_ =	swait.ge [sflag:s11], $0x80  }
0x155: {  	s12 =	sld [smem:$0x7F6]  }
0x156: {  	[sflag:s11] =	ssyncset.done $0x0  }
0x157: {  	[sflag:s11] =	ssyncadd.s32 $0xFFFFFF80  }
0x158: {  	[spmem:s2] =	stream.indirect.scatter.add.f32 [tilespmem:s9], [sflag:$0x1], $0x1, s12, s8, $0xb8;
	[tilespmem:$0x2D80] =	vst v63  }
0x159: {  	_ =	swait.ge [sflag:s11], $0x80  }
0x15a: {  	s12 =	sld [smem:$0x7F7]  }
0x15b: {  	[sflag:s11] =	ssyncset.done $0x0  }
0x15c: {  	[sflag:s11] =	ssyncadd.s32 $0xFFFFFF80  }
0x15d: {  	[spmem:s2] =	stream.indirect.scatter.add.f32 [tilespmem:s9], [sflag:$0x1], $0x1, s12, s8, $0xb8;
	[tilespmem:$0x2D80] =	vst v63  }
0x15e: {  	_ =	swait.ge [sflag:s11], $0x80  }
0x15f: {  	s12 =	sld [smem:$0x7F8]  }
0x160: {  	[sflag:s11] =	ssyncset.done $0x0  }
0x161: {  	[sflag:s11] =	ssyncadd.s32 $0xFFFFFF80  }
0x162: {  	[spmem:s2] =	stream.indirect.scatter.add.f32 [tilespmem:s9], [sflag:$0x1], $0x1, s12, s8, $0xb8;
	[tilespmem:$0x2D80] =	vst v63  }
0x163: {  	_ =	swait.ge [sflag:s11], $0x80  }
0x164: {  	s12 =	sld [smem:$0x7F9]  }
0x165: {  	[sflag:s11] =	ssyncset.done $0x0  }
0x166: {  	[sflag:s11] =	ssyncadd.s32 $0xFFFFFF80  }
0x167: {  	[spmem:s2] =	stream.indirect.scatter.add.f32 [tilespmem:s9], [sflag:$0x1], $0x1, s12, s8, $0xb8;
	[tilespmem:$0x2D80] =	vst v63  }
0x168: {  	_ =	swait.ge [sflag:s11], $0x80  }
0x169: {  	s12 =	sld [smem:$0x7FA]  }
0x16a: {  	[sflag:s11] =	ssyncset.done $0x0  }
0x16b: {  	[sflag:s11] =	ssyncadd.s32 $0xFFFFFF80  }
0x16c: {  	[spmem:s2] =	stream.indirect.scatter.add.f32 [tilespmem:s9], [sflag:$0x1], $0x1, s12, s8, $0xb8;
	[tilespmem:$0x2D80] =	vst v63  }
0x16d: {  	_ =	swait.ge [sflag:s11], $0x80  }
0x16e: {  	s12 =	sld [smem:$0x7FB]  }
0x16f: {  	[sflag:s11] =	ssyncset.done $0x0  }
0x170: {  	[sflag:s11] =	ssyncadd.s32 $0xFFFFFF80  }
0x171: {  	[spmem:s2] =	stream.indirect.scatter.add.f32 [tilespmem:s9], [sflag:$0x1], $0x1, s12, s8, $0xb8;
	[tilespmem:$0x2D80] =	vst v63  }
0x172: {  	_ =	swait.ge [sflag:s11], $0x80  }
0x173: {  	s12 =	sld [smem:$0x7FC]  }
0x174: {  	[sflag:s11] =	ssyncset.done $0x0  }
0x175: {  	[sflag:s11] =	ssyncadd.s32 $0xFFFFFF80  }
0x176: {  	[spmem:s2] =	stream.indirect.scatter.add.f32 [tilespmem:s9], [sflag:$0x1], $0x1, s12, s8, $0xb8;
	[tilespmem:$0x2D80] =	vst v63  }
0x177: {  	_ =	swait.ge [sflag:s11], $0x80  }
0x178: {  	s12 =	sld [smem:$0x7FD]  }
0x179: {  	[sflag:s11] =	ssyncset.done $0x0  }
0x17a: {  	[sflag:s11] =	ssyncadd.s32 $0xFFFFFF80  }
0x17b: {  	[spmem:s2] =	stream.indirect.scatter.add.f32 [tilespmem:s9], [sflag:$0x1], $0x1, s12, s8, $0xb8;
	[tilespmem:$0x2D80] =	vst v63  }
0x17c: {  	_ =	swait.ge [sflag:s11], $0x80  }
0x17d: {  	[sflag:s11] =	ssyncset.done $0x0  }
0x17e: {  	s12 =	simm.s32 $0x1E00;
	[sflag:s11] =	ssyncadd.s32 $0xFFFFFF80  }
0x17f: {  	[spmem:s2] =	stream.indirect.scatter.add.f32 [tilespmem:s9], [sflag:$0x1], $0x1, s12, s8, $0xb8;
	[tilespmem:$0x2D80] =	vst v63  }
0x180: {  	_ =	swait.ge [sflag:s11], $0x80  }
0x181: {  	[sflag:s11] =	ssyncset.done $0x0  }
0x182: {  	[sflag:s11] =	ssyncadd.s32 $0xFFFFFF80  }
0x183: {  	[spmem:s2] =	stream.indirect.scatter.add.f32 [tilespmem:s9], [sflag:$0x1], $0x1, s13, s8, $0xb8;
	[tilespmem:$0x2D80] =	vst v63  }
0x184: {  	_ =	swait.ge [sflag:s11], $0x80  }
0x185: {  	[sflag:s11] =	ssyncset.done $0x0  }
0x186: {  	[sflag:s11] =	ssyncadd.s32 $0xFFFFFF80  }
0x187: {  	[spmem:s2] =	stream.indirect.scatter.add.f32 [tilespmem:s9], [sflag:$0x1], $0x1, s14, s8, $0xb8;
	[tilespmem:$0x2D80] =	vst v63  }
0x188: {  	_ =	swait.ge [sflag:s11], $0x80  }
0x189: {  	[sflag:s11] =	ssyncset.done $0x0  }
0x18a: {  	[sflag:s11] =	ssyncadd.s32 $0xFFFFFF80  }
0x18b: {  	[spmem:s2] =	stream.indirect.scatter.add.f32 [tilespmem:s9], [sflag:$0x1], $0x1, s15, s8, $0xb8;
	[tilespmem:$0x2D80] =	vst v63  }
0x18c: {  	_ =	swait.ge [sflag:s11], $0x80  }
0x18d: {  	[sflag:s11] =	ssyncset.done $0x0  }
0x18e: {  	[sflag:s11] =	ssyncadd.s32 $0xFFFFFF80  }
0x18f: {  	[spmem:s2] =	stream.indirect.scatter.add.f32 [tilespmem:s9], [sflag:$0x1], $0x1, s16, s8, $0xb8;
	[tilespmem:$0x2D80] =	vst v63  }
0x190: {  	_ =	swait.ge [sflag:s11], $0x80  }
0x191: {  	[sflag:s11] =	ssyncset.done $0x0  }
0x192: {  	[sflag:s11] =	ssyncadd.s32 $0xFFFFFF80  }
0x193: {  	[spmem:s2] =	stream.indirect.scatter.add.f32 [tilespmem:s9], [sflag:$0x1], $0x1, s17, s8, $0xb8;
	[tilespmem:$0x2D80] =	vst v63  }
0x194: {  	_ =	swait.ge [sflag:s11], $0x80  }
0x195: {  	[sflag:s11] =	ssyncset.done $0x0  }
0x196: {  	[sflag:s11] =	ssyncadd.s32 $0xFFFFFF80  }
0x197: {  	[spmem:s2] =	stream.indirect.scatter.add.f32 [tilespmem:s9], [sflag:$0x1], $0x1, s18, s8, $0xb8;
	[tilespmem:$0x2D80] =	vst v63  }
0x198: {  	_ =	swait.ge [sflag:s11], $0x80  }
0x199: {  	[sflag:s11] =	ssyncset.done $0x0  }
0x19a: {  	[sflag:s11] =	ssyncadd.s32 $0xFFFFFF80  }
0x19b: {  	[spmem:s2] =	stream.indirect.scatter.add.f32 [tilespmem:s9], [sflag:$0x1], $0x1, s19, s8, $0xb8;
	[tilespmem:$0x2D80] =	vst v63  }
0x19c: {  	_ =	swait.ge [sflag:s11], $0x80  }
0x19d: {  	[sflag:s11] =	ssyncset.done $0x0  }
0x19e: {  	[sflag:s11] =	ssyncadd.s32 $0xFFFFFF80  }
0x19f: {  	[spmem:s2] =	stream.indirect.scatter.add.f32 [tilespmem:s9], [sflag:$0x1], $0x1, s20, s8, $0xb8;
	[tilespmem:$0x2D80] =	vst v63  }
0x1a0: {  	_ =	swait.ge [sflag:s11], $0x80  }
0x1a1: {  	[sflag:s11] =	ssyncset.done $0x0  }
0x1a2: {  	[sflag:s11] =	ssyncadd.s32 $0xFFFFFF80  }
0x1a3: {  	[spmem:s2] =	stream.indirect.scatter.add.f32 [tilespmem:s9], [sflag:$0x1], $0x1, s21, s8, $0xb8;
	[tilespmem:$0x2D80] =	vst v63  }
0x1a4: {  	_ =	swait.ge [sflag:s11], $0x80  }
0x1a5: {  	[sflag:s11] =	ssyncset.done $0x0  }
0x1a6: {  	[sflag:s11] =	ssyncadd.s32 $0xFFFFFF80  }
0x1a7: {  	[spmem:s2] =	stream.indirect.scatter.add.f32 [tilespmem:s9], [sflag:$0x1], $0x1, s22, s8, $0xb8;
	[tilespmem:$0x2D80] =	vst v63  }
0x1a8: {  	_ =	swait.ge [sflag:s11], $0x80  }
0x1a9: {  	[sflag:s11] =	ssyncset.done $0x0  }
0x1aa: {  	[sflag:s11] =	ssyncadd.s32 $0xFFFFFF80  }
0x1ab: {  	[spmem:s2] =	stream.indirect.scatter.add.f32 [tilespmem:s9], [sflag:$0x1], $0x1, s23, s8, $0xb8;
	[tilespmem:$0x2D80] =	vst v63  }
0x1ac: {  	_ =	swait.ge [sflag:s11], $0x80  }
0x1ad: {  	[sflag:s11] =	ssyncset.done $0x0  }
0x1ae: {  	[sflag:s11] =	ssyncadd.s32 $0xFFFFFF80  }
0x1af: {  	[spmem:s2] =	stream.indirect.scatter.add.f32 [tilespmem:s9], [sflag:$0x1], $0x1, s24, s8, $0xb8;
	[tilespmem:$0x2D80] =	vst v63  }
0x1b0: {  	_ =	swait.ge [sflag:s11], $0x80  }
0x1b1: {  	[sflag:s11] =	ssyncset.done $0x0  }
0x1b2: {  	[sflag:s11] =	ssyncadd.s32 $0xFFFFFF80  }
0x1b3: {  	[spmem:s2] =	stream.indirect.scatter.add.f32 [tilespmem:s9], [sflag:$0x1], $0x1, s25, s8, $0xb8;
	[tilespmem:$0x2D80] =	vst v63  }
0x1b4: {  	_ =	swait.ge [sflag:s11], $0x80  }
0x1b5: {  	[sflag:s11] =	ssyncset.done $0x0  }
0x1b6: {  	[sflag:s11] =	ssyncadd.s32 $0xFFFFFF80  }
0x1b7: {  	[spmem:s2] =	stream.indirect.scatter.add.f32 [tilespmem:s9], [sflag:$0x1], $0x1, s26, s8, $0xb8;
	[tilespmem:$0x2D80] =	vst v63  }
0x1b8: {  	_ =	swait.ge [sflag:s11], $0x80  }
0x1b9: {  	[sflag:s11] =	ssyncset.done $0x0  }
0x1ba: {  	[sflag:s11] =	ssyncadd.s32 $0xFFFFFF80  }
0x1bb: {  	[spmem:s2] =	stream.indirect.scatter.add.f32 [tilespmem:s9], [sflag:$0x1], $0x1, s28, s8, $0xb8;
	[tilespmem:$0x2D80] =	vst v63  }
0x1bc: {  	_ =	swait.ge [sflag:s11], $0x80  }
0x1bd: {  	[sflag:s11] =	ssyncset.done $0x0  }
0x1be: {  	[sflag:s11] =	ssyncadd.s32 $0xFFFFFF80  }
0x1bf: {  	[spmem:s2] =	stream.indirect.scatter.add.f32 [tilespmem:s9], [sflag:$0x1], $0x1, s29, s8, $0xb8;
	[tilespmem:$0x2D80] =	vst v63  }
0x1c0: {  	_ =	swait.ge [sflag:s11], $0x80  }
0x1c1: {  	[sflag:s11] =	ssyncset.done $0x0  }
0x1c2: {  	[sflag:s11] =	ssyncadd.s32 $0xFFFFFF80  }
0x1c3: {  	[spmem:s2] =	stream.indirect.scatter.add.f32 [tilespmem:s9], [sflag:$0x1], $0x1, s30, s8, $0xb8;
	[tilespmem:$0x2D80] =	vst v63  }
0x1c4: {  	_ =	swait.ge [sflag:s11], $0x80  }
0x1c5: {  	[sflag:s11] =	ssyncset.done $0x0  }
0x1c6: {  	[sflag:s11] =	ssyncadd.s32 $0xFFFFFF80  }
0x1c7: {  	[spmem:s2] =	stream.indirect.scatter.add.f32 [tilespmem:s9], [sflag:$0x1], $0x1, s31, s8, $0xb8;
	[tilespmem:$0x2D80] =	vst v63  }
0x1c8: {  	_ =	swait.ge [sflag:s11], $0x80  }
0x1c9: {  	[sflag:s11] =	ssyncset.done $0x0  }
0x1ca: {  	[sflag:s11] =	ssyncadd.s32 $0xFFFFFF80  }
0x1cb: {  	[spmem:s2] =	stream.indirect.scatter.add.f32 [tilespmem:s9], [sflag:$0x1], $0x1, s1, s8, $0xb8;
	[tilespmem:$0x2D80] =	vst v63  }
0x1cc: {  	_ =	swait.ge [sflag:s11], $0x80  }
0x1cd: {  	[sflag:s11] =	ssyncset.done $0x0  }
0x1ce: {  	[sflag:s11] =	ssyncadd.s32 $0xFFFFFF80  }
0x1cf: {  	_ =	swait.ge [sflag:s11], $0x80  }
0x1d0: {  	[sflag:s11] =	ssyncset.done $0x0  }
0x1d1: {  	[sflag:s11] =	ssyncadd.s32 $0xFFFFFF80  }
0x1d2: {  	_ =	swait.ge [sflag:s11], $0x80  }
0x1d3: {  	[sflag:s11] =	ssyncset.done $0x0  }
0x1d4: {  	[sflag:s11] =	ssyncadd.s32 $0xFFFFFF80  }
0x1d5: {  	_ =	swait.ge [sflag:s11], $0x80  }
0x1d6: {  	[sflag:s11] =	ssyncset.done $0x0  }
0x1d7: {  	[sflag:s11] =	ssyncadd.s32 $0xFFFFFF80  }
0x1d8: {  	_ =	swait.ge [sflag:s11], $0x80  }
0x1d9: {  	[sflag:s11] =	ssyncset.done $0x0  }
0x1da: {  	[sflag:s11] =	ssyncadd.s32 $0xFFFFFF80  }
0x1db: {  	_ =	swait.ge [sflag:s11], $0x80  }
0x1dc: {  	[sflag:s11] =	ssyncset.done $0x0  }
0x1dd: {  	[sflag:s11] =	ssyncadd.s32 $0xFFFFFF80  }
0x1de: {  	_ =	swait.ge [sflag:s11], $0x80  }
0x1df: {  	[sflag:s11] =	ssyncset.done $0x0  }
0x1e0: {  	[sflag:s11] =	ssyncadd.s32 $0xFFFFFF80  }
0x1e1: {  	_ =	swait.ge [sflag:s11], $0x80  }
0x1e2: {  	[sflag:s11] =	ssyncset.done $0x0  }
0x1e3: {  	[sflag:s11] =	ssyncadd.s32 $0xFFFFFF80  }
0x1e4: {  	[bflag:$0x0] =	sbarrier.arrive $0xFFFF  }
0x1e5: {  	[tilespmem:s7], [sflag:$0x2] =	stream.linear.gather [spmem:s4], $0x280, $0x38;
	[tilespmem:$0x2D80] =	vst v63  }
0x1e6: {  	_ =	swait.ge [sflag:s6], $0x280  }
0x1e7: {  	p0 =	sne.s32 s5, $0x1;
	[sflag:s6] =	ssyncset.done $0x0  }
.Ltmp0:
0x1e8: {  	s12 =	rddreg [dreg:$0x4];
	[sflag:s6] =	ssyncadd.s32 $0xFFFFFD80;
	(pc) =	sbr.rel @p0 .LBB2_1-.Ltmp0, $4  }
0x1e9: {  	[hbm4b:s12+s8] =	stream.strided.scatter [tilespmem:s7], [sflag:$0x2], $0x280, s10, s8, $0x38;
	[tilespmem:$0x2D80] =	vst v63  }
0x1ea: {  	_ =	swait.ge [sflag:s6], $0x280  }
0x1eb: {  	[sflag:s6] =	ssyncset.done $0x0  }
0x1ec: {  	s5 =	sadd.s32 $0xFFFFFFFF, s5;
	[sflag:s6] =	ssyncadd.s32 $0xFFFFFD80  }
0x1ed: {  	_ =	sfence.sel $0x180000  }
0x1ee: {  	[bflag:$0x0] =	sbarrier.arrive $0xFFFF  }
0x1ef: {  	_ =	strace $0x90000047  }
0x1f0: {  	s0 =	stileid.u32;
	[bflag:$0x2] =	sbarrier.arrive $0xFFFF  }
0x1f1: {  	p0 =	sne.s32 s0, $0x0;
	s0 =	rddreg [dreg:$0x3]  }
0x1f2: {  	s0 =	sadd.s32 @!p0 $0x100000, s0  }
0x1f3: {  	[sflag:s0] =	ssyncadd.tile.s32 @!p0 $0x1;
	_ =	shalt  }
.Lfunc_end2:
_tile_overlayer_lowered:
.L_overlay_start_2:
0x1f4: {  	(tag) =	ssettag $0x2  }
0x1f5: {  	s0 =	rddreg [dreg:$0x0];
	s2 =	stileid.u32  }
0x1f6: {  	s1 =	rddreg [dreg:$0x1];
	p0 =	sne.s32 s2, $0x0  }
0x1f7: {  	s3 =	rddreg [dreg:$0x2];
	[bflag:$0x3] =	sbarrier.arrive $0xFFFF;
	s2 =	simm.s32 @!p0 $0x1C02  }
0x1f8: {  	[timem:s3], [sflag:s2] =	dma.local @!p0 [hbm:s0], s1  }
0x1f9: {  	s0 =	simm.s32 @!p0 $0x2  }
0x1fa: {  	_ =	swait.ge @!p0 [sflag:s0], s1  }
0x1fb: {  	s1 =	ssub.s32 @!p0 $0x0, s1;
	[sflag:s0] =	ssyncset.done @!p0 $0x0  }
0x1fc: {  	[sflag:s0] =	ssyncadd.s32 @!p0 s1  }
0x1fd: {  	[bflag:$0x3] =	sbarrier.arrive $0xFFFF  }
0x1fe: {  	_ =	shalt  }

// kernel: kernel.9.cloned.1.call-start
scs
__scs_entry_jumppad:
0x0: {  	(pc) =	sbr.rel $0x88, $3  }
0x1: {  	(tag) =	ssettag $0x0;
	lr =	simm.s32 $0x1  }
0x2: {  	[smem:$0x3F9F] =	sst lr;
	_ =	strace $0xD0000000  }
0x3: {  	_ = 	snop  }
0x4: {  	_ = 	snop  }
0x5: {  	_ = 	snop  }
0x6: {  	_ = 	snop  }
0x7: {  	_ = 	snop  }
__scs_overlays_trampoline_lowered:
0x8: {  	[smem:$0x3FAE] =	sst s0  }
0x9: {  	[smem:$0x3FAF] =	sst s1  }
0xa: {  	[smem:$0x3FB0] =	sst s2  }
0xb: {  	[smem:$0x3FB1] =	sst s3  }
0xc: {  	[smem:$0x3FB2] =	sst s4  }
0xd: {  	[smem:$0x3FB3] =	sst s5  }
0xe: {  	[smem:$0x3FB4] =	sst s6  }
0xf: {  	[smem:$0x3FB5] =	sst s7  }
0x10: {  	[smem:$0x3FB6] =	sst s8  }
0x11: {  	[smem:$0x3FB7] =	sst s9;
	s0 =	simm.s32 @!p0 $0x0  }
0x12: {  	s1 =	sld [smem:$0x3F9D];
	s0 =	simm.s32 @p0 $0x1  }
0x13: {  	[smem:$0x3FB8] =	sst s0;
	s0 =	simm.s32 @!p1 $0x0  }
0x14: {  	s2 =	sld [smem:$0x3F9C];
	s0 =	simm.s32 @p1 $0x1  }
0x15: {  	[smem:$0x3FB9] =	sst s0;
	s0 =	simm.s32 @!p2 $0x0  }
0x16: {  	s3 =	sld [smem:$0x3FDB];
	s0 =	simm.s32 @p2 $0x1  }
0x17: {  	s4 =	simm.s32 $0x1BF5;
	[smem:$0x3FBB] =	sst s0  }
0x18: {  	s0 =	sld [smem:$0x3F9E];
	_ =	swait.ge [sflag:s4], $0x0  }
0x19: {  	s7 =	sld [smem:$0x3F9F]  }
0x1a: {  	s8 =	sadd.s32 $0xFFFFE003, lr  }
0x1b: {  	s9 =	sadd.s32 $0xFFFFFEF7, lr;
	s5 =	simm.s32 $0xFFFFFFFF;
	p2 =	slt.u32 s8, $0xFFFFF086  }
0x1c: {  	p1 =	slt.u32 s9, $0xF7A;
	s5 =	simm.s32 @!p2 $0x0  }
0x1d: {  	s5 =	simm.s32 @p1 $0x1;
	p0 =	seq.s32 s7, s2  }
0x1e: {  	s7 =	smul.u32 @!p0 $0xF7A, s2;
	p2 =	seq.s32 @!p0 s5, $0x0  }
0x1f: {  	s9 =	smul.u32 $0xF7A, s1;
	s8 =	simm.s32 @!p0 $0x1BF5;
	p2 =	por !p2, p0  }
0x20: {  	[sflag:s8] =	ssyncset.s32 @!p0 $0xFFFFF086;
	s6 =	sadd.s32 @!p0 s3, s7;
	s7 =	simm.s32 @!p0 $0x108  }
0x21: {  	s3 =	sadd.s32 s3, s9;
	s6 =	sadd.s32 @!p0 $0x88, s6;
	s7 =	simm.s32 @p2 $0x1082  }
0x22: {  	[simem:s7], [sflag:s8] =	dma.local @!p0 [hbm:s6], $0xF7A  }
0x23: {  	s9 =	sor.u32 $0xD0000000, s2;
	s6 =	simm.s32 $0x108;
	_ =	swait.ge @!p0 [sflag:s8], $0x0  }
0x24: {  	s3 =	sadd.s32 $0x88, s3;
	s6 =	simm.s32 @!p1 $0x1082;
	[sflag:s4] =	ssyncset.s32 $0xFFFFF086  }
0x25: {  	[simem:s6], [sflag:s4] =	dma.local [hbm:s3], $0xF7A  }
0x26: {  	[smem:$0x3F9F] =	sst s1;
	(tag) =	ssettag s2;
	_ =	strace s9  }
0x27: {  	s1 =	sld [smem:$0x3FAF]  }
0x28: {  	s2 =	sld [smem:$0x3FB0]  }
0x29: {  	s4 =	sld [smem:$0x3FB2]  }
0x2a: {  	p0 =	seq.s32 s5, $0x0;
	s5 =	sld [smem:$0x3FB3]  }
0x2b: {  	s6 =	sld [smem:$0x3FB4]  }
0x2c: {  	s7 =	sld [smem:$0x3FB5]  }
0x2d: {  	s3 =	simm.s32 $0x108;
	s8 =	sld [smem:$0x3FB6]  }
0x2e: {  	s3 =	simm.s32 @!p0 $0x1082;
	s9 =	sld [smem:$0x3FB7]  }
0x2f: {  	lr =	sadd.s32 s0, s3;
	s0 =	sld [smem:$0x3FAE]  }
0x30: {  	s3 =	sld [smem:$0x3FB1]  }
0x31: {  	[smem:$0x3FBA] =	sst s10  }
0x32: {  	s10 =	sld [smem:$0x3FB8];
	_ =	sdelay $0x3  }
0x33: {  	p0 =	seq.s32 s10, $0x1;
	s10 =	sld [smem:$0x3FBA];
	_ =	sdelay $0x3  }
0x34: {  	[smem:$0x3FBA] =	sst s10  }
0x35: {  	s10 =	sld [smem:$0x3FB9];
	_ =	sdelay $0x3  }
0x36: {  	p1 =	seq.s32 s10, $0x1;
	s10 =	sld [smem:$0x3FBA];
	_ =	sdelay $0x3  }
0x37: {  	[smem:$0x3FBA] =	sst s10  }
0x38: {  	s10 =	sld [smem:$0x3FBB]  }
0x39: {  	_ = 	snop;
	(pc) =	sbr.ind lr, $3  }
0x3a: {  	_ = 	snop  }
0x3b: {  	_ = 	snop  }
0x3c: {  	p2 =	seq.s32 s10, $0x1;
	s10 =	sld [smem:$0x3FBA]  }
0x3d: {  	_ =	shalt  }
0x3e: {  	_ =	shalt  }
0x3f: {  	_ =	shalt  }
0x40: {  	_ =	shalt  }
0x41: {  	_ =	shalt  }
0x42: {  	_ =	shalt  }
0x43: {  	_ =	shalt  }
0x44: {  	_ =	shalt  }
0x45: {  	_ =	shalt  }
0x46: {  	_ =	shalt  }
0x47: {  	_ =	shalt  }
0x48: {  	_ =	shalt  }
0x49: {  	_ =	shalt  }
0x4a: {  	_ =	shalt  }
0x4b: {  	_ =	shalt  }
0x4c: {  	_ =	shalt  }
0x4d: {  	_ =	shalt  }
0x4e: {  	_ =	shalt  }
0x4f: {  	_ =	shalt  }
0x50: {  	_ =	shalt  }
0x51: {  	_ =	shalt  }
0x52: {  	_ =	shalt  }
0x53: {  	_ =	shalt  }
0x54: {  	_ =	shalt  }
0x55: {  	_ =	shalt  }
0x56: {  	_ =	shalt  }
0x57: {  	_ =	shalt  }
0x58: {  	_ =	shalt  }
0x59: {  	_ =	shalt  }
0x5a: {  	_ =	shalt  }
0x5b: {  	_ =	shalt  }
0x5c: {  	_ =	shalt  }
0x5d: {  	_ =	shalt  }
0x5e: {  	_ =	shalt  }
0x5f: {  	_ =	shalt  }
0x60: {  	_ =	shalt  }
0x61: {  	_ =	shalt  }
0x62: {  	_ =	shalt  }
0x63: {  	_ =	shalt  }
0x64: {  	_ =	shalt  }
0x65: {  	_ =	shalt  }
0x66: {  	_ =	shalt  }
0x67: {  	_ =	shalt  }
0x68: {  	_ =	shalt  }
0x69: {  	_ =	shalt  }
0x6a: {  	_ =	shalt  }
0x6b: {  	_ =	shalt  }
0x6c: {  	_ =	shalt  }
0x6d: {  	_ =	shalt  }
0x6e: {  	_ =	shalt  }
0x6f: {  	_ =	shalt  }
0x70: {  	_ =	shalt  }
0x71: {  	_ =	shalt  }
0x72: {  	_ =	shalt  }
0x73: {  	_ =	shalt  }
0x74: {  	_ =	shalt  }
0x75: {  	_ =	shalt  }
0x76: {  	_ =	shalt  }
0x77: {  	_ =	shalt  }
0x78: {  	_ =	shalt  }
0x79: {  	_ =	shalt  }
0x7a: {  	_ =	shalt  }
0x7b: {  	_ =	shalt  }
0x7c: {  	_ =	shalt  }
0x7d: {  	_ =	shalt  }
0x7e: {  	_ =	shalt  }
0x7f: {  	_ =	shalt  }
0x80: {  	_ =	shalt  }
0x81: {  	_ =	shalt  }
0x82: {  	_ =	shalt  }
0x83: {  	_ =	shalt  }
0x84: {  	_ =	shalt  }
0x85: {  	_ =	shalt  }
0x86: {  	_ =	shalt  }
0x87: {  	_ =	shalt  }
.Lfunc_end0:
.L_simem_size_0:
called_computation.1_lowered:
.L_overlay_start_0:
0x88: {  	s2 =	sld [smem:$0x3FD9]  }
0x89: {  	s3 =	sld [smem:$0x3FFE];
	_ =	sdelay $0x1  }
0x8a: {  	s1 =	srdreg.scid  }
0x8b: {  	s0 =	sand.u32 $0x1, s1  }
0x8c: {  	s17 =	sshll.u32 s0, $0xA;
	s2 =	sadd.s32 s3, s2  }
0x8d: {  	s2 =	sadd.s32 s2, s17  }
0x8e: {  	[smem:$0x3FC6] =	sst s2  }
0x8f: {  	_ = 	snop  }
0x90: {  	s2 =	sld [smem:$0x3FD0];
	(tm) =	ssettm $0x1  }
0x91: {  	s18 =	sld [smem:$0x3FFB];
	_ =	sdelay $0x3  }
0x92: {  	_ =	strace s18  }
0x93: {  	s3 =	sld [smem:$0x3FFC];
	_ =	sdelay $0x3  }
0x94: {  	_ =	strace s3  }
0x95: {  	s3 =	sld [smem:$0x3FFD];
	_ =	sdelay $0x3  }
0x96: {  	_ =	strace s3  }
0x97: {  	_ =	strace $0x8FFFFFFF  }
0x98: {  	s19 =	sld [smem:$0x3FDB];
	_ =	sdelay $0x1  }
0x99: {  	s4 =	simm.s32 $_scs_section_size  }
0x9a: {  	s5 =	simm.s32 $_size__tile_overlayer_lowered;
	s6 =	simm.s32 $_tile_overlayer_lowered  }
0x9b: {  	s22 =	simm.s32 $0x1BFF;
	s21 =	sshll.u32 s6, $0x1;
	s3 =	sadd.s32 s4, s19  }
0x9c: {  	s7 =	simm.s32 $0x0;
	s20 =	sshll.u32 s5, $0x1;
	s5 =	sadd.s32 s21, s3  }
0x9d: {  	[timem:s7], [sflag:s22] =	dma.local [hbm:s5], s20  }
0x9e: {  	_ =	swait.ge [sflag:s22], s20  }
0x9f: {  	s4 =	ssub.s32 $0x0, s20;
	[sflag:s22] =	ssyncset.done $0x0  }
0xa0: {  	[sflag:s22] =	ssyncadd.s32 s4;
	_ =	sdelay $0x1  }
0xa1: {  	s23 =	simm.s32 $0x1B8B  }
0xa2: {  	_ =	swait.ge [sflag:s23], $0x1  }
0xa3: {  	[sflag:s23] =	ssyncset.done $0x0  }
0xa4: {  	s25 =	simm.s32 $0x1B8E;
	s24 =	sld [smem:$0x3FFE];
	[sflag:s23] =	ssyncadd.s32 $0xFFFFFFFF  }
0xa5: {  	s26 =	simm.s32 $execute0_lowered;
	[smem:$0x3FD2] =	sst s25  }
0xa6: {  	s5 =	sshll.u32 s26, $0x1;
	_ =	strace $0x80000049;
	[dreg:$0x1] =	wrdreg $0xFFFFFFFF  }
0xa7: {  	s28 =	simm.s32 $_size_execute0_lowered;
	s3 =	sadd.s32 s3, s5;
	[dreg:$0x0] =	wrdreg $0x0  }
0xa8: {  	s5 =	sshll.u32 s28, $0x1;
	[dreg:$0x2] =	wrdreg s3  }
0xa9: {  	[dreg:$0x3] =	wrdreg s5  }
0xaa: {  	[dreg:$0x4] =	wrdreg $0xC0  }
0xab: {  	_ =	task [dreg:s7], $0x5FFFF  }
0xac: {  	[dreg:$0x1] =	wrdreg $0xFFFFFFFF  }
0xad: {  	[dreg:$0x0] =	wrdreg $0x60  }
0xae: {  	[dreg:$0x2] =	wrdreg s24  }
0xaf: {  	[dreg:$0x3] =	wrdreg s2  }
0xb0: {  	[dreg:$0x4] =	wrdreg $0xA9000  }
0xb1: {  	[dreg:$0x5] =	wrdreg $0x9  }
0xb2: {  	_ =	task.clear_ibuf [dreg:s7], $0x6FFFF;
	_ =	strace $0x90000049  }
0xb3: {  	s29 =	simm.s32 $0x9;
	_ =	strace $0x8000004B  }
0xb4: {  	_ =	swait.ge [sflag:s29], $0x1  }
0xb5: {  	[sflag:s29] =	ssyncadd.s32 $0xFFFFFFFF  }
0xb6: {  	_ =	strace $0x9000004B  }
0xb7: {  	_ =	sfence  }
0xb8: {  	s30 =	sld [smem:$0x0];
	_ =	sdelay $0x2  }
0xb9: {  	s31 =	sshll.u32 s1, $0xD;
	s1 =	sshrl.u32 s1, $0x2  }
0xba: {  	s3 =	sand.u32 $0x4000, s31;
	s1 =	sadd.s32 s1, s30  }
0xbb: {  	s0 =	sor.u32 s3, s0;
	s1 =	sshll.u32 s1, $0x11  }
0xbc: {  	s0 =	sor.u32 s1, s0  }
0xbd: {  	s0 =	sadd.s32 $0x8F2B, s0  }
0xbe: {  	[sflag:s0] =	ssyncadd.remote.s32 $0x1  }
0xbf: {  	_ =	sfence.sel $0xFFFF  }
0xc0: {  	[dreg:$0x0] =	wrdreg $0xFFFFFFFF;
	(pc) =	sbr.abs _section_cstart, $3  }
0xc1: {  	[dreg:$0x1] =	wrdreg $0xFFFFFFFF  }
0xc2: {  	_ =	task.clear_ibuf [dreg:s7], $0x2FFFF;
	_ =	strace $0x9FFFFFFF  }
0xc3: {  	(tm) =	ssettm $0x7FFFFFFF  }
tec
execute0_lowered:
.L_overlay_start_1:
0x0: {  	(tag) =	ssettag $0x1  }
0x1: {  	s0 =	rddreg [dreg:$0x0]  }
0x2: {  	s1 =	rddreg [dreg:$0x1]  }
0x3: {  	s2 =	rddreg [dreg:$0x2];
	s3 =	srdreg.scid;
	s4 =	simm.s32 $0x0  }
0x4: {  	s17 =	stileid.u32;
	s19 =	simm.s32 $0x5;
	s20 =	simm.s32 $0x2900  }
0x5: {  	s21 =	simm.s32 $0x1;
	s28 =	simm.s32 $0x3;
	s7 =	smul.u32 $0x14000, s17  }
0x6: {  	s29 =	simm.s32 $0x4;
	s31 =	simm.s32 $0x0;
	s12 =	smul.u32 $0x50000, s17  }
0x7: {  	s3 =	sand.u32 $0x1, s3;
	[smem:$0x7FF] =	sst s4;
	s18 =	smul.u32 $0x500, s17  }
0x8: {  	s16 =	sadd.s32 $0x15B00, s0;
	s6 =	smul.u32 $0x140000, s3;
	s5 =	sshll.u32 s3, $0x4  }
0x9: {  	_ =	strace $0x8000004A;
	s10 =	ssub.s32 $0x2, s3;
	s3 =	smul.u32 $0x5000, s3  }
0xa: {  	s9 =	sor.u32 s17, s5;
	s5 =	sadd.s32 $0x1C00, s0;
	s11 =	sshrl.u32 s10, $0x1  }
0xb: {  	s23 =	sshrl.u32 s12, $0x2;
	s7 =	sadd.s32 s7, s6;
	s8 =	smul.u32 $0x2800, s9  }
0xc: {  	s6 =	sadd.s32 $0x15600, s0;
	s15 =	ssub.s32 s10, s11;
	p0 =	seq.s32 s9, $0x1F  }
0xd: {  	s13 =	smul.u32 $0x500, s9;
	s18 =	sadd.s32 s18, s3;
	s7 =	sshrl.u32 s7, $0x3  }
0xe: {  	s15 =	smax.u32 s15, $0x1;
	s8 =	sshrl.u32 s8, $0x3;
	s14 =	sadd.s32 s7, s0  }
0xf: {  	s13 =	sadd.s32 s5, s13;
	s22 =	sadd.s32 s5, s8;
	s8 =	sadd.s32 s23, s2  }
0x10: {  	s14 =	sadd.s32 $0x16000, s14;
	s17 =	sadd.s32 $0x20, s13;
	s24 =	sadd.s32 $0x4000, s8  }
0x11: {  	s23 =	simm.s32 $0x80;
	s25 =	sadd.s32 $0x8000, s8;
	[dreg:$0x4] =	wrdreg s24  }
0x12: {  	s7 =	sadd.s32 $0x9C80, s22;
	s26 =	sadd.s32 $0xC000, s8;
	[dreg:$0x5] =	wrdreg s25  }
.Ltmp0:
0x13: {  	s30 =	sadd.s32 $0x10000, s8;
	[dreg:$0x6] =	wrdreg s26;
	(pc) =	sbr.rel .LBB2_1-.Ltmp0, $4  }
0x14: {  	s22 =	sadd.s32 $0x15610, s0;
	s0 =	sadd.s32 $0x15620, s0;
	[dreg:$0x7] =	wrdreg s30  }
0x15: {  	s7 =	smov.u32 @p0 s16;
	s16 =	sadd.s32 $0x10, s13;
	s17 =	smov.u32 @p0 s0  }
0x16: {  	s13 =	smov.u32 @p0 s6;
	s24 =	simm.s32 $0x2880;
	s25 =	simm.s32 $0x6900  }
0x17: {  	v0 =	vimm.f32 $0.0e+00;
	s26 =	simm.s32 $0x2;
	s16 =	smov.u32 @p0 s22;
	s22 =	simm.s32 $0x2800  }
.LBB2_8:
0x18: {  	_ =	swait.ge [sflag:s26], $0x4000  }
0x19: {  	[sflag:s26] =	ssyncset.done $0x0  }
0x1a: {  	s0 =	simm.s32 $0x2780;
	[sflag:s26] =	ssyncadd.s32 $0xFFFFC000  }
0x1b: {  	[spmem:s2] =	stream.indirect.scatter.add.f32 [tilespmem:s25], [sflag:$0x4], $0x80, s0, s23, $0xb8;
	[tilespmem:$0x1E900] =	vst v63  }
.LBB2_6:
0x1c: {  	_ =	swait.ge [sflag:s28], $0x4000  }
0x1d: {  	[sflag:s28] =	ssyncset.done $0x0  }
0x1e: {  	[sflag:s28] =	ssyncadd.s32 $0xFFFFC000  }
0x1f: {  	s0 =	stileid.u32;
	_ =	swait.ge [sflag:s29], $0x4000  }
0x20: {  	s3 =	sshrl.u32 s8, $0x3;
	s31 =	sadd.s32 $0x1, s31;
	[sflag:s29] =	ssyncset.done $0x0  }
0x21: {  	s0 =	sshll.u32 s0, $0x6;
	p1 =	sne.s32 s31, s15;
	[sflag:s29] =	ssyncadd.s32 $0xFFFFC000  }
.Ltmp1:
0x22: {  	s0 =	sor.u32 $0x1C05, s0;
	[bflag:$0x0] =	sbarrier.arrive $0xFFFF;
	(pc) =	sbr.rel @!p1 .LBB2_7-.Ltmp1, $4  }
0x23: {  	[hbm:s14], [sflag:s0] =	dma.local [spmem:s3], $0x2800  }
0x24: {  	_ =	swait.ge [sflag:s19], $0x2800  }
0x25: {  	[sflag:s19] =	ssyncset.done $0x0  }
0x26: {  	[sflag:s19] =	ssyncadd.s32 $0xFFFFD800  }
.LBB2_1:
0x27: {  	[tilespmem:s4], [sflag:$0x5] =	stream.linear.gather [hbm4b:s7+s4], $0x2800, $0x38;
	[tilespmem:$0x1E900] =	vst v63  }
0x28: {  	_ =	swait.ge [sflag:s19], $0x2800  }
0x29: {  	[sflag:s19] =	ssyncset.done $0x0  }
0x2a: {  	s0 =	simm.s32 $0x0;
	s3 =	simm.s32 $0x200;
	[sflag:s19] =	ssyncadd.s32 $0xFFFFD800  }
.LBB2_2:
0x2b: {  	p1 =	sne.s32 s3, $0xFE00;
	[tilespmem:s0+$0x2970] =	vst v0  }
0x2c: {  	[tilespmem:s0+$0x2900] =	vst v0  }
0x2d: {  	[tilespmem:s0+$0x2910] =	vst v0  }
.Ltmp2:
0x2e: {  	[tilespmem:s0+$0x2920] =	vst v0;
	(pc) =	sbr.rel @p1 .LBB2_2-.Ltmp2, $4  }
0x2f: {  	[tilespmem:s0+$0x2930] =	vst v0  }
0x30: {  	[tilespmem:s0+$0x2940] =	vst v0  }
0x31: {  	[tilespmem:s0+$0x2950] =	vst v0  }
0x32: {  	[tilespmem:s0+$0x2960] =	vst v0;
	s0 =	sshra.s32 s3, $0x2;
	s3 =	sadd.s32 $0x200, s3  }
0x33: {  	[tilespmem:s0+$0x2970] =	vst v0  }
0x34: {  	[tilespmem:s0+$0x2900] =	vst v0  }
0x35: {  	[tilespmem:s0+$0x2910] =	vst v0  }
0x36: {  	[tilespmem:s0+$0x2920] =	vst v0  }
0x37: {  	[tilespmem:s0+$0x2930] =	vst v0  }
0x38: {  	[tilespmem:s0+$0x2940] =	vst v0  }
0x39: {  	[tilespmem:s0+$0x2950] =	vst v0  }
0x3a: {  	[tilespmem:s0+$0x2960] =	vst v0  }
0x3b: {  	[spmem:s8] =	stream.linear.scatter [tilespmem:s20], [sflag:$0x1], $0x4000, $0x38;
	[tilespmem:$0x1E900] =	vst v63  }
0x3c: {  	s9 =	rddreg [dreg:$0x4]  }
0x3d: {  	[spmem:s9] =	stream.linear.scatter [tilespmem:s20], [sflag:$0x1], $0x4000, $0x38;
	[tilespmem:$0x1E900] =	vst v63  }
0x3e: {  	s10 =	rddreg [dreg:$0x5]  }
0x3f: {  	[spmem:s10] =	stream.linear.scatter [tilespmem:s20], [sflag:$0x1], $0x4000, $0x38;
	[tilespmem:$0x1E900] =	vst v63  }
0x40: {  	s11 =	rddreg [dreg:$0x6]  }
0x41: {  	[spmem:s11] =	stream.linear.scatter [tilespmem:s20], [sflag:$0x1], $0x4000, $0x38;
	[tilespmem:$0x1E900] =	vst v63  }
0x42: {  	s12 =	rddreg [dreg:$0x7]  }
0x43: {  	[spmem:s12] =	stream.linear.scatter [tilespmem:s20], [sflag:$0x1], $0x4000, $0x38;
	[tilespmem:$0x1E900] =	vst v63  }
0x44: {  	_ =	swait.ge [sflag:s21], $0x4000  }
0x45: {  	[sflag:s21] =	ssyncset.done $0x0  }
0x46: {  	[sflag:s21] =	ssyncadd.s32 $0xFFFFC000  }
0x47: {  	_ =	swait.ge [sflag:s21], $0x4000  }
0x48: {  	[sflag:s21] =	ssyncset.done $0x0  }
0x49: {  	[sflag:s21] =	ssyncadd.s32 $0xFFFFC000  }
0x4a: {  	_ =	swait.ge [sflag:s21], $0x4000  }
0x4b: {  	[sflag:s21] =	ssyncset.done $0x0  }
0x4c: {  	[sflag:s21] =	ssyncadd.s32 $0xFFFFC000  }
0x4d: {  	_ =	swait.ge [sflag:s21], $0x4000  }
0x4e: {  	[sflag:s21] =	ssyncset.done $0x0  }
0x4f: {  	[sflag:s21] =	ssyncadd.s32 $0xFFFFC000  }
0x50: {  	_ =	swait.ge [sflag:s21], $0x4000  }
0x51: {  	[sflag:s21] =	ssyncset.done $0x0  }
0x52: {  	[sflag:s21] =	ssyncadd.s32 $0xFFFFC000  }
0x53: {  	[bflag:$0x0] =	sbarrier.arrive $0xFFFF  }
0x54: {  	[tilespmem:s22], [sflag:$0x5] =	stream.linear.gather [hbm4b:s13+s4], $0x80, $0x38;
	[tilespmem:$0x1E900] =	vst v63  }
0x55: {  	_ =	swait.ge [sflag:s19], $0x80  }
0x56: {  	[sflag:s19] =	ssyncset.done $0x0  }
0x57: {  	[sflag:s19] =	ssyncadd.s32 $0xFFFFFF80  }
0x58: {  	[tilespmem:s20], [sflag:$0x1] =	stream.indirect.gather [hbm4b:s1+s23], $0x80, s22, s23, $0xb8;
	[tilespmem:$0x1E900] =	vst v63  }
0x59: {  	_ = 	snop  }
0x5a: {  	[tilespmem:s24], [sflag:$0x5] =	stream.linear.gather [hbm4b:s16+s4], $0x80, $0x38;
	[tilespmem:$0x1E900] =	vst v63  }
0x5b: {  	_ =	swait.ge [sflag:s19], $0x80  }
0x5c: {  	[sflag:s19] =	ssyncset.done $0x0  }
0x5d: {  	[sflag:s19] =	ssyncadd.s32 $0xFFFFFF80  }
0x5e: {  	_ =	swait.ge [sflag:s21], $0x4000  }
0x5f: {  	[sflag:s21] =	ssyncset.done $0x0  }
0x60: {  	[sflag:s21] =	ssyncadd.s32 $0xFFFFC000  }
0x61: {  	[spmem:s2] =	stream.indirect.scatter.add.f32 [tilespmem:s20], [sflag:$0x3], $0x80, s4, s23, $0xb8;
	[tilespmem:$0x1E900] =	vst v63  }
0x62: {  	_ = 	snop  }
0x63: {  	[tilespmem:s25], [sflag:$0x2] =	stream.indirect.gather [hbm4b:s1+s23], $0x80, s24, s23, $0xb8;
	[tilespmem:$0x1E900] =	vst v63  }
0x64: {  	_ = 	snop  }
0x65: {  	[tilespmem:s22], [sflag:$0x5] =	stream.linear.gather [hbm4b:s17+s4], $0x80, $0x38;
	[tilespmem:$0x1E900] =	vst v63  }
0x66: {  	_ =	swait.ge [sflag:s19], $0x80  }
0x67: {  	[sflag:s19] =	ssyncset.done $0x0  }
0x68: {  	[sflag:s19] =	ssyncadd.s32 $0xFFFFFF80  }
0x69: {  	_ =	swait.ge [sflag:s26], $0x4000  }
0x6a: {  	[sflag:s26] =	ssyncset.done $0x0  }
0x6b: {  	[sflag:s26] =	ssyncadd.s32 $0xFFFFC000  }
0x6c: {  	[spmem:s2] =	stream.indirect.scatter.add.f32 [tilespmem:s25], [sflag:$0x4], $0x80, s23, s23, $0xb8;
	[tilespmem:$0x1E900] =	vst v63  }
0x6d: {  	_ =	swait.ge [sflag:s28], $0x4000  }
0x6e: {  	[sflag:s28] =	ssyncset.done $0x0  }
0x6f: {  	s0 =	simm.s32 $0x40;
	s30 =	simm.s32 $0x100;
	[sflag:s28] =	ssyncadd.s32 $0xFFFFC000  }
0x70: {  	[tilespmem:s20], [sflag:$0x1] =	stream.indirect.gather [hbm4b:s1+s23], $0x80, s22, s23, $0xb8;
	[tilespmem:$0x1E900] =	vst v63  }
.LBB2_4:
0x71: {  	s3 =	sadd.s32 @p0 $0xFFFFFFE0, s0;
	s10 =	sadd.s32 @p0 $0xFFFFFFF0, s0  }
0x72: {  	s11 =	sadd.s32 @!p0 $0xFFFFFFF0, s0;
	s9 =	sand.u32 @p0 $0x780, s3;
	s3 =	sadd.s32 @!p0 s0, s18  }
0x73: {  	s10 =	sand.u32 @p0 $0x70, s10;
	s11 =	sand.u32 @!p0 $0x70, s11;
	s12 =	sadd.s32 @!p0 $0xFFFFFFE0, s3  }
0x74: {  	s9 =	sadd.s32 @p0 s6, s9;
	s11 =	sadd.s32 @!p0 s5, s11;
	s12 =	sand.u32 @!p0 $0x1FF80, s12  }
0x75: {  	s9 =	sadd.s32 @p0 s10, s9;
	s10 =	sadd.s32 @!p0 s12, s11  }
0x76: {  	s10 =	smov.u32 @p0 s9  }
0x77: {  	[tilespmem:s24], [sflag:$0x5] =	stream.linear.gather [hbm4b:s10+s4], $0x80, $0x38;
	[tilespmem:$0x1E900] =	vst v63  }
0x78: {  	_ =	swait.ge [sflag:s19], $0x80  }
0x79: {  	[sflag:s19] =	ssyncset.done $0x0  }
0x7a: {  	[sflag:s19] =	ssyncadd.s32 $0xFFFFFF80  }
0x7b: {  	_ =	swait.ge [sflag:s21], $0x4000  }
0x7c: {  	[sflag:s21] =	ssyncset.done $0x0  }
0x7d: {  	p1 =	seq.s32 s0, $0x500;
	[sflag:s21] =	ssyncadd.s32 $0xFFFFC000  }
0x7e: {  	[spmem:s2] =	stream.indirect.scatter.add.f32 [tilespmem:s20], [sflag:$0x3], $0x80, s30, s23, $0xb8;
	[tilespmem:$0x1E900] =	vst v63  }
.Ltmp3:
0x7f: {  	_ = 	snop;
	(pc) =	sbr.rel @p1 .LBB2_8-.Ltmp3, $4  }
0x80: {  	_ =	swait.ge [sflag:s29], $0x4000  }
0x81: {  	[sflag:s29] =	ssyncset.done $0x0  }
0x82: {  	[sflag:s29] =	ssyncadd.s32 $0xFFFFC000  }
0x83: {  	[tilespmem:s25], [sflag:$0x2] =	stream.indirect.gather [hbm4b:s1+s23], $0x80, s24, s23, $0xb8;
	[tilespmem:$0x1E900] =	vst v63  }
0x84: {  	s9 =	sand.u32 @!p0 $0x60, s0  }
0x85: {  	s3 =	sand.u32 @!p0 $0x1FF80, s3;
	s9 =	sadd.s32 @!p0 s5, s9  }
0x86: {  	s10 =	sadd.s32 @p0 s0, s6;
	s3 =	sadd.s32 @!p0 s3, s9  }
0x87: {  	s3 =	smov.u32 @p0 s10  }
0x88: {  	[tilespmem:s22], [sflag:$0x5] =	stream.linear.gather [hbm4b:s3+s4], $0x80, $0x38;
	[tilespmem:$0x1E900] =	vst v63  }
0x89: {  	_ =	swait.ge [sflag:s19], $0x80  }
0x8a: {  	[sflag:s19] =	ssyncset.done $0x0  }
0x8b: {  	[sflag:s19] =	ssyncadd.s32 $0xFFFFFF80  }
0x8c: {  	_ =	swait.ge [sflag:s26], $0x4000  }
0x8d: {  	s0 =	sadd.s32 $0x20, s0;
	[sflag:s26] =	ssyncset.done $0x0  }
0x8e: {  	s12 =	sadd.s32 $0x80, s30;
	p1 =	sne.s32 s0, $0x520;
	[sflag:s26] =	ssyncadd.s32 $0xFFFFC000  }
0x8f: {  	[spmem:s2] =	stream.indirect.scatter.add.f32 [tilespmem:s25], [sflag:$0x4], $0x80, s12, s23, $0xb8;
	[tilespmem:$0x1E900] =	vst v63  }
.Ltmp4:
0x90: {  	_ = 	snop;
	(pc) =	sbr.rel @p1 .LBB2_4-.Ltmp4, $4  }
.Ltmp5:
0x91: {  	_ =	swait.ge [sflag:s28], $0x4000;
	(pc) =	sbr.rel @!p1 .LBB2_6-.Ltmp5, $4  }
0x92: {  	[sflag:s28] =	ssyncset.done $0x0  }
0x93: {  	s30 =	sadd.s32 $0x100, s30;
	[sflag:s28] =	ssyncadd.s32 $0xFFFFC000  }
0x94: {  	[tilespmem:s20], [sflag:$0x1] =	stream.indirect.gather [hbm4b:s1+s23], $0x80, s22, s23, $0xb8;
	[tilespmem:$0x1E900] =	vst v63  }
0x95: {  	_ = 	snop  }
.LBB2_7:
0x96: {  	_ =	sfence.sel $0x180000  }
0x97: {  	[bflag:$0x0] =	sbarrier.arrive $0xFFFF  }
0x98: {  	_ =	strace $0x9000004A  }
0x99: {  	s0 =	stileid.u32;
	[bflag:$0x2] =	sbarrier.arrive $0xFFFF  }
0x9a: {  	p0 =	sne.s32 s0, $0x0;
	s0 =	rddreg [dreg:$0x3]  }
0x9b: {  	s0 =	sadd.s32 @!p0 $0x100000, s0  }
0x9c: {  	[sflag:s0] =	ssyncadd.tile.s32 @!p0 $0x1;
	_ =	shalt  }
.Lfunc_end2:
_tile_overlayer_lowered:
.L_overlay_start_2:
0x9d: {  	(tag) =	ssettag $0x2  }
0x9e: {  	s0 =	rddreg [dreg:$0x0];
	s2 =	stileid.u32  }
0x9f: {  	s1 =	rddreg [dreg:$0x1];
	p0 =	sne.s32 s2, $0x0  }
0xa0: {  	s3 =	rddreg [dreg:$0x2];
	[bflag:$0x3] =	sbarrier.arrive $0xFFFF;
	s2 =	simm.s32 @!p0 $0x1C05  }
0xa1: {  	[timem:s3], [sflag:s2] =	dma.local @!p0 [hbm:s0], s1  }
0xa2: {  	s0 =	simm.s32 @!p0 $0x5  }
0xa3: {  	_ =	swait.ge @!p0 [sflag:s0], s1  }
0xa4: {  	s1 =	ssub.s32 @!p0 $0x0, s1;
	[sflag:s0] =	ssyncset.done @!p0 $0x0  }
0xa5: {  	[sflag:s0] =	ssyncadd.s32 @!p0 s1  }
0xa6: {  	[bflag:$0x3] =	sbarrier.arrive $0xFFFF  }
0xa7: {  	_ =	shalt  }

</sc_bundles>
